<compile_context>
chip_gen: v7x
topology: tpu7x:2x2x1
jax: 0.10.2.dev20260603
libtpu: 0.0.44.dev20260713+nightly
codegen_flags: <defaults>
</compile_context>

<pallas_src>
import functools

import jax
import jax.numpy as jnp
import numpy as np
from jax import lax
from jax.experimental import pallas as pl
from jax.experimental.pallas import tpu as pltpu
from jax.experimental.pallas import tpu_sc as plsc

NC, NS, L = 2, 16, 16
NW = NC * NS
T, H, D, K = 8192, 16, 64, 64
G = 4
HG = H // G
W = HG * D
TPW = T // (NW // G)
MB = 64
NMB = TPW // MB
SCALE = float(D) ** -0.5
JB = K // L
DB = D // L


def _sc_attention(qp, k2, v2, idx):
  mesh = plsc.VectorSubcoreMesh(
      core_axis_name="c", subcore_axis_name="s", num_cores=NC, num_subcores=NS)

  @functools.partial(
      pl.kernel,
      out_type=jax.ShapeDtypeStruct((G * T, W), jnp.float32),
      mesh=mesh,
      compiler_params=pltpu.CompilerParams(use_tc_tiling_on_sc=False,
                                           needs_layout_passes=False),
      scratch_types=[
          pltpu.VMEM((K, W), jnp.bfloat16),
          pltpu.VMEM((K, W), jnp.bfloat16),
          pltpu.VMEM((K, W), jnp.float32),
          pltpu.VMEM((K, W), jnp.float32),
          pltpu.VMEM((MB, W), jnp.float32),
          pltpu.VMEM((MB, W), jnp.float32),
          pltpu.VMEM((MB, K), jnp.int32),
          pltpu.VMEM((MB, K), jnp.int32),
          pltpu.VMEM((HG * K + L,), jnp.float32),
          pltpu.SemaphoreType.DMA,
          pltpu.SemaphoreType.DMA,
          pltpu.SemaphoreType.DMA,
          pltpu.SemaphoreType.DMA,
      ],
  )
  def attn(qp_h, k2_h, v2_h, idx_h, out_h,
           kg0, kg1, vg0, vg1, qb, outb, idxr, idxb, sb,
           sk0, sk1, sv0, sv1):
    wid = lax.axis_index("s") * NC + lax.axis_index("c")
    g = wid % G
    t0w = (wid // G) * TPW
    iota = lax.iota(jnp.int32, L)
    kgs = (kg0, kg1)
    vgs = (vg0, vg1)
    sks = (sk0, sk1)
    svs = (sv0, sv1)

    def issue(tok, ph):
      isl = idxb.at[tok]
      pltpu.async_copy(k2_h.at[isl], kgs[ph], sks[ph])
      pltpu.async_copy(v2_h.at[isl], vgs[ph], svs[ph])

    def wait(tok, ph):
      isl = idxb.at[tok]
      pltpu.make_async_copy(k2_h.at[isl], kgs[ph], sks[ph]).wait()
      pltpu.make_async_copy(v2_h.at[isl], vgs[ph], svs[ph]).wait()

    zeros = jnp.zeros((L,), jnp.float32)
    maskhi = jnp.full((L,), -65536, jnp.int32)

    def widen(v32):
      w = plsc.bitcast(v32, jnp.int32)
      e = plsc.bitcast(lax.shift_left(w, 16), jnp.float32)
      o = plsc.bitcast(lax.bitwise_and(w, maskhi), jnp.float32)
      return e, o

    def compute(tok, ph):
      kgr = kgs[ph]
      vgr = vgs[ph]

      def hbody(h, carry):
        qv = [qb[tok, pl.ds(h * D + db * L, L)] for db in range(DB)]

        def jbody(jb, carry2):
          parts = [zeros, zeros, zeros, zeros]
          for j2 in range(L):
            j = jb * L + j2
            s4 = None
            for c2 in range(2):
              e, o = widen(kgr[j, pl.ds(h * D + c2 * 32, 32)])
              p = e * qv[2 * c2] + o * qv[2 * c2 + 1]
              s4 = p if s4 is None else s4 + p
            tot = jnp.full((L,), jnp.sum(s4))
            parts[j2 % 4] = jnp.where(iota == j2, tot, parts[j2 % 4])
          sb[pl.ds(h * K + jb * L, L)] = (parts[0] + parts[1]
                                          + parts[2] + parts[3])
          return carry2

        lax.fori_loop(0, JB, jbody, 0)

        raw = [sb[pl.ds(h * K + jb * L, L)] * SCALE for jb in range(JB)]
        m = jnp.max(jnp.maximum(jnp.maximum(raw[0], raw[1]),
                                jnp.maximum(raw[2], raw[3])))
        es = [jnp.exp(a - m) for a in raw]
        sv = jnp.full((L,), jnp.sum(es[0] + es[1] + es[2] + es[3]))
        rv = jnp.ones((L,), jnp.float32) / sv
        for jb in range(JB):
          sb[pl.ds(h * K + jb * L, L)] = es[jb] * rv

        def oblock(jb, acc):
          wv = sb[pl.ds(h * K + jb * L, L)]
          out = list(acc)
          for l in range(L):
            ws = jnp.full((L,), wv[l])
            row = jb * L + l
            for db in range(DB):
              out[db] = out[db] + ws * vgr[row, pl.ds(h * D + db * L, L)]
          return tuple(out)

        acc = lax.fori_loop(0, JB, oblock,
                            tuple(zeros for _ in range(DB)))
        for db in range(DB):
          outb[tok, pl.ds(h * D + db * L, L)] = acc[db]
        return carry

      lax.fori_loop(0, HG, hbody, 0)

    @pl.loop(0, NMB)
    def _mb(blk):
      t0 = t0w + blk * MB
      pltpu.sync_copy(idx_h.at[pl.ds(t0, MB)], idxr)
      pltpu.sync_copy(qp_h.at[pl.ds(g * T + t0, MB)], qb)

      @pl.loop(0, MB)
      def _scale(r):
        for c in range(K // L):
          idxb[r, pl.ds(c * L, L)] = idxr[r, pl.ds(c * L, L)] * G + g

      issue(0, 0)

      @pl.loop(0, MB, step=2)
      def _tok(tok):
        issue(tok + 1, 1)
        wait(tok, 0)
        compute(tok, 0)

        @pl.when(tok + 2 < MB)
        def _():
          issue(tok + 2, 0)

        wait(tok + 1, 1)
        compute(tok + 1, 1)

      pltpu.sync_copy(outb, out_h.at[pl.ds(g * T + t0, MB)])

  return attn(qp, k2, v2, idx)


_PERM = np.concatenate(
    [b + np.concatenate([np.arange(0, 32, 2), np.arange(1, 32, 2)])
     for b in range(0, W, 32)])


def kernel(q_packed, k_packed, v_packed, cu_seqlens_q, cu_seqlens_k,
           max_seqlen_q, max_seqlen_k, topk_indices):
  del cu_seqlens_q, cu_seqlens_k, max_seqlen_q, max_seqlen_k
  k2 = k_packed.astype(jnp.bfloat16).reshape(T * G, W)
  v2 = v_packed.reshape(T * G, W)
  qp = jnp.transpose(q_packed.reshape(T, G, W), (1, 0, 2)).reshape(G * T, W)
  qp = qp[:, _PERM]
  outp = _sc_attention(qp, k2, v2, topk_indices)
  out = jnp.transpose(outp.reshape(G, T, HG, D), (1, 0, 2, 3))
  return out.reshape(T, H, D)

# --- scband reference (transcript-rebuilt; emitter-appended) ---
"""Pipeline reference for scband-dsavarlen-sparse-attention-40372692583233 (READ-ONLY COPY).

The authoritative reference and input builder live on the scoring server;
editing this copy changes nothing except your own understanding.
"""

import jax, jax.numpy as jnp
import numpy as np


def setup_inputs(seed: int = 0) -> dict:
    key = jax.random.key(seed)
    ks = jax.random.split(key, 6)
    T, H, D, K = 8192, 16, 64, 64
    B = 8
    q_packed = jax.random.normal(ks[0], (T, H, D), dtype=jnp.float32)
    k_packed = jax.random.normal(ks[1], (T, H, D), dtype=jnp.float32)
    v_packed = jax.random.normal(ks[2], (T, H, D), dtype=jnp.float32)
    topk_indices = jax.random.randint(ks[3], (T, K), 0, T, dtype=jnp.int32)
    cu_seqlens_q = jnp.sort(jax.random.randint(ks[4], (B + 1,), 0, T, dtype=jnp.int32))
    cu_seqlens_k = jnp.sort(jax.random.randint(ks[5], (B + 1,), 0, T, dtype=jnp.int32))
    return {
        'q_packed': q_packed,
        'k_packed': k_packed,
        'v_packed': v_packed,
        'cu_seqlens_q': cu_seqlens_q,
        'cu_seqlens_k': cu_seqlens_k,
        'max_seqlen_q': 2048,
        'max_seqlen_k': 2048,
        'topk_indices': topk_indices,
    }


def reference(q_packed, k_packed, v_packed, cu_seqlens_q, cu_seqlens_k,
              max_seqlen_q, max_seqlen_k, topk_indices):
    # Faithful translation of DSAVarlenSparseAttention.forward with topk_scores=None.
    # The torch code builds a (T, T, H, D) expanded view and gathers along dim=2;
    # mathematically k_gathered[t, h, j, :] = k_packed[topk_indices[t, j], h, :],
    # which is exactly a row gather on k_packed / v_packed.
    total_tokens, n_heads, head_dim = q_packed.shape
    scale = head_dim ** (-0.5)
    # gather: (T, topk, H, D) -> (T, H, topk, D)
    k_gathered = jnp.transpose(jnp.take(k_packed, topk_indices, axis=0), (0, 2, 1, 3))
    v_gathered = jnp.transpose(jnp.take(v_packed, topk_indices, axis=0), (0, 2, 1, 3))
    # q_expanded (T, H, 1, D) @ k_gathered^T (T, H, D, topk) -> (T, H, topk)
    attn_scores = jnp.einsum('thd,thkd->thk', q_packed, k_gathered) * scale
    attn_weights = jax.nn.softmax(attn_scores, axis=-1)
    # weighted sum over topk: (T, H, topk, 1) * (T, H, topk, Dv) -> (T, H, Dv)
    output = jnp.einsum('thk,thkd->thd', attn_weights, v_gathered)
    return output

if __name__ == "__main__":
    import jax
    _d = setup_inputs()
    print(jax.jit(kernel)(*tuple(_d.values())))

</pallas_src>

<mosaic_0001>
#map = affine_map<(d0, d1) -> (0, 0)>
module attributes {stable_mosaic.version = 14 : i64} {
  func.func @attn(%arg0: i32, %arg1: i32, %arg2: memref<32768x256xf32, #tpu.memory_space<hbm>>, %arg3: memref<32768x256xbf16, #tpu.memory_space<hbm>>, %arg4: memref<32768x256xf32, #tpu.memory_space<hbm>>, %arg5: memref<8192x64xi32, #tpu.memory_space<hbm>>, %arg6: memref<32768x256xf32, #tpu.memory_space<hbm>>, %arg7: memref<64x256xbf16, #tpu.memory_space<vmem>>, %arg8: memref<64x256xbf16, #tpu.memory_space<vmem>>, %arg9: memref<64x256xf32, #tpu.memory_space<vmem>>, %arg10: memref<64x256xf32, #tpu.memory_space<vmem>>, %arg11: memref<64x256xf32, #tpu.memory_space<vmem>>, %arg12: memref<64x256xf32, #tpu.memory_space<vmem>>, %arg13: memref<64x64xi32, #tpu.memory_space<vmem>>, %arg14: memref<64x64xi32, #tpu.memory_space<vmem>>, %arg15: memref<272xf32, #tpu.memory_space<vmem>>, %arg16: memref<!tpu.dma_semaphore, #tpu.memory_space<semaphore_mem>>, %arg17: memref<!tpu.dma_semaphore, #tpu.memory_space<semaphore_mem>>, %arg18: memref<!tpu.dma_semaphore, #tpu.memory_space<semaphore_mem>>, %arg19: memref<!tpu.dma_semaphore, #tpu.memory_space<semaphore_mem>>) attributes {dimension_semantics = [#tpu.dimension_semantics<core_parallel>, #tpu.dimension_semantics<subcore_parallel>], iteration_bounds = array<i64: 2, 16>, scalar_prefetch = 0 : i64, scratch_operands = 13 : i64, tpu.core_type = #tpu.core_type<sc_vector_subcore>, window_params = [{transform_indices = #map}, {transform_indices = #map}, {transform_indices = #map}, {transform_indices = #map}, {transform_indices = #map}]} {
    %mul3A = arith.constant 2 : i32
    %mul3A_0 = arith.muli %arg1, %mul3A : i32
    %add3A = arith.addi %mul3A_0, %arg0 : i32
    %jit3A = arith.constant 4 : i32
    %eq3A = arith.constant 0 : i32
    %eq3A_1 = arith.cmpi eq, %jit3A, %eq3A : i32
    %jit3A_2 = arith.constant 1 : i32
    %select_n3A = arith.select %eq3A_1, %jit3A_2, %jit3A : i32
    %rem3A = arith.remsi %add3A, %select_n3A : i32
    %ne3A = arith.constant 0 : i32
    %ne3A_3 = arith.cmpi ne, %rem3A, %ne3A : i32
    %lt3A = arith.constant 0 : i32
    %lt3A_4 = arith.cmpi slt, %rem3A, %lt3A : i32
    %lt3A_5 = arith.constant 0 : i32
    %lt3A_6 = arith.cmpi slt, %select_n3A, %lt3A_5 : i32
    %ne3A_7 = arith.xori %lt3A_4, %lt3A_6 : i1
    %and3A = arith.andi %ne3A_7, %ne3A_3 : i1
    %add3A_8 = arith.addi %rem3A, %select_n3A : i32
    %select_n3A_9 = arith.select %and3A, %add3A_8, %rem3A : i32
    %jit3A_10 = arith.constant 4 : i32
    %div3A = arith.divsi %add3A, %jit3A_10 : i32
    %sign3A = arith.constant 0 : i32
    %sign3A_11 = arith.cmpi sgt, %add3A, %sign3A : i32
    %sign3A_12 = arith.extui %sign3A_11 : i1 to i32
    %sign3A_13 = arith.constant 0 : i32
    %sign3A_14 = arith.cmpi slt, %add3A, %sign3A_13 : i32
    %sign3A_15 = arith.extui %sign3A_14 : i1 to i32
    %sign3A_16 = arith.subi %sign3A_12, %sign3A_15 : i32
    %sign3A_17 = arith.constant 0 : i32
    %sign3A_18 = arith.cmpi sgt, %jit3A_10, %sign3A_17 : i32
    %sign3A_19 = arith.extui %sign3A_18 : i1 to i32
    %sign3A_20 = arith.constant 0 : i32
    %sign3A_21 = arith.cmpi slt, %jit3A_10, %sign3A_20 : i32
    %sign3A_22 = arith.extui %sign3A_21 : i1 to i32
    %sign3A_23 = arith.subi %sign3A_19, %sign3A_22 : i32
    %ne3A_24 = arith.cmpi ne, %sign3A_16, %sign3A_23 : i32
    %rem3A_25 = arith.remsi %add3A, %jit3A_10 : i32
    %ne3A_26 = arith.constant 0 : i32
    %ne3A_27 = arith.cmpi ne, %rem3A_25, %ne3A_26 : i32
    %and3A_28 = arith.andi %ne3A_24, %ne3A_27 : i1
    %sub3A = arith.constant 1 : i32
    %sub3A_29 = arith.subi %div3A, %sub3A : i32
    %select_n3A_30 = arith.select %and3A_28, %sub3A_29, %div3A : i32
    %mul3A_31 = arith.constant 1024 : i32
    %mul3A_32 = arith.muli %select_n3A_30, %mul3A_31 : i32
    %iota3A = tpu.iota {dimensions = array<i32: 0>} : vector<16xi32>
    %broadcast_in_dim3A = arith.constant 0.000000e+00 : f32
    %broadcast_in_dim3A_33 = vector.broadcast %broadcast_in_dim3A : f32 to vector<16xf32>
    %broadcast_in_dim3A_34 = arith.constant -65536 : i32
    %broadcast_in_dim3A_35 = vector.broadcast %broadcast_in_dim3A_34 : i32 to vector<16xi32>
    %scan3A = arith.constant 0 : i32
    %scan3A_36 = arith.constant 16 : i32
    %scan3A_37 = arith.addi %scan3A, %scan3A_36 : i32
    %scan3A_38 = arith.constant 1 : i32
    scf.for %scan3A_40 = %scan3A to %scan3A_37 step %scan3A_38  : i32 {
      %mul3A_41 = arith.constant 1 : i32
      %mul3A_42 = arith.muli %scan3A_40, %mul3A_41 : i32
      %add3A_43 = arith.constant 0 : i32
      %add3A_44 = arith.addi %add3A_43, %mul3A_42 : i32
      %mul3A_45 = arith.constant 64 : i32
      %mul3A_46 = arith.muli %add3A_44, %mul3A_45 : i32
      %add3A_47 = arith.addi %mul3A_32, %mul3A_46 : i32
      "tpu.region"() ({
        %run_scoped3A = tpu.sem_alloc : memref<!tpu.dma_semaphore, #tpu.memory_space<semaphore_mem>>
        %dma_start3A_77 = arith.constant 0 : i32
        %dma_start3A_78 = tpu.memref_slice %arg5[%add3A_47, %dma_start3A_77] : memref<8192x64xi32, #tpu.memory_space<hbm>> -> memref<64x64xi32, #tpu.memory_space<hbm>>
        %dma_start3A_79 = arith.constant 0 : i32
        %dma_start3A_80 = tpu.memref_slice %arg5[%add3A_47, %dma_start3A_79] : memref<8192x64xi32, #tpu.memory_space<hbm>> -> memref<64x64xi32, #tpu.memory_space<hbm>>
        tpu.enqueue_dma source(%dma_start3A_80 : memref<64x64xi32, #tpu.memory_space<hbm>>) target(%arg13 : memref<64x64xi32, #tpu.memory_space<vmem>>) target_semaphore(%run_scoped3A : memref<!tpu.dma_semaphore, #tpu.memory_space<semaphore_mem>>)
        %dma_wait3A = arith.constant 0 : i32
        %dma_wait3A_81 = tpu.memref_slice %arg5[%add3A_47, %dma_wait3A] : memref<8192x64xi32, #tpu.memory_space<hbm>> -> memref<64x64xi32, #tpu.memory_space<hbm>>
        %dma_wait3A_82 = arith.constant 0 : i32
        %dma_wait3A_83 = tpu.memref_slice %arg5[%add3A_47, %dma_wait3A_82] : memref<8192x64xi32, #tpu.memory_space<hbm>> -> memref<64x64xi32, #tpu.memory_space<hbm>>
        tpu.wait_dma2 semaphore(%run_scoped3A : memref<!tpu.dma_semaphore, #tpu.memory_space<semaphore_mem>>) src(%dma_wait3A_83 : memref<64x64xi32, #tpu.memory_space<hbm>>) dst(%arg13 : memref<64x64xi32, #tpu.memory_space<vmem>>)
        tpu.yield
      }) : () -> ()
      %mul3A_48 = arith.constant 8192 : i32
      %mul3A_49 = arith.muli %select_n3A_9, %mul3A_48 : i32
      %add3A_50 = arith.addi %mul3A_49, %add3A_47 : i32
      "tpu.region"() ({
        %run_scoped3A = tpu.sem_alloc : memref<!tpu.dma_semaphore, #tpu.memory_space<semaphore_mem>>
        %dma_start3A_77 = arith.constant 0 : i32
        %dma_start3A_78 = tpu.memref_slice %arg2[%add3A_50, %dma_start3A_77] : memref<32768x256xf32, #tpu.memory_space<hbm>> -> memref<64x256xf32, #tpu.memory_space<hbm>>
        %dma_start3A_79 = arith.constant 0 : i32
        %dma_start3A_80 = tpu.memref_slice %arg2[%add3A_50, %dma_start3A_79] : memref<32768x256xf32, #tpu.memory_space<hbm>> -> memref<64x256xf32, #tpu.memory_space<hbm>>
        tpu.enqueue_dma source(%dma_start3A_80 : memref<64x256xf32, #tpu.memory_space<hbm>>) target(%arg11 : memref<64x256xf32, #tpu.memory_space<vmem>>) target_semaphore(%run_scoped3A : memref<!tpu.dma_semaphore, #tpu.memory_space<semaphore_mem>>)
        %dma_wait3A = arith.constant 0 : i32
        %dma_wait3A_81 = tpu.memref_slice %arg2[%add3A_50, %dma_wait3A] : memref<32768x256xf32, #tpu.memory_space<hbm>> -> memref<64x256xf32, #tpu.memory_space<hbm>>
        %dma_wait3A_82 = arith.constant 0 : i32
        %dma_wait3A_83 = tpu.memref_slice %arg2[%add3A_50, %dma_wait3A_82] : memref<32768x256xf32, #tpu.memory_space<hbm>> -> memref<64x256xf32, #tpu.memory_space<hbm>>
        tpu.wait_dma2 semaphore(%run_scoped3A : memref<!tpu.dma_semaphore, #tpu.memory_space<semaphore_mem>>) src(%dma_wait3A_83 : memref<64x256xf32, #tpu.memory_space<hbm>>) dst(%arg11 : memref<64x256xf32, #tpu.memory_space<vmem>>)
        tpu.yield
      }) : () -> ()
      %scan3A_51 = arith.constant 0 : i32
      %scan3A_52 = arith.constant 64 : i32
      %scan3A_53 = arith.addi %scan3A_51, %scan3A_52 : i32
      %scan3A_54 = arith.constant 1 : i32
      scf.for %scan3A_77 = %scan3A_51 to %scan3A_53 step %scan3A_54  : i32 {
        %mul3A_78 = arith.constant 1 : i32
        %mul3A_79 = arith.muli %scan3A_77, %mul3A_78 : i32
        %add3A_80 = arith.constant 0 : i32
        %add3A_81 = arith.addi %add3A_80, %mul3A_79 : i32
        %get3A = arith.index_cast %add3A_81 : i32 to index
        %get3A_82 = arith.constant 0 : index
        %get3A_83 = tpu.vector_load %arg13[%get3A, %get3A_82] {strides = array<i32>} : memref<64x64xi32, #tpu.memory_space<vmem>>, vector<16xi32>,
        %mul3A_84 = arith.constant 4 : i32
        %mul3A_85 = vector.broadcast %mul3A_84 : i32 to vector<16xi32>
        %mul3A_86 = arith.muli %get3A_83, %mul3A_85 : vector<16xi32>
        %add3A_87 = vector.broadcast %select_n3A_9 : i32 to vector<16xi32>
        %add3A_88 = arith.addi %mul3A_86, %add3A_87 : vector<16xi32>
        %swap3A = arith.index_cast %add3A_81 : i32 to index
        %swap3A_89 = arith.constant 0 : index
        %swap3A_90 = tpu.vector_load %arg14[%swap3A, %swap3A_89] {strides = array<i32>} : memref<64x64xi32, #tpu.memory_space<vmem>>, vector<16xi32>,
        tpu.vector_store %arg14[%swap3A, %swap3A_89], %add3A_88 {strides = array<i32>} : memref<64x64xi32, #tpu.memory_space<vmem>>, vector<16xi32>,
        %get3A_91 = arith.index_cast %add3A_81 : i32 to index
        %get3A_92 = arith.constant 16 : index
        %get3A_93 = tpu.vector_load %arg13[%get3A_91, %get3A_92] {strides = array<i32>} : memref<64x64xi32, #tpu.memory_space<vmem>>, vector<16xi32>,
        %mul3A_94 = arith.constant 4 : i32
        %mul3A_95 = vector.broadcast %mul3A_94 : i32 to vector<16xi32>
        %mul3A_96 = arith.muli %get3A_93, %mul3A_95 : vector<16xi32>
        %add3A_97 = vector.broadcast %select_n3A_9 : i32 to vector<16xi32>
        %add3A_98 = arith.addi %mul3A_96, %add3A_97 : vector<16xi32>
        %swap3A_99 = arith.index_cast %add3A_81 : i32 to index
        %swap3A_100 = arith.constant 16 : index
        %swap3A_101 = tpu.vector_load %arg14[%swap3A_99, %swap3A_100] {strides = array<i32>} : memref<64x64xi32, #tpu.memory_space<vmem>>, vector<16xi32>,
        tpu.vector_store %arg14[%swap3A_99, %swap3A_100], %add3A_98 {strides = array<i32>} : memref<64x64xi32, #tpu.memory_space<vmem>>, vector<16xi32>,
        %get3A_102 = arith.index_cast %add3A_81 : i32 to index
        %get3A_103 = arith.constant 32 : index
        %get3A_104 = tpu.vector_load %arg13[%get3A_102, %get3A_103] {strides = array<i32>} : memref<64x64xi32, #tpu.memory_space<vmem>>, vector<16xi32>,
        %mul3A_105 = arith.constant 4 : i32
        %mul3A_106 = vector.broadcast %mul3A_105 : i32 to vector<16xi32>
        %mul3A_107 = arith.muli %get3A_104, %mul3A_106 : vector<16xi32>
        %add3A_108 = vector.broadcast %select_n3A_9 : i32 to vector<16xi32>
        %add3A_109 = arith.addi %mul3A_107, %add3A_108 : vector<16xi32>
        %swap3A_110 = arith.index_cast %add3A_81 : i32 to index
        %swap3A_111 = arith.constant 32 : index
        %swap3A_112 = tpu.vector_load %arg14[%swap3A_110, %swap3A_111] {strides = array<i32>} : memref<64x64xi32, #tpu.memory_space<vmem>>, vector<16xi32>,
        tpu.vector_store %arg14[%swap3A_110, %swap3A_111], %add3A_109 {strides = array<i32>} : memref<64x64xi32, #tpu.memory_space<vmem>>, vector<16xi32>,
        %get3A_113 = arith.index_cast %add3A_81 : i32 to index
        %get3A_114 = arith.constant 48 : index
        %get3A_115 = tpu.vector_load %arg13[%get3A_113, %get3A_114] {strides = array<i32>} : memref<64x64xi32, #tpu.memory_space<vmem>>, vector<16xi32>,
        %mul3A_116 = arith.constant 4 : i32
        %mul3A_117 = vector.broadcast %mul3A_116 : i32 to vector<16xi32>
        %mul3A_118 = arith.muli %get3A_115, %mul3A_117 : vector<16xi32>
        %add3A_119 = vector.broadcast %select_n3A_9 : i32 to vector<16xi32>
        %add3A_120 = arith.addi %mul3A_118, %add3A_119 : vector<16xi32>
        %swap3A_121 = arith.index_cast %add3A_81 : i32 to index
        %swap3A_122 = arith.constant 48 : index
        %swap3A_123 = tpu.vector_load %arg14[%swap3A_121, %swap3A_122] {strides = array<i32>} : memref<64x64xi32, #tpu.memory_space<vmem>>, vector<16xi32>,
        tpu.vector_store %arg14[%swap3A_121, %swap3A_122], %add3A_120 {strides = array<i32>} : memref<64x64xi32, #tpu.memory_space<vmem>>, vector<16xi32>,
      }
      %scan3A_55 = arith.constant 64 : i32
      %dma_start3A = arith.constant 0 : i32
      %dma_start3A_56 = arith.constant 0 : i32
      %dma_start3A_57 = tpu.memref_slice %arg14[%dma_start3A, %dma_start3A_56] : memref<64x64xi32, #tpu.memory_space<vmem>> -> memref<1x64xi32, #tpu.memory_space<vmem>>
      %dma_start3A_58 = tpu.memref_squeeze %dma_start3A_57 : memref<1x64xi32, #tpu.memory_space<vmem>> -> memref<64xi32, #tpu.memory_space<vmem>>
      %dma_start3A_59 = arith.constant 0 : i32
      %dma_start3A_60 = arith.constant 0 : i32
      %dma_start3A_61 = tpu.memref_slice %arg3[%dma_start3A_59, %dma_start3A_60] : memref<32768x256xbf16, #tpu.memory_space<hbm>> -> memref<32768x256xbf16, #tpu.memory_space<hbm>>
      tpu.enqueue_indirect_dma source(%dma_start3A_61 : memref<32768x256xbf16, #tpu.memory_space<hbm>>) target(%arg7 : memref<64x256xbf16, #tpu.memory_space<vmem>>) offsets(%dma_start3A_58 : memref<64xi32, #tpu.memory_space<vmem>>) semaphore(%arg16 : memref<!tpu.dma_semaphore, #tpu.memory_space<semaphore_mem>>)
      %dma_start3A_62 = arith.constant 0 : i32
      %dma_start3A_63 = arith.constant 0 : i32
      %dma_start3A_64 = tpu.memref_slice %arg14[%dma_start3A_62, %dma_start3A_63] : memref<64x64xi32, #tpu.memory_space<vmem>> -> memref<1x64xi32, #tpu.memory_space<vmem>>
      %dma_start3A_65 = tpu.memref_squeeze %dma_start3A_64 : memref<1x64xi32, #tpu.memory_space<vmem>> -> memref<64xi32, #tpu.memory_space<vmem>>
      %dma_start3A_66 = arith.constant 0 : i32
      %dma_start3A_67 = arith.constant 0 : i32
      %dma_start3A_68 = tpu.memref_slice %arg4[%dma_start3A_66, %dma_start3A_67] : memref<32768x256xf32, #tpu.memory_space<hbm>> -> memref<32768x256xf32, #tpu.memory_space<hbm>>
      tpu.enqueue_indirect_dma source(%dma_start3A_68 : memref<32768x256xf32, #tpu.memory_space<hbm>>) target(%arg9 : memref<64x256xf32, #tpu.memory_space<vmem>>) offsets(%dma_start3A_65 : memref<64xi32, #tpu.memory_space<vmem>>) semaphore(%arg18 : memref<!tpu.dma_semaphore, #tpu.memory_space<semaphore_mem>>)
      %scan3A_69 = arith.constant 0 : i32
      %scan3A_70 = arith.constant 32 : i32
      %scan3A_71 = arith.addi %scan3A_69, %scan3A_70 : i32
      %scan3A_72 = arith.constant 1 : i32
      scf.for %scan3A_77 = %scan3A_69 to %scan3A_71 step %scan3A_72  : i32 {
        %mul3A_78 = arith.constant 2 : i32
        %mul3A_79 = arith.muli %scan3A_77, %mul3A_78 : i32
        %add3A_80 = arith.constant 0 : i32
        %add3A_81 = arith.addi %add3A_80, %mul3A_79 : i32
        %add3A_82 = arith.constant 1 : i32
        %add3A_83 = arith.addi %add3A_81, %add3A_82 : i32
        %dma_start3A_84 = arith.constant 0 : i32
        %dma_start3A_85 = tpu.memref_slice %arg14[%add3A_83, %dma_start3A_84] : memref<64x64xi32, #tpu.memory_space<vmem>> -> memref<1x64xi32, #tpu.memory_space<vmem>>
        %dma_start3A_86 = tpu.memref_squeeze %dma_start3A_85 : memref<1x64xi32, #tpu.memory_space<vmem>> -> memref<64xi32, #tpu.memory_space<vmem>>
        %dma_start3A_87 = arith.constant 0 : i32
        %dma_start3A_88 = arith.constant 0 : i32
        %dma_start3A_89 = tpu.memref_slice %arg3[%dma_start3A_87, %dma_start3A_88] : memref<32768x256xbf16, #tpu.memory_space<hbm>> -> memref<32768x256xbf16, #tpu.memory_space<hbm>>
        tpu.enqueue_indirect_dma source(%dma_start3A_89 : memref<32768x256xbf16, #tpu.memory_space<hbm>>) target(%arg8 : memref<64x256xbf16, #tpu.memory_space<vmem>>) offsets(%dma_start3A_86 : memref<64xi32, #tpu.memory_space<vmem>>) semaphore(%arg17 : memref<!tpu.dma_semaphore, #tpu.memory_space<semaphore_mem>>)
        %dma_start3A_90 = arith.constant 0 : i32
        %dma_start3A_91 = tpu.memref_slice %arg14[%add3A_83, %dma_start3A_90] : memref<64x64xi32, #tpu.memory_space<vmem>> -> memref<1x64xi32, #tpu.memory_space<vmem>>
        %dma_start3A_92 = tpu.memref_squeeze %dma_start3A_91 : memref<1x64xi32, #tpu.memory_space<vmem>> -> memref<64xi32, #tpu.memory_space<vmem>>
        %dma_start3A_93 = arith.constant 0 : i32
        %dma_start3A_94 = arith.constant 0 : i32
        %dma_start3A_95 = tpu.memref_slice %arg4[%dma_start3A_93, %dma_start3A_94] : memref<32768x256xf32, #tpu.memory_space<hbm>> -> memref<32768x256xf32, #tpu.memory_space<hbm>>
        tpu.enqueue_indirect_dma source(%dma_start3A_95 : memref<32768x256xf32, #tpu.memory_space<hbm>>) target(%arg10 : memref<64x256xf32, #tpu.memory_space<vmem>>) offsets(%dma_start3A_92 : memref<64xi32, #tpu.memory_space<vmem>>) semaphore(%arg19 : memref<!tpu.dma_semaphore, #tpu.memory_space<semaphore_mem>>)
        %dma_wait3A = arith.constant 0 : i32
        %dma_wait3A_96 = tpu.memref_slice %arg14[%add3A_81, %dma_wait3A] : memref<64x64xi32, #tpu.memory_space<vmem>> -> memref<1x64xi32, #tpu.memory_space<vmem>>
        %dma_wait3A_97 = tpu.memref_squeeze %dma_wait3A_96 : memref<1x64xi32, #tpu.memory_space<vmem>> -> memref<64xi32, #tpu.memory_space<vmem>>
        %dma_wait3A_98 = arith.constant 0 : i32
        %dma_wait3A_99 = arith.constant 0 : i32
        %dma_wait3A_100 = tpu.memref_slice %arg3[%dma_wait3A_98, %dma_wait3A_99] : memref<32768x256xbf16, #tpu.memory_space<hbm>> -> memref<32768x256xbf16, #tpu.memory_space<hbm>>
        tpu.wait_indirect_dma semaphore(%arg16 : memref<!tpu.dma_semaphore, #tpu.memory_space<semaphore_mem>>) src(%dma_wait3A_100 : memref<32768x256xbf16, #tpu.memory_space<hbm>>) dst(%arg7 : memref<64x256xbf16, #tpu.memory_space<vmem>>)
        %dma_wait3A_101 = arith.constant 0 : i32
        %dma_wait3A_102 = tpu.memref_slice %arg14[%add3A_81, %dma_wait3A_101] : memref<64x64xi32, #tpu.memory_space<vmem>> -> memref<1x64xi32, #tpu.memory_space<vmem>>
        %dma_wait3A_103 = tpu.memref_squeeze %dma_wait3A_102 : memref<1x64xi32, #tpu.memory_space<vmem>> -> memref<64xi32, #tpu.memory_space<vmem>>
        %dma_wait3A_104 = arith.constant 0 : i32
        %dma_wait3A_105 = arith.constant 0 : i32
        %dma_wait3A_106 = tpu.memref_slice %arg4[%dma_wait3A_104, %dma_wait3A_105] : memref<32768x256xf32, #tpu.memory_space<hbm>> -> memref<32768x256xf32, #tpu.memory_space<hbm>>
        tpu.wait_indirect_dma semaphore(%arg18 : memref<!tpu.dma_semaphore, #tpu.memory_space<semaphore_mem>>) src(%dma_wait3A_106 : memref<32768x256xf32, #tpu.memory_space<hbm>>) dst(%arg9 : memref<64x256xf32, #tpu.memory_space<vmem>>)
        %scan3A_107 = arith.constant 0 : i32
        %scan3A_108 = arith.constant 0 : i32
        %scan3A_109 = arith.constant 4 : i32
        %scan3A_110 = arith.addi %scan3A_108, %scan3A_109 : i32
        %scan3A_111 = arith.constant 1 : i32
        scf.for %scan3A_140 = %scan3A_108 to %scan3A_110 step %scan3A_111  : i32 {
          %mul3A_141 = arith.constant 64 : i32
          %mul3A_142 = arith.muli %scan3A_140, %mul3A_141 : i32
          %add3A_143 = arith.constant 0 : i32
          %add3A_144 = arith.addi %mul3A_142, %add3A_143 : i32
          %get3A = arith.index_cast %add3A_81 : i32 to index
          %get3A_145 = arith.index_cast %add3A_144 : i32 to index
          %get3A_146 = tpu.vector_load %arg11[%get3A, %get3A_145] {strides = array<i32>} : memref<64x256xf32, #tpu.memory_space<vmem>>, vector<16xf32>,
          %mul3A_147 = arith.constant 64 : i32
          %mul3A_148 = arith.muli %scan3A_140, %mul3A_147 : i32
          %add3A_149 = arith.constant 16 : i32
          %add3A_150 = arith.addi %mul3A_148, %add3A_149 : i32
          %get3A_151 = arith.index_cast %add3A_81 : i32 to index
          %get3A_152 = arith.index_cast %add3A_150 : i32 to index
          %get3A_153 = tpu.vector_load %arg11[%get3A_151, %get3A_152] {strides = array<i32>} : memref<64x256xf32, #tpu.memory_space<vmem>>, vector<16xf32>,
          %mul3A_154 = arith.constant 64 : i32
          %mul3A_155 = arith.muli %scan3A_140, %mul3A_154 : i32
          %add3A_156 = arith.constant 32 : i32
          %add3A_157 = arith.addi %mul3A_155, %add3A_156 : i32
          %get3A_158 = arith.index_cast %add3A_81 : i32 to index
          %get3A_159 = arith.index_cast %add3A_157 : i32 to index
          %get3A_160 = tpu.vector_load %arg11[%get3A_158, %get3A_159] {strides = array<i32>} : memref<64x256xf32, #tpu.memory_space<vmem>>, vector<16xf32>,
          %mul3A_161 = arith.constant 64 : i32
          %mul3A_162 = arith.muli %scan3A_140, %mul3A_161 : i32
          %add3A_163 = arith.constant 48 : i32
          %add3A_164 = arith.addi %mul3A_162, %add3A_163 : i32
          %get3A_165 = arith.index_cast %add3A_81 : i32 to index
          %get3A_166 = arith.index_cast %add3A_164 : i32 to index
          %get3A_167 = tpu.vector_load %arg11[%get3A_165, %get3A_166] {strides = array<i32>} : memref<64x256xf32, #tpu.memory_space<vmem>>, vector<16xf32>,
          %scan3A_168 = arith.constant 0 : i32
          %scan3A_169 = arith.constant 0 : i32
          %scan3A_170 = arith.constant 4 : i32
          %scan3A_171 = arith.addi %scan3A_169, %scan3A_170 : i32
          %scan3A_172 = arith.constant 1 : i32
          scf.for %scan3A_297 = %scan3A_169 to %scan3A_171 step %scan3A_172  : i32 {
            %mul3A_298 = arith.constant 16 : i32
            %mul3A_299 = arith.muli %scan3A_297, %mul3A_298 : i32
            %add3A_300 = arith.constant 0 : i32
            %add3A_301 = arith.addi %mul3A_299, %add3A_300 : i32
            %mul3A_302 = arith.constant 64 : i32
            %mul3A_303 = arith.muli %scan3A_140, %mul3A_302 : i32
            %add3A_304 = arith.constant 0 : i32
            %add3A_305 = arith.addi %mul3A_303, %add3A_304 : i32
            %get3A_306 = arith.index_cast %add3A_301 : i32 to index
            %get3A_307 = arith.index_cast %add3A_305 : i32 to index
            %get3A_308 = tpu.vector_load %arg7[%get3A_306, %get3A_307] {strides = array<i32>} : memref<64x256xbf16, #tpu.memory_space<vmem>>, vector<32xbf16>,
            %bitcast3A = vector.bitcast %get3A_308 : vector<32xbf16> to vector<16xi32>
            %shift_left3A = arith.constant 16 : i32
            %shift_left3A_309 = vector.broadcast %shift_left3A : i32 to vector<16xi32>
            %shift_left3A_310 = arith.shli %bitcast3A, %shift_left3A_309 : vector<16xi32>
            %bitcast3A_311 = vector.bitcast %shift_left3A_310 : vector<16xi32> to vector<16xf32>
            %and3A_312 = arith.andi %bitcast3A, %broadcast_in_dim3A_35 : vector<16xi32>
            %bitcast3A_313 = vector.bitcast %and3A_312 : vector<16xi32> to vector<16xf32>
            %mul3A_314 = arith.mulf %bitcast3A_311, %get3A_146 : vector<16xf32>
            %mul3A_315 = arith.mulf %bitcast3A_313, %get3A_153 : vector<16xf32>
            %add3A_316 = arith.addf %mul3A_314, %mul3A_315 : vector<16xf32>
            %mul3A_317 = arith.constant 64 : i32
            %mul3A_318 = arith.muli %scan3A_140, %mul3A_317 : i32
            %add3A_319 = arith.constant 32 : i32
            %add3A_320 = arith.addi %mul3A_318, %add3A_319 : i32
            %get3A_321 = arith.index_cast %add3A_301 : i32 to index
            %get3A_322 = arith.index_cast %add3A_320 : i32 to index
            %get3A_323 = tpu.vector_load %arg7[%get3A_321, %get3A_322] {strides = array<i32>} : memref<64x256xbf16, #tpu.memory_space<vmem>>, vector<32xbf16>,
            %bitcast3A_324 = vector.bitcast %get3A_323 : vector<32xbf16> to vector<16xi32>
            %shift_left3A_325 = arith.constant 16 : i32
            %shift_left3A_326 = vector.broadcast %shift_left3A_325 : i32 to vector<16xi32>
            %shift_left3A_327 = arith.shli %bitcast3A_324, %shift_left3A_326 : vector<16xi32>
            %bitcast3A_328 = vector.bitcast %shift_left3A_327 : vector<16xi32> to vector<16xf32>
            %and3A_329 = arith.andi %bitcast3A_324, %broadcast_in_dim3A_35 : vector<16xi32>
            %bitcast3A_330 = vector.bitcast %and3A_329 : vector<16xi32> to vector<16xf32>
            %mul3A_331 = arith.mulf %bitcast3A_328, %get3A_160 : vector<16xf32>
            %mul3A_332 = arith.mulf %bitcast3A_330, %get3A_167 : vector<16xf32>
            %add3A_333 = arith.addf %mul3A_331, %mul3A_332 : vector<16xf32>
            %add3A_334 = arith.addf %add3A_316, %add3A_333 : vector<16xf32>
            %reduce_sum3A_335 = arith.constant true
            %reduce_sum3A_336 = vector.broadcast %reduce_sum3A_335 : i1 to vector<16xi1>
            %reduce_sum3A_337 = tpu.scan <sum>, %add3A_334 masked %reduce_sum3A_336 : vector<16xf32>, vector<16xi1> -> vector<16xf32>
            %reduce_sum3A_338 = vector.extract %reduce_sum3A_337[15] : f32 from vector<16xf32>
            %broadcast_in_dim3A_339 = vector.broadcast %reduce_sum3A_338 : f32 to vector<16xf32>
            %eq3A_340 = arith.constant 0 : i32
            %eq3A_341 = vector.broadcast %eq3A_340 : i32 to vector<16xi32>
            %eq3A_342 = arith.cmpi eq, %iota3A, %eq3A_341 : vector<16xi32>
            %select_n3A_343 = arith.select %eq3A_342, %broadcast_in_dim3A_339, %broadcast_in_dim3A_33 : vector<16xi1>, vector<16xf32>
            %mul3A_344 = arith.constant 16 : i32
            %mul3A_345 = arith.muli %scan3A_297, %mul3A_344 : i32
            %add3A_346 = arith.constant 1 : i32
            %add3A_347 = arith.addi %mul3A_345, %add3A_346 : i32
            %mul3A_348 = arith.constant 64 : i32
            %mul3A_349 = arith.muli %scan3A_140, %mul3A_348 : i32
            %add3A_350 = arith.constant 0 : i32
            %add3A_351 = arith.addi %mul3A_349, %add3A_350 : i32
            %get3A_352 = arith.index_cast %add3A_347 : i32 to index
            %get3A_353 = arith.index_cast %add3A_351 : i32 to index
            %get3A_354 = tpu.vector_load %arg7[%get3A_352, %get3A_353] {strides = array<i32>} : memref<64x256xbf16, #tpu.memory_space<vmem>>, vector<32xbf16>,
            %bitcast3A_355 = vector.bitcast %get3A_354 : vector<32xbf16> to vector<16xi32>
            %shift_left3A_356 = arith.constant 16 : i32
            %shift_left3A_357 = vector.broadcast %shift_left3A_356 : i32 to vector<16xi32>
            %shift_left3A_358 = arith.shli %bitcast3A_355, %shift_left3A_357 : vector<16xi32>
            %bitcast3A_359 = vector.bitcast %shift_left3A_358 : vector<16xi32> to vector<16xf32>
            %and3A_360 = arith.andi %bitcast3A_355, %broadcast_in_dim3A_35 : vector<16xi32>
            %bitcast3A_361 = vector.bitcast %and3A_360 : vector<16xi32> to vector<16xf32>
            %mul3A_362 = arith.mulf %bitcast3A_359, %get3A_146 : vector<16xf32>
            %mul3A_363 = arith.mulf %bitcast3A_361, %get3A_153 : vector<16xf32>
            %add3A_364 = arith.addf %mul3A_362, %mul3A_363 : vector<16xf32>
            %mul3A_365 = arith.constant 64 : i32
            %mul3A_366 = arith.muli %scan3A_140, %mul3A_365 : i32
            %add3A_367 = arith.constant 32 : i32
            %add3A_368 = arith.addi %mul3A_366, %add3A_367 : i32
            %get3A_369 = arith.index_cast %add3A_347 : i32 to index
            %get3A_370 = arith.index_cast %add3A_368 : i32 to index
            %get3A_371 = tpu.vector_load %arg7[%get3A_369, %get3A_370] {strides = array<i32>} : memref<64x256xbf16, #tpu.memory_space<vmem>>, vector<32xbf16>,
            %bitcast3A_372 = vector.bitcast %get3A_371 : vector<32xbf16> to vector<16xi32>
            %shift_left3A_373 = arith.constant 16 : i32
            %shift_left3A_374 = vector.broadcast %shift_left3A_373 : i32 to vector<16xi32>
            %shift_left3A_375 = arith.shli %bitcast3A_372, %shift_left3A_374 : vector<16xi32>
            %bitcast3A_376 = vector.bitcast %shift_left3A_375 : vector<16xi32> to vector<16xf32>
            %and3A_377 = arith.andi %bitcast3A_372, %broadcast_in_dim3A_35 : vector<16xi32>
            %bitcast3A_378 = vector.bitcast %and3A_377 : vector<16xi32> to vector<16xf32>
            %mul3A_379 = arith.mulf %bitcast3A_376, %get3A_160 : vector<16xf32>
            %mul3A_380 = arith.mulf %bitcast3A_378, %get3A_167 : vector<16xf32>
            %add3A_381 = arith.addf %mul3A_379, %mul3A_380 : vector<16xf32>
            %add3A_382 = arith.addf %add3A_364, %add3A_381 : vector<16xf32>
            %reduce_sum3A_383 = arith.constant true
            %reduce_sum3A_384 = vector.broadcast %reduce_sum3A_383 : i1 to vector<16xi1>
            %reduce_sum3A_385 = tpu.scan <sum>, %add3A_382 masked %reduce_sum3A_384 : vector<16xf32>, vector<16xi1> -> vector<16xf32>
            %reduce_sum3A_386 = vector.extract %reduce_sum3A_385[15] : f32 from vector<16xf32>
            %broadcast_in_dim3A_387 = vector.broadcast %reduce_sum3A_386 : f32 to vector<16xf32>
            %eq3A_388 = arith.constant 1 : i32
            %eq3A_389 = vector.broadcast %eq3A_388 : i32 to vector<16xi32>
            %eq3A_390 = arith.cmpi eq, %iota3A, %eq3A_389 : vector<16xi32>
            %select_n3A_391 = arith.select %eq3A_390, %broadcast_in_dim3A_387, %broadcast_in_dim3A_33 : vector<16xi1>, vector<16xf32>
            %mul3A_392 = arith.constant 16 : i32
            %mul3A_393 = arith.muli %scan3A_297, %mul3A_392 : i32
            %add3A_394 = arith.constant 2 : i32
            %add3A_395 = arith.addi %mul3A_393, %add3A_394 : i32
            %mul3A_396 = arith.constant 64 : i32
            %mul3A_397 = arith.muli %scan3A_140, %mul3A_396 : i32
            %add3A_398 = arith.constant 0 : i32
            %add3A_399 = arith.addi %mul3A_397, %add3A_398 : i32
            %get3A_400 = arith.index_cast %add3A_395 : i32 to index
            %get3A_401 = arith.index_cast %add3A_399 : i32 to index
            %get3A_402 = tpu.vector_load %arg7[%get3A_400, %get3A_401] {strides = array<i32>} : memref<64x256xbf16, #tpu.memory_space<vmem>>, vector<32xbf16>,
            %bitcast3A_403 = vector.bitcast %get3A_402 : vector<32xbf16> to vector<16xi32>
            %shift_left3A_404 = arith.constant 16 : i32
            %shift_left3A_405 = vector.broadcast %shift_left3A_404 : i32 to vector<16xi32>
            %shift_left3A_406 = arith.shli %bitcast3A_403, %shift_left3A_405 : vector<16xi32>
            %bitcast3A_407 = vector.bitcast %shift_left3A_406 : vector<16xi32> to vector<16xf32>
            %and3A_408 = arith.andi %bitcast3A_403, %broadcast_in_dim3A_35 : vector<16xi32>
            %bitcast3A_409 = vector.bitcast %and3A_408 : vector<16xi32> to vector<16xf32>
            %mul3A_410 = arith.mulf %bitcast3A_407, %get3A_146 : vector<16xf32>
            %mul3A_411 = arith.mulf %bitcast3A_409, %get3A_153 : vector<16xf32>
            %add3A_412 = arith.addf %mul3A_410, %mul3A_411 : vector<16xf32>
            %mul3A_413 = arith.constant 64 : i32
            %mul3A_414 = arith.muli %scan3A_140, %mul3A_413 : i32
            %add3A_415 = arith.constant 32 : i32
            %add3A_416 = arith.addi %mul3A_414, %add3A_415 : i32
            %get3A_417 = arith.index_cast %add3A_395 : i32 to index
            %get3A_418 = arith.index_cast %add3A_416 : i32 to index
            %get3A_419 = tpu.vector_load %arg7[%get3A_417, %get3A_418] {strides = array<i32>} : memref<64x256xbf16, #tpu.memory_space<vmem>>, vector<32xbf16>,
            %bitcast3A_420 = vector.bitcast %get3A_419 : vector<32xbf16> to vector<16xi32>
            %shift_left3A_421 = arith.constant 16 : i32
            %shift_left3A_422 = vector.broadcast %shift_left3A_421 : i32 to vector<16xi32>
            %shift_left3A_423 = arith.shli %bitcast3A_420, %shift_left3A_422 : vector<16xi32>
            %bitcast3A_424 = vector.bitcast %shift_left3A_423 : vector<16xi32> to vector<16xf32>
            %and3A_425 = arith.andi %bitcast3A_420, %broadcast_in_dim3A_35 : vector<16xi32>
            %bitcast3A_426 = vector.bitcast %and3A_425 : vector<16xi32> to vector<16xf32>
            %mul3A_427 = arith.mulf %bitcast3A_424, %get3A_160 : vector<16xf32>
            %mul3A_428 = arith.mulf %bitcast3A_426, %get3A_167 : vector<16xf32>
            %add3A_429 = arith.addf %mul3A_427, %mul3A_428 : vector<16xf32>
            %add3A_430 = arith.addf %add3A_412, %add3A_429 : vector<16xf32>
            %reduce_sum3A_431 = arith.constant true
            %reduce_sum3A_432 = vector.broadcast %reduce_sum3A_431 : i1 to vector<16xi1>
            %reduce_sum3A_433 = tpu.scan <sum>, %add3A_430 masked %reduce_sum3A_432 : vector<16xf32>, vector<16xi1> -> vector<16xf32>
            %reduce_sum3A_434 = vector.extract %reduce_sum3A_433[15] : f32 from vector<16xf32>
            %broadcast_in_dim3A_435 = vector.broadcast %reduce_sum3A_434 : f32 to vector<16xf32>
            %eq3A_436 = arith.constant 2 : i32
            %eq3A_437 = vector.broadcast %eq3A_436 : i32 to vector<16xi32>
            %eq3A_438 = arith.cmpi eq, %iota3A, %eq3A_437 : vector<16xi32>
            %select_n3A_439 = arith.select %eq3A_438, %broadcast_in_dim3A_435, %broadcast_in_dim3A_33 : vector<16xi1>, vector<16xf32>
            %mul3A_440 = arith.constant 16 : i32
            %mul3A_441 = arith.muli %scan3A_297, %mul3A_440 : i32
            %add3A_442 = arith.constant 3 : i32
            %add3A_443 = arith.addi %mul3A_441, %add3A_442 : i32
            %mul3A_444 = arith.constant 64 : i32
            %mul3A_445 = arith.muli %scan3A_140, %mul3A_444 : i32
            %add3A_446 = arith.constant 0 : i32
            %add3A_447 = arith.addi %mul3A_445, %add3A_446 : i32
            %get3A_448 = arith.index_cast %add3A_443 : i32 to index
            %get3A_449 = arith.index_cast %add3A_447 : i32 to index
            %get3A_450 = tpu.vector_load %arg7[%get3A_448, %get3A_449] {strides = array<i32>} : memref<64x256xbf16, #tpu.memory_space<vmem>>, vector<32xbf16>,
            %bitcast3A_451 = vector.bitcast %get3A_450 : vector<32xbf16> to vector<16xi32>
            %shift_left3A_452 = arith.constant 16 : i32
            %shift_left3A_453 = vector.broadcast %shift_left3A_452 : i32 to vector<16xi32>
            %shift_left3A_454 = arith.shli %bitcast3A_451, %shift_left3A_453 : vector<16xi32>
            %bitcast3A_455 = vector.bitcast %shift_left3A_454 : vector<16xi32> to vector<16xf32>
            %and3A_456 = arith.andi %bitcast3A_451, %broadcast_in_dim3A_35 : vector<16xi32>
            %bitcast3A_457 = vector.bitcast %and3A_456 : vector<16xi32> to vector<16xf32>
            %mul3A_458 = arith.mulf %bitcast3A_455, %get3A_146 : vector<16xf32>
            %mul3A_459 = arith.mulf %bitcast3A_457, %get3A_153 : vector<16xf32>
            %add3A_460 = arith.addf %mul3A_458, %mul3A_459 : vector<16xf32>
            %mul3A_461 = arith.constant 64 : i32
            %mul3A_462 = arith.muli %scan3A_140, %mul3A_461 : i32
            %add3A_463 = arith.constant 32 : i32
            %add3A_464 = arith.addi %mul3A_462, %add3A_463 : i32
            %get3A_465 = arith.index_cast %add3A_443 : i32 to index
            %get3A_466 = arith.index_cast %add3A_464 : i32 to index
            %get3A_467 = tpu.vector_load %arg7[%get3A_465, %get3A_466] {strides = array<i32>} : memref<64x256xbf16, #tpu.memory_space<vmem>>, vector<32xbf16>,
            %bitcast3A_468 = vector.bitcast %get3A_467 : vector<32xbf16> to vector<16xi32>
            %shift_left3A_469 = arith.constant 16 : i32
            %shift_left3A_470 = vector.broadcast %shift_left3A_469 : i32 to vector<16xi32>
            %shift_left3A_471 = arith.shli %bitcast3A_468, %shift_left3A_470 : vector<16xi32>
            %bitcast3A_472 = vector.bitcast %shift_left3A_471 : vector<16xi32> to vector<16xf32>
            %and3A_473 = arith.andi %bitcast3A_468, %broadcast_in_dim3A_35 : vector<16xi32>
            %bitcast3A_474 = vector.bitcast %and3A_473 : vector<16xi32> to vector<16xf32>
            %mul3A_475 = arith.mulf %bitcast3A_472, %get3A_160 : vector<16xf32>
            %mul3A_476 = arith.mulf %bitcast3A_474, %get3A_167 : vector<16xf32>
            %add3A_477 = arith.addf %mul3A_475, %mul3A_476 : vector<16xf32>
            %add3A_478 = arith.addf %add3A_460, %add3A_477 : vector<16xf32>
            %reduce_sum3A_479 = arith.constant true
            %reduce_sum3A_480 = vector.broadcast %reduce_sum3A_479 : i1 to vector<16xi1>
            %reduce_sum3A_481 = tpu.scan <sum>, %add3A_478 masked %reduce_sum3A_480 : vector<16xf32>, vector<16xi1> -> vector<16xf32>
            %reduce_sum3A_482 = vector.extract %reduce_sum3A_481[15] : f32 from vector<16xf32>
            %broadcast_in_dim3A_483 = vector.broadcast %reduce_sum3A_482 : f32 to vector<16xf32>
            %eq3A_484 = arith.constant 3 : i32
            %eq3A_485 = vector.broadcast %eq3A_484 : i32 to vector<16xi32>
            %eq3A_486 = arith.cmpi eq, %iota3A, %eq3A_485 : vector<16xi32>
            %select_n3A_487 = arith.select %eq3A_486, %broadcast_in_dim3A_483, %broadcast_in_dim3A_33 : vector<16xi1>, vector<16xf32>
            %mul3A_488 = arith.constant 16 : i32
            %mul3A_489 = arith.muli %scan3A_297, %mul3A_488 : i32
            %add3A_490 = arith.constant 4 : i32
            %add3A_491 = arith.addi %mul3A_489, %add3A_490 : i32
            %mul3A_492 = arith.constant 64 : i32
            %mul3A_493 = arith.muli %scan3A_140, %mul3A_492 : i32
            %add3A_494 = arith.constant 0 : i32
            %add3A_495 = arith.addi %mul3A_493, %add3A_494 : i32
            %get3A_496 = arith.index_cast %add3A_491 : i32 to index
            %get3A_497 = arith.index_cast %add3A_495 : i32 to index
            %get3A_498 = tpu.vector_load %arg7[%get3A_496, %get3A_497] {strides = array<i32>} : memref<64x256xbf16, #tpu.memory_space<vmem>>, vector<32xbf16>,
            %bitcast3A_499 = vector.bitcast %get3A_498 : vector<32xbf16> to vector<16xi32>
            %shift_left3A_500 = arith.constant 16 : i32
            %shift_left3A_501 = vector.broadcast %shift_left3A_500 : i32 to vector<16xi32>
            %shift_left3A_502 = arith.shli %bitcast3A_499, %shift_left3A_501 : vector<16xi32>
            %bitcast3A_503 = vector.bitcast %shift_left3A_502 : vector<16xi32> to vector<16xf32>
            %and3A_504 = arith.andi %bitcast3A_499, %broadcast_in_dim3A_35 : vector<16xi32>
            %bitcast3A_505 = vector.bitcast %and3A_504 : vector<16xi32> to vector<16xf32>
            %mul3A_506 = arith.mulf %bitcast3A_503, %get3A_146 : vector<16xf32>
            %mul3A_507 = arith.mulf %bitcast3A_505, %get3A_153 : vector<16xf32>
            %add3A_508 = arith.addf %mul3A_506, %mul3A_507 : vector<16xf32>
            %mul3A_509 = arith.constant 64 : i32
            %mul3A_510 = arith.muli %scan3A_140, %mul3A_509 : i32
            %add3A_511 = arith.constant 32 : i32
            %add3A_512 = arith.addi %mul3A_510, %add3A_511 : i32
            %get3A_513 = arith.index_cast %add3A_491 : i32 to index
            %get3A_514 = arith.index_cast %add3A_512 : i32 to index
            %get3A_515 = tpu.vector_load %arg7[%get3A_513, %get3A_514] {strides = array<i32>} : memref<64x256xbf16, #tpu.memory_space<vmem>>, vector<32xbf16>,
            %bitcast3A_516 = vector.bitcast %get3A_515 : vector<32xbf16> to vector<16xi32>
            %shift_left3A_517 = arith.constant 16 : i32
            %shift_left3A_518 = vector.broadcast %shift_left3A_517 : i32 to vector<16xi32>
            %shift_left3A_519 = arith.shli %bitcast3A_516, %shift_left3A_518 : vector<16xi32>
            %bitcast3A_520 = vector.bitcast %shift_left3A_519 : vector<16xi32> to vector<16xf32>
            %and3A_521 = arith.andi %bitcast3A_516, %broadcast_in_dim3A_35 : vector<16xi32>
            %bitcast3A_522 = vector.bitcast %and3A_521 : vector<16xi32> to vector<16xf32>
            %mul3A_523 = arith.mulf %bitcast3A_520, %get3A_160 : vector<16xf32>
            %mul3A_524 = arith.mulf %bitcast3A_522, %get3A_167 : vector<16xf32>
            %add3A_525 = arith.addf %mul3A_523, %mul3A_524 : vector<16xf32>
            %add3A_526 = arith.addf %add3A_508, %add3A_525 : vector<16xf32>
            %reduce_sum3A_527 = arith.constant true
            %reduce_sum3A_528 = vector.broadcast %reduce_sum3A_527 : i1 to vector<16xi1>
            %reduce_sum3A_529 = tpu.scan <sum>, %add3A_526 masked %reduce_sum3A_528 : vector<16xf32>, vector<16xi1> -> vector<16xf32>
            %reduce_sum3A_530 = vector.extract %reduce_sum3A_529[15] : f32 from vector<16xf32>
            %broadcast_in_dim3A_531 = vector.broadcast %reduce_sum3A_530 : f32 to vector<16xf32>
            %eq3A_532 = arith.constant 4 : i32
            %eq3A_533 = vector.broadcast %eq3A_532 : i32 to vector<16xi32>
            %eq3A_534 = arith.cmpi eq, %iota3A, %eq3A_533 : vector<16xi32>
            %select_n3A_535 = arith.select %eq3A_534, %broadcast_in_dim3A_531, %select_n3A_343 : vector<16xi1>, vector<16xf32>
            %mul3A_536 = arith.constant 16 : i32
            %mul3A_537 = arith.muli %scan3A_297, %mul3A_536 : i32
            %add3A_538 = arith.constant 5 : i32
            %add3A_539 = arith.addi %mul3A_537, %add3A_538 : i32
            %mul3A_540 = arith.constant 64 : i32
            %mul3A_541 = arith.muli %scan3A_140, %mul3A_540 : i32
            %add3A_542 = arith.constant 0 : i32
            %add3A_543 = arith.addi %mul3A_541, %add3A_542 : i32
            %get3A_544 = arith.index_cast %add3A_539 : i32 to index
            %get3A_545 = arith.index_cast %add3A_543 : i32 to index
            %get3A_546 = tpu.vector_load %arg7[%get3A_544, %get3A_545] {strides = array<i32>} : memref<64x256xbf16, #tpu.memory_space<vmem>>, vector<32xbf16>,
            %bitcast3A_547 = vector.bitcast %get3A_546 : vector<32xbf16> to vector<16xi32>
            %shift_left3A_548 = arith.constant 16 : i32
            %shift_left3A_549 = vector.broadcast %shift_left3A_548 : i32 to vector<16xi32>
            %shift_left3A_550 = arith.shli %bitcast3A_547, %shift_left3A_549 : vector<16xi32>
            %bitcast3A_551 = vector.bitcast %shift_left3A_550 : vector<16xi32> to vector<16xf32>
            %and3A_552 = arith.andi %bitcast3A_547, %broadcast_in_dim3A_35 : vector<16xi32>
            %bitcast3A_553 = vector.bitcast %and3A_552 : vector<16xi32> to vector<16xf32>
            %mul3A_554 = arith.mulf %bitcast3A_551, %get3A_146 : vector<16xf32>
            %mul3A_555 = arith.mulf %bitcast3A_553, %get3A_153 : vector<16xf32>
            %add3A_556 = arith.addf %mul3A_554, %mul3A_555 : vector<16xf32>
            %mul3A_557 = arith.constant 64 : i32
            %mul3A_558 = arith.muli %scan3A_140, %mul3A_557 : i32
            %add3A_559 = arith.constant 32 : i32
            %add3A_560 = arith.addi %mul3A_558, %add3A_559 : i32
            %get3A_561 = arith.index_cast %add3A_539 : i32 to index
            %get3A_562 = arith.index_cast %add3A_560 : i32 to index
            %get3A_563 = tpu.vector_load %arg7[%get3A_561, %get3A_562] {strides = array<i32>} : memref<64x256xbf16, #tpu.memory_space<vmem>>, vector<32xbf16>,
            %bitcast3A_564 = vector.bitcast %get3A_563 : vector<32xbf16> to vector<16xi32>
            %shift_left3A_565 = arith.constant 16 : i32
            %shift_left3A_566 = vector.broadcast %shift_left3A_565 : i32 to vector<16xi32>
            %shift_left3A_567 = arith.shli %bitcast3A_564, %shift_left3A_566 : vector<16xi32>
            %bitcast3A_568 = vector.bitcast %shift_left3A_567 : vector<16xi32> to vector<16xf32>
            %and3A_569 = arith.andi %bitcast3A_564, %broadcast_in_dim3A_35 : vector<16xi32>
            %bitcast3A_570 = vector.bitcast %and3A_569 : vector<16xi32> to vector<16xf32>
            %mul3A_571 = arith.mulf %bitcast3A_568, %get3A_160 : vector<16xf32>
            %mul3A_572 = arith.mulf %bitcast3A_570, %get3A_167 : vector<16xf32>
            %add3A_573 = arith.addf %mul3A_571, %mul3A_572 : vector<16xf32>
            %add3A_574 = arith.addf %add3A_556, %add3A_573 : vector<16xf32>
            %reduce_sum3A_575 = arith.constant true
            %reduce_sum3A_576 = vector.broadcast %reduce_sum3A_575 : i1 to vector<16xi1>
            %reduce_sum3A_577 = tpu.scan <sum>, %add3A_574 masked %reduce_sum3A_576 : vector<16xf32>, vector<16xi1> -> vector<16xf32>
            %reduce_sum3A_578 = vector.extract %reduce_sum3A_577[15] : f32 from vector<16xf32>
            %broadcast_in_dim3A_579 = vector.broadcast %reduce_sum3A_578 : f32 to vector<16xf32>
            %eq3A_580 = arith.constant 5 : i32
            %eq3A_581 = vector.broadcast %eq3A_580 : i32 to vector<16xi32>
            %eq3A_582 = arith.cmpi eq, %iota3A, %eq3A_581 : vector<16xi32>
            %select_n3A_583 = arith.select %eq3A_582, %broadcast_in_dim3A_579, %select_n3A_391 : vector<16xi1>, vector<16xf32>
            %mul3A_584 = arith.constant 16 : i32
            %mul3A_585 = arith.muli %scan3A_297, %mul3A_584 : i32
            %add3A_586 = arith.constant 6 : i32
            %add3A_587 = arith.addi %mul3A_585, %add3A_586 : i32
            %mul3A_588 = arith.constant 64 : i32
            %mul3A_589 = arith.muli %scan3A_140, %mul3A_588 : i32
            %add3A_590 = arith.constant 0 : i32
            %add3A_591 = arith.addi %mul3A_589, %add3A_590 : i32
            %get3A_592 = arith.index_cast %add3A_587 : i32 to index
            %get3A_593 = arith.index_cast %add3A_591 : i32 to index
            %get3A_594 = tpu.vector_load %arg7[%get3A_592, %get3A_593] {strides = array<i32>} : memref<64x256xbf16, #tpu.memory_space<vmem>>, vector<32xbf16>,
            %bitcast3A_595 = vector.bitcast %get3A_594 : vector<32xbf16> to vector<16xi32>
            %shift_left3A_596 = arith.constant 16 : i32
            %shift_left3A_597 = vector.broadcast %shift_left3A_596 : i32 to vector<16xi32>
            %shift_left3A_598 = arith.shli %bitcast3A_595, %shift_left3A_597 : vector<16xi32>
            %bitcast3A_599 = vector.bitcast %shift_left3A_598 : vector<16xi32> to vector<16xf32>
            %and3A_600 = arith.andi %bitcast3A_595, %broadcast_in_dim3A_35 : vector<16xi32>
            %bitcast3A_601 = vector.bitcast %and3A_600 : vector<16xi32> to vector<16xf32>
            %mul3A_602 = arith.mulf %bitcast3A_599, %get3A_146 : vector<16xf32>
            %mul3A_603 = arith.mulf %bitcast3A_601, %get3A_153 : vector<16xf32>
            %add3A_604 = arith.addf %mul3A_602, %mul3A_603 : vector<16xf32>
            %mul3A_605 = arith.constant 64 : i32
            %mul3A_606 = arith.muli %scan3A_140, %mul3A_605 : i32
            %add3A_607 = arith.constant 32 : i32
            %add3A_608 = arith.addi %mul3A_606, %add3A_607 : i32
            %get3A_609 = arith.index_cast %add3A_587 : i32 to index
            %get3A_610 = arith.index_cast %add3A_608 : i32 to index
            %get3A_611 = tpu.vector_load %arg7[%get3A_609, %get3A_610] {strides = array<i32>} : memref<64x256xbf16, #tpu.memory_space<vmem>>, vector<32xbf16>,
            %bitcast3A_612 = vector.bitcast %get3A_611 : vector<32xbf16> to vector<16xi32>
            %shift_left3A_613 = arith.constant 16 : i32
            %shift_left3A_614 = vector.broadcast %shift_left3A_613 : i32 to vector<16xi32>
            %shift_left3A_615 = arith.shli %bitcast3A_612, %shift_left3A_614 : vector<16xi32>
            %bitcast3A_616 = vector.bitcast %shift_left3A_615 : vector<16xi32> to vector<16xf32>
            %and3A_617 = arith.andi %bitcast3A_612, %broadcast_in_dim3A_35 : vector<16xi32>
            %bitcast3A_618 = vector.bitcast %and3A_617 : vector<16xi32> to vector<16xf32>
            %mul3A_619 = arith.mulf %bitcast3A_616, %get3A_160 : vector<16xf32>
            %mul3A_620 = arith.mulf %bitcast3A_618, %get3A_167 : vector<16xf32>
            %add3A_621 = arith.addf %mul3A_619, %mul3A_620 : vector<16xf32>
            %add3A_622 = arith.addf %add3A_604, %add3A_621 : vector<16xf32>
            %reduce_sum3A_623 = arith.constant true
            %reduce_sum3A_624 = vector.broadcast %reduce_sum3A_623 : i1 to vector<16xi1>
            %reduce_sum3A_625 = tpu.scan <sum>, %add3A_622 masked %reduce_sum3A_624 : vector<16xf32>, vector<16xi1> -> vector<16xf32>
            %reduce_sum3A_626 = vector.extract %reduce_sum3A_625[15] : f32 from vector<16xf32>
            %broadcast_in_dim3A_627 = vector.broadcast %reduce_sum3A_626 : f32 to vector<16xf32>
            %eq3A_628 = arith.constant 6 : i32
            %eq3A_629 = vector.broadcast %eq3A_628 : i32 to vector<16xi32>
            %eq3A_630 = arith.cmpi eq, %iota3A, %eq3A_629 : vector<16xi32>
            %select_n3A_631 = arith.select %eq3A_630, %broadcast_in_dim3A_627, %select_n3A_439 : vector<16xi1>, vector<16xf32>
            %mul3A_632 = arith.constant 16 : i32
            %mul3A_633 = arith.muli %scan3A_297, %mul3A_632 : i32
            %add3A_634 = arith.constant 7 : i32
            %add3A_635 = arith.addi %mul3A_633, %add3A_634 : i32
            %mul3A_636 = arith.constant 64 : i32
            %mul3A_637 = arith.muli %scan3A_140, %mul3A_636 : i32
            %add3A_638 = arith.constant 0 : i32
            %add3A_639 = arith.addi %mul3A_637, %add3A_638 : i32
            %get3A_640 = arith.index_cast %add3A_635 : i32 to index
            %get3A_641 = arith.index_cast %add3A_639 : i32 to index
            %get3A_642 = tpu.vector_load %arg7[%get3A_640, %get3A_641] {strides = array<i32>} : memref<64x256xbf16, #tpu.memory_space<vmem>>, vector<32xbf16>,
            %bitcast3A_643 = vector.bitcast %get3A_642 : vector<32xbf16> to vector<16xi32>
            %shift_left3A_644 = arith.constant 16 : i32
            %shift_left3A_645 = vector.broadcast %shift_left3A_644 : i32 to vector<16xi32>
            %shift_left3A_646 = arith.shli %bitcast3A_643, %shift_left3A_645 : vector<16xi32>
            %bitcast3A_647 = vector.bitcast %shift_left3A_646 : vector<16xi32> to vector<16xf32>
            %and3A_648 = arith.andi %bitcast3A_643, %broadcast_in_dim3A_35 : vector<16xi32>
            %bitcast3A_649 = vector.bitcast %and3A_648 : vector<16xi32> to vector<16xf32>
            %mul3A_650 = arith.mulf %bitcast3A_647, %get3A_146 : vector<16xf32>
            %mul3A_651 = arith.mulf %bitcast3A_649, %get3A_153 : vector<16xf32>
            %add3A_652 = arith.addf %mul3A_650, %mul3A_651 : vector<16xf32>
            %mul3A_653 = arith.constant 64 : i32
            %mul3A_654 = arith.muli %scan3A_140, %mul3A_653 : i32
            %add3A_655 = arith.constant 32 : i32
            %add3A_656 = arith.addi %mul3A_654, %add3A_655 : i32
            %get3A_657 = arith.index_cast %add3A_635 : i32 to index
            %get3A_658 = arith.index_cast %add3A_656 : i32 to index
            %get3A_659 = tpu.vector_load %arg7[%get3A_657, %get3A_658] {strides = array<i32>} : memref<64x256xbf16, #tpu.memory_space<vmem>>, vector<32xbf16>,
            %bitcast3A_660 = vector.bitcast %get3A_659 : vector<32xbf16> to vector<16xi32>
            %shift_left3A_661 = arith.constant 16 : i32
            %shift_left3A_662 = vector.broadcast %shift_left3A_661 : i32 to vector<16xi32>
            %shift_left3A_663 = arith.shli %bitcast3A_660, %shift_left3A_662 : vector<16xi32>
            %bitcast3A_664 = vector.bitcast %shift_left3A_663 : vector<16xi32> to vector<16xf32>
            %and3A_665 = arith.andi %bitcast3A_660, %broadcast_in_dim3A_35 : vector<16xi32>
            %bitcast3A_666 = vector.bitcast %and3A_665 : vector<16xi32> to vector<16xf32>
            %mul3A_667 = arith.mulf %bitcast3A_664, %get3A_160 : vector<16xf32>
            %mul3A_668 = arith.mulf %bitcast3A_666, %get3A_167 : vector<16xf32>
            %add3A_669 = arith.addf %mul3A_667, %mul3A_668 : vector<16xf32>
            %add3A_670 = arith.addf %add3A_652, %add3A_669 : vector<16xf32>
            %reduce_sum3A_671 = arith.constant true
            %reduce_sum3A_672 = vector.broadcast %reduce_sum3A_671 : i1 to vector<16xi1>
            %reduce_sum3A_673 = tpu.scan <sum>, %add3A_670 masked %reduce_sum3A_672 : vector<16xf32>, vector<16xi1> -> vector<16xf32>
            %reduce_sum3A_674 = vector.extract %reduce_sum3A_673[15] : f32 from vector<16xf32>
            %broadcast_in_dim3A_675 = vector.broadcast %reduce_sum3A_674 : f32 to vector<16xf32>
            %eq3A_676 = arith.constant 7 : i32
            %eq3A_677 = vector.broadcast %eq3A_676 : i32 to vector<16xi32>
            %eq3A_678 = arith.cmpi eq, %iota3A, %eq3A_677 : vector<16xi32>
            %select_n3A_679 = arith.select %eq3A_678, %broadcast_in_dim3A_675, %select_n3A_487 : vector<16xi1>, vector<16xf32>
            %mul3A_680 = arith.constant 16 : i32
            %mul3A_681 = arith.muli %scan3A_297, %mul3A_680 : i32
            %add3A_682 = arith.constant 8 : i32
            %add3A_683 = arith.addi %mul3A_681, %add3A_682 : i32
            %mul3A_684 = arith.constant 64 : i32
            %mul3A_685 = arith.muli %scan3A_140, %mul3A_684 : i32
            %add3A_686 = arith.constant 0 : i32
            %add3A_687 = arith.addi %mul3A_685, %add3A_686 : i32
            %get3A_688 = arith.index_cast %add3A_683 : i32 to index
            %get3A_689 = arith.index_cast %add3A_687 : i32 to index
            %get3A_690 = tpu.vector_load %arg7[%get3A_688, %get3A_689] {strides = array<i32>} : memref<64x256xbf16, #tpu.memory_space<vmem>>, vector<32xbf16>,
            %bitcast3A_691 = vector.bitcast %get3A_690 : vector<32xbf16> to vector<16xi32>
            %shift_left3A_692 = arith.constant 16 : i32
            %shift_left3A_693 = vector.broadcast %shift_left3A_692 : i32 to vector<16xi32>
            %shift_left3A_694 = arith.shli %bitcast3A_691, %shift_left3A_693 : vector<16xi32>
            %bitcast3A_695 = vector.bitcast %shift_left3A_694 : vector<16xi32> to vector<16xf32>
            %and3A_696 = arith.andi %bitcast3A_691, %broadcast_in_dim3A_35 : vector<16xi32>
            %bitcast3A_697 = vector.bitcast %and3A_696 : vector<16xi32> to vector<16xf32>
            %mul3A_698 = arith.mulf %bitcast3A_695, %get3A_146 : vector<16xf32>
            %mul3A_699 = arith.mulf %bitcast3A_697, %get3A_153 : vector<16xf32>
            %add3A_700 = arith.addf %mul3A_698, %mul3A_699 : vector<16xf32>
            %mul3A_701 = arith.constant 64 : i32
            %mul3A_702 = arith.muli %scan3A_140, %mul3A_701 : i32
            %add3A_703 = arith.constant 32 : i32
            %add3A_704 = arith.addi %mul3A_702, %add3A_703 : i32
            %get3A_705 = arith.index_cast %add3A_683 : i32 to index
            %get3A_706 = arith.index_cast %add3A_704 : i32 to index
            %get3A_707 = tpu.vector_load %arg7[%get3A_705, %get3A_706] {strides = array<i32>} : memref<64x256xbf16, #tpu.memory_space<vmem>>, vector<32xbf16>,
            %bitcast3A_708 = vector.bitcast %get3A_707 : vector<32xbf16> to vector<16xi32>
            %shift_left3A_709 = arith.constant 16 : i32
            %shift_left3A_710 = vector.broadcast %shift_left3A_709 : i32 to vector<16xi32>
            %shift_left3A_711 = arith.shli %bitcast3A_708, %shift_left3A_710 : vector<16xi32>
            %bitcast3A_712 = vector.bitcast %shift_left3A_711 : vector<16xi32> to vector<16xf32>
            %and3A_713 = arith.andi %bitcast3A_708, %broadcast_in_dim3A_35 : vector<16xi32>
            %bitcast3A_714 = vector.bitcast %and3A_713 : vector<16xi32> to vector<16xf32>
            %mul3A_715 = arith.mulf %bitcast3A_712, %get3A_160 : vector<16xf32>
            %mul3A_716 = arith.mulf %bitcast3A_714, %get3A_167 : vector<16xf32>
            %add3A_717 = arith.addf %mul3A_715, %mul3A_716 : vector<16xf32>
            %add3A_718 = arith.addf %add3A_700, %add3A_717 : vector<16xf32>
            %reduce_sum3A_719 = arith.constant true
            %reduce_sum3A_720 = vector.broadcast %reduce_sum3A_719 : i1 to vector<16xi1>
            %reduce_sum3A_721 = tpu.scan <sum>, %add3A_718 masked %reduce_sum3A_720 : vector<16xf32>, vector<16xi1> -> vector<16xf32>
            %reduce_sum3A_722 = vector.extract %reduce_sum3A_721[15] : f32 from vector<16xf32>
            %broadcast_in_dim3A_723 = vector.broadcast %reduce_sum3A_722 : f32 to vector<16xf32>
            %eq3A_724 = arith.constant 8 : i32
            %eq3A_725 = vector.broadcast %eq3A_724 : i32 to vector<16xi32>
            %eq3A_726 = arith.cmpi eq, %iota3A, %eq3A_725 : vector<16xi32>
            %select_n3A_727 = arith.select %eq3A_726, %broadcast_in_dim3A_723, %select_n3A_535 : vector<16xi1>, vector<16xf32>
            %mul3A_728 = arith.constant 16 : i32
            %mul3A_729 = arith.muli %scan3A_297, %mul3A_728 : i32
            %add3A_730 = arith.constant 9 : i32
            %add3A_731 = arith.addi %mul3A_729, %add3A_730 : i32
            %mul3A_732 = arith.constant 64 : i32
            %mul3A_733 = arith.muli %scan3A_140, %mul3A_732 : i32
            %add3A_734 = arith.constant 0 : i32
            %add3A_735 = arith.addi %mul3A_733, %add3A_734 : i32
            %get3A_736 = arith.index_cast %add3A_731 : i32 to index
            %get3A_737 = arith.index_cast %add3A_735 : i32 to index
            %get3A_738 = tpu.vector_load %arg7[%get3A_736, %get3A_737] {strides = array<i32>} : memref<64x256xbf16, #tpu.memory_space<vmem>>, vector<32xbf16>,
            %bitcast3A_739 = vector.bitcast %get3A_738 : vector<32xbf16> to vector<16xi32>
            %shift_left3A_740 = arith.constant 16 : i32
            %shift_left3A_741 = vector.broadcast %shift_left3A_740 : i32 to vector<16xi32>
            %shift_left3A_742 = arith.shli %bitcast3A_739, %shift_left3A_741 : vector<16xi32>
            %bitcast3A_743 = vector.bitcast %shift_left3A_742 : vector<16xi32> to vector<16xf32>
            %and3A_744 = arith.andi %bitcast3A_739, %broadcast_in_dim3A_35 : vector<16xi32>
            %bitcast3A_745 = vector.bitcast %and3A_744 : vector<16xi32> to vector<16xf32>
            %mul3A_746 = arith.mulf %bitcast3A_743, %get3A_146 : vector<16xf32>
            %mul3A_747 = arith.mulf %bitcast3A_745, %get3A_153 : vector<16xf32>
            %add3A_748 = arith.addf %mul3A_746, %mul3A_747 : vector<16xf32>
            %mul3A_749 = arith.constant 64 : i32
            %mul3A_750 = arith.muli %scan3A_140, %mul3A_749 : i32
            %add3A_751 = arith.constant 32 : i32
            %add3A_752 = arith.addi %mul3A_750, %add3A_751 : i32
            %get3A_753 = arith.index_cast %add3A_731 : i32 to index
            %get3A_754 = arith.index_cast %add3A_752 : i32 to index
            %get3A_755 = tpu.vector_load %arg7[%get3A_753, %get3A_754] {strides = array<i32>} : memref<64x256xbf16, #tpu.memory_space<vmem>>, vector<32xbf16>,
            %bitcast3A_756 = vector.bitcast %get3A_755 : vector<32xbf16> to vector<16xi32>
            %shift_left3A_757 = arith.constant 16 : i32
            %shift_left3A_758 = vector.broadcast %shift_left3A_757 : i32 to vector<16xi32>
            %shift_left3A_759 = arith.shli %bitcast3A_756, %shift_left3A_758 : vector<16xi32>
            %bitcast3A_760 = vector.bitcast %shift_left3A_759 : vector<16xi32> to vector<16xf32>
            %and3A_761 = arith.andi %bitcast3A_756, %broadcast_in_dim3A_35 : vector<16xi32>
            %bitcast3A_762 = vector.bitcast %and3A_761 : vector<16xi32> to vector<16xf32>
            %mul3A_763 = arith.mulf %bitcast3A_760, %get3A_160 : vector<16xf32>
            %mul3A_764 = arith.mulf %bitcast3A_762, %get3A_167 : vector<16xf32>
            %add3A_765 = arith.addf %mul3A_763, %mul3A_764 : vector<16xf32>
            %add3A_766 = arith.addf %add3A_748, %add3A_765 : vector<16xf32>
            %reduce_sum3A_767 = arith.constant true
            %reduce_sum3A_768 = vector.broadcast %reduce_sum3A_767 : i1 to vector<16xi1>
            %reduce_sum3A_769 = tpu.scan <sum>, %add3A_766 masked %reduce_sum3A_768 : vector<16xf32>, vector<16xi1> -> vector<16xf32>
            %reduce_sum3A_770 = vector.extract %reduce_sum3A_769[15] : f32 from vector<16xf32>
            %broadcast_in_dim3A_771 = vector.broadcast %reduce_sum3A_770 : f32 to vector<16xf32>
            %eq3A_772 = arith.constant 9 : i32
            %eq3A_773 = vector.broadcast %eq3A_772 : i32 to vector<16xi32>
            %eq3A_774 = arith.cmpi eq, %iota3A, %eq3A_773 : vector<16xi32>
            %select_n3A_775 = arith.select %eq3A_774, %broadcast_in_dim3A_771, %select_n3A_583 : vector<16xi1>, vector<16xf32>
            %mul3A_776 = arith.constant 16 : i32
            %mul3A_777 = arith.muli %scan3A_297, %mul3A_776 : i32
            %add3A_778 = arith.constant 10 : i32
            %add3A_779 = arith.addi %mul3A_777, %add3A_778 : i32
            %mul3A_780 = arith.constant 64 : i32
            %mul3A_781 = arith.muli %scan3A_140, %mul3A_780 : i32
            %add3A_782 = arith.constant 0 : i32
            %add3A_783 = arith.addi %mul3A_781, %add3A_782 : i32
            %get3A_784 = arith.index_cast %add3A_779 : i32 to index
            %get3A_785 = arith.index_cast %add3A_783 : i32 to index
            %get3A_786 = tpu.vector_load %arg7[%get3A_784, %get3A_785] {strides = array<i32>} : memref<64x256xbf16, #tpu.memory_space<vmem>>, vector<32xbf16>,
            %bitcast3A_787 = vector.bitcast %get3A_786 : vector<32xbf16> to vector<16xi32>
            %shift_left3A_788 = arith.constant 16 : i32
            %shift_left3A_789 = vector.broadcast %shift_left3A_788 : i32 to vector<16xi32>
            %shift_left3A_790 = arith.shli %bitcast3A_787, %shift_left3A_789 : vector<16xi32>
            %bitcast3A_791 = vector.bitcast %shift_left3A_790 : vector<16xi32> to vector<16xf32>
            %and3A_792 = arith.andi %bitcast3A_787, %broadcast_in_dim3A_35 : vector<16xi32>
            %bitcast3A_793 = vector.bitcast %and3A_792 : vector<16xi32> to vector<16xf32>
            %mul3A_794 = arith.mulf %bitcast3A_791, %get3A_146 : vector<16xf32>
            %mul3A_795 = arith.mulf %bitcast3A_793, %get3A_153 : vector<16xf32>
            %add3A_796 = arith.addf %mul3A_794, %mul3A_795 : vector<16xf32>
            %mul3A_797 = arith.constant 64 : i32
            %mul3A_798 = arith.muli %scan3A_140, %mul3A_797 : i32
            %add3A_799 = arith.constant 32 : i32
            %add3A_800 = arith.addi %mul3A_798, %add3A_799 : i32
            %get3A_801 = arith.index_cast %add3A_779 : i32 to index
            %get3A_802 = arith.index_cast %add3A_800 : i32 to index
            %get3A_803 = tpu.vector_load %arg7[%get3A_801, %get3A_802] {strides = array<i32>} : memref<64x256xbf16, #tpu.memory_space<vmem>>, vector<32xbf16>,
            %bitcast3A_804 = vector.bitcast %get3A_803 : vector<32xbf16> to vector<16xi32>
            %shift_left3A_805 = arith.constant 16 : i32
            %shift_left3A_806 = vector.broadcast %shift_left3A_805 : i32 to vector<16xi32>
            %shift_left3A_807 = arith.shli %bitcast3A_804, %shift_left3A_806 : vector<16xi32>
            %bitcast3A_808 = vector.bitcast %shift_left3A_807 : vector<16xi32> to vector<16xf32>
            %and3A_809 = arith.andi %bitcast3A_804, %broadcast_in_dim3A_35 : vector<16xi32>
            %bitcast3A_810 = vector.bitcast %and3A_809 : vector<16xi32> to vector<16xf32>
            %mul3A_811 = arith.mulf %bitcast3A_808, %get3A_160 : vector<16xf32>
            %mul3A_812 = arith.mulf %bitcast3A_810, %get3A_167 : vector<16xf32>
            %add3A_813 = arith.addf %mul3A_811, %mul3A_812 : vector<16xf32>
            %add3A_814 = arith.addf %add3A_796, %add3A_813 : vector<16xf32>
            %reduce_sum3A_815 = arith.constant true
            %reduce_sum3A_816 = vector.broadcast %reduce_sum3A_815 : i1 to vector<16xi1>
            %reduce_sum3A_817 = tpu.scan <sum>, %add3A_814 masked %reduce_sum3A_816 : vector<16xf32>, vector<16xi1> -> vector<16xf32>
            %reduce_sum3A_818 = vector.extract %reduce_sum3A_817[15] : f32 from vector<16xf32>
            %broadcast_in_dim3A_819 = vector.broadcast %reduce_sum3A_818 : f32 to vector<16xf32>
            %eq3A_820 = arith.constant 10 : i32
            %eq3A_821 = vector.broadcast %eq3A_820 : i32 to vector<16xi32>
            %eq3A_822 = arith.cmpi eq, %iota3A, %eq3A_821 : vector<16xi32>
            %select_n3A_823 = arith.select %eq3A_822, %broadcast_in_dim3A_819, %select_n3A_631 : vector<16xi1>, vector<16xf32>
            %mul3A_824 = arith.constant 16 : i32
            %mul3A_825 = arith.muli %scan3A_297, %mul3A_824 : i32
            %add3A_826 = arith.constant 11 : i32
            %add3A_827 = arith.addi %mul3A_825, %add3A_826 : i32
            %mul3A_828 = arith.constant 64 : i32
            %mul3A_829 = arith.muli %scan3A_140, %mul3A_828 : i32
            %add3A_830 = arith.constant 0 : i32
            %add3A_831 = arith.addi %mul3A_829, %add3A_830 : i32
            %get3A_832 = arith.index_cast %add3A_827 : i32 to index
            %get3A_833 = arith.index_cast %add3A_831 : i32 to index
            %get3A_834 = tpu.vector_load %arg7[%get3A_832, %get3A_833] {strides = array<i32>} : memref<64x256xbf16, #tpu.memory_space<vmem>>, vector<32xbf16>,
            %bitcast3A_835 = vector.bitcast %get3A_834 : vector<32xbf16> to vector<16xi32>
            %shift_left3A_836 = arith.constant 16 : i32
            %shift_left3A_837 = vector.broadcast %shift_left3A_836 : i32 to vector<16xi32>
            %shift_left3A_838 = arith.shli %bitcast3A_835, %shift_left3A_837 : vector<16xi32>
            %bitcast3A_839 = vector.bitcast %shift_left3A_838 : vector<16xi32> to vector<16xf32>
            %and3A_840 = arith.andi %bitcast3A_835, %broadcast_in_dim3A_35 : vector<16xi32>
            %bitcast3A_841 = vector.bitcast %and3A_840 : vector<16xi32> to vector<16xf32>
            %mul3A_842 = arith.mulf %bitcast3A_839, %get3A_146 : vector<16xf32>
            %mul3A_843 = arith.mulf %bitcast3A_841, %get3A_153 : vector<16xf32>
            %add3A_844 = arith.addf %mul3A_842, %mul3A_843 : vector<16xf32>
            %mul3A_845 = arith.constant 64 : i32
            %mul3A_846 = arith.muli %scan3A_140, %mul3A_845 : i32
            %add3A_847 = arith.constant 32 : i32
            %add3A_848 = arith.addi %mul3A_846, %add3A_847 : i32
            %get3A_849 = arith.index_cast %add3A_827 : i32 to index
            %get3A_850 = arith.index_cast %add3A_848 : i32 to index
            %get3A_851 = tpu.vector_load %arg7[%get3A_849, %get3A_850] {strides = array<i32>} : memref<64x256xbf16, #tpu.memory_space<vmem>>, vector<32xbf16>,
            %bitcast3A_852 = vector.bitcast %get3A_851 : vector<32xbf16> to vector<16xi32>
            %shift_left3A_853 = arith.constant 16 : i32
            %shift_left3A_854 = vector.broadcast %shift_left3A_853 : i32 to vector<16xi32>
            %shift_left3A_855 = arith.shli %bitcast3A_852, %shift_left3A_854 : vector<16xi32>
            %bitcast3A_856 = vector.bitcast %shift_left3A_855 : vector<16xi32> to vector<16xf32>
            %and3A_857 = arith.andi %bitcast3A_852, %broadcast_in_dim3A_35 : vector<16xi32>
            %bitcast3A_858 = vector.bitcast %and3A_857 : vector<16xi32> to vector<16xf32>
            %mul3A_859 = arith.mulf %bitcast3A_856, %get3A_160 : vector<16xf32>
            %mul3A_860 = arith.mulf %bitcast3A_858, %get3A_167 : vector<16xf32>
            %add3A_861 = arith.addf %mul3A_859, %mul3A_860 : vector<16xf32>
            %add3A_862 = arith.addf %add3A_844, %add3A_861 : vector<16xf32>
            %reduce_sum3A_863 = arith.constant true
            %reduce_sum3A_864 = vector.broadcast %reduce_sum3A_863 : i1 to vector<16xi1>
            %reduce_sum3A_865 = tpu.scan <sum>, %add3A_862 masked %reduce_sum3A_864 : vector<16xf32>, vector<16xi1> -> vector<16xf32>
            %reduce_sum3A_866 = vector.extract %reduce_sum3A_865[15] : f32 from vector<16xf32>
            %broadcast_in_dim3A_867 = vector.broadcast %reduce_sum3A_866 : f32 to vector<16xf32>
            %eq3A_868 = arith.constant 11 : i32
            %eq3A_869 = vector.broadcast %eq3A_868 : i32 to vector<16xi32>
            %eq3A_870 = arith.cmpi eq, %iota3A, %eq3A_869 : vector<16xi32>
            %select_n3A_871 = arith.select %eq3A_870, %broadcast_in_dim3A_867, %select_n3A_679 : vector<16xi1>, vector<16xf32>
            %mul3A_872 = arith.constant 16 : i32
            %mul3A_873 = arith.muli %scan3A_297, %mul3A_872 : i32
            %add3A_874 = arith.constant 12 : i32
            %add3A_875 = arith.addi %mul3A_873, %add3A_874 : i32
            %mul3A_876 = arith.constant 64 : i32
            %mul3A_877 = arith.muli %scan3A_140, %mul3A_876 : i32
            %add3A_878 = arith.constant 0 : i32
            %add3A_879 = arith.addi %mul3A_877, %add3A_878 : i32
            %get3A_880 = arith.index_cast %add3A_875 : i32 to index
            %get3A_881 = arith.index_cast %add3A_879 : i32 to index
            %get3A_882 = tpu.vector_load %arg7[%get3A_880, %get3A_881] {strides = array<i32>} : memref<64x256xbf16, #tpu.memory_space<vmem>>, vector<32xbf16>,
            %bitcast3A_883 = vector.bitcast %get3A_882 : vector<32xbf16> to vector<16xi32>
            %shift_left3A_884 = arith.constant 16 : i32
            %shift_left3A_885 = vector.broadcast %shift_left3A_884 : i32 to vector<16xi32>
            %shift_left3A_886 = arith.shli %bitcast3A_883, %shift_left3A_885 : vector<16xi32>
            %bitcast3A_887 = vector.bitcast %shift_left3A_886 : vector<16xi32> to vector<16xf32>
            %and3A_888 = arith.andi %bitcast3A_883, %broadcast_in_dim3A_35 : vector<16xi32>
            %bitcast3A_889 = vector.bitcast %and3A_888 : vector<16xi32> to vector<16xf32>
            %mul3A_890 = arith.mulf %bitcast3A_887, %get3A_146 : vector<16xf32>
            %mul3A_891 = arith.mulf %bitcast3A_889, %get3A_153 : vector<16xf32>
            %add3A_892 = arith.addf %mul3A_890, %mul3A_891 : vector<16xf32>
            %mul3A_893 = arith.constant 64 : i32
            %mul3A_894 = arith.muli %scan3A_140, %mul3A_893 : i32
            %add3A_895 = arith.constant 32 : i32
            %add3A_896 = arith.addi %mul3A_894, %add3A_895 : i32
            %get3A_897 = arith.index_cast %add3A_875 : i32 to index
            %get3A_898 = arith.index_cast %add3A_896 : i32 to index
            %get3A_899 = tpu.vector_load %arg7[%get3A_897, %get3A_898] {strides = array<i32>} : memref<64x256xbf16, #tpu.memory_space<vmem>>, vector<32xbf16>,
            %bitcast3A_900 = vector.bitcast %get3A_899 : vector<32xbf16> to vector<16xi32>
            %shift_left3A_901 = arith.constant 16 : i32
            %shift_left3A_902 = vector.broadcast %shift_left3A_901 : i32 to vector<16xi32>
            %shift_left3A_903 = arith.shli %bitcast3A_900, %shift_left3A_902 : vector<16xi32>
            %bitcast3A_904 = vector.bitcast %shift_left3A_903 : vector<16xi32> to vector<16xf32>
            %and3A_905 = arith.andi %bitcast3A_900, %broadcast_in_dim3A_35 : vector<16xi32>
            %bitcast3A_906 = vector.bitcast %and3A_905 : vector<16xi32> to vector<16xf32>
            %mul3A_907 = arith.mulf %bitcast3A_904, %get3A_160 : vector<16xf32>
            %mul3A_908 = arith.mulf %bitcast3A_906, %get3A_167 : vector<16xf32>
            %add3A_909 = arith.addf %mul3A_907, %mul3A_908 : vector<16xf32>
            %add3A_910 = arith.addf %add3A_892, %add3A_909 : vector<16xf32>
            %reduce_sum3A_911 = arith.constant true
            %reduce_sum3A_912 = vector.broadcast %reduce_sum3A_911 : i1 to vector<16xi1>
            %reduce_sum3A_913 = tpu.scan <sum>, %add3A_910 masked %reduce_sum3A_912 : vector<16xf32>, vector<16xi1> -> vector<16xf32>
            %reduce_sum3A_914 = vector.extract %reduce_sum3A_913[15] : f32 from vector<16xf32>
            %broadcast_in_dim3A_915 = vector.broadcast %reduce_sum3A_914 : f32 to vector<16xf32>
            %eq3A_916 = arith.constant 12 : i32
            %eq3A_917 = vector.broadcast %eq3A_916 : i32 to vector<16xi32>
            %eq3A_918 = arith.cmpi eq, %iota3A, %eq3A_917 : vector<16xi32>
            %select_n3A_919 = arith.select %eq3A_918, %broadcast_in_dim3A_915, %select_n3A_727 : vector<16xi1>, vector<16xf32>
            %mul3A_920 = arith.constant 16 : i32
            %mul3A_921 = arith.muli %scan3A_297, %mul3A_920 : i32
            %add3A_922 = arith.constant 13 : i32
            %add3A_923 = arith.addi %mul3A_921, %add3A_922 : i32
            %mul3A_924 = arith.constant 64 : i32
            %mul3A_925 = arith.muli %scan3A_140, %mul3A_924 : i32
            %add3A_926 = arith.constant 0 : i32
            %add3A_927 = arith.addi %mul3A_925, %add3A_926 : i32
            %get3A_928 = arith.index_cast %add3A_923 : i32 to index
            %get3A_929 = arith.index_cast %add3A_927 : i32 to index
            %get3A_930 = tpu.vector_load %arg7[%get3A_928, %get3A_929] {strides = array<i32>} : memref<64x256xbf16, #tpu.memory_space<vmem>>, vector<32xbf16>,
            %bitcast3A_931 = vector.bitcast %get3A_930 : vector<32xbf16> to vector<16xi32>
            %shift_left3A_932 = arith.constant 16 : i32
            %shift_left3A_933 = vector.broadcast %shift_left3A_932 : i32 to vector<16xi32>
            %shift_left3A_934 = arith.shli %bitcast3A_931, %shift_left3A_933 : vector<16xi32>
            %bitcast3A_935 = vector.bitcast %shift_left3A_934 : vector<16xi32> to vector<16xf32>
            %and3A_936 = arith.andi %bitcast3A_931, %broadcast_in_dim3A_35 : vector<16xi32>
            %bitcast3A_937 = vector.bitcast %and3A_936 : vector<16xi32> to vector<16xf32>
            %mul3A_938 = arith.mulf %bitcast3A_935, %get3A_146 : vector<16xf32>
            %mul3A_939 = arith.mulf %bitcast3A_937, %get3A_153 : vector<16xf32>
            %add3A_940 = arith.addf %mul3A_938, %mul3A_939 : vector<16xf32>
            %mul3A_941 = arith.constant 64 : i32
            %mul3A_942 = arith.muli %scan3A_140, %mul3A_941 : i32
            %add3A_943 = arith.constant 32 : i32
            %add3A_944 = arith.addi %mul3A_942, %add3A_943 : i32
            %get3A_945 = arith.index_cast %add3A_923 : i32 to index
            %get3A_946 = arith.index_cast %add3A_944 : i32 to index
            %get3A_947 = tpu.vector_load %arg7[%get3A_945, %get3A_946] {strides = array<i32>} : memref<64x256xbf16, #tpu.memory_space<vmem>>, vector<32xbf16>,
            %bitcast3A_948 = vector.bitcast %get3A_947 : vector<32xbf16> to vector<16xi32>
            %shift_left3A_949 = arith.constant 16 : i32
            %shift_left3A_950 = vector.broadcast %shift_left3A_949 : i32 to vector<16xi32>
            %shift_left3A_951 = arith.shli %bitcast3A_948, %shift_left3A_950 : vector<16xi32>
            %bitcast3A_952 = vector.bitcast %shift_left3A_951 : vector<16xi32> to vector<16xf32>
            %and3A_953 = arith.andi %bitcast3A_948, %broadcast_in_dim3A_35 : vector<16xi32>
            %bitcast3A_954 = vector.bitcast %and3A_953 : vector<16xi32> to vector<16xf32>
            %mul3A_955 = arith.mulf %bitcast3A_952, %get3A_160 : vector<16xf32>
            %mul3A_956 = arith.mulf %bitcast3A_954, %get3A_167 : vector<16xf32>
            %add3A_957 = arith.addf %mul3A_955, %mul3A_956 : vector<16xf32>
            %add3A_958 = arith.addf %add3A_940, %add3A_957 : vector<16xf32>
            %reduce_sum3A_959 = arith.constant true
            %reduce_sum3A_960 = vector.broadcast %reduce_sum3A_959 : i1 to vector<16xi1>
            %reduce_sum3A_961 = tpu.scan <sum>, %add3A_958 masked %reduce_sum3A_960 : vector<16xf32>, vector<16xi1> -> vector<16xf32>
            %reduce_sum3A_962 = vector.extract %reduce_sum3A_961[15] : f32 from vector<16xf32>
            %broadcast_in_dim3A_963 = vector.broadcast %reduce_sum3A_962 : f32 to vector<16xf32>
            %eq3A_964 = arith.constant 13 : i32
            %eq3A_965 = vector.broadcast %eq3A_964 : i32 to vector<16xi32>
            %eq3A_966 = arith.cmpi eq, %iota3A, %eq3A_965 : vector<16xi32>
            %select_n3A_967 = arith.select %eq3A_966, %broadcast_in_dim3A_963, %select_n3A_775 : vector<16xi1>, vector<16xf32>
            %mul3A_968 = arith.constant 16 : i32
            %mul3A_969 = arith.muli %scan3A_297, %mul3A_968 : i32
            %add3A_970 = arith.constant 14 : i32
            %add3A_971 = arith.addi %mul3A_969, %add3A_970 : i32
            %mul3A_972 = arith.constant 64 : i32
            %mul3A_973 = arith.muli %scan3A_140, %mul3A_972 : i32
            %add3A_974 = arith.constant 0 : i32
            %add3A_975 = arith.addi %mul3A_973, %add3A_974 : i32
            %get3A_976 = arith.index_cast %add3A_971 : i32 to index
            %get3A_977 = arith.index_cast %add3A_975 : i32 to index
            %get3A_978 = tpu.vector_load %arg7[%get3A_976, %get3A_977] {strides = array<i32>} : memref<64x256xbf16, #tpu.memory_space<vmem>>, vector<32xbf16>,
            %bitcast3A_979 = vector.bitcast %get3A_978 : vector<32xbf16> to vector<16xi32>
            %shift_left3A_980 = arith.constant 16 : i32
            %shift_left3A_981 = vector.broadcast %shift_left3A_980 : i32 to vector<16xi32>
            %shift_left3A_982 = arith.shli %bitcast3A_979, %shift_left3A_981 : vector<16xi32>
            %bitcast3A_983 = vector.bitcast %shift_left3A_982 : vector<16xi32> to vector<16xf32>
            %and3A_984 = arith.andi %bitcast3A_979, %broadcast_in_dim3A_35 : vector<16xi32>
            %bitcast3A_985 = vector.bitcast %and3A_984 : vector<16xi32> to vector<16xf32>
            %mul3A_986 = arith.mulf %bitcast3A_983, %get3A_146 : vector<16xf32>
            %mul3A_987 = arith.mulf %bitcast3A_985, %get3A_153 : vector<16xf32>
            %add3A_988 = arith.addf %mul3A_986, %mul3A_987 : vector<16xf32>
            %mul3A_989 = arith.constant 64 : i32
            %mul3A_990 = arith.muli %scan3A_140, %mul3A_989 : i32
            %add3A_991 = arith.constant 32 : i32
            %add3A_992 = arith.addi %mul3A_990, %add3A_991 : i32
            %get3A_993 = arith.index_cast %add3A_971 : i32 to index
            %get3A_994 = arith.index_cast %add3A_992 : i32 to index
            %get3A_995 = tpu.vector_load %arg7[%get3A_993, %get3A_994] {strides = array<i32>} : memref<64x256xbf16, #tpu.memory_space<vmem>>, vector<32xbf16>,
            %bitcast3A_996 = vector.bitcast %get3A_995 : vector<32xbf16> to vector<16xi32>
            %shift_left3A_997 = arith.constant 16 : i32
            %shift_left3A_998 = vector.broadcast %shift_left3A_997 : i32 to vector<16xi32>
            %shift_left3A_999 = arith.shli %bitcast3A_996, %shift_left3A_998 : vector<16xi32>
            %bitcast3A_1000 = vector.bitcast %shift_left3A_999 : vector<16xi32> to vector<16xf32>
            %and3A_1001 = arith.andi %bitcast3A_996, %broadcast_in_dim3A_35 : vector<16xi32>
            %bitcast3A_1002 = vector.bitcast %and3A_1001 : vector<16xi32> to vector<16xf32>
            %mul3A_1003 = arith.mulf %bitcast3A_1000, %get3A_160 : vector<16xf32>
            %mul3A_1004 = arith.mulf %bitcast3A_1002, %get3A_167 : vector<16xf32>
            %add3A_1005 = arith.addf %mul3A_1003, %mul3A_1004 : vector<16xf32>
            %add3A_1006 = arith.addf %add3A_988, %add3A_1005 : vector<16xf32>
            %reduce_sum3A_1007 = arith.constant true
            %reduce_sum3A_1008 = vector.broadcast %reduce_sum3A_1007 : i1 to vector<16xi1>
            %reduce_sum3A_1009 = tpu.scan <sum>, %add3A_1006 masked %reduce_sum3A_1008 : vector<16xf32>, vector<16xi1> -> vector<16xf32>
            %reduce_sum3A_1010 = vector.extract %reduce_sum3A_1009[15] : f32 from vector<16xf32>
            %broadcast_in_dim3A_1011 = vector.broadcast %reduce_sum3A_1010 : f32 to vector<16xf32>
            %eq3A_1012 = arith.constant 14 : i32
            %eq3A_1013 = vector.broadcast %eq3A_1012 : i32 to vector<16xi32>
            %eq3A_1014 = arith.cmpi eq, %iota3A, %eq3A_1013 : vector<16xi32>
            %select_n3A_1015 = arith.select %eq3A_1014, %broadcast_in_dim3A_1011, %select_n3A_823 : vector<16xi1>, vector<16xf32>
            %mul3A_1016 = arith.constant 16 : i32
            %mul3A_1017 = arith.muli %scan3A_297, %mul3A_1016 : i32
            %add3A_1018 = arith.constant 15 : i32
            %add3A_1019 = arith.addi %mul3A_1017, %add3A_1018 : i32
            %mul3A_1020 = arith.constant 64 : i32
            %mul3A_1021 = arith.muli %scan3A_140, %mul3A_1020 : i32
            %add3A_1022 = arith.constant 0 : i32
            %add3A_1023 = arith.addi %mul3A_1021, %add3A_1022 : i32
            %get3A_1024 = arith.index_cast %add3A_1019 : i32 to index
            %get3A_1025 = arith.index_cast %add3A_1023 : i32 to index
            %get3A_1026 = tpu.vector_load %arg7[%get3A_1024, %get3A_1025] {strides = array<i32>} : memref<64x256xbf16, #tpu.memory_space<vmem>>, vector<32xbf16>,
            %bitcast3A_1027 = vector.bitcast %get3A_1026 : vector<32xbf16> to vector<16xi32>
            %shift_left3A_1028 = arith.constant 16 : i32
            %shift_left3A_1029 = vector.broadcast %shift_left3A_1028 : i32 to vector<16xi32>
            %shift_left3A_1030 = arith.shli %bitcast3A_1027, %shift_left3A_1029 : vector<16xi32>
            %bitcast3A_1031 = vector.bitcast %shift_left3A_1030 : vector<16xi32> to vector<16xf32>
            %and3A_1032 = arith.andi %bitcast3A_1027, %broadcast_in_dim3A_35 : vector<16xi32>
            %bitcast3A_1033 = vector.bitcast %and3A_1032 : vector<16xi32> to vector<16xf32>
            %mul3A_1034 = arith.mulf %bitcast3A_1031, %get3A_146 : vector<16xf32>
            %mul3A_1035 = arith.mulf %bitcast3A_1033, %get3A_153 : vector<16xf32>
            %add3A_1036 = arith.addf %mul3A_1034, %mul3A_1035 : vector<16xf32>
            %mul3A_1037 = arith.constant 64 : i32
            %mul3A_1038 = arith.muli %scan3A_140, %mul3A_1037 : i32
            %add3A_1039 = arith.constant 32 : i32
            %add3A_1040 = arith.addi %mul3A_1038, %add3A_1039 : i32
            %get3A_1041 = arith.index_cast %add3A_1019 : i32 to index
            %get3A_1042 = arith.index_cast %add3A_1040 : i32 to index
            %get3A_1043 = tpu.vector_load %arg7[%get3A_1041, %get3A_1042] {strides = array<i32>} : memref<64x256xbf16, #tpu.memory_space<vmem>>, vector<32xbf16>,
            %bitcast3A_1044 = vector.bitcast %get3A_1043 : vector<32xbf16> to vector<16xi32>
            %shift_left3A_1045 = arith.constant 16 : i32
            %shift_left3A_1046 = vector.broadcast %shift_left3A_1045 : i32 to vector<16xi32>
            %shift_left3A_1047 = arith.shli %bitcast3A_1044, %shift_left3A_1046 : vector<16xi32>
            %bitcast3A_1048 = vector.bitcast %shift_left3A_1047 : vector<16xi32> to vector<16xf32>
            %and3A_1049 = arith.andi %bitcast3A_1044, %broadcast_in_dim3A_35 : vector<16xi32>
            %bitcast3A_1050 = vector.bitcast %and3A_1049 : vector<16xi32> to vector<16xf32>
            %mul3A_1051 = arith.mulf %bitcast3A_1048, %get3A_160 : vector<16xf32>
            %mul3A_1052 = arith.mulf %bitcast3A_1050, %get3A_167 : vector<16xf32>
            %add3A_1053 = arith.addf %mul3A_1051, %mul3A_1052 : vector<16xf32>
            %add3A_1054 = arith.addf %add3A_1036, %add3A_1053 : vector<16xf32>
            %reduce_sum3A_1055 = arith.constant true
            %reduce_sum3A_1056 = vector.broadcast %reduce_sum3A_1055 : i1 to vector<16xi1>
            %reduce_sum3A_1057 = tpu.scan <sum>, %add3A_1054 masked %reduce_sum3A_1056 : vector<16xf32>, vector<16xi1> -> vector<16xf32>
            %reduce_sum3A_1058 = vector.extract %reduce_sum3A_1057[15] : f32 from vector<16xf32>
            %broadcast_in_dim3A_1059 = vector.broadcast %reduce_sum3A_1058 : f32 to vector<16xf32>
            %eq3A_1060 = arith.constant 15 : i32
            %eq3A_1061 = vector.broadcast %eq3A_1060 : i32 to vector<16xi32>
            %eq3A_1062 = arith.cmpi eq, %iota3A, %eq3A_1061 : vector<16xi32>
            %select_n3A_1063 = arith.select %eq3A_1062, %broadcast_in_dim3A_1059, %select_n3A_871 : vector<16xi1>, vector<16xf32>
            %add3A_1064 = arith.addf %select_n3A_919, %select_n3A_967 : vector<16xf32>
            %add3A_1065 = arith.addf %add3A_1064, %select_n3A_1015 : vector<16xf32>
            %add3A_1066 = arith.addf %add3A_1065, %select_n3A_1063 : vector<16xf32>
            %mul3A_1067 = arith.constant 64 : i32
            %mul3A_1068 = arith.muli %scan3A_140, %mul3A_1067 : i32
            %mul3A_1069 = arith.constant 16 : i32
            %mul3A_1070 = arith.muli %scan3A_297, %mul3A_1069 : i32
            %add3A_1071 = arith.addi %mul3A_1068, %mul3A_1070 : i32
            %swap3A_1072 = arith.index_cast %add3A_1071 : i32 to index
            %swap3A_1073 = tpu.vector_load %arg15[%swap3A_1072] {strides = array<i32>} : memref<272xf32, #tpu.memory_space<vmem>>, vector<16xf32>,
            tpu.vector_store %arg15[%swap3A_1072], %add3A_1066 {strides = array<i32>} : memref<272xf32, #tpu.memory_space<vmem>>, vector<16xf32>,
          }
          %scan3A_173 = arith.constant 4 : i32
          %mul3A_174 = arith.constant 64 : i32
          %mul3A_175 = arith.muli %scan3A_140, %mul3A_174 : i32
          %add3A_176 = arith.constant 0 : i32
          %add3A_177 = arith.addi %mul3A_175, %add3A_176 : i32
          %get3A_178 = arith.index_cast %add3A_177 : i32 to index
          %get3A_179 = tpu.vector_load %arg15[%get3A_178] {strides = array<i32>} : memref<272xf32, #tpu.memory_space<vmem>>, vector<16xf32>,
          %mul3A_180 = arith.constant 1.250000e-01 : f32
          %mul3A_181 = vector.broadcast %mul3A_180 : f32 to vector<16xf32>
          %mul3A_182 = arith.mulf %get3A_179, %mul3A_181 : vector<16xf32>
          %mul3A_183 = arith.constant 64 : i32
          %mul3A_184 = arith.muli %scan3A_140, %mul3A_183 : i32
          %add3A_185 = arith.constant 16 : i32
          %add3A_186 = arith.addi %mul3A_184, %add3A_185 : i32
          %get3A_187 = arith.index_cast %add3A_186 : i32 to index
          %get3A_188 = tpu.vector_load %arg15[%get3A_187] {strides = array<i32>} : memref<272xf32, #tpu.memory_space<vmem>>, vector<16xf32>,
          %mul3A_189 = arith.constant 1.250000e-01 : f32
          %mul3A_190 = vector.broadcast %mul3A_189 : f32 to vector<16xf32>
          %mul3A_191 = arith.mulf %get3A_188, %mul3A_190 : vector<16xf32>
          %mul3A_192 = arith.constant 64 : i32
          %mul3A_193 = arith.muli %scan3A_140, %mul3A_192 : i32
          %add3A_194 = arith.constant 32 : i32
          %add3A_195 = arith.addi %mul3A_193, %add3A_194 : i32
          %get3A_196 = arith.index_cast %add3A_195 : i32 to index
          %get3A_197 = tpu.vector_load %arg15[%get3A_196] {strides = array<i32>} : memref<272xf32, #tpu.memory_space<vmem>>, vector<16xf32>,
          %mul3A_198 = arith.constant 1.250000e-01 : f32
          %mul3A_199 = vector.broadcast %mul3A_198 : f32 to vector<16xf32>
          %mul3A_200 = arith.mulf %get3A_197, %mul3A_199 : vector<16xf32>
          %mul3A_201 = arith.constant 64 : i32
          %mul3A_202 = arith.muli %scan3A_140, %mul3A_201 : i32
          %add3A_203 = arith.constant 48 : i32
          %add3A_204 = arith.addi %mul3A_202, %add3A_203 : i32
          %get3A_205 = arith.index_cast %add3A_204 : i32 to index
          %get3A_206 = tpu.vector_load %arg15[%get3A_205] {strides = array<i32>} : memref<272xf32, #tpu.memory_space<vmem>>, vector<16xf32>,
          %mul3A_207 = arith.constant 1.250000e-01 : f32
          %mul3A_208 = vector.broadcast %mul3A_207 : f32 to vector<16xf32>
          %mul3A_209 = arith.mulf %get3A_206, %mul3A_208 : vector<16xf32>
          %max3A = arith.maximumf %mul3A_182, %mul3A_191 : vector<16xf32>
          %max3A_210 = arith.maximumf %mul3A_200, %mul3A_209 : vector<16xf32>
          %max3A_211 = arith.maximumf %max3A, %max3A_210 : vector<16xf32>
          %reduce_max3A = arith.constant true
          %reduce_max3A_212 = vector.broadcast %reduce_max3A : i1 to vector<16xi1>
          %reduce_max3A_213 = tpu.scan <max>, %max3A_211 masked %reduce_max3A_212 : vector<16xf32>, vector<16xi1> -> vector<16xf32>
          %reduce_max3A_214 = vector.extract %reduce_max3A_213[15] : f32 from vector<16xf32>
          %sub3A_215 = vector.broadcast %reduce_max3A_214 : f32 to vector<16xf32>
          %sub3A_216 = arith.subf %mul3A_182, %sub3A_215 : vector<16xf32>
          %exp3A = math.exp %sub3A_216 : vector<16xf32>
          %sub3A_217 = vector.broadcast %reduce_max3A_214 : f32 to vector<16xf32>
          %sub3A_218 = arith.subf %mul3A_191, %sub3A_217 : vector<16xf32>
          %exp3A_219 = math.exp %sub3A_218 : vector<16xf32>
          %sub3A_220 = vector.broadcast %reduce_max3A_214 : f32 to vector<16xf32>
          %sub3A_221 = arith.subf %mul3A_200, %sub3A_220 : vector<16xf32>
          %exp3A_222 = math.exp %sub3A_221 : vector<16xf32>
          %sub3A_223 = vector.broadcast %reduce_max3A_214 : f32 to vector<16xf32>
          %sub3A_224 = arith.subf %mul3A_209, %sub3A_223 : vector<16xf32>
          %exp3A_225 = math.exp %sub3A_224 : vector<16xf32>
          %add3A_226 = arith.addf %exp3A, %exp3A_219 : vector<16xf32>
          %add3A_227 = arith.addf %add3A_226, %exp3A_222 : vector<16xf32>
          %add3A_228 = arith.addf %add3A_227, %exp3A_225 : vector<16xf32>
          %reduce_sum3A = arith.constant true
          %reduce_sum3A_229 = vector.broadcast %reduce_sum3A : i1 to vector<16xi1>
          %reduce_sum3A_230 = tpu.scan <sum>, %add3A_228 masked %reduce_sum3A_229 : vector<16xf32>, vector<16xi1> -> vector<16xf32>
          %reduce_sum3A_231 = vector.extract %reduce_sum3A_230[15] : f32 from vector<16xf32>
          %broadcast_in_dim3A_232 = vector.broadcast %reduce_sum3A_231 : f32 to vector<16xf32>
          %broadcast_in_dim3A_233 = arith.constant 1.000000e+00 : f32
          %broadcast_in_dim3A_234 = vector.broadcast %broadcast_in_dim3A_233 : f32 to vector<16xf32>
          %div3A_235 = arith.divf %broadcast_in_dim3A_234, %broadcast_in_dim3A_232 : vector<16xf32>
          %mul3A_236 = arith.mulf %exp3A, %div3A_235 : vector<16xf32>
          %mul3A_237 = arith.constant 64 : i32
          %mul3A_238 = arith.muli %scan3A_140, %mul3A_237 : i32
          %add3A_239 = arith.constant 0 : i32
          %add3A_240 = arith.addi %mul3A_238, %add3A_239 : i32
          %swap3A = arith.index_cast %add3A_240 : i32 to index
          %swap3A_241 = tpu.vector_load %arg15[%swap3A] {strides = array<i32>} : memref<272xf32, #tpu.memory_space<vmem>>, vector<16xf32>,
          tpu.vector_store %arg15[%swap3A], %mul3A_236 {strides = array<i32>} : memref<272xf32, #tpu.memory_space<vmem>>, vector<16xf32>,
          %mul3A_242 = arith.mulf %exp3A_219, %div3A_235 : vector<16xf32>
          %mul3A_243 = arith.constant 64 : i32
          %mul3A_244 = arith.muli %scan3A_140, %mul3A_243 : i32
          %add3A_245 = arith.constant 16 : i32
          %add3A_246 = arith.addi %mul3A_244, %add3A_245 : i32
          %swap3A_247 = arith.index_cast %add3A_246 : i32 to index
          %swap3A_248 = tpu.vector_load %arg15[%swap3A_247] {strides = array<i32>} : memref<272xf32, #tpu.memory_space<vmem>>, vector<16xf32>,
          tpu.vector_store %arg15[%swap3A_247], %mul3A_242 {strides = array<i32>} : memref<272xf32, #tpu.memory_space<vmem>>, vector<16xf32>,
          %mul3A_249 = arith.mulf %exp3A_222, %div3A_235 : vector<16xf32>
          %mul3A_250 = arith.constant 64 : i32
          %mul3A_251 = arith.muli %scan3A_140, %mul3A_250 : i32
          %add3A_252 = arith.constant 32 : i32
          %add3A_253 = arith.addi %mul3A_251, %add3A_252 : i32
          %swap3A_254 = arith.index_cast %add3A_253 : i32 to index
          %swap3A_255 = tpu.vector_load %arg15[%swap3A_254] {strides = array<i32>} : memref<272xf32, #tpu.memory_space<vmem>>, vector<16xf32>,
          tpu.vector_store %arg15[%swap3A_254], %mul3A_249 {strides = array<i32>} : memref<272xf32, #tpu.memory_space<vmem>>, vector<16xf32>,
          %mul3A_256 = arith.mulf %exp3A_225, %div3A_235 : vector<16xf32>
          %mul3A_257 = arith.constant 64 : i32
          %mul3A_258 = arith.muli %scan3A_140, %mul3A_257 : i32
          %add3A_259 = arith.constant 48 : i32
          %add3A_260 = arith.addi %mul3A_258, %add3A_259 : i32
          %swap3A_261 = arith.index_cast %add3A_260 : i32 to index
          %swap3A_262 = tpu.vector_load %arg15[%swap3A_261] {strides = array<i32>} : memref<272xf32, #tpu.memory_space<vmem>>, vector<16xf32>,
          tpu.vector_store %arg15[%swap3A_261], %mul3A_256 {strides = array<i32>} : memref<272xf32, #tpu.memory_space<vmem>>, vector<16xf32>,
          %scan3A_263 = arith.constant 0 : i32
          %scan3A_264 = arith.constant 4 : i32
          %scan3A_265 = arith.addi %scan3A_263, %scan3A_264 : i32
          %scan3A_266 = arith.constant 1 : i32
          %scan3A_267:4 = scf.for %scan3A_297 = %scan3A_263 to %scan3A_265 step %scan3A_266 iter_args(%scan3A_298 = %broadcast_in_dim3A_33, %scan3A_299 = %broadcast_in_dim3A_33, %scan3A_300 = %broadcast_in_dim3A_33, %scan3A_301 = %broadcast_in_dim3A_33) -> (vector<16xf32>, vector<16xf32>, vector<16xf32>, vector<16xf32>)  : i32 {
            %mul3A_302 = arith.constant 64 : i32
            %mul3A_303 = arith.muli %scan3A_140, %mul3A_302 : i32
            %mul3A_304 = arith.constant 16 : i32
            %mul3A_305 = arith.muli %scan3A_297, %mul3A_304 : i32
            %add3A_306 = arith.addi %mul3A_303, %mul3A_305 : i32
            %get3A_307 = arith.index_cast %add3A_306 : i32 to index
            %get3A_308 = tpu.vector_load %arg15[%get3A_307] {strides = array<i32>} : memref<272xf32, #tpu.memory_space<vmem>>, vector<16xf32>,
            %slice3A = vector.extract_strided_slice %get3A_308 {offsets = [0], sizes = [1], strides = [1]} : vector<16xf32> to vector<1xf32>
            %squeeze3A = vector.extract %slice3A[0] : f32 from vector<1xf32>
            %broadcast_in_dim3A_309 = vector.broadcast %squeeze3A : f32 to vector<16xf32>
            %mul3A_310 = arith.constant 16 : i32
            %mul3A_311 = arith.muli %scan3A_297, %mul3A_310 : i32
            %add3A_312 = arith.constant 0 : i32
            %add3A_313 = arith.addi %mul3A_311, %add3A_312 : i32
            %mul3A_314 = arith.constant 64 : i32
            %mul3A_315 = arith.muli %scan3A_140, %mul3A_314 : i32
            %add3A_316 = arith.constant 0 : i32
            %add3A_317 = arith.addi %mul3A_315, %add3A_316 : i32
            %get3A_318 = arith.index_cast %add3A_313 : i32 to index
            %get3A_319 = arith.index_cast %add3A_317 : i32 to index
            %get3A_320 = tpu.vector_load %arg9[%get3A_318, %get3A_319] {strides = array<i32>} : memref<64x256xf32, #tpu.memory_space<vmem>>, vector<16xf32>,
            %mul3A_321 = arith.mulf %broadcast_in_dim3A_309, %get3A_320 : vector<16xf32>
            %add3A_322 = arith.addf %scan3A_298, %mul3A_321 : vector<16xf32>
            %mul3A_323 = arith.constant 64 : i32
            %mul3A_324 = arith.muli %scan3A_140, %mul3A_323 : i32
            %add3A_325 = arith.constant 16 : i32
            %add3A_326 = arith.addi %mul3A_324, %add3A_325 : i32
            %get3A_327 = arith.index_cast %add3A_313 : i32 to index
            %get3A_328 = arith.index_cast %add3A_326 : i32 to index
            %get3A_329 = tpu.vector_load %arg9[%get3A_327, %get3A_328] {strides = array<i32>} : memref<64x256xf32, #tpu.memory_space<vmem>>, vector<16xf32>,
            %mul3A_330 = arith.mulf %broadcast_in_dim3A_309, %get3A_329 : vector<16xf32>
            %add3A_331 = arith.addf %scan3A_299, %mul3A_330 : vector<16xf32>
            %mul3A_332 = arith.constant 64 : i32
            %mul3A_333 = arith.muli %scan3A_140, %mul3A_332 : i32
            %add3A_334 = arith.constant 32 : i32
            %add3A_335 = arith.addi %mul3A_333, %add3A_334 : i32
            %get3A_336 = arith.index_cast %add3A_313 : i32 to index
            %get3A_337 = arith.index_cast %add3A_335 : i32 to index
            %get3A_338 = tpu.vector_load %arg9[%get3A_336, %get3A_337] {strides = array<i32>} : memref<64x256xf32, #tpu.memory_space<vmem>>, vector<16xf32>,
            %mul3A_339 = arith.mulf %broadcast_in_dim3A_309, %get3A_338 : vector<16xf32>
            %add3A_340 = arith.addf %scan3A_300, %mul3A_339 : vector<16xf32>
            %mul3A_341 = arith.constant 64 : i32
            %mul3A_342 = arith.muli %scan3A_140, %mul3A_341 : i32
            %add3A_343 = arith.constant 48 : i32
            %add3A_344 = arith.addi %mul3A_342, %add3A_343 : i32
            %get3A_345 = arith.index_cast %add3A_313 : i32 to index
            %get3A_346 = arith.index_cast %add3A_344 : i32 to index
            %get3A_347 = tpu.vector_load %arg9[%get3A_345, %get3A_346] {strides = array<i32>} : memref<64x256xf32, #tpu.memory_space<vmem>>, vector<16xf32>,
            %mul3A_348 = arith.mulf %broadcast_in_dim3A_309, %get3A_347 : vector<16xf32>
            %add3A_349 = arith.addf %scan3A_301, %mul3A_348 : vector<16xf32>
            %slice3A_350 = vector.extract_strided_slice %get3A_308 {offsets = [1], sizes = [1], strides = [1]} : vector<16xf32> to vector<1xf32>
            %squeeze3A_351 = vector.extract %slice3A_350[0] : f32 from vector<1xf32>
            %broadcast_in_dim3A_352 = vector.broadcast %squeeze3A_351 : f32 to vector<16xf32>
            %mul3A_353 = arith.constant 16 : i32
            %mul3A_354 = arith.muli %scan3A_297, %mul3A_353 : i32
            %add3A_355 = arith.constant 1 : i32
            %add3A_356 = arith.addi %mul3A_354, %add3A_355 : i32
            %mul3A_357 = arith.constant 64 : i32
            %mul3A_358 = arith.muli %scan3A_140, %mul3A_357 : i32
            %add3A_359 = arith.constant 0 : i32
            %add3A_360 = arith.addi %mul3A_358, %add3A_359 : i32
            %get3A_361 = arith.index_cast %add3A_356 : i32 to index
            %get3A_362 = arith.index_cast %add3A_360 : i32 to index
            %get3A_363 = tpu.vector_load %arg9[%get3A_361, %get3A_362] {strides = array<i32>} : memref<64x256xf32, #tpu.memory_space<vmem>>, vector<16xf32>,
            %mul3A_364 = arith.mulf %broadcast_in_dim3A_352, %get3A_363 : vector<16xf32>
            %add3A_365 = arith.addf %add3A_322, %mul3A_364 : vector<16xf32>
            %mul3A_366 = arith.constant 64 : i32
            %mul3A_367 = arith.muli %scan3A_140, %mul3A_366 : i32
            %add3A_368 = arith.constant 16 : i32
            %add3A_369 = arith.addi %mul3A_367, %add3A_368 : i32
            %get3A_370 = arith.index_cast %add3A_356 : i32 to index
            %get3A_371 = arith.index_cast %add3A_369 : i32 to index
            %get3A_372 = tpu.vector_load %arg9[%get3A_370, %get3A_371] {strides = array<i32>} : memref<64x256xf32, #tpu.memory_space<vmem>>, vector<16xf32>,
            %mul3A_373 = arith.mulf %broadcast_in_dim3A_352, %get3A_372 : vector<16xf32>
            %add3A_374 = arith.addf %add3A_331, %mul3A_373 : vector<16xf32>
            %mul3A_375 = arith.constant 64 : i32
            %mul3A_376 = arith.muli %scan3A_140, %mul3A_375 : i32
            %add3A_377 = arith.constant 32 : i32
            %add3A_378 = arith.addi %mul3A_376, %add3A_377 : i32
            %get3A_379 = arith.index_cast %add3A_356 : i32 to index
            %get3A_380 = arith.index_cast %add3A_378 : i32 to index
            %get3A_381 = tpu.vector_load %arg9[%get3A_379, %get3A_380] {strides = array<i32>} : memref<64x256xf32, #tpu.memory_space<vmem>>, vector<16xf32>,
            %mul3A_382 = arith.mulf %broadcast_in_dim3A_352, %get3A_381 : vector<16xf32>
            %add3A_383 = arith.addf %add3A_340, %mul3A_382 : vector<16xf32>
            %mul3A_384 = arith.constant 64 : i32
            %mul3A_385 = arith.muli %scan3A_140, %mul3A_384 : i32
            %add3A_386 = arith.constant 48 : i32
            %add3A_387 = arith.addi %mul3A_385, %add3A_386 : i32
            %get3A_388 = arith.index_cast %add3A_356 : i32 to index
            %get3A_389 = arith.index_cast %add3A_387 : i32 to index
            %get3A_390 = tpu.vector_load %arg9[%get3A_388, %get3A_389] {strides = array<i32>} : memref<64x256xf32, #tpu.memory_space<vmem>>, vector<16xf32>,
            %mul3A_391 = arith.mulf %broadcast_in_dim3A_352, %get3A_390 : vector<16xf32>
            %add3A_392 = arith.addf %add3A_349, %mul3A_391 : vector<16xf32>
            %slice3A_393 = vector.extract_strided_slice %get3A_308 {offsets = [2], sizes = [1], strides = [1]} : vector<16xf32> to vector<1xf32>
            %squeeze3A_394 = vector.extract %slice3A_393[0] : f32 from vector<1xf32>
            %broadcast_in_dim3A_395 = vector.broadcast %squeeze3A_394 : f32 to vector<16xf32>
            %mul3A_396 = arith.constant 16 : i32
            %mul3A_397 = arith.muli %scan3A_297, %mul3A_396 : i32
            %add3A_398 = arith.constant 2 : i32
            %add3A_399 = arith.addi %mul3A_397, %add3A_398 : i32
            %mul3A_400 = arith.constant 64 : i32
            %mul3A_401 = arith.muli %scan3A_140, %mul3A_400 : i32
            %add3A_402 = arith.constant 0 : i32
            %add3A_403 = arith.addi %mul3A_401, %add3A_402 : i32
            %get3A_404 = arith.index_cast %add3A_399 : i32 to index
            %get3A_405 = arith.index_cast %add3A_403 : i32 to index
            %get3A_406 = tpu.vector_load %arg9[%get3A_404, %get3A_405] {strides = array<i32>} : memref<64x256xf32, #tpu.memory_space<vmem>>, vector<16xf32>,
            %mul3A_407 = arith.mulf %broadcast_in_dim3A_395, %get3A_406 : vector<16xf32>
            %add3A_408 = arith.addf %add3A_365, %mul3A_407 : vector<16xf32>
            %mul3A_409 = arith.constant 64 : i32
            %mul3A_410 = arith.muli %scan3A_140, %mul3A_409 : i32
            %add3A_411 = arith.constant 16 : i32
            %add3A_412 = arith.addi %mul3A_410, %add3A_411 : i32
            %get3A_413 = arith.index_cast %add3A_399 : i32 to index
            %get3A_414 = arith.index_cast %add3A_412 : i32 to index
            %get3A_415 = tpu.vector_load %arg9[%get3A_413, %get3A_414] {strides = array<i32>} : memref<64x256xf32, #tpu.memory_space<vmem>>, vector<16xf32>,
            %mul3A_416 = arith.mulf %broadcast_in_dim3A_395, %get3A_415 : vector<16xf32>
            %add3A_417 = arith.addf %add3A_374, %mul3A_416 : vector<16xf32>
            %mul3A_418 = arith.constant 64 : i32
            %mul3A_419 = arith.muli %scan3A_140, %mul3A_418 : i32
            %add3A_420 = arith.constant 32 : i32
            %add3A_421 = arith.addi %mul3A_419, %add3A_420 : i32
            %get3A_422 = arith.index_cast %add3A_399 : i32 to index
            %get3A_423 = arith.index_cast %add3A_421 : i32 to index
            %get3A_424 = tpu.vector_load %arg9[%get3A_422, %get3A_423] {strides = array<i32>} : memref<64x256xf32, #tpu.memory_space<vmem>>, vector<16xf32>,
            %mul3A_425 = arith.mulf %broadcast_in_dim3A_395, %get3A_424 : vector<16xf32>
            %add3A_426 = arith.addf %add3A_383, %mul3A_425 : vector<16xf32>
            %mul3A_427 = arith.constant 64 : i32
            %mul3A_428 = arith.muli %scan3A_140, %mul3A_427 : i32
            %add3A_429 = arith.constant 48 : i32
            %add3A_430 = arith.addi %mul3A_428, %add3A_429 : i32
            %get3A_431 = arith.index_cast %add3A_399 : i32 to index
            %get3A_432 = arith.index_cast %add3A_430 : i32 to index
            %get3A_433 = tpu.vector_load %arg9[%get3A_431, %get3A_432] {strides = array<i32>} : memref<64x256xf32, #tpu.memory_space<vmem>>, vector<16xf32>,
            %mul3A_434 = arith.mulf %broadcast_in_dim3A_395, %get3A_433 : vector<16xf32>
            %add3A_435 = arith.addf %add3A_392, %mul3A_434 : vector<16xf32>
            %slice3A_436 = vector.extract_strided_slice %get3A_308 {offsets = [3], sizes = [1], strides = [1]} : vector<16xf32> to vector<1xf32>
            %squeeze3A_437 = vector.extract %slice3A_436[0] : f32 from vector<1xf32>
            %broadcast_in_dim3A_438 = vector.broadcast %squeeze3A_437 : f32 to vector<16xf32>
            %mul3A_439 = arith.constant 16 : i32
            %mul3A_440 = arith.muli %scan3A_297, %mul3A_439 : i32
            %add3A_441 = arith.constant 3 : i32
            %add3A_442 = arith.addi %mul3A_440, %add3A_441 : i32
            %mul3A_443 = arith.constant 64 : i32
            %mul3A_444 = arith.muli %scan3A_140, %mul3A_443 : i32
            %add3A_445 = arith.constant 0 : i32
            %add3A_446 = arith.addi %mul3A_444, %add3A_445 : i32
            %get3A_447 = arith.index_cast %add3A_442 : i32 to index
            %get3A_448 = arith.index_cast %add3A_446 : i32 to index
            %get3A_449 = tpu.vector_load %arg9[%get3A_447, %get3A_448] {strides = array<i32>} : memref<64x256xf32, #tpu.memory_space<vmem>>, vector<16xf32>,
            %mul3A_450 = arith.mulf %broadcast_in_dim3A_438, %get3A_449 : vector<16xf32>
            %add3A_451 = arith.addf %add3A_408, %mul3A_450 : vector<16xf32>
            %mul3A_452 = arith.constant 64 : i32
            %mul3A_453 = arith.muli %scan3A_140, %mul3A_452 : i32
            %add3A_454 = arith.constant 16 : i32
            %add3A_455 = arith.addi %mul3A_453, %add3A_454 : i32
            %get3A_456 = arith.index_cast %add3A_442 : i32 to index
            %get3A_457 = arith.index_cast %add3A_455 : i32 to index
            %get3A_458 = tpu.vector_load %arg9[%get3A_456, %get3A_457] {strides = array<i32>} : memref<64x256xf32, #tpu.memory_space<vmem>>, vector<16xf32>,
            %mul3A_459 = arith.mulf %broadcast_in_dim3A_438, %get3A_458 : vector<16xf32>
            %add3A_460 = arith.addf %add3A_417, %mul3A_459 : vector<16xf32>
            %mul3A_461 = arith.constant 64 : i32
            %mul3A_462 = arith.muli %scan3A_140, %mul3A_461 : i32
            %add3A_463 = arith.constant 32 : i32
            %add3A_464 = arith.addi %mul3A_462, %add3A_463 : i32
            %get3A_465 = arith.index_cast %add3A_442 : i32 to index
            %get3A_466 = arith.index_cast %add3A_464 : i32 to index
            %get3A_467 = tpu.vector_load %arg9[%get3A_465, %get3A_466] {strides = array<i32>} : memref<64x256xf32, #tpu.memory_space<vmem>>, vector<16xf32>,
            %mul3A_468 = arith.mulf %broadcast_in_dim3A_438, %get3A_467 : vector<16xf32>
            %add3A_469 = arith.addf %add3A_426, %mul3A_468 : vector<16xf32>
            %mul3A_470 = arith.constant 64 : i32
            %mul3A_471 = arith.muli %scan3A_140, %mul3A_470 : i32
            %add3A_472 = arith.constant 48 : i32
            %add3A_473 = arith.addi %mul3A_471, %add3A_472 : i32
            %get3A_474 = arith.index_cast %add3A_442 : i32 to index
            %get3A_475 = arith.index_cast %add3A_473 : i32 to index
            %get3A_476 = tpu.vector_load %arg9[%get3A_474, %get3A_475] {strides = array<i32>} : memref<64x256xf32, #tpu.memory_space<vmem>>, vector<16xf32>,
            %mul3A_477 = arith.mulf %broadcast_in_dim3A_438, %get3A_476 : vector<16xf32>
            %add3A_478 = arith.addf %add3A_435, %mul3A_477 : vector<16xf32>
            %slice3A_479 = vector.extract_strided_slice %get3A_308 {offsets = [4], sizes = [1], strides = [1]} : vector<16xf32> to vector<1xf32>
            %squeeze3A_480 = vector.extract %slice3A_479[0] : f32 from vector<1xf32>
            %broadcast_in_dim3A_481 = vector.broadcast %squeeze3A_480 : f32 to vector<16xf32>
            %mul3A_482 = arith.constant 16 : i32
            %mul3A_483 = arith.muli %scan3A_297, %mul3A_482 : i32
            %add3A_484 = arith.constant 4 : i32
            %add3A_485 = arith.addi %mul3A_483, %add3A_484 : i32
            %mul3A_486 = arith.constant 64 : i32
            %mul3A_487 = arith.muli %scan3A_140, %mul3A_486 : i32
            %add3A_488 = arith.constant 0 : i32
            %add3A_489 = arith.addi %mul3A_487, %add3A_488 : i32
            %get3A_490 = arith.index_cast %add3A_485 : i32 to index
            %get3A_491 = arith.index_cast %add3A_489 : i32 to index
            %get3A_492 = tpu.vector_load %arg9[%get3A_490, %get3A_491] {strides = array<i32>} : memref<64x256xf32, #tpu.memory_space<vmem>>, vector<16xf32>,
            %mul3A_493 = arith.mulf %broadcast_in_dim3A_481, %get3A_492 : vector<16xf32>
            %add3A_494 = arith.addf %add3A_451, %mul3A_493 : vector<16xf32>
            %mul3A_495 = arith.constant 64 : i32
            %mul3A_496 = arith.muli %scan3A_140, %mul3A_495 : i32
            %add3A_497 = arith.constant 16 : i32
            %add3A_498 = arith.addi %mul3A_496, %add3A_497 : i32
            %get3A_499 = arith.index_cast %add3A_485 : i32 to index
            %get3A_500 = arith.index_cast %add3A_498 : i32 to index
            %get3A_501 = tpu.vector_load %arg9[%get3A_499, %get3A_500] {strides = array<i32>} : memref<64x256xf32, #tpu.memory_space<vmem>>, vector<16xf32>,
            %mul3A_502 = arith.mulf %broadcast_in_dim3A_481, %get3A_501 : vector<16xf32>
            %add3A_503 = arith.addf %add3A_460, %mul3A_502 : vector<16xf32>
            %mul3A_504 = arith.constant 64 : i32
            %mul3A_505 = arith.muli %scan3A_140, %mul3A_504 : i32
            %add3A_506 = arith.constant 32 : i32
            %add3A_507 = arith.addi %mul3A_505, %add3A_506 : i32
            %get3A_508 = arith.index_cast %add3A_485 : i32 to index
            %get3A_509 = arith.index_cast %add3A_507 : i32 to index
            %get3A_510 = tpu.vector_load %arg9[%get3A_508, %get3A_509] {strides = array<i32>} : memref<64x256xf32, #tpu.memory_space<vmem>>, vector<16xf32>,
            %mul3A_511 = arith.mulf %broadcast_in_dim3A_481, %get3A_510 : vector<16xf32>
            %add3A_512 = arith.addf %add3A_469, %mul3A_511 : vector<16xf32>
            %mul3A_513 = arith.constant 64 : i32
            %mul3A_514 = arith.muli %scan3A_140, %mul3A_513 : i32
            %add3A_515 = arith.constant 48 : i32
            %add3A_516 = arith.addi %mul3A_514, %add3A_515 : i32
            %get3A_517 = arith.index_cast %add3A_485 : i32 to index
            %get3A_518 = arith.index_cast %add3A_516 : i32 to index
            %get3A_519 = tpu.vector_load %arg9[%get3A_517, %get3A_518] {strides = array<i32>} : memref<64x256xf32, #tpu.memory_space<vmem>>, vector<16xf32>,
            %mul3A_520 = arith.mulf %broadcast_in_dim3A_481, %get3A_519 : vector<16xf32>
            %add3A_521 = arith.addf %add3A_478, %mul3A_520 : vector<16xf32>
            %slice3A_522 = vector.extract_strided_slice %get3A_308 {offsets = [5], sizes = [1], strides = [1]} : vector<16xf32> to vector<1xf32>
            %squeeze3A_523 = vector.extract %slice3A_522[0] : f32 from vector<1xf32>
            %broadcast_in_dim3A_524 = vector.broadcast %squeeze3A_523 : f32 to vector<16xf32>
            %mul3A_525 = arith.constant 16 : i32
            %mul3A_526 = arith.muli %scan3A_297, %mul3A_525 : i32
            %add3A_527 = arith.constant 5 : i32
            %add3A_528 = arith.addi %mul3A_526, %add3A_527 : i32
            %mul3A_529 = arith.constant 64 : i32
            %mul3A_530 = arith.muli %scan3A_140, %mul3A_529 : i32
            %add3A_531 = arith.constant 0 : i32
            %add3A_532 = arith.addi %mul3A_530, %add3A_531 : i32
            %get3A_533 = arith.index_cast %add3A_528 : i32 to index
            %get3A_534 = arith.index_cast %add3A_532 : i32 to index
            %get3A_535 = tpu.vector_load %arg9[%get3A_533, %get3A_534] {strides = array<i32>} : memref<64x256xf32, #tpu.memory_space<vmem>>, vector<16xf32>,
            %mul3A_536 = arith.mulf %broadcast_in_dim3A_524, %get3A_535 : vector<16xf32>
            %add3A_537 = arith.addf %add3A_494, %mul3A_536 : vector<16xf32>
            %mul3A_538 = arith.constant 64 : i32
            %mul3A_539 = arith.muli %scan3A_140, %mul3A_538 : i32
            %add3A_540 = arith.constant 16 : i32
            %add3A_541 = arith.addi %mul3A_539, %add3A_540 : i32
            %get3A_542 = arith.index_cast %add3A_528 : i32 to index
            %get3A_543 = arith.index_cast %add3A_541 : i32 to index
            %get3A_544 = tpu.vector_load %arg9[%get3A_542, %get3A_543] {strides = array<i32>} : memref<64x256xf32, #tpu.memory_space<vmem>>, vector<16xf32>,
            %mul3A_545 = arith.mulf %broadcast_in_dim3A_524, %get3A_544 : vector<16xf32>
            %add3A_546 = arith.addf %add3A_503, %mul3A_545 : vector<16xf32>
            %mul3A_547 = arith.constant 64 : i32
            %mul3A_548 = arith.muli %scan3A_140, %mul3A_547 : i32
            %add3A_549 = arith.constant 32 : i32
            %add3A_550 = arith.addi %mul3A_548, %add3A_549 : i32
            %get3A_551 = arith.index_cast %add3A_528 : i32 to index
            %get3A_552 = arith.index_cast %add3A_550 : i32 to index
            %get3A_553 = tpu.vector_load %arg9[%get3A_551, %get3A_552] {strides = array<i32>} : memref<64x256xf32, #tpu.memory_space<vmem>>, vector<16xf32>,
            %mul3A_554 = arith.mulf %broadcast_in_dim3A_524, %get3A_553 : vector<16xf32>
            %add3A_555 = arith.addf %add3A_512, %mul3A_554 : vector<16xf32>
            %mul3A_556 = arith.constant 64 : i32
            %mul3A_557 = arith.muli %scan3A_140, %mul3A_556 : i32
            %add3A_558 = arith.constant 48 : i32
            %add3A_559 = arith.addi %mul3A_557, %add3A_558 : i32
            %get3A_560 = arith.index_cast %add3A_528 : i32 to index
            %get3A_561 = arith.index_cast %add3A_559 : i32 to index
            %get3A_562 = tpu.vector_load %arg9[%get3A_560, %get3A_561] {strides = array<i32>} : memref<64x256xf32, #tpu.memory_space<vmem>>, vector<16xf32>,
            %mul3A_563 = arith.mulf %broadcast_in_dim3A_524, %get3A_562 : vector<16xf32>
            %add3A_564 = arith.addf %add3A_521, %mul3A_563 : vector<16xf32>
            %slice3A_565 = vector.extract_strided_slice %get3A_308 {offsets = [6], sizes = [1], strides = [1]} : vector<16xf32> to vector<1xf32>
            %squeeze3A_566 = vector.extract %slice3A_565[0] : f32 from vector<1xf32>
            %broadcast_in_dim3A_567 = vector.broadcast %squeeze3A_566 : f32 to vector<16xf32>
            %mul3A_568 = arith.constant 16 : i32
            %mul3A_569 = arith.muli %scan3A_297, %mul3A_568 : i32
            %add3A_570 = arith.constant 6 : i32
            %add3A_571 = arith.addi %mul3A_569, %add3A_570 : i32
            %mul3A_572 = arith.constant 64 : i32
            %mul3A_573 = arith.muli %scan3A_140, %mul3A_572 : i32
            %add3A_574 = arith.constant 0 : i32
            %add3A_575 = arith.addi %mul3A_573, %add3A_574 : i32
            %get3A_576 = arith.index_cast %add3A_571 : i32 to index
            %get3A_577 = arith.index_cast %add3A_575 : i32 to index
            %get3A_578 = tpu.vector_load %arg9[%get3A_576, %get3A_577] {strides = array<i32>} : memref<64x256xf32, #tpu.memory_space<vmem>>, vector<16xf32>,
            %mul3A_579 = arith.mulf %broadcast_in_dim3A_567, %get3A_578 : vector<16xf32>
            %add3A_580 = arith.addf %add3A_537, %mul3A_579 : vector<16xf32>
            %mul3A_581 = arith.constant 64 : i32
            %mul3A_582 = arith.muli %scan3A_140, %mul3A_581 : i32
            %add3A_583 = arith.constant 16 : i32
            %add3A_584 = arith.addi %mul3A_582, %add3A_583 : i32
            %get3A_585 = arith.index_cast %add3A_571 : i32 to index
            %get3A_586 = arith.index_cast %add3A_584 : i32 to index
            %get3A_587 = tpu.vector_load %arg9[%get3A_585, %get3A_586] {strides = array<i32>} : memref<64x256xf32, #tpu.memory_space<vmem>>, vector<16xf32>,
            %mul3A_588 = arith.mulf %broadcast_in_dim3A_567, %get3A_587 : vector<16xf32>
            %add3A_589 = arith.addf %add3A_546, %mul3A_588 : vector<16xf32>
            %mul3A_590 = arith.constant 64 : i32
            %mul3A_591 = arith.muli %scan3A_140, %mul3A_590 : i32
            %add3A_592 = arith.constant 32 : i32
            %add3A_593 = arith.addi %mul3A_591, %add3A_592 : i32
            %get3A_594 = arith.index_cast %add3A_571 : i32 to index
            %get3A_595 = arith.index_cast %add3A_593 : i32 to index
            %get3A_596 = tpu.vector_load %arg9[%get3A_594, %get3A_595] {strides = array<i32>} : memref<64x256xf32, #tpu.memory_space<vmem>>, vector<16xf32>,
            %mul3A_597 = arith.mulf %broadcast_in_dim3A_567, %get3A_596 : vector<16xf32>
            %add3A_598 = arith.addf %add3A_555, %mul3A_597 : vector<16xf32>
            %mul3A_599 = arith.constant 64 : i32
            %mul3A_600 = arith.muli %scan3A_140, %mul3A_599 : i32
            %add3A_601 = arith.constant 48 : i32
            %add3A_602 = arith.addi %mul3A_600, %add3A_601 : i32
            %get3A_603 = arith.index_cast %add3A_571 : i32 to index
            %get3A_604 = arith.index_cast %add3A_602 : i32 to index
            %get3A_605 = tpu.vector_load %arg9[%get3A_603, %get3A_604] {strides = array<i32>} : memref<64x256xf32, #tpu.memory_space<vmem>>, vector<16xf32>,
            %mul3A_606 = arith.mulf %broadcast_in_dim3A_567, %get3A_605 : vector<16xf32>
            %add3A_607 = arith.addf %add3A_564, %mul3A_606 : vector<16xf32>
            %slice3A_608 = vector.extract_strided_slice %get3A_308 {offsets = [7], sizes = [1], strides = [1]} : vector<16xf32> to vector<1xf32>
            %squeeze3A_609 = vector.extract %slice3A_608[0] : f32 from vector<1xf32>
            %broadcast_in_dim3A_610 = vector.broadcast %squeeze3A_609 : f32 to vector<16xf32>
            %mul3A_611 = arith.constant 16 : i32
            %mul3A_612 = arith.muli %scan3A_297, %mul3A_611 : i32
            %add3A_613 = arith.constant 7 : i32
            %add3A_614 = arith.addi %mul3A_612, %add3A_613 : i32
            %mul3A_615 = arith.constant 64 : i32
            %mul3A_616 = arith.muli %scan3A_140, %mul3A_615 : i32
            %add3A_617 = arith.constant 0 : i32
            %add3A_618 = arith.addi %mul3A_616, %add3A_617 : i32
            %get3A_619 = arith.index_cast %add3A_614 : i32 to index
            %get3A_620 = arith.index_cast %add3A_618 : i32 to index
            %get3A_621 = tpu.vector_load %arg9[%get3A_619, %get3A_620] {strides = array<i32>} : memref<64x256xf32, #tpu.memory_space<vmem>>, vector<16xf32>,
            %mul3A_622 = arith.mulf %broadcast_in_dim3A_610, %get3A_621 : vector<16xf32>
            %add3A_623 = arith.addf %add3A_580, %mul3A_622 : vector<16xf32>
            %mul3A_624 = arith.constant 64 : i32
            %mul3A_625 = arith.muli %scan3A_140, %mul3A_624 : i32
            %add3A_626 = arith.constant 16 : i32
            %add3A_627 = arith.addi %mul3A_625, %add3A_626 : i32
            %get3A_628 = arith.index_cast %add3A_614 : i32 to index
            %get3A_629 = arith.index_cast %add3A_627 : i32 to index
            %get3A_630 = tpu.vector_load %arg9[%get3A_628, %get3A_629] {strides = array<i32>} : memref<64x256xf32, #tpu.memory_space<vmem>>, vector<16xf32>,
            %mul3A_631 = arith.mulf %broadcast_in_dim3A_610, %get3A_630 : vector<16xf32>
            %add3A_632 = arith.addf %add3A_589, %mul3A_631 : vector<16xf32>
            %mul3A_633 = arith.constant 64 : i32
            %mul3A_634 = arith.muli %scan3A_140, %mul3A_633 : i32
            %add3A_635 = arith.constant 32 : i32
            %add3A_636 = arith.addi %mul3A_634, %add3A_635 : i32
            %get3A_637 = arith.index_cast %add3A_614 : i32 to index
            %get3A_638 = arith.index_cast %add3A_636 : i32 to index
            %get3A_639 = tpu.vector_load %arg9[%get3A_637, %get3A_638] {strides = array<i32>} : memref<64x256xf32, #tpu.memory_space<vmem>>, vector<16xf32>,
            %mul3A_640 = arith.mulf %broadcast_in_dim3A_610, %get3A_639 : vector<16xf32>
            %add3A_641 = arith.addf %add3A_598, %mul3A_640 : vector<16xf32>
            %mul3A_642 = arith.constant 64 : i32
            %mul3A_643 = arith.muli %scan3A_140, %mul3A_642 : i32
            %add3A_644 = arith.constant 48 : i32
            %add3A_645 = arith.addi %mul3A_643, %add3A_644 : i32
            %get3A_646 = arith.index_cast %add3A_614 : i32 to index
            %get3A_647 = arith.index_cast %add3A_645 : i32 to index
            %get3A_648 = tpu.vector_load %arg9[%get3A_646, %get3A_647] {strides = array<i32>} : memref<64x256xf32, #tpu.memory_space<vmem>>, vector<16xf32>,
            %mul3A_649 = arith.mulf %broadcast_in_dim3A_610, %get3A_648 : vector<16xf32>
            %add3A_650 = arith.addf %add3A_607, %mul3A_649 : vector<16xf32>
            %slice3A_651 = vector.extract_strided_slice %get3A_308 {offsets = [8], sizes = [1], strides = [1]} : vector<16xf32> to vector<1xf32>
            %squeeze3A_652 = vector.extract %slice3A_651[0] : f32 from vector<1xf32>
            %broadcast_in_dim3A_653 = vector.broadcast %squeeze3A_652 : f32 to vector<16xf32>
            %mul3A_654 = arith.constant 16 : i32
            %mul3A_655 = arith.muli %scan3A_297, %mul3A_654 : i32
            %add3A_656 = arith.constant 8 : i32
            %add3A_657 = arith.addi %mul3A_655, %add3A_656 : i32
            %mul3A_658 = arith.constant 64 : i32
            %mul3A_659 = arith.muli %scan3A_140, %mul3A_658 : i32
            %add3A_660 = arith.constant 0 : i32
            %add3A_661 = arith.addi %mul3A_659, %add3A_660 : i32
            %get3A_662 = arith.index_cast %add3A_657 : i32 to index
            %get3A_663 = arith.index_cast %add3A_661 : i32 to index
            %get3A_664 = tpu.vector_load %arg9[%get3A_662, %get3A_663] {strides = array<i32>} : memref<64x256xf32, #tpu.memory_space<vmem>>, vector<16xf32>,
            %mul3A_665 = arith.mulf %broadcast_in_dim3A_653, %get3A_664 : vector<16xf32>
            %add3A_666 = arith.addf %add3A_623, %mul3A_665 : vector<16xf32>
            %mul3A_667 = arith.constant 64 : i32
            %mul3A_668 = arith.muli %scan3A_140, %mul3A_667 : i32
            %add3A_669 = arith.constant 16 : i32
            %add3A_670 = arith.addi %mul3A_668, %add3A_669 : i32
            %get3A_671 = arith.index_cast %add3A_657 : i32 to index
            %get3A_672 = arith.index_cast %add3A_670 : i32 to index
            %get3A_673 = tpu.vector_load %arg9[%get3A_671, %get3A_672] {strides = array<i32>} : memref<64x256xf32, #tpu.memory_space<vmem>>, vector<16xf32>,
            %mul3A_674 = arith.mulf %broadcast_in_dim3A_653, %get3A_673 : vector<16xf32>
            %add3A_675 = arith.addf %add3A_632, %mul3A_674 : vector<16xf32>
            %mul3A_676 = arith.constant 64 : i32
            %mul3A_677 = arith.muli %scan3A_140, %mul3A_676 : i32
            %add3A_678 = arith.constant 32 : i32
            %add3A_679 = arith.addi %mul3A_677, %add3A_678 : i32
            %get3A_680 = arith.index_cast %add3A_657 : i32 to index
            %get3A_681 = arith.index_cast %add3A_679 : i32 to index
            %get3A_682 = tpu.vector_load %arg9[%get3A_680, %get3A_681] {strides = array<i32>} : memref<64x256xf32, #tpu.memory_space<vmem>>, vector<16xf32>,
            %mul3A_683 = arith.mulf %broadcast_in_dim3A_653, %get3A_682 : vector<16xf32>
            %add3A_684 = arith.addf %add3A_641, %mul3A_683 : vector<16xf32>
            %mul3A_685 = arith.constant 64 : i32
            %mul3A_686 = arith.muli %scan3A_140, %mul3A_685 : i32
            %add3A_687 = arith.constant 48 : i32
            %add3A_688 = arith.addi %mul3A_686, %add3A_687 : i32
            %get3A_689 = arith.index_cast %add3A_657 : i32 to index
            %get3A_690 = arith.index_cast %add3A_688 : i32 to index
            %get3A_691 = tpu.vector_load %arg9[%get3A_689, %get3A_690] {strides = array<i32>} : memref<64x256xf32, #tpu.memory_space<vmem>>, vector<16xf32>,
            %mul3A_692 = arith.mulf %broadcast_in_dim3A_653, %get3A_691 : vector<16xf32>
            %add3A_693 = arith.addf %add3A_650, %mul3A_692 : vector<16xf32>
            %slice3A_694 = vector.extract_strided_slice %get3A_308 {offsets = [9], sizes = [1], strides = [1]} : vector<16xf32> to vector<1xf32>
            %squeeze3A_695 = vector.extract %slice3A_694[0] : f32 from vector<1xf32>
            %broadcast_in_dim3A_696 = vector.broadcast %squeeze3A_695 : f32 to vector<16xf32>
            %mul3A_697 = arith.constant 16 : i32
            %mul3A_698 = arith.muli %scan3A_297, %mul3A_697 : i32
            %add3A_699 = arith.constant 9 : i32
            %add3A_700 = arith.addi %mul3A_698, %add3A_699 : i32
            %mul3A_701 = arith.constant 64 : i32
            %mul3A_702 = arith.muli %scan3A_140, %mul3A_701 : i32
            %add3A_703 = arith.constant 0 : i32
            %add3A_704 = arith.addi %mul3A_702, %add3A_703 : i32
            %get3A_705 = arith.index_cast %add3A_700 : i32 to index
            %get3A_706 = arith.index_cast %add3A_704 : i32 to index
            %get3A_707 = tpu.vector_load %arg9[%get3A_705, %get3A_706] {strides = array<i32>} : memref<64x256xf32, #tpu.memory_space<vmem>>, vector<16xf32>,
            %mul3A_708 = arith.mulf %broadcast_in_dim3A_696, %get3A_707 : vector<16xf32>
            %add3A_709 = arith.addf %add3A_666, %mul3A_708 : vector<16xf32>
            %mul3A_710 = arith.constant 64 : i32
            %mul3A_711 = arith.muli %scan3A_140, %mul3A_710 : i32
            %add3A_712 = arith.constant 16 : i32
            %add3A_713 = arith.addi %mul3A_711, %add3A_712 : i32
            %get3A_714 = arith.index_cast %add3A_700 : i32 to index
            %get3A_715 = arith.index_cast %add3A_713 : i32 to index
            %get3A_716 = tpu.vector_load %arg9[%get3A_714, %get3A_715] {strides = array<i32>} : memref<64x256xf32, #tpu.memory_space<vmem>>, vector<16xf32>,
            %mul3A_717 = arith.mulf %broadcast_in_dim3A_696, %get3A_716 : vector<16xf32>
            %add3A_718 = arith.addf %add3A_675, %mul3A_717 : vector<16xf32>
            %mul3A_719 = arith.constant 64 : i32
            %mul3A_720 = arith.muli %scan3A_140, %mul3A_719 : i32
            %add3A_721 = arith.constant 32 : i32
            %add3A_722 = arith.addi %mul3A_720, %add3A_721 : i32
            %get3A_723 = arith.index_cast %add3A_700 : i32 to index
            %get3A_724 = arith.index_cast %add3A_722 : i32 to index
            %get3A_725 = tpu.vector_load %arg9[%get3A_723, %get3A_724] {strides = array<i32>} : memref<64x256xf32, #tpu.memory_space<vmem>>, vector<16xf32>,
            %mul3A_726 = arith.mulf %broadcast_in_dim3A_696, %get3A_725 : vector<16xf32>
            %add3A_727 = arith.addf %add3A_684, %mul3A_726 : vector<16xf32>
            %mul3A_728 = arith.constant 64 : i32
            %mul3A_729 = arith.muli %scan3A_140, %mul3A_728 : i32
            %add3A_730 = arith.constant 48 : i32
            %add3A_731 = arith.addi %mul3A_729, %add3A_730 : i32
            %get3A_732 = arith.index_cast %add3A_700 : i32 to index
            %get3A_733 = arith.index_cast %add3A_731 : i32 to index
            %get3A_734 = tpu.vector_load %arg9[%get3A_732, %get3A_733] {strides = array<i32>} : memref<64x256xf32, #tpu.memory_space<vmem>>, vector<16xf32>,
            %mul3A_735 = arith.mulf %broadcast_in_dim3A_696, %get3A_734 : vector<16xf32>
            %add3A_736 = arith.addf %add3A_693, %mul3A_735 : vector<16xf32>
            %slice3A_737 = vector.extract_strided_slice %get3A_308 {offsets = [10], sizes = [1], strides = [1]} : vector<16xf32> to vector<1xf32>
            %squeeze3A_738 = vector.extract %slice3A_737[0] : f32 from vector<1xf32>
            %broadcast_in_dim3A_739 = vector.broadcast %squeeze3A_738 : f32 to vector<16xf32>
            %mul3A_740 = arith.constant 16 : i32
            %mul3A_741 = arith.muli %scan3A_297, %mul3A_740 : i32
            %add3A_742 = arith.constant 10 : i32
            %add3A_743 = arith.addi %mul3A_741, %add3A_742 : i32
            %mul3A_744 = arith.constant 64 : i32
            %mul3A_745 = arith.muli %scan3A_140, %mul3A_744 : i32
            %add3A_746 = arith.constant 0 : i32
            %add3A_747 = arith.addi %mul3A_745, %add3A_746 : i32
            %get3A_748 = arith.index_cast %add3A_743 : i32 to index
            %get3A_749 = arith.index_cast %add3A_747 : i32 to index
            %get3A_750 = tpu.vector_load %arg9[%get3A_748, %get3A_749] {strides = array<i32>} : memref<64x256xf32, #tpu.memory_space<vmem>>, vector<16xf32>,
            %mul3A_751 = arith.mulf %broadcast_in_dim3A_739, %get3A_750 : vector<16xf32>
            %add3A_752 = arith.addf %add3A_709, %mul3A_751 : vector<16xf32>
            %mul3A_753 = arith.constant 64 : i32
            %mul3A_754 = arith.muli %scan3A_140, %mul3A_753 : i32
            %add3A_755 = arith.constant 16 : i32
            %add3A_756 = arith.addi %mul3A_754, %add3A_755 : i32
            %get3A_757 = arith.index_cast %add3A_743 : i32 to index
            %get3A_758 = arith.index_cast %add3A_756 : i32 to index
            %get3A_759 = tpu.vector_load %arg9[%get3A_757, %get3A_758] {strides = array<i32>} : memref<64x256xf32, #tpu.memory_space<vmem>>, vector<16xf32>,
            %mul3A_760 = arith.mulf %broadcast_in_dim3A_739, %get3A_759 : vector<16xf32>
            %add3A_761 = arith.addf %add3A_718, %mul3A_760 : vector<16xf32>
            %mul3A_762 = arith.constant 64 : i32
            %mul3A_763 = arith.muli %scan3A_140, %mul3A_762 : i32
            %add3A_764 = arith.constant 32 : i32
            %add3A_765 = arith.addi %mul3A_763, %add3A_764 : i32
            %get3A_766 = arith.index_cast %add3A_743 : i32 to index
            %get3A_767 = arith.index_cast %add3A_765 : i32 to index
            %get3A_768 = tpu.vector_load %arg9[%get3A_766, %get3A_767] {strides = array<i32>} : memref<64x256xf32, #tpu.memory_space<vmem>>, vector<16xf32>,
            %mul3A_769 = arith.mulf %broadcast_in_dim3A_739, %get3A_768 : vector<16xf32>
            %add3A_770 = arith.addf %add3A_727, %mul3A_769 : vector<16xf32>
            %mul3A_771 = arith.constant 64 : i32
            %mul3A_772 = arith.muli %scan3A_140, %mul3A_771 : i32
            %add3A_773 = arith.constant 48 : i32
            %add3A_774 = arith.addi %mul3A_772, %add3A_773 : i32
            %get3A_775 = arith.index_cast %add3A_743 : i32 to index
            %get3A_776 = arith.index_cast %add3A_774 : i32 to index
            %get3A_777 = tpu.vector_load %arg9[%get3A_775, %get3A_776] {strides = array<i32>} : memref<64x256xf32, #tpu.memory_space<vmem>>, vector<16xf32>,
            %mul3A_778 = arith.mulf %broadcast_in_dim3A_739, %get3A_777 : vector<16xf32>
            %add3A_779 = arith.addf %add3A_736, %mul3A_778 : vector<16xf32>
            %slice3A_780 = vector.extract_strided_slice %get3A_308 {offsets = [11], sizes = [1], strides = [1]} : vector<16xf32> to vector<1xf32>
            %squeeze3A_781 = vector.extract %slice3A_780[0] : f32 from vector<1xf32>
            %broadcast_in_dim3A_782 = vector.broadcast %squeeze3A_781 : f32 to vector<16xf32>
            %mul3A_783 = arith.constant 16 : i32
            %mul3A_784 = arith.muli %scan3A_297, %mul3A_783 : i32
            %add3A_785 = arith.constant 11 : i32
            %add3A_786 = arith.addi %mul3A_784, %add3A_785 : i32
            %mul3A_787 = arith.constant 64 : i32
            %mul3A_788 = arith.muli %scan3A_140, %mul3A_787 : i32
            %add3A_789 = arith.constant 0 : i32
            %add3A_790 = arith.addi %mul3A_788, %add3A_789 : i32
            %get3A_791 = arith.index_cast %add3A_786 : i32 to index
            %get3A_792 = arith.index_cast %add3A_790 : i32 to index
            %get3A_793 = tpu.vector_load %arg9[%get3A_791, %get3A_792] {strides = array<i32>} : memref<64x256xf32, #tpu.memory_space<vmem>>, vector<16xf32>,
            %mul3A_794 = arith.mulf %broadcast_in_dim3A_782, %get3A_793 : vector<16xf32>
            %add3A_795 = arith.addf %add3A_752, %mul3A_794 : vector<16xf32>
            %mul3A_796 = arith.constant 64 : i32
            %mul3A_797 = arith.muli %scan3A_140, %mul3A_796 : i32
            %add3A_798 = arith.constant 16 : i32
            %add3A_799 = arith.addi %mul3A_797, %add3A_798 : i32
            %get3A_800 = arith.index_cast %add3A_786 : i32 to index
            %get3A_801 = arith.index_cast %add3A_799 : i32 to index
            %get3A_802 = tpu.vector_load %arg9[%get3A_800, %get3A_801] {strides = array<i32>} : memref<64x256xf32, #tpu.memory_space<vmem>>, vector<16xf32>,
            %mul3A_803 = arith.mulf %broadcast_in_dim3A_782, %get3A_802 : vector<16xf32>
            %add3A_804 = arith.addf %add3A_761, %mul3A_803 : vector<16xf32>
            %mul3A_805 = arith.constant 64 : i32
            %mul3A_806 = arith.muli %scan3A_140, %mul3A_805 : i32
            %add3A_807 = arith.constant 32 : i32
            %add3A_808 = arith.addi %mul3A_806, %add3A_807 : i32
            %get3A_809 = arith.index_cast %add3A_786 : i32 to index
            %get3A_810 = arith.index_cast %add3A_808 : i32 to index
            %get3A_811 = tpu.vector_load %arg9[%get3A_809, %get3A_810] {strides = array<i32>} : memref<64x256xf32, #tpu.memory_space<vmem>>, vector<16xf32>,
            %mul3A_812 = arith.mulf %broadcast_in_dim3A_782, %get3A_811 : vector<16xf32>
            %add3A_813 = arith.addf %add3A_770, %mul3A_812 : vector<16xf32>
            %mul3A_814 = arith.constant 64 : i32
            %mul3A_815 = arith.muli %scan3A_140, %mul3A_814 : i32
            %add3A_816 = arith.constant 48 : i32
            %add3A_817 = arith.addi %mul3A_815, %add3A_816 : i32
            %get3A_818 = arith.index_cast %add3A_786 : i32 to index
            %get3A_819 = arith.index_cast %add3A_817 : i32 to index
            %get3A_820 = tpu.vector_load %arg9[%get3A_818, %get3A_819] {strides = array<i32>} : memref<64x256xf32, #tpu.memory_space<vmem>>, vector<16xf32>,
            %mul3A_821 = arith.mulf %broadcast_in_dim3A_782, %get3A_820 : vector<16xf32>
            %add3A_822 = arith.addf %add3A_779, %mul3A_821 : vector<16xf32>
            %slice3A_823 = vector.extract_strided_slice %get3A_308 {offsets = [12], sizes = [1], strides = [1]} : vector<16xf32> to vector<1xf32>
            %squeeze3A_824 = vector.extract %slice3A_823[0] : f32 from vector<1xf32>
            %broadcast_in_dim3A_825 = vector.broadcast %squeeze3A_824 : f32 to vector<16xf32>
            %mul3A_826 = arith.constant 16 : i32
            %mul3A_827 = arith.muli %scan3A_297, %mul3A_826 : i32
            %add3A_828 = arith.constant 12 : i32
            %add3A_829 = arith.addi %mul3A_827, %add3A_828 : i32
            %mul3A_830 = arith.constant 64 : i32
            %mul3A_831 = arith.muli %scan3A_140, %mul3A_830 : i32
            %add3A_832 = arith.constant 0 : i32
            %add3A_833 = arith.addi %mul3A_831, %add3A_832 : i32
            %get3A_834 = arith.index_cast %add3A_829 : i32 to index
            %get3A_835 = arith.index_cast %add3A_833 : i32 to index
            %get3A_836 = tpu.vector_load %arg9[%get3A_834, %get3A_835] {strides = array<i32>} : memref<64x256xf32, #tpu.memory_space<vmem>>, vector<16xf32>,
            %mul3A_837 = arith.mulf %broadcast_in_dim3A_825, %get3A_836 : vector<16xf32>
            %add3A_838 = arith.addf %add3A_795, %mul3A_837 : vector<16xf32>
            %mul3A_839 = arith.constant 64 : i32
            %mul3A_840 = arith.muli %scan3A_140, %mul3A_839 : i32
            %add3A_841 = arith.constant 16 : i32
            %add3A_842 = arith.addi %mul3A_840, %add3A_841 : i32
            %get3A_843 = arith.index_cast %add3A_829 : i32 to index
            %get3A_844 = arith.index_cast %add3A_842 : i32 to index
            %get3A_845 = tpu.vector_load %arg9[%get3A_843, %get3A_844] {strides = array<i32>} : memref<64x256xf32, #tpu.memory_space<vmem>>, vector<16xf32>,
            %mul3A_846 = arith.mulf %broadcast_in_dim3A_825, %get3A_845 : vector<16xf32>
            %add3A_847 = arith.addf %add3A_804, %mul3A_846 : vector<16xf32>
            %mul3A_848 = arith.constant 64 : i32
            %mul3A_849 = arith.muli %scan3A_140, %mul3A_848 : i32
            %add3A_850 = arith.constant 32 : i32
            %add3A_851 = arith.addi %mul3A_849, %add3A_850 : i32
            %get3A_852 = arith.index_cast %add3A_829 : i32 to index
            %get3A_853 = arith.index_cast %add3A_851 : i32 to index
            %get3A_854 = tpu.vector_load %arg9[%get3A_852, %get3A_853] {strides = array<i32>} : memref<64x256xf32, #tpu.memory_space<vmem>>, vector<16xf32>,
            %mul3A_855 = arith.mulf %broadcast_in_dim3A_825, %get3A_854 : vector<16xf32>
            %add3A_856 = arith.addf %add3A_813, %mul3A_855 : vector<16xf32>
            %mul3A_857 = arith.constant 64 : i32
            %mul3A_858 = arith.muli %scan3A_140, %mul3A_857 : i32
            %add3A_859 = arith.constant 48 : i32
            %add3A_860 = arith.addi %mul3A_858, %add3A_859 : i32
            %get3A_861 = arith.index_cast %add3A_829 : i32 to index
            %get3A_862 = arith.index_cast %add3A_860 : i32 to index
            %get3A_863 = tpu.vector_load %arg9[%get3A_861, %get3A_862] {strides = array<i32>} : memref<64x256xf32, #tpu.memory_space<vmem>>, vector<16xf32>,
            %mul3A_864 = arith.mulf %broadcast_in_dim3A_825, %get3A_863 : vector<16xf32>
            %add3A_865 = arith.addf %add3A_822, %mul3A_864 : vector<16xf32>
            %slice3A_866 = vector.extract_strided_slice %get3A_308 {offsets = [13], sizes = [1], strides = [1]} : vector<16xf32> to vector<1xf32>
            %squeeze3A_867 = vector.extract %slice3A_866[0] : f32 from vector<1xf32>
            %broadcast_in_dim3A_868 = vector.broadcast %squeeze3A_867 : f32 to vector<16xf32>
            %mul3A_869 = arith.constant 16 : i32
            %mul3A_870 = arith.muli %scan3A_297, %mul3A_869 : i32
            %add3A_871 = arith.constant 13 : i32
            %add3A_872 = arith.addi %mul3A_870, %add3A_871 : i32
            %mul3A_873 = arith.constant 64 : i32
            %mul3A_874 = arith.muli %scan3A_140, %mul3A_873 : i32
            %add3A_875 = arith.constant 0 : i32
            %add3A_876 = arith.addi %mul3A_874, %add3A_875 : i32
            %get3A_877 = arith.index_cast %add3A_872 : i32 to index
            %get3A_878 = arith.index_cast %add3A_876 : i32 to index
            %get3A_879 = tpu.vector_load %arg9[%get3A_877, %get3A_878] {strides = array<i32>} : memref<64x256xf32, #tpu.memory_space<vmem>>, vector<16xf32>,
            %mul3A_880 = arith.mulf %broadcast_in_dim3A_868, %get3A_879 : vector<16xf32>
            %add3A_881 = arith.addf %add3A_838, %mul3A_880 : vector<16xf32>
            %mul3A_882 = arith.constant 64 : i32
            %mul3A_883 = arith.muli %scan3A_140, %mul3A_882 : i32
            %add3A_884 = arith.constant 16 : i32
            %add3A_885 = arith.addi %mul3A_883, %add3A_884 : i32
            %get3A_886 = arith.index_cast %add3A_872 : i32 to index
            %get3A_887 = arith.index_cast %add3A_885 : i32 to index
            %get3A_888 = tpu.vector_load %arg9[%get3A_886, %get3A_887] {strides = array<i32>} : memref<64x256xf32, #tpu.memory_space<vmem>>, vector<16xf32>,
            %mul3A_889 = arith.mulf %broadcast_in_dim3A_868, %get3A_888 : vector<16xf32>
            %add3A_890 = arith.addf %add3A_847, %mul3A_889 : vector<16xf32>
            %mul3A_891 = arith.constant 64 : i32
            %mul3A_892 = arith.muli %scan3A_140, %mul3A_891 : i32
            %add3A_893 = arith.constant 32 : i32
            %add3A_894 = arith.addi %mul3A_892, %add3A_893 : i32
            %get3A_895 = arith.index_cast %add3A_872 : i32 to index
            %get3A_896 = arith.index_cast %add3A_894 : i32 to index
            %get3A_897 = tpu.vector_load %arg9[%get3A_895, %get3A_896] {strides = array<i32>} : memref<64x256xf32, #tpu.memory_space<vmem>>, vector<16xf32>,
            %mul3A_898 = arith.mulf %broadcast_in_dim3A_868, %get3A_897 : vector<16xf32>
            %add3A_899 = arith.addf %add3A_856, %mul3A_898 : vector<16xf32>
            %mul3A_900 = arith.constant 64 : i32
            %mul3A_901 = arith.muli %scan3A_140, %mul3A_900 : i32
            %add3A_902 = arith.constant 48 : i32
            %add3A_903 = arith.addi %mul3A_901, %add3A_902 : i32
            %get3A_904 = arith.index_cast %add3A_872 : i32 to index
            %get3A_905 = arith.index_cast %add3A_903 : i32 to index
            %get3A_906 = tpu.vector_load %arg9[%get3A_904, %get3A_905] {strides = array<i32>} : memref<64x256xf32, #tpu.memory_space<vmem>>, vector<16xf32>,
            %mul3A_907 = arith.mulf %broadcast_in_dim3A_868, %get3A_906 : vector<16xf32>
            %add3A_908 = arith.addf %add3A_865, %mul3A_907 : vector<16xf32>
            %slice3A_909 = vector.extract_strided_slice %get3A_308 {offsets = [14], sizes = [1], strides = [1]} : vector<16xf32> to vector<1xf32>
            %squeeze3A_910 = vector.extract %slice3A_909[0] : f32 from vector<1xf32>
            %broadcast_in_dim3A_911 = vector.broadcast %squeeze3A_910 : f32 to vector<16xf32>
            %mul3A_912 = arith.constant 16 : i32
            %mul3A_913 = arith.muli %scan3A_297, %mul3A_912 : i32
            %add3A_914 = arith.constant 14 : i32
            %add3A_915 = arith.addi %mul3A_913, %add3A_914 : i32
            %mul3A_916 = arith.constant 64 : i32
            %mul3A_917 = arith.muli %scan3A_140, %mul3A_916 : i32
            %add3A_918 = arith.constant 0 : i32
            %add3A_919 = arith.addi %mul3A_917, %add3A_918 : i32
            %get3A_920 = arith.index_cast %add3A_915 : i32 to index
            %get3A_921 = arith.index_cast %add3A_919 : i32 to index
            %get3A_922 = tpu.vector_load %arg9[%get3A_920, %get3A_921] {strides = array<i32>} : memref<64x256xf32, #tpu.memory_space<vmem>>, vector<16xf32>,
            %mul3A_923 = arith.mulf %broadcast_in_dim3A_911, %get3A_922 : vector<16xf32>
            %add3A_924 = arith.addf %add3A_881, %mul3A_923 : vector<16xf32>
            %mul3A_925 = arith.constant 64 : i32
            %mul3A_926 = arith.muli %scan3A_140, %mul3A_925 : i32
            %add3A_927 = arith.constant 16 : i32
            %add3A_928 = arith.addi %mul3A_926, %add3A_927 : i32
            %get3A_929 = arith.index_cast %add3A_915 : i32 to index
            %get3A_930 = arith.index_cast %add3A_928 : i32 to index
            %get3A_931 = tpu.vector_load %arg9[%get3A_929, %get3A_930] {strides = array<i32>} : memref<64x256xf32, #tpu.memory_space<vmem>>, vector<16xf32>,
            %mul3A_932 = arith.mulf %broadcast_in_dim3A_911, %get3A_931 : vector<16xf32>
            %add3A_933 = arith.addf %add3A_890, %mul3A_932 : vector<16xf32>
            %mul3A_934 = arith.constant 64 : i32
            %mul3A_935 = arith.muli %scan3A_140, %mul3A_934 : i32
            %add3A_936 = arith.constant 32 : i32
            %add3A_937 = arith.addi %mul3A_935, %add3A_936 : i32
            %get3A_938 = arith.index_cast %add3A_915 : i32 to index
            %get3A_939 = arith.index_cast %add3A_937 : i32 to index
            %get3A_940 = tpu.vector_load %arg9[%get3A_938, %get3A_939] {strides = array<i32>} : memref<64x256xf32, #tpu.memory_space<vmem>>, vector<16xf32>,
            %mul3A_941 = arith.mulf %broadcast_in_dim3A_911, %get3A_940 : vector<16xf32>
            %add3A_942 = arith.addf %add3A_899, %mul3A_941 : vector<16xf32>
            %mul3A_943 = arith.constant 64 : i32
            %mul3A_944 = arith.muli %scan3A_140, %mul3A_943 : i32
            %add3A_945 = arith.constant 48 : i32
            %add3A_946 = arith.addi %mul3A_944, %add3A_945 : i32
            %get3A_947 = arith.index_cast %add3A_915 : i32 to index
            %get3A_948 = arith.index_cast %add3A_946 : i32 to index
            %get3A_949 = tpu.vector_load %arg9[%get3A_947, %get3A_948] {strides = array<i32>} : memref<64x256xf32, #tpu.memory_space<vmem>>, vector<16xf32>,
            %mul3A_950 = arith.mulf %broadcast_in_dim3A_911, %get3A_949 : vector<16xf32>
            %add3A_951 = arith.addf %add3A_908, %mul3A_950 : vector<16xf32>
            %slice3A_952 = vector.extract_strided_slice %get3A_308 {offsets = [15], sizes = [1], strides = [1]} : vector<16xf32> to vector<1xf32>
            %squeeze3A_953 = vector.extract %slice3A_952[0] : f32 from vector<1xf32>
            %broadcast_in_dim3A_954 = vector.broadcast %squeeze3A_953 : f32 to vector<16xf32>
            %mul3A_955 = arith.constant 16 : i32
            %mul3A_956 = arith.muli %scan3A_297, %mul3A_955 : i32
            %add3A_957 = arith.constant 15 : i32
            %add3A_958 = arith.addi %mul3A_956, %add3A_957 : i32
            %mul3A_959 = arith.constant 64 : i32
            %mul3A_960 = arith.muli %scan3A_140, %mul3A_959 : i32
            %add3A_961 = arith.constant 0 : i32
            %add3A_962 = arith.addi %mul3A_960, %add3A_961 : i32
            %get3A_963 = arith.index_cast %add3A_958 : i32 to index
            %get3A_964 = arith.index_cast %add3A_962 : i32 to index
            %get3A_965 = tpu.vector_load %arg9[%get3A_963, %get3A_964] {strides = array<i32>} : memref<64x256xf32, #tpu.memory_space<vmem>>, vector<16xf32>,
            %mul3A_966 = arith.mulf %broadcast_in_dim3A_954, %get3A_965 : vector<16xf32>
            %add3A_967 = arith.addf %add3A_924, %mul3A_966 : vector<16xf32>
            %mul3A_968 = arith.constant 64 : i32
            %mul3A_969 = arith.muli %scan3A_140, %mul3A_968 : i32
            %add3A_970 = arith.constant 16 : i32
            %add3A_971 = arith.addi %mul3A_969, %add3A_970 : i32
            %get3A_972 = arith.index_cast %add3A_958 : i32 to index
            %get3A_973 = arith.index_cast %add3A_971 : i32 to index
            %get3A_974 = tpu.vector_load %arg9[%get3A_972, %get3A_973] {strides = array<i32>} : memref<64x256xf32, #tpu.memory_space<vmem>>, vector<16xf32>,
            %mul3A_975 = arith.mulf %broadcast_in_dim3A_954, %get3A_974 : vector<16xf32>
            %add3A_976 = arith.addf %add3A_933, %mul3A_975 : vector<16xf32>
            %mul3A_977 = arith.constant 64 : i32
            %mul3A_978 = arith.muli %scan3A_140, %mul3A_977 : i32
            %add3A_979 = arith.constant 32 : i32
            %add3A_980 = arith.addi %mul3A_978, %add3A_979 : i32
            %get3A_981 = arith.index_cast %add3A_958 : i32 to index
            %get3A_982 = arith.index_cast %add3A_980 : i32 to index
            %get3A_983 = tpu.vector_load %arg9[%get3A_981, %get3A_982] {strides = array<i32>} : memref<64x256xf32, #tpu.memory_space<vmem>>, vector<16xf32>,
            %mul3A_984 = arith.mulf %broadcast_in_dim3A_954, %get3A_983 : vector<16xf32>
            %add3A_985 = arith.addf %add3A_942, %mul3A_984 : vector<16xf32>
            %mul3A_986 = arith.constant 64 : i32
            %mul3A_987 = arith.muli %scan3A_140, %mul3A_986 : i32
            %add3A_988 = arith.constant 48 : i32
            %add3A_989 = arith.addi %mul3A_987, %add3A_988 : i32
            %get3A_990 = arith.index_cast %add3A_958 : i32 to index
            %get3A_991 = arith.index_cast %add3A_989 : i32 to index
            %get3A_992 = tpu.vector_load %arg9[%get3A_990, %get3A_991] {strides = array<i32>} : memref<64x256xf32, #tpu.memory_space<vmem>>, vector<16xf32>,
            %mul3A_993 = arith.mulf %broadcast_in_dim3A_954, %get3A_992 : vector<16xf32>
            %add3A_994 = arith.addf %add3A_951, %mul3A_993 : vector<16xf32>
            scf.yield %add3A_967, %add3A_976, %add3A_985, %add3A_994 : vector<16xf32>, vector<16xf32>, vector<16xf32>, vector<16xf32>
          }
          %scan3A_268 = arith.constant 4 : i32
          %mul3A_269 = arith.constant 64 : i32
          %mul3A_270 = arith.muli %scan3A_140, %mul3A_269 : i32
          %add3A_271 = arith.constant 0 : i32
          %add3A_272 = arith.addi %mul3A_270, %add3A_271 : i32
          %swap3A_273 = arith.index_cast %add3A_81 : i32 to index
          %swap3A_274 = arith.index_cast %add3A_272 : i32 to index
          %swap3A_275 = tpu.vector_load %arg12[%swap3A_273, %swap3A_274] {strides = array<i32>} : memref<64x256xf32, #tpu.memory_space<vmem>>, vector<16xf32>,
          tpu.vector_store %arg12[%swap3A_273, %swap3A_274], %scan3A_267#0 {strides = array<i32>} : memref<64x256xf32, #tpu.memory_space<vmem>>, vector<16xf32>,
          %mul3A_276 = arith.constant 64 : i32
          %mul3A_277 = arith.muli %scan3A_140, %mul3A_276 : i32
          %add3A_278 = arith.constant 16 : i32
          %add3A_279 = arith.addi %mul3A_277, %add3A_278 : i32
          %swap3A_280 = arith.index_cast %add3A_81 : i32 to index
          %swap3A_281 = arith.index_cast %add3A_279 : i32 to index
          %swap3A_282 = tpu.vector_load %arg12[%swap3A_280, %swap3A_281] {strides = array<i32>} : memref<64x256xf32, #tpu.memory_space<vmem>>, vector<16xf32>,
          tpu.vector_store %arg12[%swap3A_280, %swap3A_281], %scan3A_267#1 {strides = array<i32>} : memref<64x256xf32, #tpu.memory_space<vmem>>, vector<16xf32>,
          %mul3A_283 = arith.constant 64 : i32
          %mul3A_284 = arith.muli %scan3A_140, %mul3A_283 : i32
          %add3A_285 = arith.constant 32 : i32
          %add3A_286 = arith.addi %mul3A_284, %add3A_285 : i32
          %swap3A_287 = arith.index_cast %add3A_81 : i32 to index
          %swap3A_288 = arith.index_cast %add3A_286 : i32 to index
          %swap3A_289 = tpu.vector_load %arg12[%swap3A_287, %swap3A_288] {strides = array<i32>} : memref<64x256xf32, #tpu.memory_space<vmem>>, vector<16xf32>,
          tpu.vector_store %arg12[%swap3A_287, %swap3A_288], %scan3A_267#2 {strides = array<i32>} : memref<64x256xf32, #tpu.memory_space<vmem>>, vector<16xf32>,
          %mul3A_290 = arith.constant 64 : i32
          %mul3A_291 = arith.muli %scan3A_140, %mul3A_290 : i32
          %add3A_292 = arith.constant 48 : i32
          %add3A_293 = arith.addi %mul3A_291, %add3A_292 : i32
          %swap3A_294 = arith.index_cast %add3A_81 : i32 to index
          %swap3A_295 = arith.index_cast %add3A_293 : i32 to index
          %swap3A_296 = tpu.vector_load %arg12[%swap3A_294, %swap3A_295] {strides = array<i32>} : memref<64x256xf32, #tpu.memory_space<vmem>>, vector<16xf32>,
          tpu.vector_store %arg12[%swap3A_294, %swap3A_295], %scan3A_267#3 {strides = array<i32>} : memref<64x256xf32, #tpu.memory_space<vmem>>, vector<16xf32>,
        }
        %scan3A_112 = arith.constant 4 : i32
        %add3A_113 = arith.constant 2 : i32
        %add3A_114 = arith.addi %add3A_81, %add3A_113 : i32
        %lt3A_115 = arith.constant 64 : i32
        %lt3A_116 = arith.cmpi slt, %add3A_114, %lt3A_115 : i32
        %convert_element_type3A = arith.extui %lt3A_116 : i1 to i32
        %cond3A = arith.constant 0 : i32
        %cond3A_117 = arith.cmpi ne, %convert_element_type3A, %cond3A : i32
        scf.if %cond3A_117 {
          %add3A_140 = arith.constant 2 : i32
          %add3A_141 = arith.addi %add3A_81, %add3A_140 : i32
          %dma_start3A_142 = arith.constant 0 : i32
          %dma_start3A_143 = tpu.memref_slice %arg14[%add3A_141, %dma_start3A_142] : memref<64x64xi32, #tpu.memory_space<vmem>> -> memref<1x64xi32, #tpu.memory_space<vmem>>
          %dma_start3A_144 = tpu.memref_squeeze %dma_start3A_143 : memref<1x64xi32, #tpu.memory_space<vmem>> -> memref<64xi32, #tpu.memory_space<vmem>>
          %dma_start3A_145 = arith.constant 0 : i32
          %dma_start3A_146 = arith.constant 0 : i32
          %dma_start3A_147 = tpu.memref_slice %arg3[%dma_start3A_145, %dma_start3A_146] : memref<32768x256xbf16, #tpu.memory_space<hbm>> -> memref<32768x256xbf16, #tpu.memory_space<hbm>>
          tpu.enqueue_indirect_dma source(%dma_start3A_147 : memref<32768x256xbf16, #tpu.memory_space<hbm>>) target(%arg7 : memref<64x256xbf16, #tpu.memory_space<vmem>>) offsets(%dma_start3A_144 : memref<64xi32, #tpu.memory_space<vmem>>) semaphore(%arg16 : memref<!tpu.dma_semaphore, #tpu.memory_space<semaphore_mem>>)
          %dma_start3A_148 = arith.constant 0 : i32
          %dma_start3A_149 = tpu.memref_slice %arg14[%add3A_141, %dma_start3A_148] : memref<64x64xi32, #tpu.memory_space<vmem>> -> memref<1x64xi32, #tpu.memory_space<vmem>>
          %dma_start3A_150 = tpu.memref_squeeze %dma_start3A_149 : memref<1x64xi32, #tpu.memory_space<vmem>> -> memref<64xi32, #tpu.memory_space<vmem>>
          %dma_start3A_151 = arith.constant 0 : i32
          %dma_start3A_152 = arith.constant 0 : i32
          %dma_start3A_153 = tpu.memref_slice %arg4[%dma_start3A_151, %dma_start3A_152] : memref<32768x256xf32, #tpu.memory_space<hbm>> -> memref<32768x256xf32, #tpu.memory_space<hbm>>
          tpu.enqueue_indirect_dma source(%dma_start3A_153 : memref<32768x256xf32, #tpu.memory_space<hbm>>) target(%arg9 : memref<64x256xf32, #tpu.memory_space<vmem>>) offsets(%dma_start3A_150 : memref<64xi32, #tpu.memory_space<vmem>>) semaphore(%arg18 : memref<!tpu.dma_semaphore, #tpu.memory_space<semaphore_mem>>)
        } else {
        }
        %add3A_118 = arith.constant 1 : i32
        %add3A_119 = arith.addi %add3A_81, %add3A_118 : i32
        %dma_wait3A_120 = arith.constant 0 : i32
        %dma_wait3A_121 = tpu.memref_slice %arg14[%add3A_119, %dma_wait3A_120] : memref<64x64xi32, #tpu.memory_space<vmem>> -> memref<1x64xi32, #tpu.memory_space<vmem>>
        %dma_wait3A_122 = tpu.memref_squeeze %dma_wait3A_121 : memref<1x64xi32, #tpu.memory_space<vmem>> -> memref<64xi32, #tpu.memory_space<vmem>>
        %dma_wait3A_123 = arith.constant 0 : i32
        %dma_wait3A_124 = arith.constant 0 : i32
        %dma_wait3A_125 = tpu.memref_slice %arg3[%dma_wait3A_123, %dma_wait3A_124] : memref<32768x256xbf16, #tpu.memory_space<hbm>> -> memref<32768x256xbf16, #tpu.memory_space<hbm>>
        tpu.wait_indirect_dma semaphore(%arg17 : memref<!tpu.dma_semaphore, #tpu.memory_space<semaphore_mem>>) src(%dma_wait3A_125 : memref<32768x256xbf16, #tpu.memory_space<hbm>>) dst(%arg8 : memref<64x256xbf16, #tpu.memory_space<vmem>>)
        %dma_wait3A_126 = arith.constant 0 : i32
        %dma_wait3A_127 = tpu.memref_slice %arg14[%add3A_119, %dma_wait3A_126] : memref<64x64xi32, #tpu.memory_space<vmem>> -> memref<1x64xi32, #tpu.memory_space<vmem>>
        %dma_wait3A_128 = tpu.memref_squeeze %dma_wait3A_127 : memref<1x64xi32, #tpu.memory_space<vmem>> -> memref<64xi32, #tpu.memory_space<vmem>>
        %dma_wait3A_129 = arith.constant 0 : i32
        %dma_wait3A_130 = arith.constant 0 : i32
        %dma_wait3A_131 = tpu.memref_slice %arg4[%dma_wait3A_129, %dma_wait3A_130] : memref<32768x256xf32, #tpu.memory_space<hbm>> -> memref<32768x256xf32, #tpu.memory_space<hbm>>
        tpu.wait_indirect_dma semaphore(%arg19 : memref<!tpu.dma_semaphore, #tpu.memory_space<semaphore_mem>>) src(%dma_wait3A_131 : memref<32768x256xf32, #tpu.memory_space<hbm>>) dst(%arg10 : memref<64x256xf32, #tpu.memory_space<vmem>>)
        %add3A_132 = arith.constant 1 : i32
        %add3A_133 = arith.addi %add3A_81, %add3A_132 : i32
        %scan3A_134 = arith.constant 0 : i32
        %scan3A_135 = arith.constant 0 : i32
        %scan3A_136 = arith.constant 4 : i32
        %scan3A_137 = arith.addi %scan3A_135, %scan3A_136 : i32
        %scan3A_138 = arith.constant 1 : i32
        scf.for %scan3A_140 = %scan3A_135 to %scan3A_137 step %scan3A_138  : i32 {
          %mul3A_141 = arith.constant 64 : i32
          %mul3A_142 = arith.muli %scan3A_140, %mul3A_141 : i32
          %add3A_143 = arith.constant 0 : i32
          %add3A_144 = arith.addi %mul3A_142, %add3A_143 : i32
          %get3A = arith.index_cast %add3A_133 : i32 to index
          %get3A_145 = arith.index_cast %add3A_144 : i32 to index
          %get3A_146 = tpu.vector_load %arg11[%get3A, %get3A_145] {strides = array<i32>} : memref<64x256xf32, #tpu.memory_space<vmem>>, vector<16xf32>,
          %mul3A_147 = arith.constant 64 : i32
          %mul3A_148 = arith.muli %scan3A_140, %mul3A_147 : i32
          %add3A_149 = arith.constant 16 : i32
          %add3A_150 = arith.addi %mul3A_148, %add3A_149 : i32
          %get3A_151 = arith.index_cast %add3A_133 : i32 to index
          %get3A_152 = arith.index_cast %add3A_150 : i32 to index
          %get3A_153 = tpu.vector_load %arg11[%get3A_151, %get3A_152] {strides = array<i32>} : memref<64x256xf32, #tpu.memory_space<vmem>>, vector<16xf32>,
          %mul3A_154 = arith.constant 64 : i32
          %mul3A_155 = arith.muli %scan3A_140, %mul3A_154 : i32
          %add3A_156 = arith.constant 32 : i32
          %add3A_157 = arith.addi %mul3A_155, %add3A_156 : i32
          %get3A_158 = arith.index_cast %add3A_133 : i32 to index
          %get3A_159 = arith.index_cast %add3A_157 : i32 to index
          %get3A_160 = tpu.vector_load %arg11[%get3A_158, %get3A_159] {strides = array<i32>} : memref<64x256xf32, #tpu.memory_space<vmem>>, vector<16xf32>,
          %mul3A_161 = arith.constant 64 : i32
          %mul3A_162 = arith.muli %scan3A_140, %mul3A_161 : i32
          %add3A_163 = arith.constant 48 : i32
          %add3A_164 = arith.addi %mul3A_162, %add3A_163 : i32
          %get3A_165 = arith.index_cast %add3A_133 : i32 to index
          %get3A_166 = arith.index_cast %add3A_164 : i32 to index
          %get3A_167 = tpu.vector_load %arg11[%get3A_165, %get3A_166] {strides = array<i32>} : memref<64x256xf32, #tpu.memory_space<vmem>>, vector<16xf32>,
          %scan3A_168 = arith.constant 0 : i32
          %scan3A_169 = arith.constant 0 : i32
          %scan3A_170 = arith.constant 4 : i32
          %scan3A_171 = arith.addi %scan3A_169, %scan3A_170 : i32
          %scan3A_172 = arith.constant 1 : i32
          scf.for %scan3A_297 = %scan3A_169 to %scan3A_171 step %scan3A_172  : i32 {
            %mul3A_298 = arith.constant 16 : i32
            %mul3A_299 = arith.muli %scan3A_297, %mul3A_298 : i32
            %add3A_300 = arith.constant 0 : i32
            %add3A_301 = arith.addi %mul3A_299, %add3A_300 : i32
            %mul3A_302 = arith.constant 64 : i32
            %mul3A_303 = arith.muli %scan3A_140, %mul3A_302 : i32
            %add3A_304 = arith.constant 0 : i32
            %add3A_305 = arith.addi %mul3A_303, %add3A_304 : i32
            %get3A_306 = arith.index_cast %add3A_301 : i32 to index
            %get3A_307 = arith.index_cast %add3A_305 : i32 to index
            %get3A_308 = tpu.vector_load %arg8[%get3A_306, %get3A_307] {strides = array<i32>} : memref<64x256xbf16, #tpu.memory_space<vmem>>, vector<32xbf16>,
            %bitcast3A = vector.bitcast %get3A_308 : vector<32xbf16> to vector<16xi32>
            %shift_left3A = arith.constant 16 : i32
            %shift_left3A_309 = vector.broadcast %shift_left3A : i32 to vector<16xi32>
            %shift_left3A_310 = arith.shli %bitcast3A, %shift_left3A_309 : vector<16xi32>
            %bitcast3A_311 = vector.bitcast %shift_left3A_310 : vector<16xi32> to vector<16xf32>
            %and3A_312 = arith.andi %bitcast3A, %broadcast_in_dim3A_35 : vector<16xi32>
            %bitcast3A_313 = vector.bitcast %and3A_312 : vector<16xi32> to vector<16xf32>
            %mul3A_314 = arith.mulf %bitcast3A_311, %get3A_146 : vector<16xf32>
            %mul3A_315 = arith.mulf %bitcast3A_313, %get3A_153 : vector<16xf32>
            %add3A_316 = arith.addf %mul3A_314, %mul3A_315 : vector<16xf32>
            %mul3A_317 = arith.constant 64 : i32
            %mul3A_318 = arith.muli %scan3A_140, %mul3A_317 : i32
            %add3A_319 = arith.constant 32 : i32
            %add3A_320 = arith.addi %mul3A_318, %add3A_319 : i32
            %get3A_321 = arith.index_cast %add3A_301 : i32 to index
            %get3A_322 = arith.index_cast %add3A_320 : i32 to index
            %get3A_323 = tpu.vector_load %arg8[%get3A_321, %get3A_322] {strides = array<i32>} : memref<64x256xbf16, #tpu.memory_space<vmem>>, vector<32xbf16>,
            %bitcast3A_324 = vector.bitcast %get3A_323 : vector<32xbf16> to vector<16xi32>
            %shift_left3A_325 = arith.constant 16 : i32
            %shift_left3A_326 = vector.broadcast %shift_left3A_325 : i32 to vector<16xi32>
            %shift_left3A_327 = arith.shli %bitcast3A_324, %shift_left3A_326 : vector<16xi32>
            %bitcast3A_328 = vector.bitcast %shift_left3A_327 : vector<16xi32> to vector<16xf32>
            %and3A_329 = arith.andi %bitcast3A_324, %broadcast_in_dim3A_35 : vector<16xi32>
            %bitcast3A_330 = vector.bitcast %and3A_329 : vector<16xi32> to vector<16xf32>
            %mul3A_331 = arith.mulf %bitcast3A_328, %get3A_160 : vector<16xf32>
            %mul3A_332 = arith.mulf %bitcast3A_330, %get3A_167 : vector<16xf32>
            %add3A_333 = arith.addf %mul3A_331, %mul3A_332 : vector<16xf32>
            %add3A_334 = arith.addf %add3A_316, %add3A_333 : vector<16xf32>
            %reduce_sum3A_335 = arith.constant true
            %reduce_sum3A_336 = vector.broadcast %reduce_sum3A_335 : i1 to vector<16xi1>
            %reduce_sum3A_337 = tpu.scan <sum>, %add3A_334 masked %reduce_sum3A_336 : vector<16xf32>, vector<16xi1> -> vector<16xf32>
            %reduce_sum3A_338 = vector.extract %reduce_sum3A_337[15] : f32 from vector<16xf32>
            %broadcast_in_dim3A_339 = vector.broadcast %reduce_sum3A_338 : f32 to vector<16xf32>
            %eq3A_340 = arith.constant 0 : i32
            %eq3A_341 = vector.broadcast %eq3A_340 : i32 to vector<16xi32>
            %eq3A_342 = arith.cmpi eq, %iota3A, %eq3A_341 : vector<16xi32>
            %select_n3A_343 = arith.select %eq3A_342, %broadcast_in_dim3A_339, %broadcast_in_dim3A_33 : vector<16xi1>, vector<16xf32>
            %mul3A_344 = arith.constant 16 : i32
            %mul3A_345 = arith.muli %scan3A_297, %mul3A_344 : i32
            %add3A_346 = arith.constant 1 : i32
            %add3A_347 = arith.addi %mul3A_345, %add3A_346 : i32
            %mul3A_348 = arith.constant 64 : i32
            %mul3A_349 = arith.muli %scan3A_140, %mul3A_348 : i32
            %add3A_350 = arith.constant 0 : i32
            %add3A_351 = arith.addi %mul3A_349, %add3A_350 : i32
            %get3A_352 = arith.index_cast %add3A_347 : i32 to index
            %get3A_353 = arith.index_cast %add3A_351 : i32 to index
            %get3A_354 = tpu.vector_load %arg8[%get3A_352, %get3A_353] {strides = array<i32>} : memref<64x256xbf16, #tpu.memory_space<vmem>>, vector<32xbf16>,
            %bitcast3A_355 = vector.bitcast %get3A_354 : vector<32xbf16> to vector<16xi32>
            %shift_left3A_356 = arith.constant 16 : i32
            %shift_left3A_357 = vector.broadcast %shift_left3A_356 : i32 to vector<16xi32>
            %shift_left3A_358 = arith.shli %bitcast3A_355, %shift_left3A_357 : vector<16xi32>
            %bitcast3A_359 = vector.bitcast %shift_left3A_358 : vector<16xi32> to vector<16xf32>
            %and3A_360 = arith.andi %bitcast3A_355, %broadcast_in_dim3A_35 : vector<16xi32>
            %bitcast3A_361 = vector.bitcast %and3A_360 : vector<16xi32> to vector<16xf32>
            %mul3A_362 = arith.mulf %bitcast3A_359, %get3A_146 : vector<16xf32>
            %mul3A_363 = arith.mulf %bitcast3A_361, %get3A_153 : vector<16xf32>
            %add3A_364 = arith.addf %mul3A_362, %mul3A_363 : vector<16xf32>
            %mul3A_365 = arith.constant 64 : i32
            %mul3A_366 = arith.muli %scan3A_140, %mul3A_365 : i32
            %add3A_367 = arith.constant 32 : i32
            %add3A_368 = arith.addi %mul3A_366, %add3A_367 : i32
            %get3A_369 = arith.index_cast %add3A_347 : i32 to index
            %get3A_370 = arith.index_cast %add3A_368 : i32 to index
            %get3A_371 = tpu.vector_load %arg8[%get3A_369, %get3A_370] {strides = array<i32>} : memref<64x256xbf16, #tpu.memory_space<vmem>>, vector<32xbf16>,
            %bitcast3A_372 = vector.bitcast %get3A_371 : vector<32xbf16> to vector<16xi32>
            %shift_left3A_373 = arith.constant 16 : i32
            %shift_left3A_374 = vector.broadcast %shift_left3A_373 : i32 to vector<16xi32>
            %shift_left3A_375 = arith.shli %bitcast3A_372, %shift_left3A_374 : vector<16xi32>
            %bitcast3A_376 = vector.bitcast %shift_left3A_375 : vector<16xi32> to vector<16xf32>
            %and3A_377 = arith.andi %bitcast3A_372, %broadcast_in_dim3A_35 : vector<16xi32>
            %bitcast3A_378 = vector.bitcast %and3A_377 : vector<16xi32> to vector<16xf32>
            %mul3A_379 = arith.mulf %bitcast3A_376, %get3A_160 : vector<16xf32>
            %mul3A_380 = arith.mulf %bitcast3A_378, %get3A_167 : vector<16xf32>
            %add3A_381 = arith.addf %mul3A_379, %mul3A_380 : vector<16xf32>
            %add3A_382 = arith.addf %add3A_364, %add3A_381 : vector<16xf32>
            %reduce_sum3A_383 = arith.constant true
            %reduce_sum3A_384 = vector.broadcast %reduce_sum3A_383 : i1 to vector<16xi1>
            %reduce_sum3A_385 = tpu.scan <sum>, %add3A_382 masked %reduce_sum3A_384 : vector<16xf32>, vector<16xi1> -> vector<16xf32>
            %reduce_sum3A_386 = vector.extract %reduce_sum3A_385[15] : f32 from vector<16xf32>
            %broadcast_in_dim3A_387 = vector.broadcast %reduce_sum3A_386 : f32 to vector<16xf32>
            %eq3A_388 = arith.constant 1 : i32
            %eq3A_389 = vector.broadcast %eq3A_388 : i32 to vector<16xi32>
            %eq3A_390 = arith.cmpi eq, %iota3A, %eq3A_389 : vector<16xi32>
            %select_n3A_391 = arith.select %eq3A_390, %broadcast_in_dim3A_387, %broadcast_in_dim3A_33 : vector<16xi1>, vector<16xf32>
            %mul3A_392 = arith.constant 16 : i32
            %mul3A_393 = arith.muli %scan3A_297, %mul3A_392 : i32
            %add3A_394 = arith.constant 2 : i32
            %add3A_395 = arith.addi %mul3A_393, %add3A_394 : i32
            %mul3A_396 = arith.constant 64 : i32
            %mul3A_397 = arith.muli %scan3A_140, %mul3A_396 : i32
            %add3A_398 = arith.constant 0 : i32
            %add3A_399 = arith.addi %mul3A_397, %add3A_398 : i32
            %get3A_400 = arith.index_cast %add3A_395 : i32 to index
            %get3A_401 = arith.index_cast %add3A_399 : i32 to index
            %get3A_402 = tpu.vector_load %arg8[%get3A_400, %get3A_401] {strides = array<i32>} : memref<64x256xbf16, #tpu.memory_space<vmem>>, vector<32xbf16>,
            %bitcast3A_403 = vector.bitcast %get3A_402 : vector<32xbf16> to vector<16xi32>
            %shift_left3A_404 = arith.constant 16 : i32
            %shift_left3A_405 = vector.broadcast %shift_left3A_404 : i32 to vector<16xi32>
            %shift_left3A_406 = arith.shli %bitcast3A_403, %shift_left3A_405 : vector<16xi32>
            %bitcast3A_407 = vector.bitcast %shift_left3A_406 : vector<16xi32> to vector<16xf32>
            %and3A_408 = arith.andi %bitcast3A_403, %broadcast_in_dim3A_35 : vector<16xi32>
            %bitcast3A_409 = vector.bitcast %and3A_408 : vector<16xi32> to vector<16xf32>
            %mul3A_410 = arith.mulf %bitcast3A_407, %get3A_146 : vector<16xf32>
            %mul3A_411 = arith.mulf %bitcast3A_409, %get3A_153 : vector<16xf32>
            %add3A_412 = arith.addf %mul3A_410, %mul3A_411 : vector<16xf32>
            %mul3A_413 = arith.constant 64 : i32
            %mul3A_414 = arith.muli %scan3A_140, %mul3A_413 : i32
            %add3A_415 = arith.constant 32 : i32
            %add3A_416 = arith.addi %mul3A_414, %add3A_415 : i32
            %get3A_417 = arith.index_cast %add3A_395 : i32 to index
            %get3A_418 = arith.index_cast %add3A_416 : i32 to index
            %get3A_419 = tpu.vector_load %arg8[%get3A_417, %get3A_418] {strides = array<i32>} : memref<64x256xbf16, #tpu.memory_space<vmem>>, vector<32xbf16>,
            %bitcast3A_420 = vector.bitcast %get3A_419 : vector<32xbf16> to vector<16xi32>
            %shift_left3A_421 = arith.constant 16 : i32
            %shift_left3A_422 = vector.broadcast %shift_left3A_421 : i32 to vector<16xi32>
            %shift_left3A_423 = arith.shli %bitcast3A_420, %shift_left3A_422 : vector<16xi32>
            %bitcast3A_424 = vector.bitcast %shift_left3A_423 : vector<16xi32> to vector<16xf32>
            %and3A_425 = arith.andi %bitcast3A_420, %broadcast_in_dim3A_35 : vector<16xi32>
            %bitcast3A_426 = vector.bitcast %and3A_425 : vector<16xi32> to vector<16xf32>
            %mul3A_427 = arith.mulf %bitcast3A_424, %get3A_160 : vector<16xf32>
            %mul3A_428 = arith.mulf %bitcast3A_426, %get3A_167 : vector<16xf32>
            %add3A_429 = arith.addf %mul3A_427, %mul3A_428 : vector<16xf32>
            %add3A_430 = arith.addf %add3A_412, %add3A_429 : vector<16xf32>
            %reduce_sum3A_431 = arith.constant true
            %reduce_sum3A_432 = vector.broadcast %reduce_sum3A_431 : i1 to vector<16xi1>
            %reduce_sum3A_433 = tpu.scan <sum>, %add3A_430 masked %reduce_sum3A_432 : vector<16xf32>, vector<16xi1> -> vector<16xf32>
            %reduce_sum3A_434 = vector.extract %reduce_sum3A_433[15] : f32 from vector<16xf32>
            %broadcast_in_dim3A_435 = vector.broadcast %reduce_sum3A_434 : f32 to vector<16xf32>
            %eq3A_436 = arith.constant 2 : i32
            %eq3A_437 = vector.broadcast %eq3A_436 : i32 to vector<16xi32>
            %eq3A_438 = arith.cmpi eq, %iota3A, %eq3A_437 : vector<16xi32>
            %select_n3A_439 = arith.select %eq3A_438, %broadcast_in_dim3A_435, %broadcast_in_dim3A_33 : vector<16xi1>, vector<16xf32>
            %mul3A_440 = arith.constant 16 : i32
            %mul3A_441 = arith.muli %scan3A_297, %mul3A_440 : i32
            %add3A_442 = arith.constant 3 : i32
            %add3A_443 = arith.addi %mul3A_441, %add3A_442 : i32
            %mul3A_444 = arith.constant 64 : i32
            %mul3A_445 = arith.muli %scan3A_140, %mul3A_444 : i32
            %add3A_446 = arith.constant 0 : i32
            %add3A_447 = arith.addi %mul3A_445, %add3A_446 : i32
            %get3A_448 = arith.index_cast %add3A_443 : i32 to index
            %get3A_449 = arith.index_cast %add3A_447 : i32 to index
            %get3A_450 = tpu.vector_load %arg8[%get3A_448, %get3A_449] {strides = array<i32>} : memref<64x256xbf16, #tpu.memory_space<vmem>>, vector<32xbf16>,
            %bitcast3A_451 = vector.bitcast %get3A_450 : vector<32xbf16> to vector<16xi32>
            %shift_left3A_452 = arith.constant 16 : i32
            %shift_left3A_453 = vector.broadcast %shift_left3A_452 : i32 to vector<16xi32>
            %shift_left3A_454 = arith.shli %bitcast3A_451, %shift_left3A_453 : vector<16xi32>
            %bitcast3A_455 = vector.bitcast %shift_left3A_454 : vector<16xi32> to vector<16xf32>
            %and3A_456 = arith.andi %bitcast3A_451, %broadcast_in_dim3A_35 : vector<16xi32>
            %bitcast3A_457 = vector.bitcast %and3A_456 : vector<16xi32> to vector<16xf32>
            %mul3A_458 = arith.mulf %bitcast3A_455, %get3A_146 : vector<16xf32>
            %mul3A_459 = arith.mulf %bitcast3A_457, %get3A_153 : vector<16xf32>
            %add3A_460 = arith.addf %mul3A_458, %mul3A_459 : vector<16xf32>
            %mul3A_461 = arith.constant 64 : i32
            %mul3A_462 = arith.muli %scan3A_140, %mul3A_461 : i32
            %add3A_463 = arith.constant 32 : i32
            %add3A_464 = arith.addi %mul3A_462, %add3A_463 : i32
            %get3A_465 = arith.index_cast %add3A_443 : i32 to index
            %get3A_466 = arith.index_cast %add3A_464 : i32 to index
            %get3A_467 = tpu.vector_load %arg8[%get3A_465, %get3A_466] {strides = array<i32>} : memref<64x256xbf16, #tpu.memory_space<vmem>>, vector<32xbf16>,
            %bitcast3A_468 = vector.bitcast %get3A_467 : vector<32xbf16> to vector<16xi32>
            %shift_left3A_469 = arith.constant 16 : i32
            %shift_left3A_470 = vector.broadcast %shift_left3A_469 : i32 to vector<16xi32>
            %shift_left3A_471 = arith.shli %bitcast3A_468, %shift_left3A_470 : vector<16xi32>
            %bitcast3A_472 = vector.bitcast %shift_left3A_471 : vector<16xi32> to vector<16xf32>
            %and3A_473 = arith.andi %bitcast3A_468, %broadcast_in_dim3A_35 : vector<16xi32>
            %bitcast3A_474 = vector.bitcast %and3A_473 : vector<16xi32> to vector<16xf32>
            %mul3A_475 = arith.mulf %bitcast3A_472, %get3A_160 : vector<16xf32>
            %mul3A_476 = arith.mulf %bitcast3A_474, %get3A_167 : vector<16xf32>
            %add3A_477 = arith.addf %mul3A_475, %mul3A_476 : vector<16xf32>
            %add3A_478 = arith.addf %add3A_460, %add3A_477 : vector<16xf32>
            %reduce_sum3A_479 = arith.constant true
            %reduce_sum3A_480 = vector.broadcast %reduce_sum3A_479 : i1 to vector<16xi1>
            %reduce_sum3A_481 = tpu.scan <sum>, %add3A_478 masked %reduce_sum3A_480 : vector<16xf32>, vector<16xi1> -> vector<16xf32>
            %reduce_sum3A_482 = vector.extract %reduce_sum3A_481[15] : f32 from vector<16xf32>
            %broadcast_in_dim3A_483 = vector.broadcast %reduce_sum3A_482 : f32 to vector<16xf32>
            %eq3A_484 = arith.constant 3 : i32
            %eq3A_485 = vector.broadcast %eq3A_484 : i32 to vector<16xi32>
            %eq3A_486 = arith.cmpi eq, %iota3A, %eq3A_485 : vector<16xi32>
            %select_n3A_487 = arith.select %eq3A_486, %broadcast_in_dim3A_483, %broadcast_in_dim3A_33 : vector<16xi1>, vector<16xf32>
            %mul3A_488 = arith.constant 16 : i32
            %mul3A_489 = arith.muli %scan3A_297, %mul3A_488 : i32
            %add3A_490 = arith.constant 4 : i32
            %add3A_491 = arith.addi %mul3A_489, %add3A_490 : i32
            %mul3A_492 = arith.constant 64 : i32
            %mul3A_493 = arith.muli %scan3A_140, %mul3A_492 : i32
            %add3A_494 = arith.constant 0 : i32
            %add3A_495 = arith.addi %mul3A_493, %add3A_494 : i32
            %get3A_496 = arith.index_cast %add3A_491 : i32 to index
            %get3A_497 = arith.index_cast %add3A_495 : i32 to index
            %get3A_498 = tpu.vector_load %arg8[%get3A_496, %get3A_497] {strides = array<i32>} : memref<64x256xbf16, #tpu.memory_space<vmem>>, vector<32xbf16>,
            %bitcast3A_499 = vector.bitcast %get3A_498 : vector<32xbf16> to vector<16xi32>
            %shift_left3A_500 = arith.constant 16 : i32
            %shift_left3A_501 = vector.broadcast %shift_left3A_500 : i32 to vector<16xi32>
            %shift_left3A_502 = arith.shli %bitcast3A_499, %shift_left3A_501 : vector<16xi32>
            %bitcast3A_503 = vector.bitcast %shift_left3A_502 : vector<16xi32> to vector<16xf32>
            %and3A_504 = arith.andi %bitcast3A_499, %broadcast_in_dim3A_35 : vector<16xi32>
            %bitcast3A_505 = vector.bitcast %and3A_504 : vector<16xi32> to vector<16xf32>
            %mul3A_506 = arith.mulf %bitcast3A_503, %get3A_146 : vector<16xf32>
            %mul3A_507 = arith.mulf %bitcast3A_505, %get3A_153 : vector<16xf32>
            %add3A_508 = arith.addf %mul3A_506, %mul3A_507 : vector<16xf32>
            %mul3A_509 = arith.constant 64 : i32
            %mul3A_510 = arith.muli %scan3A_140, %mul3A_509 : i32
            %add3A_511 = arith.constant 32 : i32
            %add3A_512 = arith.addi %mul3A_510, %add3A_511 : i32
            %get3A_513 = arith.index_cast %add3A_491 : i32 to index
            %get3A_514 = arith.index_cast %add3A_512 : i32 to index
            %get3A_515 = tpu.vector_load %arg8[%get3A_513, %get3A_514] {strides = array<i32>} : memref<64x256xbf16, #tpu.memory_space<vmem>>, vector<32xbf16>,
            %bitcast3A_516 = vector.bitcast %get3A_515 : vector<32xbf16> to vector<16xi32>
            %shift_left3A_517 = arith.constant 16 : i32
            %shift_left3A_518 = vector.broadcast %shift_left3A_517 : i32 to vector<16xi32>
            %shift_left3A_519 = arith.shli %bitcast3A_516, %shift_left3A_518 : vector<16xi32>
            %bitcast3A_520 = vector.bitcast %shift_left3A_519 : vector<16xi32> to vector<16xf32>
            %and3A_521 = arith.andi %bitcast3A_516, %broadcast_in_dim3A_35 : vector<16xi32>
            %bitcast3A_522 = vector.bitcast %and3A_521 : vector<16xi32> to vector<16xf32>
            %mul3A_523 = arith.mulf %bitcast3A_520, %get3A_160 : vector<16xf32>
            %mul3A_524 = arith.mulf %bitcast3A_522, %get3A_167 : vector<16xf32>
            %add3A_525 = arith.addf %mul3A_523, %mul3A_524 : vector<16xf32>
            %add3A_526 = arith.addf %add3A_508, %add3A_525 : vector<16xf32>
            %reduce_sum3A_527 = arith.constant true
            %reduce_sum3A_528 = vector.broadcast %reduce_sum3A_527 : i1 to vector<16xi1>
            %reduce_sum3A_529 = tpu.scan <sum>, %add3A_526 masked %reduce_sum3A_528 : vector<16xf32>, vector<16xi1> -> vector<16xf32>
            %reduce_sum3A_530 = vector.extract %reduce_sum3A_529[15] : f32 from vector<16xf32>
            %broadcast_in_dim3A_531 = vector.broadcast %reduce_sum3A_530 : f32 to vector<16xf32>
            %eq3A_532 = arith.constant 4 : i32
            %eq3A_533 = vector.broadcast %eq3A_532 : i32 to vector<16xi32>
            %eq3A_534 = arith.cmpi eq, %iota3A, %eq3A_533 : vector<16xi32>
            %select_n3A_535 = arith.select %eq3A_534, %broadcast_in_dim3A_531, %select_n3A_343 : vector<16xi1>, vector<16xf32>
            %mul3A_536 = arith.constant 16 : i32
            %mul3A_537 = arith.muli %scan3A_297, %mul3A_536 : i32
            %add3A_538 = arith.constant 5 : i32
            %add3A_539 = arith.addi %mul3A_537, %add3A_538 : i32
            %mul3A_540 = arith.constant 64 : i32
            %mul3A_541 = arith.muli %scan3A_140, %mul3A_540 : i32
            %add3A_542 = arith.constant 0 : i32
            %add3A_543 = arith.addi %mul3A_541, %add3A_542 : i32
            %get3A_544 = arith.index_cast %add3A_539 : i32 to index
            %get3A_545 = arith.index_cast %add3A_543 : i32 to index
            %get3A_546 = tpu.vector_load %arg8[%get3A_544, %get3A_545] {strides = array<i32>} : memref<64x256xbf16, #tpu.memory_space<vmem>>, vector<32xbf16>,
            %bitcast3A_547 = vector.bitcast %get3A_546 : vector<32xbf16> to vector<16xi32>
            %shift_left3A_548 = arith.constant 16 : i32
            %shift_left3A_549 = vector.broadcast %shift_left3A_548 : i32 to vector<16xi32>
            %shift_left3A_550 = arith.shli %bitcast3A_547, %shift_left3A_549 : vector<16xi32>
            %bitcast3A_551 = vector.bitcast %shift_left3A_550 : vector<16xi32> to vector<16xf32>
            %and3A_552 = arith.andi %bitcast3A_547, %broadcast_in_dim3A_35 : vector<16xi32>
            %bitcast3A_553 = vector.bitcast %and3A_552 : vector<16xi32> to vector<16xf32>
            %mul3A_554 = arith.mulf %bitcast3A_551, %get3A_146 : vector<16xf32>
            %mul3A_555 = arith.mulf %bitcast3A_553, %get3A_153 : vector<16xf32>
            %add3A_556 = arith.addf %mul3A_554, %mul3A_555 : vector<16xf32>
            %mul3A_557 = arith.constant 64 : i32
            %mul3A_558 = arith.muli %scan3A_140, %mul3A_557 : i32
            %add3A_559 = arith.constant 32 : i32
            %add3A_560 = arith.addi %mul3A_558, %add3A_559 : i32
            %get3A_561 = arith.index_cast %add3A_539 : i32 to index
            %get3A_562 = arith.index_cast %add3A_560 : i32 to index
            %get3A_563 = tpu.vector_load %arg8[%get3A_561, %get3A_562] {strides = array<i32>} : memref<64x256xbf16, #tpu.memory_space<vmem>>, vector<32xbf16>,
            %bitcast3A_564 = vector.bitcast %get3A_563 : vector<32xbf16> to vector<16xi32>
            %shift_left3A_565 = arith.constant 16 : i32
            %shift_left3A_566 = vector.broadcast %shift_left3A_565 : i32 to vector<16xi32>
            %shift_left3A_567 = arith.shli %bitcast3A_564, %shift_left3A_566 : vector<16xi32>
            %bitcast3A_568 = vector.bitcast %shift_left3A_567 : vector<16xi32> to vector<16xf32>
            %and3A_569 = arith.andi %bitcast3A_564, %broadcast_in_dim3A_35 : vector<16xi32>
            %bitcast3A_570 = vector.bitcast %and3A_569 : vector<16xi32> to vector<16xf32>
            %mul3A_571 = arith.mulf %bitcast3A_568, %get3A_160 : vector<16xf32>
            %mul3A_572 = arith.mulf %bitcast3A_570, %get3A_167 : vector<16xf32>
            %add3A_573 = arith.addf %mul3A_571, %mul3A_572 : vector<16xf32>
            %add3A_574 = arith.addf %add3A_556, %add3A_573 : vector<16xf32>
            %reduce_sum3A_575 = arith.constant true
            %reduce_sum3A_576 = vector.broadcast %reduce_sum3A_575 : i1 to vector<16xi1>
            %reduce_sum3A_577 = tpu.scan <sum>, %add3A_574 masked %reduce_sum3A_576 : vector<16xf32>, vector<16xi1> -> vector<16xf32>
            %reduce_sum3A_578 = vector.extract %reduce_sum3A_577[15] : f32 from vector<16xf32>
            %broadcast_in_dim3A_579 = vector.broadcast %reduce_sum3A_578 : f32 to vector<16xf32>
            %eq3A_580 = arith.constant 5 : i32
            %eq3A_581 = vector.broadcast %eq3A_580 : i32 to vector<16xi32>
            %eq3A_582 = arith.cmpi eq, %iota3A, %eq3A_581 : vector<16xi32>
            %select_n3A_583 = arith.select %eq3A_582, %broadcast_in_dim3A_579, %select_n3A_391 : vector<16xi1>, vector<16xf32>
            %mul3A_584 = arith.constant 16 : i32
            %mul3A_585 = arith.muli %scan3A_297, %mul3A_584 : i32
            %add3A_586 = arith.constant 6 : i32
            %add3A_587 = arith.addi %mul3A_585, %add3A_586 : i32
            %mul3A_588 = arith.constant 64 : i32
            %mul3A_589 = arith.muli %scan3A_140, %mul3A_588 : i32
            %add3A_590 = arith.constant 0 : i32
            %add3A_591 = arith.addi %mul3A_589, %add3A_590 : i32
            %get3A_592 = arith.index_cast %add3A_587 : i32 to index
            %get3A_593 = arith.index_cast %add3A_591 : i32 to index
            %get3A_594 = tpu.vector_load %arg8[%get3A_592, %get3A_593] {strides = array<i32>} : memref<64x256xbf16, #tpu.memory_space<vmem>>, vector<32xbf16>,
            %bitcast3A_595 = vector.bitcast %get3A_594 : vector<32xbf16> to vector<16xi32>
            %shift_left3A_596 = arith.constant 16 : i32
            %shift_left3A_597 = vector.broadcast %shift_left3A_596 : i32 to vector<16xi32>
            %shift_left3A_598 = arith.shli %bitcast3A_595, %shift_left3A_597 : vector<16xi32>
            %bitcast3A_599 = vector.bitcast %shift_left3A_598 : vector<16xi32> to vector<16xf32>
            %and3A_600 = arith.andi %bitcast3A_595, %broadcast_in_dim3A_35 : vector<16xi32>
            %bitcast3A_601 = vector.bitcast %and3A_600 : vector<16xi32> to vector<16xf32>
            %mul3A_602 = arith.mulf %bitcast3A_599, %get3A_146 : vector<16xf32>
            %mul3A_603 = arith.mulf %bitcast3A_601, %get3A_153 : vector<16xf32>
            %add3A_604 = arith.addf %mul3A_602, %mul3A_603 : vector<16xf32>
            %mul3A_605 = arith.constant 64 : i32
            %mul3A_606 = arith.muli %scan3A_140, %mul3A_605 : i32
            %add3A_607 = arith.constant 32 : i32
            %add3A_608 = arith.addi %mul3A_606, %add3A_607 : i32
            %get3A_609 = arith.index_cast %add3A_587 : i32 to index
            %get3A_610 = arith.index_cast %add3A_608 : i32 to index
            %get3A_611 = tpu.vector_load %arg8[%get3A_609, %get3A_610] {strides = array<i32>} : memref<64x256xbf16, #tpu.memory_space<vmem>>, vector<32xbf16>,
            %bitcast3A_612 = vector.bitcast %get3A_611 : vector<32xbf16> to vector<16xi32>
            %shift_left3A_613 = arith.constant 16 : i32
            %shift_left3A_614 = vector.broadcast %shift_left3A_613 : i32 to vector<16xi32>
            %shift_left3A_615 = arith.shli %bitcast3A_612, %shift_left3A_614 : vector<16xi32>
            %bitcast3A_616 = vector.bitcast %shift_left3A_615 : vector<16xi32> to vector<16xf32>
            %and3A_617 = arith.andi %bitcast3A_612, %broadcast_in_dim3A_35 : vector<16xi32>
            %bitcast3A_618 = vector.bitcast %and3A_617 : vector<16xi32> to vector<16xf32>
            %mul3A_619 = arith.mulf %bitcast3A_616, %get3A_160 : vector<16xf32>
            %mul3A_620 = arith.mulf %bitcast3A_618, %get3A_167 : vector<16xf32>
            %add3A_621 = arith.addf %mul3A_619, %mul3A_620 : vector<16xf32>
            %add3A_622 = arith.addf %add3A_604, %add3A_621 : vector<16xf32>
            %reduce_sum3A_623 = arith.constant true
            %reduce_sum3A_624 = vector.broadcast %reduce_sum3A_623 : i1 to vector<16xi1>
            %reduce_sum3A_625 = tpu.scan <sum>, %add3A_622 masked %reduce_sum3A_624 : vector<16xf32>, vector<16xi1> -> vector<16xf32>
            %reduce_sum3A_626 = vector.extract %reduce_sum3A_625[15] : f32 from vector<16xf32>
            %broadcast_in_dim3A_627 = vector.broadcast %reduce_sum3A_626 : f32 to vector<16xf32>
            %eq3A_628 = arith.constant 6 : i32
            %eq3A_629 = vector.broadcast %eq3A_628 : i32 to vector<16xi32>
            %eq3A_630 = arith.cmpi eq, %iota3A, %eq3A_629 : vector<16xi32>
            %select_n3A_631 = arith.select %eq3A_630, %broadcast_in_dim3A_627, %select_n3A_439 : vector<16xi1>, vector<16xf32>
            %mul3A_632 = arith.constant 16 : i32
            %mul3A_633 = arith.muli %scan3A_297, %mul3A_632 : i32
            %add3A_634 = arith.constant 7 : i32
            %add3A_635 = arith.addi %mul3A_633, %add3A_634 : i32
            %mul3A_636 = arith.constant 64 : i32
            %mul3A_637 = arith.muli %scan3A_140, %mul3A_636 : i32
            %add3A_638 = arith.constant 0 : i32
            %add3A_639 = arith.addi %mul3A_637, %add3A_638 : i32
            %get3A_640 = arith.index_cast %add3A_635 : i32 to index
            %get3A_641 = arith.index_cast %add3A_639 : i32 to index
            %get3A_642 = tpu.vector_load %arg8[%get3A_640, %get3A_641] {strides = array<i32>} : memref<64x256xbf16, #tpu.memory_space<vmem>>, vector<32xbf16>,
            %bitcast3A_643 = vector.bitcast %get3A_642 : vector<32xbf16> to vector<16xi32>
            %shift_left3A_644 = arith.constant 16 : i32
            %shift_left3A_645 = vector.broadcast %shift_left3A_644 : i32 to vector<16xi32>
            %shift_left3A_646 = arith.shli %bitcast3A_643, %shift_left3A_645 : vector<16xi32>
            %bitcast3A_647 = vector.bitcast %shift_left3A_646 : vector<16xi32> to vector<16xf32>
            %and3A_648 = arith.andi %bitcast3A_643, %broadcast_in_dim3A_35 : vector<16xi32>
            %bitcast3A_649 = vector.bitcast %and3A_648 : vector<16xi32> to vector<16xf32>
            %mul3A_650 = arith.mulf %bitcast3A_647, %get3A_146 : vector<16xf32>
            %mul3A_651 = arith.mulf %bitcast3A_649, %get3A_153 : vector<16xf32>
            %add3A_652 = arith.addf %mul3A_650, %mul3A_651 : vector<16xf32>
            %mul3A_653 = arith.constant 64 : i32
            %mul3A_654 = arith.muli %scan3A_140, %mul3A_653 : i32
            %add3A_655 = arith.constant 32 : i32
            %add3A_656 = arith.addi %mul3A_654, %add3A_655 : i32
            %get3A_657 = arith.index_cast %add3A_635 : i32 to index
            %get3A_658 = arith.index_cast %add3A_656 : i32 to index
            %get3A_659 = tpu.vector_load %arg8[%get3A_657, %get3A_658] {strides = array<i32>} : memref<64x256xbf16, #tpu.memory_space<vmem>>, vector<32xbf16>,
            %bitcast3A_660 = vector.bitcast %get3A_659 : vector<32xbf16> to vector<16xi32>
            %shift_left3A_661 = arith.constant 16 : i32
            %shift_left3A_662 = vector.broadcast %shift_left3A_661 : i32 to vector<16xi32>
            %shift_left3A_663 = arith.shli %bitcast3A_660, %shift_left3A_662 : vector<16xi32>
            %bitcast3A_664 = vector.bitcast %shift_left3A_663 : vector<16xi32> to vector<16xf32>
            %and3A_665 = arith.andi %bitcast3A_660, %broadcast_in_dim3A_35 : vector<16xi32>
            %bitcast3A_666 = vector.bitcast %and3A_665 : vector<16xi32> to vector<16xf32>
            %mul3A_667 = arith.mulf %bitcast3A_664, %get3A_160 : vector<16xf32>
            %mul3A_668 = arith.mulf %bitcast3A_666, %get3A_167 : vector<16xf32>
            %add3A_669 = arith.addf %mul3A_667, %mul3A_668 : vector<16xf32>
            %add3A_670 = arith.addf %add3A_652, %add3A_669 : vector<16xf32>
            %reduce_sum3A_671 = arith.constant true
            %reduce_sum3A_672 = vector.broadcast %reduce_sum3A_671 : i1 to vector<16xi1>
            %reduce_sum3A_673 = tpu.scan <sum>, %add3A_670 masked %reduce_sum3A_672 : vector<16xf32>, vector<16xi1> -> vector<16xf32>
            %reduce_sum3A_674 = vector.extract %reduce_sum3A_673[15] : f32 from vector<16xf32>
            %broadcast_in_dim3A_675 = vector.broadcast %reduce_sum3A_674 : f32 to vector<16xf32>
            %eq3A_676 = arith.constant 7 : i32
            %eq3A_677 = vector.broadcast %eq3A_676 : i32 to vector<16xi32>
            %eq3A_678 = arith.cmpi eq, %iota3A, %eq3A_677 : vector<16xi32>
            %select_n3A_679 = arith.select %eq3A_678, %broadcast_in_dim3A_675, %select_n3A_487 : vector<16xi1>, vector<16xf32>
            %mul3A_680 = arith.constant 16 : i32
            %mul3A_681 = arith.muli %scan3A_297, %mul3A_680 : i32
            %add3A_682 = arith.constant 8 : i32
            %add3A_683 = arith.addi %mul3A_681, %add3A_682 : i32
            %mul3A_684 = arith.constant 64 : i32
            %mul3A_685 = arith.muli %scan3A_140, %mul3A_684 : i32
            %add3A_686 = arith.constant 0 : i32
            %add3A_687 = arith.addi %mul3A_685, %add3A_686 : i32
            %get3A_688 = arith.index_cast %add3A_683 : i32 to index
            %get3A_689 = arith.index_cast %add3A_687 : i32 to index
            %get3A_690 = tpu.vector_load %arg8[%get3A_688, %get3A_689] {strides = array<i32>} : memref<64x256xbf16, #tpu.memory_space<vmem>>, vector<32xbf16>,
            %bitcast3A_691 = vector.bitcast %get3A_690 : vector<32xbf16> to vector<16xi32>
            %shift_left3A_692 = arith.constant 16 : i32
            %shift_left3A_693 = vector.broadcast %shift_left3A_692 : i32 to vector<16xi32>
            %shift_left3A_694 = arith.shli %bitcast3A_691, %shift_left3A_693 : vector<16xi32>
            %bitcast3A_695 = vector.bitcast %shift_left3A_694 : vector<16xi32> to vector<16xf32>
            %and3A_696 = arith.andi %bitcast3A_691, %broadcast_in_dim3A_35 : vector<16xi32>
            %bitcast3A_697 = vector.bitcast %and3A_696 : vector<16xi32> to vector<16xf32>
            %mul3A_698 = arith.mulf %bitcast3A_695, %get3A_146 : vector<16xf32>
            %mul3A_699 = arith.mulf %bitcast3A_697, %get3A_153 : vector<16xf32>
            %add3A_700 = arith.addf %mul3A_698, %mul3A_699 : vector<16xf32>
            %mul3A_701 = arith.constant 64 : i32
            %mul3A_702 = arith.muli %scan3A_140, %mul3A_701 : i32
            %add3A_703 = arith.constant 32 : i32
            %add3A_704 = arith.addi %mul3A_702, %add3A_703 : i32
            %get3A_705 = arith.index_cast %add3A_683 : i32 to index
            %get3A_706 = arith.index_cast %add3A_704 : i32 to index
            %get3A_707 = tpu.vector_load %arg8[%get3A_705, %get3A_706] {strides = array<i32>} : memref<64x256xbf16, #tpu.memory_space<vmem>>, vector<32xbf16>,
            %bitcast3A_708 = vector.bitcast %get3A_707 : vector<32xbf16> to vector<16xi32>
            %shift_left3A_709 = arith.constant 16 : i32
            %shift_left3A_710 = vector.broadcast %shift_left3A_709 : i32 to vector<16xi32>
            %shift_left3A_711 = arith.shli %bitcast3A_708, %shift_left3A_710 : vector<16xi32>
            %bitcast3A_712 = vector.bitcast %shift_left3A_711 : vector<16xi32> to vector<16xf32>
            %and3A_713 = arith.andi %bitcast3A_708, %broadcast_in_dim3A_35 : vector<16xi32>
            %bitcast3A_714 = vector.bitcast %and3A_713 : vector<16xi32> to vector<16xf32>
            %mul3A_715 = arith.mulf %bitcast3A_712, %get3A_160 : vector<16xf32>
            %mul3A_716 = arith.mulf %bitcast3A_714, %get3A_167 : vector<16xf32>
            %add3A_717 = arith.addf %mul3A_715, %mul3A_716 : vector<16xf32>
            %add3A_718 = arith.addf %add3A_700, %add3A_717 : vector<16xf32>
            %reduce_sum3A_719 = arith.constant true
            %reduce_sum3A_720 = vector.broadcast %reduce_sum3A_719 : i1 to vector<16xi1>
            %reduce_sum3A_721 = tpu.scan <sum>, %add3A_718 masked %reduce_sum3A_720 : vector<16xf32>, vector<16xi1> -> vector<16xf32>
            %reduce_sum3A_722 = vector.extract %reduce_sum3A_721[15] : f32 from vector<16xf32>
            %broadcast_in_dim3A_723 = vector.broadcast %reduce_sum3A_722 : f32 to vector<16xf32>
            %eq3A_724 = arith.constant 8 : i32
            %eq3A_725 = vector.broadcast %eq3A_724 : i32 to vector<16xi32>
            %eq3A_726 = arith.cmpi eq, %iota3A, %eq3A_725 : vector<16xi32>
            %select_n3A_727 = arith.select %eq3A_726, %broadcast_in_dim3A_723, %select_n3A_535 : vector<16xi1>, vector<16xf32>
            %mul3A_728 = arith.constant 16 : i32
            %mul3A_729 = arith.muli %scan3A_297, %mul3A_728 : i32
            %add3A_730 = arith.constant 9 : i32
            %add3A_731 = arith.addi %mul3A_729, %add3A_730 : i32
            %mul3A_732 = arith.constant 64 : i32
            %mul3A_733 = arith.muli %scan3A_140, %mul3A_732 : i32
            %add3A_734 = arith.constant 0 : i32
            %add3A_735 = arith.addi %mul3A_733, %add3A_734 : i32
            %get3A_736 = arith.index_cast %add3A_731 : i32 to index
            %get3A_737 = arith.index_cast %add3A_735 : i32 to index
            %get3A_738 = tpu.vector_load %arg8[%get3A_736, %get3A_737] {strides = array<i32>} : memref<64x256xbf16, #tpu.memory_space<vmem>>, vector<32xbf16>,
            %bitcast3A_739 = vector.bitcast %get3A_738 : vector<32xbf16> to vector<16xi32>
            %shift_left3A_740 = arith.constant 16 : i32
            %shift_left3A_741 = vector.broadcast %shift_left3A_740 : i32 to vector<16xi32>
            %shift_left3A_742 = arith.shli %bitcast3A_739, %shift_left3A_741 : vector<16xi32>
            %bitcast3A_743 = vector.bitcast %shift_left3A_742 : vector<16xi32> to vector<16xf32>
            %and3A_744 = arith.andi %bitcast3A_739, %broadcast_in_dim3A_35 : vector<16xi32>
            %bitcast3A_745 = vector.bitcast %and3A_744 : vector<16xi32> to vector<16xf32>
            %mul3A_746 = arith.mulf %bitcast3A_743, %get3A_146 : vector<16xf32>
            %mul3A_747 = arith.mulf %bitcast3A_745, %get3A_153 : vector<16xf32>
            %add3A_748 = arith.addf %mul3A_746, %mul3A_747 : vector<16xf32>
            %mul3A_749 = arith.constant 64 : i32
            %mul3A_750 = arith.muli %scan3A_140, %mul3A_749 : i32
            %add3A_751 = arith.constant 32 : i32
            %add3A_752 = arith.addi %mul3A_750, %add3A_751 : i32
            %get3A_753 = arith.index_cast %add3A_731 : i32 to index
            %get3A_754 = arith.index_cast %add3A_752 : i32 to index
            %get3A_755 = tpu.vector_load %arg8[%get3A_753, %get3A_754] {strides = array<i32>} : memref<64x256xbf16, #tpu.memory_space<vmem>>, vector<32xbf16>,
            %bitcast3A_756 = vector.bitcast %get3A_755 : vector<32xbf16> to vector<16xi32>
            %shift_left3A_757 = arith.constant 16 : i32
            %shift_left3A_758 = vector.broadcast %shift_left3A_757 : i32 to vector<16xi32>
            %shift_left3A_759 = arith.shli %bitcast3A_756, %shift_left3A_758 : vector<16xi32>
            %bitcast3A_760 = vector.bitcast %shift_left3A_759 : vector<16xi32> to vector<16xf32>
            %and3A_761 = arith.andi %bitcast3A_756, %broadcast_in_dim3A_35 : vector<16xi32>
            %bitcast3A_762 = vector.bitcast %and3A_761 : vector<16xi32> to vector<16xf32>
            %mul3A_763 = arith.mulf %bitcast3A_760, %get3A_160 : vector<16xf32>
            %mul3A_764 = arith.mulf %bitcast3A_762, %get3A_167 : vector<16xf32>
            %add3A_765 = arith.addf %mul3A_763, %mul3A_764 : vector<16xf32>
            %add3A_766 = arith.addf %add3A_748, %add3A_765 : vector<16xf32>
            %reduce_sum3A_767 = arith.constant true
            %reduce_sum3A_768 = vector.broadcast %reduce_sum3A_767 : i1 to vector<16xi1>
            %reduce_sum3A_769 = tpu.scan <sum>, %add3A_766 masked %reduce_sum3A_768 : vector<16xf32>, vector<16xi1> -> vector<16xf32>
            %reduce_sum3A_770 = vector.extract %reduce_sum3A_769[15] : f32 from vector<16xf32>
            %broadcast_in_dim3A_771 = vector.broadcast %reduce_sum3A_770 : f32 to vector<16xf32>
            %eq3A_772 = arith.constant 9 : i32
            %eq3A_773 = vector.broadcast %eq3A_772 : i32 to vector<16xi32>
            %eq3A_774 = arith.cmpi eq, %iota3A, %eq3A_773 : vector<16xi32>
            %select_n3A_775 = arith.select %eq3A_774, %broadcast_in_dim3A_771, %select_n3A_583 : vector<16xi1>, vector<16xf32>
            %mul3A_776 = arith.constant 16 : i32
            %mul3A_777 = arith.muli %scan3A_297, %mul3A_776 : i32
            %add3A_778 = arith.constant 10 : i32
            %add3A_779 = arith.addi %mul3A_777, %add3A_778 : i32
            %mul3A_780 = arith.constant 64 : i32
            %mul3A_781 = arith.muli %scan3A_140, %mul3A_780 : i32
            %add3A_782 = arith.constant 0 : i32
            %add3A_783 = arith.addi %mul3A_781, %add3A_782 : i32
            %get3A_784 = arith.index_cast %add3A_779 : i32 to index
            %get3A_785 = arith.index_cast %add3A_783 : i32 to index
            %get3A_786 = tpu.vector_load %arg8[%get3A_784, %get3A_785] {strides = array<i32>} : memref<64x256xbf16, #tpu.memory_space<vmem>>, vector<32xbf16>,
            %bitcast3A_787 = vector.bitcast %get3A_786 : vector<32xbf16> to vector<16xi32>
            %shift_left3A_788 = arith.constant 16 : i32
            %shift_left3A_789 = vector.broadcast %shift_left3A_788 : i32 to vector<16xi32>
            %shift_left3A_790 = arith.shli %bitcast3A_787, %shift_left3A_789 : vector<16xi32>
            %bitcast3A_791 = vector.bitcast %shift_left3A_790 : vector<16xi32> to vector<16xf32>
            %and3A_792 = arith.andi %bitcast3A_787, %broadcast_in_dim3A_35 : vector<16xi32>
            %bitcast3A_793 = vector.bitcast %and3A_792 : vector<16xi32> to vector<16xf32>
            %mul3A_794 = arith.mulf %bitcast3A_791, %get3A_146 : vector<16xf32>
            %mul3A_795 = arith.mulf %bitcast3A_793, %get3A_153 : vector<16xf32>
            %add3A_796 = arith.addf %mul3A_794, %mul3A_795 : vector<16xf32>
            %mul3A_797 = arith.constant 64 : i32
            %mul3A_798 = arith.muli %scan3A_140, %mul3A_797 : i32
            %add3A_799 = arith.constant 32 : i32
            %add3A_800 = arith.addi %mul3A_798, %add3A_799 : i32
            %get3A_801 = arith.index_cast %add3A_779 : i32 to index
            %get3A_802 = arith.index_cast %add3A_800 : i32 to index
            %get3A_803 = tpu.vector_load %arg8[%get3A_801, %get3A_802] {strides = array<i32>} : memref<64x256xbf16, #tpu.memory_space<vmem>>, vector<32xbf16>,
            %bitcast3A_804 = vector.bitcast %get3A_803 : vector<32xbf16> to vector<16xi32>
            %shift_left3A_805 = arith.constant 16 : i32
            %shift_left3A_806 = vector.broadcast %shift_left3A_805 : i32 to vector<16xi32>
            %shift_left3A_807 = arith.shli %bitcast3A_804, %shift_left3A_806 : vector<16xi32>
            %bitcast3A_808 = vector.bitcast %shift_left3A_807 : vector<16xi32> to vector<16xf32>
            %and3A_809 = arith.andi %bitcast3A_804, %broadcast_in_dim3A_35 : vector<16xi32>
            %bitcast3A_810 = vector.bitcast %and3A_809 : vector<16xi32> to vector<16xf32>
            %mul3A_811 = arith.mulf %bitcast3A_808, %get3A_160 : vector<16xf32>
            %mul3A_812 = arith.mulf %bitcast3A_810, %get3A_167 : vector<16xf32>
            %add3A_813 = arith.addf %mul3A_811, %mul3A_812 : vector<16xf32>
            %add3A_814 = arith.addf %add3A_796, %add3A_813 : vector<16xf32>
            %reduce_sum3A_815 = arith.constant true
            %reduce_sum3A_816 = vector.broadcast %reduce_sum3A_815 : i1 to vector<16xi1>
            %reduce_sum3A_817 = tpu.scan <sum>, %add3A_814 masked %reduce_sum3A_816 : vector<16xf32>, vector<16xi1> -> vector<16xf32>
            %reduce_sum3A_818 = vector.extract %reduce_sum3A_817[15] : f32 from vector<16xf32>
            %broadcast_in_dim3A_819 = vector.broadcast %reduce_sum3A_818 : f32 to vector<16xf32>
            %eq3A_820 = arith.constant 10 : i32
            %eq3A_821 = vector.broadcast %eq3A_820 : i32 to vector<16xi32>
            %eq3A_822 = arith.cmpi eq, %iota3A, %eq3A_821 : vector<16xi32>
            %select_n3A_823 = arith.select %eq3A_822, %broadcast_in_dim3A_819, %select_n3A_631 : vector<16xi1>, vector<16xf32>
            %mul3A_824 = arith.constant 16 : i32
            %mul3A_825 = arith.muli %scan3A_297, %mul3A_824 : i32
            %add3A_826 = arith.constant 11 : i32
            %add3A_827 = arith.addi %mul3A_825, %add3A_826 : i32
            %mul3A_828 = arith.constant 64 : i32
            %mul3A_829 = arith.muli %scan3A_140, %mul3A_828 : i32
            %add3A_830 = arith.constant 0 : i32
            %add3A_831 = arith.addi %mul3A_829, %add3A_830 : i32
            %get3A_832 = arith.index_cast %add3A_827 : i32 to index
            %get3A_833 = arith.index_cast %add3A_831 : i32 to index
            %get3A_834 = tpu.vector_load %arg8[%get3A_832, %get3A_833] {strides = array<i32>} : memref<64x256xbf16, #tpu.memory_space<vmem>>, vector<32xbf16>,
            %bitcast3A_835 = vector.bitcast %get3A_834 : vector<32xbf16> to vector<16xi32>
            %shift_left3A_836 = arith.constant 16 : i32
            %shift_left3A_837 = vector.broadcast %shift_left3A_836 : i32 to vector<16xi32>
            %shift_left3A_838 = arith.shli %bitcast3A_835, %shift_left3A_837 : vector<16xi32>
            %bitcast3A_839 = vector.bitcast %shift_left3A_838 : vector<16xi32> to vector<16xf32>
            %and3A_840 = arith.andi %bitcast3A_835, %broadcast_in_dim3A_35 : vector<16xi32>
            %bitcast3A_841 = vector.bitcast %and3A_840 : vector<16xi32> to vector<16xf32>
            %mul3A_842 = arith.mulf %bitcast3A_839, %get3A_146 : vector<16xf32>
            %mul3A_843 = arith.mulf %bitcast3A_841, %get3A_153 : vector<16xf32>
            %add3A_844 = arith.addf %mul3A_842, %mul3A_843 : vector<16xf32>
            %mul3A_845 = arith.constant 64 : i32
            %mul3A_846 = arith.muli %scan3A_140, %mul3A_845 : i32
            %add3A_847 = arith.constant 32 : i32
            %add3A_848 = arith.addi %mul3A_846, %add3A_847 : i32
            %get3A_849 = arith.index_cast %add3A_827 : i32 to index
            %get3A_850 = arith.index_cast %add3A_848 : i32 to index
            %get3A_851 = tpu.vector_load %arg8[%get3A_849, %get3A_850] {strides = array<i32>} : memref<64x256xbf16, #tpu.memory_space<vmem>>, vector<32xbf16>,
            %bitcast3A_852 = vector.bitcast %get3A_851 : vector<32xbf16> to vector<16xi32>
            %shift_left3A_853 = arith.constant 16 : i32
            %shift_left3A_854 = vector.broadcast %shift_left3A_853 : i32 to vector<16xi32>
            %shift_left3A_855 = arith.shli %bitcast3A_852, %shift_left3A_854 : vector<16xi32>
            %bitcast3A_856 = vector.bitcast %shift_left3A_855 : vector<16xi32> to vector<16xf32>
            %and3A_857 = arith.andi %bitcast3A_852, %broadcast_in_dim3A_35 : vector<16xi32>
            %bitcast3A_858 = vector.bitcast %and3A_857 : vector<16xi32> to vector<16xf32>
            %mul3A_859 = arith.mulf %bitcast3A_856, %get3A_160 : vector<16xf32>
            %mul3A_860 = arith.mulf %bitcast3A_858, %get3A_167 : vector<16xf32>
            %add3A_861 = arith.addf %mul3A_859, %mul3A_860 : vector<16xf32>
            %add3A_862 = arith.addf %add3A_844, %add3A_861 : vector<16xf32>
            %reduce_sum3A_863 = arith.constant true
            %reduce_sum3A_864 = vector.broadcast %reduce_sum3A_863 : i1 to vector<16xi1>
            %reduce_sum3A_865 = tpu.scan <sum>, %add3A_862 masked %reduce_sum3A_864 : vector<16xf32>, vector<16xi1> -> vector<16xf32>
            %reduce_sum3A_866 = vector.extract %reduce_sum3A_865[15] : f32 from vector<16xf32>
            %broadcast_in_dim3A_867 = vector.broadcast %reduce_sum3A_866 : f32 to vector<16xf32>
            %eq3A_868 = arith.constant 11 : i32
            %eq3A_869 = vector.broadcast %eq3A_868 : i32 to vector<16xi32>
            %eq3A_870 = arith.cmpi eq, %iota3A, %eq3A_869 : vector<16xi32>
            %select_n3A_871 = arith.select %eq3A_870, %broadcast_in_dim3A_867, %select_n3A_679 : vector<16xi1>, vector<16xf32>
            %mul3A_872 = arith.constant 16 : i32
            %mul3A_873 = arith.muli %scan3A_297, %mul3A_872 : i32
            %add3A_874 = arith.constant 12 : i32
            %add3A_875 = arith.addi %mul3A_873, %add3A_874 : i32
            %mul3A_876 = arith.constant 64 : i32
            %mul3A_877 = arith.muli %scan3A_140, %mul3A_876 : i32
            %add3A_878 = arith.constant 0 : i32
            %add3A_879 = arith.addi %mul3A_877, %add3A_878 : i32
            %get3A_880 = arith.index_cast %add3A_875 : i32 to index
            %get3A_881 = arith.index_cast %add3A_879 : i32 to index
            %get3A_882 = tpu.vector_load %arg8[%get3A_880, %get3A_881] {strides = array<i32>} : memref<64x256xbf16, #tpu.memory_space<vmem>>, vector<32xbf16>,
            %bitcast3A_883 = vector.bitcast %get3A_882 : vector<32xbf16> to vector<16xi32>
            %shift_left3A_884 = arith.constant 16 : i32
            %shift_left3A_885 = vector.broadcast %shift_left3A_884 : i32 to vector<16xi32>
            %shift_left3A_886 = arith.shli %bitcast3A_883, %shift_left3A_885 : vector<16xi32>
            %bitcast3A_887 = vector.bitcast %shift_left3A_886 : vector<16xi32> to vector<16xf32>
            %and3A_888 = arith.andi %bitcast3A_883, %broadcast_in_dim3A_35 : vector<16xi32>
            %bitcast3A_889 = vector.bitcast %and3A_888 : vector<16xi32> to vector<16xf32>
            %mul3A_890 = arith.mulf %bitcast3A_887, %get3A_146 : vector<16xf32>
            %mul3A_891 = arith.mulf %bitcast3A_889, %get3A_153 : vector<16xf32>
            %add3A_892 = arith.addf %mul3A_890, %mul3A_891 : vector<16xf32>
            %mul3A_893 = arith.constant 64 : i32
            %mul3A_894 = arith.muli %scan3A_140, %mul3A_893 : i32
            %add3A_895 = arith.constant 32 : i32
            %add3A_896 = arith.addi %mul3A_894, %add3A_895 : i32
            %get3A_897 = arith.index_cast %add3A_875 : i32 to index
            %get3A_898 = arith.index_cast %add3A_896 : i32 to index
            %get3A_899 = tpu.vector_load %arg8[%get3A_897, %get3A_898] {strides = array<i32>} : memref<64x256xbf16, #tpu.memory_space<vmem>>, vector<32xbf16>,
            %bitcast3A_900 = vector.bitcast %get3A_899 : vector<32xbf16> to vector<16xi32>
            %shift_left3A_901 = arith.constant 16 : i32
            %shift_left3A_902 = vector.broadcast %shift_left3A_901 : i32 to vector<16xi32>
            %shift_left3A_903 = arith.shli %bitcast3A_900, %shift_left3A_902 : vector<16xi32>
            %bitcast3A_904 = vector.bitcast %shift_left3A_903 : vector<16xi32> to vector<16xf32>
            %and3A_905 = arith.andi %bitcast3A_900, %broadcast_in_dim3A_35 : vector<16xi32>
            %bitcast3A_906 = vector.bitcast %and3A_905 : vector<16xi32> to vector<16xf32>
            %mul3A_907 = arith.mulf %bitcast3A_904, %get3A_160 : vector<16xf32>
            %mul3A_908 = arith.mulf %bitcast3A_906, %get3A_167 : vector<16xf32>
            %add3A_909 = arith.addf %mul3A_907, %mul3A_908 : vector<16xf32>
            %add3A_910 = arith.addf %add3A_892, %add3A_909 : vector<16xf32>
            %reduce_sum3A_911 = arith.constant true
            %reduce_sum3A_912 = vector.broadcast %reduce_sum3A_911 : i1 to vector<16xi1>
            %reduce_sum3A_913 = tpu.scan <sum>, %add3A_910 masked %reduce_sum3A_912 : vector<16xf32>, vector<16xi1> -> vector<16xf32>
            %reduce_sum3A_914 = vector.extract %reduce_sum3A_913[15] : f32 from vector<16xf32>
            %broadcast_in_dim3A_915 = vector.broadcast %reduce_sum3A_914 : f32 to vector<16xf32>
            %eq3A_916 = arith.constant 12 : i32
            %eq3A_917 = vector.broadcast %eq3A_916 : i32 to vector<16xi32>
            %eq3A_918 = arith.cmpi eq, %iota3A, %eq3A_917 : vector<16xi32>
            %select_n3A_919 = arith.select %eq3A_918, %broadcast_in_dim3A_915, %select_n3A_727 : vector<16xi1>, vector<16xf32>
            %mul3A_920 = arith.constant 16 : i32
            %mul3A_921 = arith.muli %scan3A_297, %mul3A_920 : i32
            %add3A_922 = arith.constant 13 : i32
            %add3A_923 = arith.addi %mul3A_921, %add3A_922 : i32
            %mul3A_924 = arith.constant 64 : i32
            %mul3A_925 = arith.muli %scan3A_140, %mul3A_924 : i32
            %add3A_926 = arith.constant 0 : i32
            %add3A_927 = arith.addi %mul3A_925, %add3A_926 : i32
            %get3A_928 = arith.index_cast %add3A_923 : i32 to index
            %get3A_929 = arith.index_cast %add3A_927 : i32 to index
            %get3A_930 = tpu.vector_load %arg8[%get3A_928, %get3A_929] {strides = array<i32>} : memref<64x256xbf16, #tpu.memory_space<vmem>>, vector<32xbf16>,
            %bitcast3A_931 = vector.bitcast %get3A_930 : vector<32xbf16> to vector<16xi32>
            %shift_left3A_932 = arith.constant 16 : i32
            %shift_left3A_933 = vector.broadcast %shift_left3A_932 : i32 to vector<16xi32>
            %shift_left3A_934 = arith.shli %bitcast3A_931, %shift_left3A_933 : vector<16xi32>
            %bitcast3A_935 = vector.bitcast %shift_left3A_934 : vector<16xi32> to vector<16xf32>
            %and3A_936 = arith.andi %bitcast3A_931, %broadcast_in_dim3A_35 : vector<16xi32>
            %bitcast3A_937 = vector.bitcast %and3A_936 : vector<16xi32> to vector<16xf32>
            %mul3A_938 = arith.mulf %bitcast3A_935, %get3A_146 : vector<16xf32>
            %mul3A_939 = arith.mulf %bitcast3A_937, %get3A_153 : vector<16xf32>
            %add3A_940 = arith.addf %mul3A_938, %mul3A_939 : vector<16xf32>
            %mul3A_941 = arith.constant 64 : i32
            %mul3A_942 = arith.muli %scan3A_140, %mul3A_941 : i32
            %add3A_943 = arith.constant 32 : i32
            %add3A_944 = arith.addi %mul3A_942, %add3A_943 : i32
            %get3A_945 = arith.index_cast %add3A_923 : i32 to index
            %get3A_946 = arith.index_cast %add3A_944 : i32 to index
            %get3A_947 = tpu.vector_load %arg8[%get3A_945, %get3A_946] {strides = array<i32>} : memref<64x256xbf16, #tpu.memory_space<vmem>>, vector<32xbf16>,
            %bitcast3A_948 = vector.bitcast %get3A_947 : vector<32xbf16> to vector<16xi32>
            %shift_left3A_949 = arith.constant 16 : i32
            %shift_left3A_950 = vector.broadcast %shift_left3A_949 : i32 to vector<16xi32>
            %shift_left3A_951 = arith.shli %bitcast3A_948, %shift_left3A_950 : vector<16xi32>
            %bitcast3A_952 = vector.bitcast %shift_left3A_951 : vector<16xi32> to vector<16xf32>
            %and3A_953 = arith.andi %bitcast3A_948, %broadcast_in_dim3A_35 : vector<16xi32>
            %bitcast3A_954 = vector.bitcast %and3A_953 : vector<16xi32> to vector<16xf32>
            %mul3A_955 = arith.mulf %bitcast3A_952, %get3A_160 : vector<16xf32>
            %mul3A_956 = arith.mulf %bitcast3A_954, %get3A_167 : vector<16xf32>
            %add3A_957 = arith.addf %mul3A_955, %mul3A_956 : vector<16xf32>
            %add3A_958 = arith.addf %add3A_940, %add3A_957 : vector<16xf32>
            %reduce_sum3A_959 = arith.constant true
            %reduce_sum3A_960 = vector.broadcast %reduce_sum3A_959 : i1 to vector<16xi1>
            %reduce_sum3A_961 = tpu.scan <sum>, %add3A_958 masked %reduce_sum3A_960 : vector<16xf32>, vector<16xi1> -> vector<16xf32>
            %reduce_sum3A_962 = vector.extract %reduce_sum3A_961[15] : f32 from vector<16xf32>
            %broadcast_in_dim3A_963 = vector.broadcast %reduce_sum3A_962 : f32 to vector<16xf32>
            %eq3A_964 = arith.constant 13 : i32
            %eq3A_965 = vector.broadcast %eq3A_964 : i32 to vector<16xi32>
            %eq3A_966 = arith.cmpi eq, %iota3A, %eq3A_965 : vector<16xi32>
            %select_n3A_967 = arith.select %eq3A_966, %broadcast_in_dim3A_963, %select_n3A_775 : vector<16xi1>, vector<16xf32>
            %mul3A_968 = arith.constant 16 : i32
            %mul3A_969 = arith.muli %scan3A_297, %mul3A_968 : i32
            %add3A_970 = arith.constant 14 : i32
            %add3A_971 = arith.addi %mul3A_969, %add3A_970 : i32
            %mul3A_972 = arith.constant 64 : i32
            %mul3A_973 = arith.muli %scan3A_140, %mul3A_972 : i32
            %add3A_974 = arith.constant 0 : i32
            %add3A_975 = arith.addi %mul3A_973, %add3A_974 : i32
            %get3A_976 = arith.index_cast %add3A_971 : i32 to index
            %get3A_977 = arith.index_cast %add3A_975 : i32 to index
            %get3A_978 = tpu.vector_load %arg8[%get3A_976, %get3A_977] {strides = array<i32>} : memref<64x256xbf16, #tpu.memory_space<vmem>>, vector<32xbf16>,
            %bitcast3A_979 = vector.bitcast %get3A_978 : vector<32xbf16> to vector<16xi32>
            %shift_left3A_980 = arith.constant 16 : i32
            %shift_left3A_981 = vector.broadcast %shift_left3A_980 : i32 to vector<16xi32>
            %shift_left3A_982 = arith.shli %bitcast3A_979, %shift_left3A_981 : vector<16xi32>
            %bitcast3A_983 = vector.bitcast %shift_left3A_982 : vector<16xi32> to vector<16xf32>
            %and3A_984 = arith.andi %bitcast3A_979, %broadcast_in_dim3A_35 : vector<16xi32>
            %bitcast3A_985 = vector.bitcast %and3A_984 : vector<16xi32> to vector<16xf32>
            %mul3A_986 = arith.mulf %bitcast3A_983, %get3A_146 : vector<16xf32>
            %mul3A_987 = arith.mulf %bitcast3A_985, %get3A_153 : vector<16xf32>
            %add3A_988 = arith.addf %mul3A_986, %mul3A_987 : vector<16xf32>
            %mul3A_989 = arith.constant 64 : i32
            %mul3A_990 = arith.muli %scan3A_140, %mul3A_989 : i32
            %add3A_991 = arith.constant 32 : i32
            %add3A_992 = arith.addi %mul3A_990, %add3A_991 : i32
            %get3A_993 = arith.index_cast %add3A_971 : i32 to index
            %get3A_994 = arith.index_cast %add3A_992 : i32 to index
            %get3A_995 = tpu.vector_load %arg8[%get3A_993, %get3A_994] {strides = array<i32>} : memref<64x256xbf16, #tpu.memory_space<vmem>>, vector<32xbf16>,
            %bitcast3A_996 = vector.bitcast %get3A_995 : vector<32xbf16> to vector<16xi32>
            %shift_left3A_997 = arith.constant 16 : i32
            %shift_left3A_998 = vector.broadcast %shift_left3A_997 : i32 to vector<16xi32>
            %shift_left3A_999 = arith.shli %bitcast3A_996, %shift_left3A_998 : vector<16xi32>
            %bitcast3A_1000 = vector.bitcast %shift_left3A_999 : vector<16xi32> to vector<16xf32>
            %and3A_1001 = arith.andi %bitcast3A_996, %broadcast_in_dim3A_35 : vector<16xi32>
            %bitcast3A_1002 = vector.bitcast %and3A_1001 : vector<16xi32> to vector<16xf32>
            %mul3A_1003 = arith.mulf %bitcast3A_1000, %get3A_160 : vector<16xf32>
            %mul3A_1004 = arith.mulf %bitcast3A_1002, %get3A_167 : vector<16xf32>
            %add3A_1005 = arith.addf %mul3A_1003, %mul3A_1004 : vector<16xf32>
            %add3A_1006 = arith.addf %add3A_988, %add3A_1005 : vector<16xf32>
            %reduce_sum3A_1007 = arith.constant true
            %reduce_sum3A_1008 = vector.broadcast %reduce_sum3A_1007 : i1 to vector<16xi1>
            %reduce_sum3A_1009 = tpu.scan <sum>, %add3A_1006 masked %reduce_sum3A_1008 : vector<16xf32>, vector<16xi1> -> vector<16xf32>
            %reduce_sum3A_1010 = vector.extract %reduce_sum3A_1009[15] : f32 from vector<16xf32>
            %broadcast_in_dim3A_1011 = vector.broadcast %reduce_sum3A_1010 : f32 to vector<16xf32>
            %eq3A_1012 = arith.constant 14 : i32
            %eq3A_1013 = vector.broadcast %eq3A_1012 : i32 to vector<16xi32>
            %eq3A_1014 = arith.cmpi eq, %iota3A, %eq3A_1013 : vector<16xi32>
            %select_n3A_1015 = arith.select %eq3A_1014, %broadcast_in_dim3A_1011, %select_n3A_823 : vector<16xi1>, vector<16xf32>
            %mul3A_1016 = arith.constant 16 : i32
            %mul3A_1017 = arith.muli %scan3A_297, %mul3A_1016 : i32
            %add3A_1018 = arith.constant 15 : i32
            %add3A_1019 = arith.addi %mul3A_1017, %add3A_1018 : i32
            %mul3A_1020 = arith.constant 64 : i32
            %mul3A_1021 = arith.muli %scan3A_140, %mul3A_1020 : i32
            %add3A_1022 = arith.constant 0 : i32
            %add3A_1023 = arith.addi %mul3A_1021, %add3A_1022 : i32
            %get3A_1024 = arith.index_cast %add3A_1019 : i32 to index
            %get3A_1025 = arith.index_cast %add3A_1023 : i32 to index
            %get3A_1026 = tpu.vector_load %arg8[%get3A_1024, %get3A_1025] {strides = array<i32>} : memref<64x256xbf16, #tpu.memory_space<vmem>>, vector<32xbf16>,
            %bitcast3A_1027 = vector.bitcast %get3A_1026 : vector<32xbf16> to vector<16xi32>
            %shift_left3A_1028 = arith.constant 16 : i32
            %shift_left3A_1029 = vector.broadcast %shift_left3A_1028 : i32 to vector<16xi32>
            %shift_left3A_1030 = arith.shli %bitcast3A_1027, %shift_left3A_1029 : vector<16xi32>
            %bitcast3A_1031 = vector.bitcast %shift_left3A_1030 : vector<16xi32> to vector<16xf32>
            %and3A_1032 = arith.andi %bitcast3A_1027, %broadcast_in_dim3A_35 : vector<16xi32>
            %bitcast3A_1033 = vector.bitcast %and3A_1032 : vector<16xi32> to vector<16xf32>
            %mul3A_1034 = arith.mulf %bitcast3A_1031, %get3A_146 : vector<16xf32>
            %mul3A_1035 = arith.mulf %bitcast3A_1033, %get3A_153 : vector<16xf32>
            %add3A_1036 = arith.addf %mul3A_1034, %mul3A_1035 : vector<16xf32>
            %mul3A_1037 = arith.constant 64 : i32
            %mul3A_1038 = arith.muli %scan3A_140, %mul3A_1037 : i32
            %add3A_1039 = arith.constant 32 : i32
            %add3A_1040 = arith.addi %mul3A_1038, %add3A_1039 : i32
            %get3A_1041 = arith.index_cast %add3A_1019 : i32 to index
            %get3A_1042 = arith.index_cast %add3A_1040 : i32 to index
            %get3A_1043 = tpu.vector_load %arg8[%get3A_1041, %get3A_1042] {strides = array<i32>} : memref<64x256xbf16, #tpu.memory_space<vmem>>, vector<32xbf16>,
            %bitcast3A_1044 = vector.bitcast %get3A_1043 : vector<32xbf16> to vector<16xi32>
            %shift_left3A_1045 = arith.constant 16 : i32
            %shift_left3A_1046 = vector.broadcast %shift_left3A_1045 : i32 to vector<16xi32>
            %shift_left3A_1047 = arith.shli %bitcast3A_1044, %shift_left3A_1046 : vector<16xi32>
            %bitcast3A_1048 = vector.bitcast %shift_left3A_1047 : vector<16xi32> to vector<16xf32>
            %and3A_1049 = arith.andi %bitcast3A_1044, %broadcast_in_dim3A_35 : vector<16xi32>
            %bitcast3A_1050 = vector.bitcast %and3A_1049 : vector<16xi32> to vector<16xf32>
            %mul3A_1051 = arith.mulf %bitcast3A_1048, %get3A_160 : vector<16xf32>
            %mul3A_1052 = arith.mulf %bitcast3A_1050, %get3A_167 : vector<16xf32>
            %add3A_1053 = arith.addf %mul3A_1051, %mul3A_1052 : vector<16xf32>
            %add3A_1054 = arith.addf %add3A_1036, %add3A_1053 : vector<16xf32>
            %reduce_sum3A_1055 = arith.constant true
            %reduce_sum3A_1056 = vector.broadcast %reduce_sum3A_1055 : i1 to vector<16xi1>
            %reduce_sum3A_1057 = tpu.scan <sum>, %add3A_1054 masked %reduce_sum3A_1056 : vector<16xf32>, vector<16xi1> -> vector<16xf32>
            %reduce_sum3A_1058 = vector.extract %reduce_sum3A_1057[15] : f32 from vector<16xf32>
            %broadcast_in_dim3A_1059 = vector.broadcast %reduce_sum3A_1058 : f32 to vector<16xf32>
            %eq3A_1060 = arith.constant 15 : i32
            %eq3A_1061 = vector.broadcast %eq3A_1060 : i32 to vector<16xi32>
            %eq3A_1062 = arith.cmpi eq, %iota3A, %eq3A_1061 : vector<16xi32>
            %select_n3A_1063 = arith.select %eq3A_1062, %broadcast_in_dim3A_1059, %select_n3A_871 : vector<16xi1>, vector<16xf32>
            %add3A_1064 = arith.addf %select_n3A_919, %select_n3A_967 : vector<16xf32>
            %add3A_1065 = arith.addf %add3A_1064, %select_n3A_1015 : vector<16xf32>
            %add3A_1066 = arith.addf %add3A_1065, %select_n3A_1063 : vector<16xf32>
            %mul3A_1067 = arith.constant 64 : i32
            %mul3A_1068 = arith.muli %scan3A_140, %mul3A_1067 : i32
            %mul3A_1069 = arith.constant 16 : i32
            %mul3A_1070 = arith.muli %scan3A_297, %mul3A_1069 : i32
            %add3A_1071 = arith.addi %mul3A_1068, %mul3A_1070 : i32
            %swap3A_1072 = arith.index_cast %add3A_1071 : i32 to index
            %swap3A_1073 = tpu.vector_load %arg15[%swap3A_1072] {strides = array<i32>} : memref<272xf32, #tpu.memory_space<vmem>>, vector<16xf32>,
            tpu.vector_store %arg15[%swap3A_1072], %add3A_1066 {strides = array<i32>} : memref<272xf32, #tpu.memory_space<vmem>>, vector<16xf32>,
          }
          %scan3A_173 = arith.constant 4 : i32
          %mul3A_174 = arith.constant 64 : i32
          %mul3A_175 = arith.muli %scan3A_140, %mul3A_174 : i32
          %add3A_176 = arith.constant 0 : i32
          %add3A_177 = arith.addi %mul3A_175, %add3A_176 : i32
          %get3A_178 = arith.index_cast %add3A_177 : i32 to index
          %get3A_179 = tpu.vector_load %arg15[%get3A_178] {strides = array<i32>} : memref<272xf32, #tpu.memory_space<vmem>>, vector<16xf32>,
          %mul3A_180 = arith.constant 1.250000e-01 : f32
          %mul3A_181 = vector.broadcast %mul3A_180 : f32 to vector<16xf32>
          %mul3A_182 = arith.mulf %get3A_179, %mul3A_181 : vector<16xf32>
          %mul3A_183 = arith.constant 64 : i32
          %mul3A_184 = arith.muli %scan3A_140, %mul3A_183 : i32
          %add3A_185 = arith.constant 16 : i32
          %add3A_186 = arith.addi %mul3A_184, %add3A_185 : i32
          %get3A_187 = arith.index_cast %add3A_186 : i32 to index
          %get3A_188 = tpu.vector_load %arg15[%get3A_187] {strides = array<i32>} : memref<272xf32, #tpu.memory_space<vmem>>, vector<16xf32>,
          %mul3A_189 = arith.constant 1.250000e-01 : f32
          %mul3A_190 = vector.broadcast %mul3A_189 : f32 to vector<16xf32>
          %mul3A_191 = arith.mulf %get3A_188, %mul3A_190 : vector<16xf32>
          %mul3A_192 = arith.constant 64 : i32
          %mul3A_193 = arith.muli %scan3A_140, %mul3A_192 : i32
          %add3A_194 = arith.constant 32 : i32
          %add3A_195 = arith.addi %mul3A_193, %add3A_194 : i32
          %get3A_196 = arith.index_cast %add3A_195 : i32 to index
          %get3A_197 = tpu.vector_load %arg15[%get3A_196] {strides = array<i32>} : memref<272xf32, #tpu.memory_space<vmem>>, vector<16xf32>,
          %mul3A_198 = arith.constant 1.250000e-01 : f32
          %mul3A_199 = vector.broadcast %mul3A_198 : f32 to vector<16xf32>
          %mul3A_200 = arith.mulf %get3A_197, %mul3A_199 : vector<16xf32>
          %mul3A_201 = arith.constant 64 : i32
          %mul3A_202 = arith.muli %scan3A_140, %mul3A_201 : i32
          %add3A_203 = arith.constant 48 : i32
          %add3A_204 = arith.addi %mul3A_202, %add3A_203 : i32
          %get3A_205 = arith.index_cast %add3A_204 : i32 to index
          %get3A_206 = tpu.vector_load %arg15[%get3A_205] {strides = array<i32>} : memref<272xf32, #tpu.memory_space<vmem>>, vector<16xf32>,
          %mul3A_207 = arith.constant 1.250000e-01 : f32
          %mul3A_208 = vector.broadcast %mul3A_207 : f32 to vector<16xf32>
          %mul3A_209 = arith.mulf %get3A_206, %mul3A_208 : vector<16xf32>
          %max3A = arith.maximumf %mul3A_182, %mul3A_191 : vector<16xf32>
          %max3A_210 = arith.maximumf %mul3A_200, %mul3A_209 : vector<16xf32>
          %max3A_211 = arith.maximumf %max3A, %max3A_210 : vector<16xf32>
          %reduce_max3A = arith.constant true
          %reduce_max3A_212 = vector.broadcast %reduce_max3A : i1 to vector<16xi1>
          %reduce_max3A_213 = tpu.scan <max>, %max3A_211 masked %reduce_max3A_212 : vector<16xf32>, vector<16xi1> -> vector<16xf32>
          %reduce_max3A_214 = vector.extract %reduce_max3A_213[15] : f32 from vector<16xf32>
          %sub3A_215 = vector.broadcast %reduce_max3A_214 : f32 to vector<16xf32>
          %sub3A_216 = arith.subf %mul3A_182, %sub3A_215 : vector<16xf32>
          %exp3A = math.exp %sub3A_216 : vector<16xf32>
          %sub3A_217 = vector.broadcast %reduce_max3A_214 : f32 to vector<16xf32>
          %sub3A_218 = arith.subf %mul3A_191, %sub3A_217 : vector<16xf32>
          %exp3A_219 = math.exp %sub3A_218 : vector<16xf32>
          %sub3A_220 = vector.broadcast %reduce_max3A_214 : f32 to vector<16xf32>
          %sub3A_221 = arith.subf %mul3A_200, %sub3A_220 : vector<16xf32>
          %exp3A_222 = math.exp %sub3A_221 : vector<16xf32>
          %sub3A_223 = vector.broadcast %reduce_max3A_214 : f32 to vector<16xf32>
          %sub3A_224 = arith.subf %mul3A_209, %sub3A_223 : vector<16xf32>
          %exp3A_225 = math.exp %sub3A_224 : vector<16xf32>
          %add3A_226 = arith.addf %exp3A, %exp3A_219 : vector<16xf32>
          %add3A_227 = arith.addf %add3A_226, %exp3A_222 : vector<16xf32>
          %add3A_228 = arith.addf %add3A_227, %exp3A_225 : vector<16xf32>
          %reduce_sum3A = arith.constant true
          %reduce_sum3A_229 = vector.broadcast %reduce_sum3A : i1 to vector<16xi1>
          %reduce_sum3A_230 = tpu.scan <sum>, %add3A_228 masked %reduce_sum3A_229 : vector<16xf32>, vector<16xi1> -> vector<16xf32>
          %reduce_sum3A_231 = vector.extract %reduce_sum3A_230[15] : f32 from vector<16xf32>
          %broadcast_in_dim3A_232 = vector.broadcast %reduce_sum3A_231 : f32 to vector<16xf32>
          %broadcast_in_dim3A_233 = arith.constant 1.000000e+00 : f32
          %broadcast_in_dim3A_234 = vector.broadcast %broadcast_in_dim3A_233 : f32 to vector<16xf32>
          %div3A_235 = arith.divf %broadcast_in_dim3A_234, %broadcast_in_dim3A_232 : vector<16xf32>
          %mul3A_236 = arith.mulf %exp3A, %div3A_235 : vector<16xf32>
          %mul3A_237 = arith.constant 64 : i32
          %mul3A_238 = arith.muli %scan3A_140, %mul3A_237 : i32
          %add3A_239 = arith.constant 0 : i32
          %add3A_240 = arith.addi %mul3A_238, %add3A_239 : i32
          %swap3A = arith.index_cast %add3A_240 : i32 to index
          %swap3A_241 = tpu.vector_load %arg15[%swap3A] {strides = array<i32>} : memref<272xf32, #tpu.memory_space<vmem>>, vector<16xf32>,
          tpu.vector_store %arg15[%swap3A], %mul3A_236 {strides = array<i32>} : memref<272xf32, #tpu.memory_space<vmem>>, vector<16xf32>,
          %mul3A_242 = arith.mulf %exp3A_219, %div3A_235 : vector<16xf32>
          %mul3A_243 = arith.constant 64 : i32
          %mul3A_244 = arith.muli %scan3A_140, %mul3A_243 : i32
          %add3A_245 = arith.constant 16 : i32
          %add3A_246 = arith.addi %mul3A_244, %add3A_245 : i32
          %swap3A_247 = arith.index_cast %add3A_246 : i32 to index
          %swap3A_248 = tpu.vector_load %arg15[%swap3A_247] {strides = array<i32>} : memref<272xf32, #tpu.memory_space<vmem>>, vector<16xf32>,
          tpu.vector_store %arg15[%swap3A_247], %mul3A_242 {strides = array<i32>} : memref<272xf32, #tpu.memory_space<vmem>>, vector<16xf32>,
          %mul3A_249 = arith.mulf %exp3A_222, %div3A_235 : vector<16xf32>
          %mul3A_250 = arith.constant 64 : i32
          %mul3A_251 = arith.muli %scan3A_140, %mul3A_250 : i32
          %add3A_252 = arith.constant 32 : i32
          %add3A_253 = arith.addi %mul3A_251, %add3A_252 : i32
          %swap3A_254 = arith.index_cast %add3A_253 : i32 to index
          %swap3A_255 = tpu.vector_load %arg15[%swap3A_254] {strides = array<i32>} : memref<272xf32, #tpu.memory_space<vmem>>, vector<16xf32>,
          tpu.vector_store %arg15[%swap3A_254], %mul3A_249 {strides = array<i32>} : memref<272xf32, #tpu.memory_space<vmem>>, vector<16xf32>,
          %mul3A_256 = arith.mulf %exp3A_225, %div3A_235 : vector<16xf32>
          %mul3A_257 = arith.constant 64 : i32
          %mul3A_258 = arith.muli %scan3A_140, %mul3A_257 : i32
          %add3A_259 = arith.constant 48 : i32
          %add3A_260 = arith.addi %mul3A_258, %add3A_259 : i32
          %swap3A_261 = arith.index_cast %add3A_260 : i32 to index
          %swap3A_262 = tpu.vector_load %arg15[%swap3A_261] {strides = array<i32>} : memref<272xf32, #tpu.memory_space<vmem>>, vector<16xf32>,
          tpu.vector_store %arg15[%swap3A_261], %mul3A_256 {strides = array<i32>} : memref<272xf32, #tpu.memory_space<vmem>>, vector<16xf32>,
          %scan3A_263 = arith.constant 0 : i32
          %scan3A_264 = arith.constant 4 : i32
          %scan3A_265 = arith.addi %scan3A_263, %scan3A_264 : i32
          %scan3A_266 = arith.constant 1 : i32
          %scan3A_267:4 = scf.for %scan3A_297 = %scan3A_263 to %scan3A_265 step %scan3A_266 iter_args(%scan3A_298 = %broadcast_in_dim3A_33, %scan3A_299 = %broadcast_in_dim3A_33, %scan3A_300 = %broadcast_in_dim3A_33, %scan3A_301 = %broadcast_in_dim3A_33) -> (vector<16xf32>, vector<16xf32>, vector<16xf32>, vector<16xf32>)  : i32 {
            %mul3A_302 = arith.constant 64 : i32
            %mul3A_303 = arith.muli %scan3A_140, %mul3A_302 : i32
            %mul3A_304 = arith.constant 16 : i32
            %mul3A_305 = arith.muli %scan3A_297, %mul3A_304 : i32
            %add3A_306 = arith.addi %mul3A_303, %mul3A_305 : i32
            %get3A_307 = arith.index_cast %add3A_306 : i32 to index
            %get3A_308 = tpu.vector_load %arg15[%get3A_307] {strides = array<i32>} : memref<272xf32, #tpu.memory_space<vmem>>, vector<16xf32>,
            %slice3A = vector.extract_strided_slice %get3A_308 {offsets = [0], sizes = [1], strides = [1]} : vector<16xf32> to vector<1xf32>
            %squeeze3A = vector.extract %slice3A[0] : f32 from vector<1xf32>
            %broadcast_in_dim3A_309 = vector.broadcast %squeeze3A : f32 to vector<16xf32>
            %mul3A_310 = arith.constant 16 : i32
            %mul3A_311 = arith.muli %scan3A_297, %mul3A_310 : i32
            %add3A_312 = arith.constant 0 : i32
            %add3A_313 = arith.addi %mul3A_311, %add3A_312 : i32
            %mul3A_314 = arith.constant 64 : i32
            %mul3A_315 = arith.muli %scan3A_140, %mul3A_314 : i32
            %add3A_316 = arith.constant 0 : i32
            %add3A_317 = arith.addi %mul3A_315, %add3A_316 : i32
            %get3A_318 = arith.index_cast %add3A_313 : i32 to index
            %get3A_319 = arith.index_cast %add3A_317 : i32 to index
            %get3A_320 = tpu.vector_load %arg10[%get3A_318, %get3A_319] {strides = array<i32>} : memref<64x256xf32, #tpu.memory_space<vmem>>, vector<16xf32>,
            %mul3A_321 = arith.mulf %broadcast_in_dim3A_309, %get3A_320 : vector<16xf32>
            %add3A_322 = arith.addf %scan3A_298, %mul3A_321 : vector<16xf32>
            %mul3A_323 = arith.constant 64 : i32
            %mul3A_324 = arith.muli %scan3A_140, %mul3A_323 : i32
            %add3A_325 = arith.constant 16 : i32
            %add3A_326 = arith.addi %mul3A_324, %add3A_325 : i32
            %get3A_327 = arith.index_cast %add3A_313 : i32 to index
            %get3A_328 = arith.index_cast %add3A_326 : i32 to index
            %get3A_329 = tpu.vector_load %arg10[%get3A_327, %get3A_328] {strides = array<i32>} : memref<64x256xf32, #tpu.memory_space<vmem>>, vector<16xf32>,
            %mul3A_330 = arith.mulf %broadcast_in_dim3A_309, %get3A_329 : vector<16xf32>
            %add3A_331 = arith.addf %scan3A_299, %mul3A_330 : vector<16xf32>
            %mul3A_332 = arith.constant 64 : i32
            %mul3A_333 = arith.muli %scan3A_140, %mul3A_332 : i32
            %add3A_334 = arith.constant 32 : i32
            %add3A_335 = arith.addi %mul3A_333, %add3A_334 : i32
            %get3A_336 = arith.index_cast %add3A_313 : i32 to index
            %get3A_337 = arith.index_cast %add3A_335 : i32 to index
            %get3A_338 = tpu.vector_load %arg10[%get3A_336, %get3A_337] {strides = array<i32>} : memref<64x256xf32, #tpu.memory_space<vmem>>, vector<16xf32>,
            %mul3A_339 = arith.mulf %broadcast_in_dim3A_309, %get3A_338 : vector<16xf32>
            %add3A_340 = arith.addf %scan3A_300, %mul3A_339 : vector<16xf32>
            %mul3A_341 = arith.constant 64 : i32
            %mul3A_342 = arith.muli %scan3A_140, %mul3A_341 : i32
            %add3A_343 = arith.constant 48 : i32
            %add3A_344 = arith.addi %mul3A_342, %add3A_343 : i32
            %get3A_345 = arith.index_cast %add3A_313 : i32 to index
            %get3A_346 = arith.index_cast %add3A_344 : i32 to index
            %get3A_347 = tpu.vector_load %arg10[%get3A_345, %get3A_346] {strides = array<i32>} : memref<64x256xf32, #tpu.memory_space<vmem>>, vector<16xf32>,
            %mul3A_348 = arith.mulf %broadcast_in_dim3A_309, %get3A_347 : vector<16xf32>
            %add3A_349 = arith.addf %scan3A_301, %mul3A_348 : vector<16xf32>
            %slice3A_350 = vector.extract_strided_slice %get3A_308 {offsets = [1], sizes = [1], strides = [1]} : vector<16xf32> to vector<1xf32>
            %squeeze3A_351 = vector.extract %slice3A_350[0] : f32 from vector<1xf32>
            %broadcast_in_dim3A_352 = vector.broadcast %squeeze3A_351 : f32 to vector<16xf32>
            %mul3A_353 = arith.constant 16 : i32
            %mul3A_354 = arith.muli %scan3A_297, %mul3A_353 : i32
            %add3A_355 = arith.constant 1 : i32
            %add3A_356 = arith.addi %mul3A_354, %add3A_355 : i32
            %mul3A_357 = arith.constant 64 : i32
            %mul3A_358 = arith.muli %scan3A_140, %mul3A_357 : i32
            %add3A_359 = arith.constant 0 : i32
            %add3A_360 = arith.addi %mul3A_358, %add3A_359 : i32
            %get3A_361 = arith.index_cast %add3A_356 : i32 to index
            %get3A_362 = arith.index_cast %add3A_360 : i32 to index
            %get3A_363 = tpu.vector_load %arg10[%get3A_361, %get3A_362] {strides = array<i32>} : memref<64x256xf32, #tpu.memory_space<vmem>>, vector<16xf32>,
            %mul3A_364 = arith.mulf %broadcast_in_dim3A_352, %get3A_363 : vector<16xf32>
            %add3A_365 = arith.addf %add3A_322, %mul3A_364 : vector<16xf32>
            %mul3A_366 = arith.constant 64 : i32
            %mul3A_367 = arith.muli %scan3A_140, %mul3A_366 : i32
            %add3A_368 = arith.constant 16 : i32
            %add3A_369 = arith.addi %mul3A_367, %add3A_368 : i32
            %get3A_370 = arith.index_cast %add3A_356 : i32 to index
            %get3A_371 = arith.index_cast %add3A_369 : i32 to index
            %get3A_372 = tpu.vector_load %arg10[%get3A_370, %get3A_371] {strides = array<i32>} : memref<64x256xf32, #tpu.memory_space<vmem>>, vector<16xf32>,
            %mul3A_373 = arith.mulf %broadcast_in_dim3A_352, %get3A_372 : vector<16xf32>
            %add3A_374 = arith.addf %add3A_331, %mul3A_373 : vector<16xf32>
            %mul3A_375 = arith.constant 64 : i32
            %mul3A_376 = arith.muli %scan3A_140, %mul3A_375 : i32
            %add3A_377 = arith.constant 32 : i32
            %add3A_378 = arith.addi %mul3A_376, %add3A_377 : i32
            %get3A_379 = arith.index_cast %add3A_356 : i32 to index
            %get3A_380 = arith.index_cast %add3A_378 : i32 to index
            %get3A_381 = tpu.vector_load %arg10[%get3A_379, %get3A_380] {strides = array<i32>} : memref<64x256xf32, #tpu.memory_space<vmem>>, vector<16xf32>,
            %mul3A_382 = arith.mulf %broadcast_in_dim3A_352, %get3A_381 : vector<16xf32>
            %add3A_383 = arith.addf %add3A_340, %mul3A_382 : vector<16xf32>
            %mul3A_384 = arith.constant 64 : i32
            %mul3A_385 = arith.muli %scan3A_140, %mul3A_384 : i32
            %add3A_386 = arith.constant 48 : i32
            %add3A_387 = arith.addi %mul3A_385, %add3A_386 : i32
            %get3A_388 = arith.index_cast %add3A_356 : i32 to index
            %get3A_389 = arith.index_cast %add3A_387 : i32 to index
            %get3A_390 = tpu.vector_load %arg10[%get3A_388, %get3A_389] {strides = array<i32>} : memref<64x256xf32, #tpu.memory_space<vmem>>, vector<16xf32>,
            %mul3A_391 = arith.mulf %broadcast_in_dim3A_352, %get3A_390 : vector<16xf32>
            %add3A_392 = arith.addf %add3A_349, %mul3A_391 : vector<16xf32>
            %slice3A_393 = vector.extract_strided_slice %get3A_308 {offsets = [2], sizes = [1], strides = [1]} : vector<16xf32> to vector<1xf32>
            %squeeze3A_394 = vector.extract %slice3A_393[0] : f32 from vector<1xf32>
            %broadcast_in_dim3A_395 = vector.broadcast %squeeze3A_394 : f32 to vector<16xf32>
            %mul3A_396 = arith.constant 16 : i32
            %mul3A_397 = arith.muli %scan3A_297, %mul3A_396 : i32
            %add3A_398 = arith.constant 2 : i32
            %add3A_399 = arith.addi %mul3A_397, %add3A_398 : i32
            %mul3A_400 = arith.constant 64 : i32
            %mul3A_401 = arith.muli %scan3A_140, %mul3A_400 : i32
            %add3A_402 = arith.constant 0 : i32
            %add3A_403 = arith.addi %mul3A_401, %add3A_402 : i32
            %get3A_404 = arith.index_cast %add3A_399 : i32 to index
            %get3A_405 = arith.index_cast %add3A_403 : i32 to index
            %get3A_406 = tpu.vector_load %arg10[%get3A_404, %get3A_405] {strides = array<i32>} : memref<64x256xf32, #tpu.memory_space<vmem>>, vector<16xf32>,
            %mul3A_407 = arith.mulf %broadcast_in_dim3A_395, %get3A_406 : vector<16xf32>
            %add3A_408 = arith.addf %add3A_365, %mul3A_407 : vector<16xf32>
            %mul3A_409 = arith.constant 64 : i32
            %mul3A_410 = arith.muli %scan3A_140, %mul3A_409 : i32
            %add3A_411 = arith.constant 16 : i32
            %add3A_412 = arith.addi %mul3A_410, %add3A_411 : i32
            %get3A_413 = arith.index_cast %add3A_399 : i32 to index
            %get3A_414 = arith.index_cast %add3A_412 : i32 to index
            %get3A_415 = tpu.vector_load %arg10[%get3A_413, %get3A_414] {strides = array<i32>} : memref<64x256xf32, #tpu.memory_space<vmem>>, vector<16xf32>,
            %mul3A_416 = arith.mulf %broadcast_in_dim3A_395, %get3A_415 : vector<16xf32>
            %add3A_417 = arith.addf %add3A_374, %mul3A_416 : vector<16xf32>
            %mul3A_418 = arith.constant 64 : i32
            %mul3A_419 = arith.muli %scan3A_140, %mul3A_418 : i32
            %add3A_420 = arith.constant 32 : i32
            %add3A_421 = arith.addi %mul3A_419, %add3A_420 : i32
            %get3A_422 = arith.index_cast %add3A_399 : i32 to index
            %get3A_423 = arith.index_cast %add3A_421 : i32 to index
            %get3A_424 = tpu.vector_load %arg10[%get3A_422, %get3A_423] {strides = array<i32>} : memref<64x256xf32, #tpu.memory_space<vmem>>, vector<16xf32>,
            %mul3A_425 = arith.mulf %broadcast_in_dim3A_395, %get3A_424 : vector<16xf32>
            %add3A_426 = arith.addf %add3A_383, %mul3A_425 : vector<16xf32>
            %mul3A_427 = arith.constant 64 : i32
            %mul3A_428 = arith.muli %scan3A_140, %mul3A_427 : i32
            %add3A_429 = arith.constant 48 : i32
            %add3A_430 = arith.addi %mul3A_428, %add3A_429 : i32
            %get3A_431 = arith.index_cast %add3A_399 : i32 to index
            %get3A_432 = arith.index_cast %add3A_430 : i32 to index
            %get3A_433 = tpu.vector_load %arg10[%get3A_431, %get3A_432] {strides = array<i32>} : memref<64x256xf32, #tpu.memory_space<vmem>>, vector<16xf32>,
            %mul3A_434 = arith.mulf %broadcast_in_dim3A_395, %get3A_433 : vector<16xf32>
            %add3A_435 = arith.addf %add3A_392, %mul3A_434 : vector<16xf32>
            %slice3A_436 = vector.extract_strided_slice %get3A_308 {offsets = [3], sizes = [1], strides = [1]} : vector<16xf32> to vector<1xf32>
            %squeeze3A_437 = vector.extract %slice3A_436[0] : f32 from vector<1xf32>
            %broadcast_in_dim3A_438 = vector.broadcast %squeeze3A_437 : f32 to vector<16xf32>
            %mul3A_439 = arith.constant 16 : i32
            %mul3A_440 = arith.muli %scan3A_297, %mul3A_439 : i32
            %add3A_441 = arith.constant 3 : i32
            %add3A_442 = arith.addi %mul3A_440, %add3A_441 : i32
            %mul3A_443 = arith.constant 64 : i32
            %mul3A_444 = arith.muli %scan3A_140, %mul3A_443 : i32
            %add3A_445 = arith.constant 0 : i32
            %add3A_446 = arith.addi %mul3A_444, %add3A_445 : i32
            %get3A_447 = arith.index_cast %add3A_442 : i32 to index
            %get3A_448 = arith.index_cast %add3A_446 : i32 to index
            %get3A_449 = tpu.vector_load %arg10[%get3A_447, %get3A_448] {strides = array<i32>} : memref<64x256xf32, #tpu.memory_space<vmem>>, vector<16xf32>,
            %mul3A_450 = arith.mulf %broadcast_in_dim3A_438, %get3A_449 : vector<16xf32>
            %add3A_451 = arith.addf %add3A_408, %mul3A_450 : vector<16xf32>
            %mul3A_452 = arith.constant 64 : i32
            %mul3A_453 = arith.muli %scan3A_140, %mul3A_452 : i32
            %add3A_454 = arith.constant 16 : i32
            %add3A_455 = arith.addi %mul3A_453, %add3A_454 : i32
            %get3A_456 = arith.index_cast %add3A_442 : i32 to index
            %get3A_457 = arith.index_cast %add3A_455 : i32 to index
            %get3A_458 = tpu.vector_load %arg10[%get3A_456, %get3A_457] {strides = array<i32>} : memref<64x256xf32, #tpu.memory_space<vmem>>, vector<16xf32>,
            %mul3A_459 = arith.mulf %broadcast_in_dim3A_438, %get3A_458 : vector<16xf32>
            %add3A_460 = arith.addf %add3A_417, %mul3A_459 : vector<16xf32>
            %mul3A_461 = arith.constant 64 : i32
            %mul3A_462 = arith.muli %scan3A_140, %mul3A_461 : i32
            %add3A_463 = arith.constant 32 : i32
            %add3A_464 = arith.addi %mul3A_462, %add3A_463 : i32
            %get3A_465 = arith.index_cast %add3A_442 : i32 to index
            %get3A_466 = arith.index_cast %add3A_464 : i32 to index
            %get3A_467 = tpu.vector_load %arg10[%get3A_465, %get3A_466] {strides = array<i32>} : memref<64x256xf32, #tpu.memory_space<vmem>>, vector<16xf32>,
            %mul3A_468 = arith.mulf %broadcast_in_dim3A_438, %get3A_467 : vector<16xf32>
            %add3A_469 = arith.addf %add3A_426, %mul3A_468 : vector<16xf32>
            %mul3A_470 = arith.constant 64 : i32
            %mul3A_471 = arith.muli %scan3A_140, %mul3A_470 : i32
            %add3A_472 = arith.constant 48 : i32
            %add3A_473 = arith.addi %mul3A_471, %add3A_472 : i32
            %get3A_474 = arith.index_cast %add3A_442 : i32 to index
            %get3A_475 = arith.index_cast %add3A_473 : i32 to index
            %get3A_476 = tpu.vector_load %arg10[%get3A_474, %get3A_475] {strides = array<i32>} : memref<64x256xf32, #tpu.memory_space<vmem>>, vector<16xf32>,
            %mul3A_477 = arith.mulf %broadcast_in_dim3A_438, %get3A_476 : vector<16xf32>
            %add3A_478 = arith.addf %add3A_435, %mul3A_477 : vector<16xf32>
            %slice3A_479 = vector.extract_strided_slice %get3A_308 {offsets = [4], sizes = [1], strides = [1]} : vector<16xf32> to vector<1xf32>
            %squeeze3A_480 = vector.extract %slice3A_479[0] : f32 from vector<1xf32>
            %broadcast_in_dim3A_481 = vector.broadcast %squeeze3A_480 : f32 to vector<16xf32>
            %mul3A_482 = arith.constant 16 : i32
            %mul3A_483 = arith.muli %scan3A_297, %mul3A_482 : i32
            %add3A_484 = arith.constant 4 : i32
            %add3A_485 = arith.addi %mul3A_483, %add3A_484 : i32
            %mul3A_486 = arith.constant 64 : i32
            %mul3A_487 = arith.muli %scan3A_140, %mul3A_486 : i32
            %add3A_488 = arith.constant 0 : i32
            %add3A_489 = arith.addi %mul3A_487, %add3A_488 : i32
            %get3A_490 = arith.index_cast %add3A_485 : i32 to index
            %get3A_491 = arith.index_cast %add3A_489 : i32 to index
            %get3A_492 = tpu.vector_load %arg10[%get3A_490, %get3A_491] {strides = array<i32>} : memref<64x256xf32, #tpu.memory_space<vmem>>, vector<16xf32>,
            %mul3A_493 = arith.mulf %broadcast_in_dim3A_481, %get3A_492 : vector<16xf32>
            %add3A_494 = arith.addf %add3A_451, %mul3A_493 : vector<16xf32>
            %mul3A_495 = arith.constant 64 : i32
            %mul3A_496 = arith.muli %scan3A_140, %mul3A_495 : i32
            %add3A_497 = arith.constant 16 : i32
            %add3A_498 = arith.addi %mul3A_496, %add3A_497 : i32
            %get3A_499 = arith.index_cast %add3A_485 : i32 to index
            %get3A_500 = arith.index_cast %add3A_498 : i32 to index
            %get3A_501 = tpu.vector_load %arg10[%get3A_499, %get3A_500] {strides = array<i32>} : memref<64x256xf32, #tpu.memory_space<vmem>>, vector<16xf32>,
            %mul3A_502 = arith.mulf %broadcast_in_dim3A_481, %get3A_501 : vector<16xf32>
            %add3A_503 = arith.addf %add3A_460, %mul3A_502 : vector<16xf32>
            %mul3A_504 = arith.constant 64 : i32
            %mul3A_505 = arith.muli %scan3A_140, %mul3A_504 : i32
            %add3A_506 = arith.constant 32 : i32
            %add3A_507 = arith.addi %mul3A_505, %add3A_506 : i32
            %get3A_508 = arith.index_cast %add3A_485 : i32 to index
            %get3A_509 = arith.index_cast %add3A_507 : i32 to index
            %get3A_510 = tpu.vector_load %arg10[%get3A_508, %get3A_509] {strides = array<i32>} : memref<64x256xf32, #tpu.memory_space<vmem>>, vector<16xf32>,
            %mul3A_511 = arith.mulf %broadcast_in_dim3A_481, %get3A_510 : vector<16xf32>
            %add3A_512 = arith.addf %add3A_469, %mul3A_511 : vector<16xf32>
            %mul3A_513 = arith.constant 64 : i32
            %mul3A_514 = arith.muli %scan3A_140, %mul3A_513 : i32
            %add3A_515 = arith.constant 48 : i32
            %add3A_516 = arith.addi %mul3A_514, %add3A_515 : i32
            %get3A_517 = arith.index_cast %add3A_485 : i32 to index
            %get3A_518 = arith.index_cast %add3A_516 : i32 to index
            %get3A_519 = tpu.vector_load %arg10[%get3A_517, %get3A_518] {strides = array<i32>} : memref<64x256xf32, #tpu.memory_space<vmem>>, vector<16xf32>,
            %mul3A_520 = arith.mulf %broadcast_in_dim3A_481, %get3A_519 : vector<16xf32>
            %add3A_521 = arith.addf %add3A_478, %mul3A_520 : vector<16xf32>
            %slice3A_522 = vector.extract_strided_slice %get3A_308 {offsets = [5], sizes = [1], strides = [1]} : vector<16xf32> to vector<1xf32>
            %squeeze3A_523 = vector.extract %slice3A_522[0] : f32 from vector<1xf32>
            %broadcast_in_dim3A_524 = vector.broadcast %squeeze3A_523 : f32 to vector<16xf32>
            %mul3A_525 = arith.constant 16 : i32
            %mul3A_526 = arith.muli %scan3A_297, %mul3A_525 : i32
            %add3A_527 = arith.constant 5 : i32
            %add3A_528 = arith.addi %mul3A_526, %add3A_527 : i32
            %mul3A_529 = arith.constant 64 : i32
            %mul3A_530 = arith.muli %scan3A_140, %mul3A_529 : i32
            %add3A_531 = arith.constant 0 : i32
            %add3A_532 = arith.addi %mul3A_530, %add3A_531 : i32
            %get3A_533 = arith.index_cast %add3A_528 : i32 to index
            %get3A_534 = arith.index_cast %add3A_532 : i32 to index
            %get3A_535 = tpu.vector_load %arg10[%get3A_533, %get3A_534] {strides = array<i32>} : memref<64x256xf32, #tpu.memory_space<vmem>>, vector<16xf32>,
            %mul3A_536 = arith.mulf %broadcast_in_dim3A_524, %get3A_535 : vector<16xf32>
            %add3A_537 = arith.addf %add3A_494, %mul3A_536 : vector<16xf32>
            %mul3A_538 = arith.constant 64 : i32
            %mul3A_539 = arith.muli %scan3A_140, %mul3A_538 : i32
            %add3A_540 = arith.constant 16 : i32
            %add3A_541 = arith.addi %mul3A_539, %add3A_540 : i32
            %get3A_542 = arith.index_cast %add3A_528 : i32 to index
            %get3A_543 = arith.index_cast %add3A_541 : i32 to index
            %get3A_544 = tpu.vector_load %arg10[%get3A_542, %get3A_543] {strides = array<i32>} : memref<64x256xf32, #tpu.memory_space<vmem>>, vector<16xf32>,
            %mul3A_545 = arith.mulf %broadcast_in_dim3A_524, %get3A_544 : vector<16xf32>
            %add3A_546 = arith.addf %add3A_503, %mul3A_545 : vector<16xf32>
            %mul3A_547 = arith.constant 64 : i32
            %mul3A_548 = arith.muli %scan3A_140, %mul3A_547 : i32
            %add3A_549 = arith.constant 32 : i32
            %add3A_550 = arith.addi %mul3A_548, %add3A_549 : i32
            %get3A_551 = arith.index_cast %add3A_528 : i32 to index
            %get3A_552 = arith.index_cast %add3A_550 : i32 to index
            %get3A_553 = tpu.vector_load %arg10[%get3A_551, %get3A_552] {strides = array<i32>} : memref<64x256xf32, #tpu.memory_space<vmem>>, vector<16xf32>,
            %mul3A_554 = arith.mulf %broadcast_in_dim3A_524, %get3A_553 : vector<16xf32>
            %add3A_555 = arith.addf %add3A_512, %mul3A_554 : vector<16xf32>
            %mul3A_556 = arith.constant 64 : i32
            %mul3A_557 = arith.muli %scan3A_140, %mul3A_556 : i32
            %add3A_558 = arith.constant 48 : i32
            %add3A_559 = arith.addi %mul3A_557, %add3A_558 : i32
            %get3A_560 = arith.index_cast %add3A_528 : i32 to index
            %get3A_561 = arith.index_cast %add3A_559 : i32 to index
            %get3A_562 = tpu.vector_load %arg10[%get3A_560, %get3A_561] {strides = array<i32>} : memref<64x256xf32, #tpu.memory_space<vmem>>, vector<16xf32>,
            %mul3A_563 = arith.mulf %broadcast_in_dim3A_524, %get3A_562 : vector<16xf32>
            %add3A_564 = arith.addf %add3A_521, %mul3A_563 : vector<16xf32>
            %slice3A_565 = vector.extract_strided_slice %get3A_308 {offsets = [6], sizes = [1], strides = [1]} : vector<16xf32> to vector<1xf32>
            %squeeze3A_566 = vector.extract %slice3A_565[0] : f32 from vector<1xf32>
            %broadcast_in_dim3A_567 = vector.broadcast %squeeze3A_566 : f32 to vector<16xf32>
            %mul3A_568 = arith.constant 16 : i32
            %mul3A_569 = arith.muli %scan3A_297, %mul3A_568 : i32
            %add3A_570 = arith.constant 6 : i32
            %add3A_571 = arith.addi %mul3A_569, %add3A_570 : i32
            %mul3A_572 = arith.constant 64 : i32
            %mul3A_573 = arith.muli %scan3A_140, %mul3A_572 : i32
            %add3A_574 = arith.constant 0 : i32
            %add3A_575 = arith.addi %mul3A_573, %add3A_574 : i32
            %get3A_576 = arith.index_cast %add3A_571 : i32 to index
            %get3A_577 = arith.index_cast %add3A_575 : i32 to index
            %get3A_578 = tpu.vector_load %arg10[%get3A_576, %get3A_577] {strides = array<i32>} : memref<64x256xf32, #tpu.memory_space<vmem>>, vector<16xf32>,
            %mul3A_579 = arith.mulf %broadcast_in_dim3A_567, %get3A_578 : vector<16xf32>
            %add3A_580 = arith.addf %add3A_537, %mul3A_579 : vector<16xf32>
            %mul3A_581 = arith.constant 64 : i32
            %mul3A_582 = arith.muli %scan3A_140, %mul3A_581 : i32
            %add3A_583 = arith.constant 16 : i32
            %add3A_584 = arith.addi %mul3A_582, %add3A_583 : i32
            %get3A_585 = arith.index_cast %add3A_571 : i32 to index
            %get3A_586 = arith.index_cast %add3A_584 : i32 to index
            %get3A_587 = tpu.vector_load %arg10[%get3A_585, %get3A_586] {strides = array<i32>} : memref<64x256xf32, #tpu.memory_space<vmem>>, vector<16xf32>,
            %mul3A_588 = arith.mulf %broadcast_in_dim3A_567, %get3A_587 : vector<16xf32>
            %add3A_589 = arith.addf %add3A_546, %mul3A_588 : vector<16xf32>
            %mul3A_590 = arith.constant 64 : i32
            %mul3A_591 = arith.muli %scan3A_140, %mul3A_590 : i32
            %add3A_592 = arith.constant 32 : i32
            %add3A_593 = arith.addi %mul3A_591, %add3A_592 : i32
            %get3A_594 = arith.index_cast %add3A_571 : i32 to index
            %get3A_595 = arith.index_cast %add3A_593 : i32 to index
            %get3A_596 = tpu.vector_load %arg10[%get3A_594, %get3A_595] {strides = array<i32>} : memref<64x256xf32, #tpu.memory_space<vmem>>, vector<16xf32>,
            %mul3A_597 = arith.mulf %broadcast_in_dim3A_567, %get3A_596 : vector<16xf32>
            %add3A_598 = arith.addf %add3A_555, %mul3A_597 : vector<16xf32>
            %mul3A_599 = arith.constant 64 : i32
            %mul3A_600 = arith.muli %scan3A_140, %mul3A_599 : i32
            %add3A_601 = arith.constant 48 : i32
            %add3A_602 = arith.addi %mul3A_600, %add3A_601 : i32
            %get3A_603 = arith.index_cast %add3A_571 : i32 to index
            %get3A_604 = arith.index_cast %add3A_602 : i32 to index
            %get3A_605 = tpu.vector_load %arg10[%get3A_603, %get3A_604] {strides = array<i32>} : memref<64x256xf32, #tpu.memory_space<vmem>>, vector<16xf32>,
            %mul3A_606 = arith.mulf %broadcast_in_dim3A_567, %get3A_605 : vector<16xf32>
            %add3A_607 = arith.addf %add3A_564, %mul3A_606 : vector<16xf32>
            %slice3A_608 = vector.extract_strided_slice %get3A_308 {offsets = [7], sizes = [1], strides = [1]} : vector<16xf32> to vector<1xf32>
            %squeeze3A_609 = vector.extract %slice3A_608[0] : f32 from vector<1xf32>
            %broadcast_in_dim3A_610 = vector.broadcast %squeeze3A_609 : f32 to vector<16xf32>
            %mul3A_611 = arith.constant 16 : i32
            %mul3A_612 = arith.muli %scan3A_297, %mul3A_611 : i32
            %add3A_613 = arith.constant 7 : i32
            %add3A_614 = arith.addi %mul3A_612, %add3A_613 : i32
            %mul3A_615 = arith.constant 64 : i32
            %mul3A_616 = arith.muli %scan3A_140, %mul3A_615 : i32
            %add3A_617 = arith.constant 0 : i32
            %add3A_618 = arith.addi %mul3A_616, %add3A_617 : i32
            %get3A_619 = arith.index_cast %add3A_614 : i32 to index
            %get3A_620 = arith.index_cast %add3A_618 : i32 to index
            %get3A_621 = tpu.vector_load %arg10[%get3A_619, %get3A_620] {strides = array<i32>} : memref<64x256xf32, #tpu.memory_space<vmem>>, vector<16xf32>,
            %mul3A_622 = arith.mulf %broadcast_in_dim3A_610, %get3A_621 : vector<16xf32>
            %add3A_623 = arith.addf %add3A_580, %mul3A_622 : vector<16xf32>
            %mul3A_624 = arith.constant 64 : i32
            %mul3A_625 = arith.muli %scan3A_140, %mul3A_624 : i32
            %add3A_626 = arith.constant 16 : i32
            %add3A_627 = arith.addi %mul3A_625, %add3A_626 : i32
            %get3A_628 = arith.index_cast %add3A_614 : i32 to index
            %get3A_629 = arith.index_cast %add3A_627 : i32 to index
            %get3A_630 = tpu.vector_load %arg10[%get3A_628, %get3A_629] {strides = array<i32>} : memref<64x256xf32, #tpu.memory_space<vmem>>, vector<16xf32>,
            %mul3A_631 = arith.mulf %broadcast_in_dim3A_610, %get3A_630 : vector<16xf32>
            %add3A_632 = arith.addf %add3A_589, %mul3A_631 : vector<16xf32>
            %mul3A_633 = arith.constant 64 : i32
            %mul3A_634 = arith.muli %scan3A_140, %mul3A_633 : i32
            %add3A_635 = arith.constant 32 : i32
            %add3A_636 = arith.addi %mul3A_634, %add3A_635 : i32
            %get3A_637 = arith.index_cast %add3A_614 : i32 to index
            %get3A_638 = arith.index_cast %add3A_636 : i32 to index
            %get3A_639 = tpu.vector_load %arg10[%get3A_637, %get3A_638] {strides = array<i32>} : memref<64x256xf32, #tpu.memory_space<vmem>>, vector<16xf32>,
            %mul3A_640 = arith.mulf %broadcast_in_dim3A_610, %get3A_639 : vector<16xf32>
            %add3A_641 = arith.addf %add3A_598, %mul3A_640 : vector<16xf32>
            %mul3A_642 = arith.constant 64 : i32
            %mul3A_643 = arith.muli %scan3A_140, %mul3A_642 : i32
            %add3A_644 = arith.constant 48 : i32
            %add3A_645 = arith.addi %mul3A_643, %add3A_644 : i32
            %get3A_646 = arith.index_cast %add3A_614 : i32 to index
            %get3A_647 = arith.index_cast %add3A_645 : i32 to index
            %get3A_648 = tpu.vector_load %arg10[%get3A_646, %get3A_647] {strides = array<i32>} : memref<64x256xf32, #tpu.memory_space<vmem>>, vector<16xf32>,
            %mul3A_649 = arith.mulf %broadcast_in_dim3A_610, %get3A_648 : vector<16xf32>
            %add3A_650 = arith.addf %add3A_607, %mul3A_649 : vector<16xf32>
            %slice3A_651 = vector.extract_strided_slice %get3A_308 {offsets = [8], sizes = [1], strides = [1]} : vector<16xf32> to vector<1xf32>
            %squeeze3A_652 = vector.extract %slice3A_651[0] : f32 from vector<1xf32>
            %broadcast_in_dim3A_653 = vector.broadcast %squeeze3A_652 : f32 to vector<16xf32>
            %mul3A_654 = arith.constant 16 : i32
            %mul3A_655 = arith.muli %scan3A_297, %mul3A_654 : i32
            %add3A_656 = arith.constant 8 : i32
            %add3A_657 = arith.addi %mul3A_655, %add3A_656 : i32
            %mul3A_658 = arith.constant 64 : i32
            %mul3A_659 = arith.muli %scan3A_140, %mul3A_658 : i32
            %add3A_660 = arith.constant 0 : i32
            %add3A_661 = arith.addi %mul3A_659, %add3A_660 : i32
            %get3A_662 = arith.index_cast %add3A_657 : i32 to index
            %get3A_663 = arith.index_cast %add3A_661 : i32 to index
            %get3A_664 = tpu.vector_load %arg10[%get3A_662, %get3A_663] {strides = array<i32>} : memref<64x256xf32, #tpu.memory_space<vmem>>, vector<16xf32>,
            %mul3A_665 = arith.mulf %broadcast_in_dim3A_653, %get3A_664 : vector<16xf32>
            %add3A_666 = arith.addf %add3A_623, %mul3A_665 : vector<16xf32>
            %mul3A_667 = arith.constant 64 : i32
            %mul3A_668 = arith.muli %scan3A_140, %mul3A_667 : i32
            %add3A_669 = arith.constant 16 : i32
            %add3A_670 = arith.addi %mul3A_668, %add3A_669 : i32
            %get3A_671 = arith.index_cast %add3A_657 : i32 to index
            %get3A_672 = arith.index_cast %add3A_670 : i32 to index
            %get3A_673 = tpu.vector_load %arg10[%get3A_671, %get3A_672] {strides = array<i32>} : memref<64x256xf32, #tpu.memory_space<vmem>>, vector<16xf32>,
            %mul3A_674 = arith.mulf %broadcast_in_dim3A_653, %get3A_673 : vector<16xf32>
            %add3A_675 = arith.addf %add3A_632, %mul3A_674 : vector<16xf32>
            %mul3A_676 = arith.constant 64 : i32
            %mul3A_677 = arith.muli %scan3A_140, %mul3A_676 : i32
            %add3A_678 = arith.constant 32 : i32
            %add3A_679 = arith.addi %mul3A_677, %add3A_678 : i32
            %get3A_680 = arith.index_cast %add3A_657 : i32 to index
            %get3A_681 = arith.index_cast %add3A_679 : i32 to index
            %get3A_682 = tpu.vector_load %arg10[%get3A_680, %get3A_681] {strides = array<i32>} : memref<64x256xf32, #tpu.memory_space<vmem>>, vector<16xf32>,
            %mul3A_683 = arith.mulf %broadcast_in_dim3A_653, %get3A_682 : vector<16xf32>
            %add3A_684 = arith.addf %add3A_641, %mul3A_683 : vector<16xf32>
            %mul3A_685 = arith.constant 64 : i32
            %mul3A_686 = arith.muli %scan3A_140, %mul3A_685 : i32
            %add3A_687 = arith.constant 48 : i32
            %add3A_688 = arith.addi %mul3A_686, %add3A_687 : i32
            %get3A_689 = arith.index_cast %add3A_657 : i32 to index
            %get3A_690 = arith.index_cast %add3A_688 : i32 to index
            %get3A_691 = tpu.vector_load %arg10[%get3A_689, %get3A_690] {strides = array<i32>} : memref<64x256xf32, #tpu.memory_space<vmem>>, vector<16xf32>,
            %mul3A_692 = arith.mulf %broadcast_in_dim3A_653, %get3A_691 : vector<16xf32>
            %add3A_693 = arith.addf %add3A_650, %mul3A_692 : vector<16xf32>
            %slice3A_694 = vector.extract_strided_slice %get3A_308 {offsets = [9], sizes = [1], strides = [1]} : vector<16xf32> to vector<1xf32>
            %squeeze3A_695 = vector.extract %slice3A_694[0] : f32 from vector<1xf32>
            %broadcast_in_dim3A_696 = vector.broadcast %squeeze3A_695 : f32 to vector<16xf32>
            %mul3A_697 = arith.constant 16 : i32
            %mul3A_698 = arith.muli %scan3A_297, %mul3A_697 : i32
            %add3A_699 = arith.constant 9 : i32
            %add3A_700 = arith.addi %mul3A_698, %add3A_699 : i32
            %mul3A_701 = arith.constant 64 : i32
            %mul3A_702 = arith.muli %scan3A_140, %mul3A_701 : i32
            %add3A_703 = arith.constant 0 : i32
            %add3A_704 = arith.addi %mul3A_702, %add3A_703 : i32
            %get3A_705 = arith.index_cast %add3A_700 : i32 to index
            %get3A_706 = arith.index_cast %add3A_704 : i32 to index
            %get3A_707 = tpu.vector_load %arg10[%get3A_705, %get3A_706] {strides = array<i32>} : memref<64x256xf32, #tpu.memory_space<vmem>>, vector<16xf32>,
            %mul3A_708 = arith.mulf %broadcast_in_dim3A_696, %get3A_707 : vector<16xf32>
            %add3A_709 = arith.addf %add3A_666, %mul3A_708 : vector<16xf32>
            %mul3A_710 = arith.constant 64 : i32
            %mul3A_711 = arith.muli %scan3A_140, %mul3A_710 : i32
            %add3A_712 = arith.constant 16 : i32
            %add3A_713 = arith.addi %mul3A_711, %add3A_712 : i32
            %get3A_714 = arith.index_cast %add3A_700 : i32 to index
            %get3A_715 = arith.index_cast %add3A_713 : i32 to index
            %get3A_716 = tpu.vector_load %arg10[%get3A_714, %get3A_715] {strides = array<i32>} : memref<64x256xf32, #tpu.memory_space<vmem>>, vector<16xf32>,
            %mul3A_717 = arith.mulf %broadcast_in_dim3A_696, %get3A_716 : vector<16xf32>
            %add3A_718 = arith.addf %add3A_675, %mul3A_717 : vector<16xf32>
            %mul3A_719 = arith.constant 64 : i32
            %mul3A_720 = arith.muli %scan3A_140, %mul3A_719 : i32
            %add3A_721 = arith.constant 32 : i32
            %add3A_722 = arith.addi %mul3A_720, %add3A_721 : i32
            %get3A_723 = arith.index_cast %add3A_700 : i32 to index
            %get3A_724 = arith.index_cast %add3A_722 : i32 to index
            %get3A_725 = tpu.vector_load %arg10[%get3A_723, %get3A_724] {strides = array<i32>} : memref<64x256xf32, #tpu.memory_space<vmem>>, vector<16xf32>,
            %mul3A_726 = arith.mulf %broadcast_in_dim3A_696, %get3A_725 : vector<16xf32>
            %add3A_727 = arith.addf %add3A_684, %mul3A_726 : vector<16xf32>
            %mul3A_728 = arith.constant 64 : i32
            %mul3A_729 = arith.muli %scan3A_140, %mul3A_728 : i32
            %add3A_730 = arith.constant 48 : i32
            %add3A_731 = arith.addi %mul3A_729, %add3A_730 : i32
            %get3A_732 = arith.index_cast %add3A_700 : i32 to index
            %get3A_733 = arith.index_cast %add3A_731 : i32 to index
            %get3A_734 = tpu.vector_load %arg10[%get3A_732, %get3A_733] {strides = array<i32>} : memref<64x256xf32, #tpu.memory_space<vmem>>, vector<16xf32>,
            %mul3A_735 = arith.mulf %broadcast_in_dim3A_696, %get3A_734 : vector<16xf32>
            %add3A_736 = arith.addf %add3A_693, %mul3A_735 : vector<16xf32>
            %slice3A_737 = vector.extract_strided_slice %get3A_308 {offsets = [10], sizes = [1], strides = [1]} : vector<16xf32> to vector<1xf32>
            %squeeze3A_738 = vector.extract %slice3A_737[0] : f32 from vector<1xf32>
            %broadcast_in_dim3A_739 = vector.broadcast %squeeze3A_738 : f32 to vector<16xf32>
            %mul3A_740 = arith.constant 16 : i32
            %mul3A_741 = arith.muli %scan3A_297, %mul3A_740 : i32
            %add3A_742 = arith.constant 10 : i32
            %add3A_743 = arith.addi %mul3A_741, %add3A_742 : i32
            %mul3A_744 = arith.constant 64 : i32
            %mul3A_745 = arith.muli %scan3A_140, %mul3A_744 : i32
            %add3A_746 = arith.constant 0 : i32
            %add3A_747 = arith.addi %mul3A_745, %add3A_746 : i32
            %get3A_748 = arith.index_cast %add3A_743 : i32 to index
            %get3A_749 = arith.index_cast %add3A_747 : i32 to index
            %get3A_750 = tpu.vector_load %arg10[%get3A_748, %get3A_749] {strides = array<i32>} : memref<64x256xf32, #tpu.memory_space<vmem>>, vector<16xf32>,
            %mul3A_751 = arith.mulf %broadcast_in_dim3A_739, %get3A_750 : vector<16xf32>
            %add3A_752 = arith.addf %add3A_709, %mul3A_751 : vector<16xf32>
            %mul3A_753 = arith.constant 64 : i32
            %mul3A_754 = arith.muli %scan3A_140, %mul3A_753 : i32
            %add3A_755 = arith.constant 16 : i32
            %add3A_756 = arith.addi %mul3A_754, %add3A_755 : i32
            %get3A_757 = arith.index_cast %add3A_743 : i32 to index
            %get3A_758 = arith.index_cast %add3A_756 : i32 to index
            %get3A_759 = tpu.vector_load %arg10[%get3A_757, %get3A_758] {strides = array<i32>} : memref<64x256xf32, #tpu.memory_space<vmem>>, vector<16xf32>,
            %mul3A_760 = arith.mulf %broadcast_in_dim3A_739, %get3A_759 : vector<16xf32>
            %add3A_761 = arith.addf %add3A_718, %mul3A_760 : vector<16xf32>
            %mul3A_762 = arith.constant 64 : i32
            %mul3A_763 = arith.muli %scan3A_140, %mul3A_762 : i32
            %add3A_764 = arith.constant 32 : i32
            %add3A_765 = arith.addi %mul3A_763, %add3A_764 : i32
            %get3A_766 = arith.index_cast %add3A_743 : i32 to index
            %get3A_767 = arith.index_cast %add3A_765 : i32 to index
            %get3A_768 = tpu.vector_load %arg10[%get3A_766, %get3A_767] {strides = array<i32>} : memref<64x256xf32, #tpu.memory_space<vmem>>, vector<16xf32>,
            %mul3A_769 = arith.mulf %broadcast_in_dim3A_739, %get3A_768 : vector<16xf32>
            %add3A_770 = arith.addf %add3A_727, %mul3A_769 : vector<16xf32>
            %mul3A_771 = arith.constant 64 : i32
            %mul3A_772 = arith.muli %scan3A_140, %mul3A_771 : i32
            %add3A_773 = arith.constant 48 : i32
            %add3A_774 = arith.addi %mul3A_772, %add3A_773 : i32
            %get3A_775 = arith.index_cast %add3A_743 : i32 to index
            %get3A_776 = arith.index_cast %add3A_774 : i32 to index
            %get3A_777 = tpu.vector_load %arg10[%get3A_775, %get3A_776] {strides = array<i32>} : memref<64x256xf32, #tpu.memory_space<vmem>>, vector<16xf32>,
            %mul3A_778 = arith.mulf %broadcast_in_dim3A_739, %get3A_777 : vector<16xf32>
            %add3A_779 = arith.addf %add3A_736, %mul3A_778 : vector<16xf32>
            %slice3A_780 = vector.extract_strided_slice %get3A_308 {offsets = [11], sizes = [1], strides = [1]} : vector<16xf32> to vector<1xf32>
            %squeeze3A_781 = vector.extract %slice3A_780[0] : f32 from vector<1xf32>
            %broadcast_in_dim3A_782 = vector.broadcast %squeeze3A_781 : f32 to vector<16xf32>
            %mul3A_783 = arith.constant 16 : i32
            %mul3A_784 = arith.muli %scan3A_297, %mul3A_783 : i32
            %add3A_785 = arith.constant 11 : i32
            %add3A_786 = arith.addi %mul3A_784, %add3A_785 : i32
            %mul3A_787 = arith.constant 64 : i32
            %mul3A_788 = arith.muli %scan3A_140, %mul3A_787 : i32
            %add3A_789 = arith.constant 0 : i32
            %add3A_790 = arith.addi %mul3A_788, %add3A_789 : i32
            %get3A_791 = arith.index_cast %add3A_786 : i32 to index
            %get3A_792 = arith.index_cast %add3A_790 : i32 to index
            %get3A_793 = tpu.vector_load %arg10[%get3A_791, %get3A_792] {strides = array<i32>} : memref<64x256xf32, #tpu.memory_space<vmem>>, vector<16xf32>,
            %mul3A_794 = arith.mulf %broadcast_in_dim3A_782, %get3A_793 : vector<16xf32>
            %add3A_795 = arith.addf %add3A_752, %mul3A_794 : vector<16xf32>
            %mul3A_796 = arith.constant 64 : i32
            %mul3A_797 = arith.muli %scan3A_140, %mul3A_796 : i32
            %add3A_798 = arith.constant 16 : i32
            %add3A_799 = arith.addi %mul3A_797, %add3A_798 : i32
            %get3A_800 = arith.index_cast %add3A_786 : i32 to index
            %get3A_801 = arith.index_cast %add3A_799 : i32 to index
            %get3A_802 = tpu.vector_load %arg10[%get3A_800, %get3A_801] {strides = array<i32>} : memref<64x256xf32, #tpu.memory_space<vmem>>, vector<16xf32>,
            %mul3A_803 = arith.mulf %broadcast_in_dim3A_782, %get3A_802 : vector<16xf32>
            %add3A_804 = arith.addf %add3A_761, %mul3A_803 : vector<16xf32>
            %mul3A_805 = arith.constant 64 : i32
            %mul3A_806 = arith.muli %scan3A_140, %mul3A_805 : i32
            %add3A_807 = arith.constant 32 : i32
            %add3A_808 = arith.addi %mul3A_806, %add3A_807 : i32
            %get3A_809 = arith.index_cast %add3A_786 : i32 to index
            %get3A_810 = arith.index_cast %add3A_808 : i32 to index
            %get3A_811 = tpu.vector_load %arg10[%get3A_809, %get3A_810] {strides = array<i32>} : memref<64x256xf32, #tpu.memory_space<vmem>>, vector<16xf32>,
            %mul3A_812 = arith.mulf %broadcast_in_dim3A_782, %get3A_811 : vector<16xf32>
            %add3A_813 = arith.addf %add3A_770, %mul3A_812 : vector<16xf32>
            %mul3A_814 = arith.constant 64 : i32
            %mul3A_815 = arith.muli %scan3A_140, %mul3A_814 : i32
            %add3A_816 = arith.constant 48 : i32
            %add3A_817 = arith.addi %mul3A_815, %add3A_816 : i32
            %get3A_818 = arith.index_cast %add3A_786 : i32 to index
            %get3A_819 = arith.index_cast %add3A_817 : i32 to index
            %get3A_820 = tpu.vector_load %arg10[%get3A_818, %get3A_819] {strides = array<i32>} : memref<64x256xf32, #tpu.memory_space<vmem>>, vector<16xf32>,
            %mul3A_821 = arith.mulf %broadcast_in_dim3A_782, %get3A_820 : vector<16xf32>
            %add3A_822 = arith.addf %add3A_779, %mul3A_821 : vector<16xf32>
            %slice3A_823 = vector.extract_strided_slice %get3A_308 {offsets = [12], sizes = [1], strides = [1]} : vector<16xf32> to vector<1xf32>
            %squeeze3A_824 = vector.extract %slice3A_823[0] : f32 from vector<1xf32>
            %broadcast_in_dim3A_825 = vector.broadcast %squeeze3A_824 : f32 to vector<16xf32>
            %mul3A_826 = arith.constant 16 : i32
            %mul3A_827 = arith.muli %scan3A_297, %mul3A_826 : i32
            %add3A_828 = arith.constant 12 : i32
            %add3A_829 = arith.addi %mul3A_827, %add3A_828 : i32
            %mul3A_830 = arith.constant 64 : i32
            %mul3A_831 = arith.muli %scan3A_140, %mul3A_830 : i32
            %add3A_832 = arith.constant 0 : i32
            %add3A_833 = arith.addi %mul3A_831, %add3A_832 : i32
            %get3A_834 = arith.index_cast %add3A_829 : i32 to index
            %get3A_835 = arith.index_cast %add3A_833 : i32 to index
            %get3A_836 = tpu.vector_load %arg10[%get3A_834, %get3A_835] {strides = array<i32>} : memref<64x256xf32, #tpu.memory_space<vmem>>, vector<16xf32>,
            %mul3A_837 = arith.mulf %broadcast_in_dim3A_825, %get3A_836 : vector<16xf32>
            %add3A_838 = arith.addf %add3A_795, %mul3A_837 : vector<16xf32>
            %mul3A_839 = arith.constant 64 : i32
            %mul3A_840 = arith.muli %scan3A_140, %mul3A_839 : i32
            %add3A_841 = arith.constant 16 : i32
            %add3A_842 = arith.addi %mul3A_840, %add3A_841 : i32
            %get3A_843 = arith.index_cast %add3A_829 : i32 to index
            %get3A_844 = arith.index_cast %add3A_842 : i32 to index
            %get3A_845 = tpu.vector_load %arg10[%get3A_843, %get3A_844] {strides = array<i32>} : memref<64x256xf32, #tpu.memory_space<vmem>>, vector<16xf32>,
            %mul3A_846 = arith.mulf %broadcast_in_dim3A_825, %get3A_845 : vector<16xf32>
            %add3A_847 = arith.addf %add3A_804, %mul3A_846 : vector<16xf32>
            %mul3A_848 = arith.constant 64 : i32
            %mul3A_849 = arith.muli %scan3A_140, %mul3A_848 : i32
            %add3A_850 = arith.constant 32 : i32
            %add3A_851 = arith.addi %mul3A_849, %add3A_850 : i32
            %get3A_852 = arith.index_cast %add3A_829 : i32 to index
            %get3A_853 = arith.index_cast %add3A_851 : i32 to index
            %get3A_854 = tpu.vector_load %arg10[%get3A_852, %get3A_853] {strides = array<i32>} : memref<64x256xf32, #tpu.memory_space<vmem>>, vector<16xf32>,
            %mul3A_855 = arith.mulf %broadcast_in_dim3A_825, %get3A_854 : vector<16xf32>
            %add3A_856 = arith.addf %add3A_813, %mul3A_855 : vector<16xf32>
            %mul3A_857 = arith.constant 64 : i32
            %mul3A_858 = arith.muli %scan3A_140, %mul3A_857 : i32
            %add3A_859 = arith.constant 48 : i32
            %add3A_860 = arith.addi %mul3A_858, %add3A_859 : i32
            %get3A_861 = arith.index_cast %add3A_829 : i32 to index
            %get3A_862 = arith.index_cast %add3A_860 : i32 to index
            %get3A_863 = tpu.vector_load %arg10[%get3A_861, %get3A_862] {strides = array<i32>} : memref<64x256xf32, #tpu.memory_space<vmem>>, vector<16xf32>,
            %mul3A_864 = arith.mulf %broadcast_in_dim3A_825, %get3A_863 : vector<16xf32>
            %add3A_865 = arith.addf %add3A_822, %mul3A_864 : vector<16xf32>
            %slice3A_866 = vector.extract_strided_slice %get3A_308 {offsets = [13], sizes = [1], strides = [1]} : vector<16xf32> to vector<1xf32>
            %squeeze3A_867 = vector.extract %slice3A_866[0] : f32 from vector<1xf32>
            %broadcast_in_dim3A_868 = vector.broadcast %squeeze3A_867 : f32 to vector<16xf32>
            %mul3A_869 = arith.constant 16 : i32
            %mul3A_870 = arith.muli %scan3A_297, %mul3A_869 : i32
            %add3A_871 = arith.constant 13 : i32
            %add3A_872 = arith.addi %mul3A_870, %add3A_871 : i32
            %mul3A_873 = arith.constant 64 : i32
            %mul3A_874 = arith.muli %scan3A_140, %mul3A_873 : i32
            %add3A_875 = arith.constant 0 : i32
            %add3A_876 = arith.addi %mul3A_874, %add3A_875 : i32
            %get3A_877 = arith.index_cast %add3A_872 : i32 to index
            %get3A_878 = arith.index_cast %add3A_876 : i32 to index
            %get3A_879 = tpu.vector_load %arg10[%get3A_877, %get3A_878] {strides = array<i32>} : memref<64x256xf32, #tpu.memory_space<vmem>>, vector<16xf32>,
            %mul3A_880 = arith.mulf %broadcast_in_dim3A_868, %get3A_879 : vector<16xf32>
            %add3A_881 = arith.addf %add3A_838, %mul3A_880 : vector<16xf32>
            %mul3A_882 = arith.constant 64 : i32
            %mul3A_883 = arith.muli %scan3A_140, %mul3A_882 : i32
            %add3A_884 = arith.constant 16 : i32
            %add3A_885 = arith.addi %mul3A_883, %add3A_884 : i32
            %get3A_886 = arith.index_cast %add3A_872 : i32 to index
            %get3A_887 = arith.index_cast %add3A_885 : i32 to index
            %get3A_888 = tpu.vector_load %arg10[%get3A_886, %get3A_887] {strides = array<i32>} : memref<64x256xf32, #tpu.memory_space<vmem>>, vector<16xf32>,
            %mul3A_889 = arith.mulf %broadcast_in_dim3A_868, %get3A_888 : vector<16xf32>
            %add3A_890 = arith.addf %add3A_847, %mul3A_889 : vector<16xf32>
            %mul3A_891 = arith.constant 64 : i32
            %mul3A_892 = arith.muli %scan3A_140, %mul3A_891 : i32
            %add3A_893 = arith.constant 32 : i32
            %add3A_894 = arith.addi %mul3A_892, %add3A_893 : i32
            %get3A_895 = arith.index_cast %add3A_872 : i32 to index
            %get3A_896 = arith.index_cast %add3A_894 : i32 to index
            %get3A_897 = tpu.vector_load %arg10[%get3A_895, %get3A_896] {strides = array<i32>} : memref<64x256xf32, #tpu.memory_space<vmem>>, vector<16xf32>,
            %mul3A_898 = arith.mulf %broadcast_in_dim3A_868, %get3A_897 : vector<16xf32>
            %add3A_899 = arith.addf %add3A_856, %mul3A_898 : vector<16xf32>
            %mul3A_900 = arith.constant 64 : i32
            %mul3A_901 = arith.muli %scan3A_140, %mul3A_900 : i32
            %add3A_902 = arith.constant 48 : i32
            %add3A_903 = arith.addi %mul3A_901, %add3A_902 : i32
            %get3A_904 = arith.index_cast %add3A_872 : i32 to index
            %get3A_905 = arith.index_cast %add3A_903 : i32 to index
            %get3A_906 = tpu.vector_load %arg10[%get3A_904, %get3A_905] {strides = array<i32>} : memref<64x256xf32, #tpu.memory_space<vmem>>, vector<16xf32>,
            %mul3A_907 = arith.mulf %broadcast_in_dim3A_868, %get3A_906 : vector<16xf32>
            %add3A_908 = arith.addf %add3A_865, %mul3A_907 : vector<16xf32>
            %slice3A_909 = vector.extract_strided_slice %get3A_308 {offsets = [14], sizes = [1], strides = [1]} : vector<16xf32> to vector<1xf32>
            %squeeze3A_910 = vector.extract %slice3A_909[0] : f32 from vector<1xf32>
            %broadcast_in_dim3A_911 = vector.broadcast %squeeze3A_910 : f32 to vector<16xf32>
            %mul3A_912 = arith.constant 16 : i32
            %mul3A_913 = arith.muli %scan3A_297, %mul3A_912 : i32
            %add3A_914 = arith.constant 14 : i32
            %add3A_915 = arith.addi %mul3A_913, %add3A_914 : i32
            %mul3A_916 = arith.constant 64 : i32
            %mul3A_917 = arith.muli %scan3A_140, %mul3A_916 : i32
            %add3A_918 = arith.constant 0 : i32
            %add3A_919 = arith.addi %mul3A_917, %add3A_918 : i32
            %get3A_920 = arith.index_cast %add3A_915 : i32 to index
            %get3A_921 = arith.index_cast %add3A_919 : i32 to index
            %get3A_922 = tpu.vector_load %arg10[%get3A_920, %get3A_921] {strides = array<i32>} : memref<64x256xf32, #tpu.memory_space<vmem>>, vector<16xf32>,
            %mul3A_923 = arith.mulf %broadcast_in_dim3A_911, %get3A_922 : vector<16xf32>
            %add3A_924 = arith.addf %add3A_881, %mul3A_923 : vector<16xf32>
            %mul3A_925 = arith.constant 64 : i32
            %mul3A_926 = arith.muli %scan3A_140, %mul3A_925 : i32
            %add3A_927 = arith.constant 16 : i32
            %add3A_928 = arith.addi %mul3A_926, %add3A_927 : i32
            %get3A_929 = arith.index_cast %add3A_915 : i32 to index
            %get3A_930 = arith.index_cast %add3A_928 : i32 to index
            %get3A_931 = tpu.vector_load %arg10[%get3A_929, %get3A_930] {strides = array<i32>} : memref<64x256xf32, #tpu.memory_space<vmem>>, vector<16xf32>,
            %mul3A_932 = arith.mulf %broadcast_in_dim3A_911, %get3A_931 : vector<16xf32>
            %add3A_933 = arith.addf %add3A_890, %mul3A_932 : vector<16xf32>
            %mul3A_934 = arith.constant 64 : i32
            %mul3A_935 = arith.muli %scan3A_140, %mul3A_934 : i32
            %add3A_936 = arith.constant 32 : i32
            %add3A_937 = arith.addi %mul3A_935, %add3A_936 : i32
            %get3A_938 = arith.index_cast %add3A_915 : i32 to index
            %get3A_939 = arith.index_cast %add3A_937 : i32 to index
            %get3A_940 = tpu.vector_load %arg10[%get3A_938, %get3A_939] {strides = array<i32>} : memref<64x256xf32, #tpu.memory_space<vmem>>, vector<16xf32>,
            %mul3A_941 = arith.mulf %broadcast_in_dim3A_911, %get3A_940 : vector<16xf32>
            %add3A_942 = arith.addf %add3A_899, %mul3A_941 : vector<16xf32>
            %mul3A_943 = arith.constant 64 : i32
            %mul3A_944 = arith.muli %scan3A_140, %mul3A_943 : i32
            %add3A_945 = arith.constant 48 : i32
            %add3A_946 = arith.addi %mul3A_944, %add3A_945 : i32
            %get3A_947 = arith.index_cast %add3A_915 : i32 to index
            %get3A_948 = arith.index_cast %add3A_946 : i32 to index
            %get3A_949 = tpu.vector_load %arg10[%get3A_947, %get3A_948] {strides = array<i32>} : memref<64x256xf32, #tpu.memory_space<vmem>>, vector<16xf32>,
            %mul3A_950 = arith.mulf %broadcast_in_dim3A_911, %get3A_949 : vector<16xf32>
            %add3A_951 = arith.addf %add3A_908, %mul3A_950 : vector<16xf32>
            %slice3A_952 = vector.extract_strided_slice %get3A_308 {offsets = [15], sizes = [1], strides = [1]} : vector<16xf32> to vector<1xf32>
            %squeeze3A_953 = vector.extract %slice3A_952[0] : f32 from vector<1xf32>
            %broadcast_in_dim3A_954 = vector.broadcast %squeeze3A_953 : f32 to vector<16xf32>
            %mul3A_955 = arith.constant 16 : i32
            %mul3A_956 = arith.muli %scan3A_297, %mul3A_955 : i32
            %add3A_957 = arith.constant 15 : i32
            %add3A_958 = arith.addi %mul3A_956, %add3A_957 : i32
            %mul3A_959 = arith.constant 64 : i32
            %mul3A_960 = arith.muli %scan3A_140, %mul3A_959 : i32
            %add3A_961 = arith.constant 0 : i32
            %add3A_962 = arith.addi %mul3A_960, %add3A_961 : i32
            %get3A_963 = arith.index_cast %add3A_958 : i32 to index
            %get3A_964 = arith.index_cast %add3A_962 : i32 to index
            %get3A_965 = tpu.vector_load %arg10[%get3A_963, %get3A_964] {strides = array<i32>} : memref<64x256xf32, #tpu.memory_space<vmem>>, vector<16xf32>,
            %mul3A_966 = arith.mulf %broadcast_in_dim3A_954, %get3A_965 : vector<16xf32>
            %add3A_967 = arith.addf %add3A_924, %mul3A_966 : vector<16xf32>
            %mul3A_968 = arith.constant 64 : i32
            %mul3A_969 = arith.muli %scan3A_140, %mul3A_968 : i32
            %add3A_970 = arith.constant 16 : i32
            %add3A_971 = arith.addi %mul3A_969, %add3A_970 : i32
            %get3A_972 = arith.index_cast %add3A_958 : i32 to index
            %get3A_973 = arith.index_cast %add3A_971 : i32 to index
            %get3A_974 = tpu.vector_load %arg10[%get3A_972, %get3A_973] {strides = array<i32>} : memref<64x256xf32, #tpu.memory_space<vmem>>, vector<16xf32>,
            %mul3A_975 = arith.mulf %broadcast_in_dim3A_954, %get3A_974 : vector<16xf32>
            %add3A_976 = arith.addf %add3A_933, %mul3A_975 : vector<16xf32>
            %mul3A_977 = arith.constant 64 : i32
            %mul3A_978 = arith.muli %scan3A_140, %mul3A_977 : i32
            %add3A_979 = arith.constant 32 : i32
            %add3A_980 = arith.addi %mul3A_978, %add3A_979 : i32
            %get3A_981 = arith.index_cast %add3A_958 : i32 to index
            %get3A_982 = arith.index_cast %add3A_980 : i32 to index
            %get3A_983 = tpu.vector_load %arg10[%get3A_981, %get3A_982] {strides = array<i32>} : memref<64x256xf32, #tpu.memory_space<vmem>>, vector<16xf32>,
            %mul3A_984 = arith.mulf %broadcast_in_dim3A_954, %get3A_983 : vector<16xf32>
            %add3A_985 = arith.addf %add3A_942, %mul3A_984 : vector<16xf32>
            %mul3A_986 = arith.constant 64 : i32
            %mul3A_987 = arith.muli %scan3A_140, %mul3A_986 : i32
            %add3A_988 = arith.constant 48 : i32
            %add3A_989 = arith.addi %mul3A_987, %add3A_988 : i32
            %get3A_990 = arith.index_cast %add3A_958 : i32 to index
            %get3A_991 = arith.index_cast %add3A_989 : i32 to index
            %get3A_992 = tpu.vector_load %arg10[%get3A_990, %get3A_991] {strides = array<i32>} : memref<64x256xf32, #tpu.memory_space<vmem>>, vector<16xf32>,
            %mul3A_993 = arith.mulf %broadcast_in_dim3A_954, %get3A_992 : vector<16xf32>
            %add3A_994 = arith.addf %add3A_951, %mul3A_993 : vector<16xf32>
            scf.yield %add3A_967, %add3A_976, %add3A_985, %add3A_994 : vector<16xf32>, vector<16xf32>, vector<16xf32>, vector<16xf32>
          }
          %scan3A_268 = arith.constant 4 : i32
          %mul3A_269 = arith.constant 64 : i32
          %mul3A_270 = arith.muli %scan3A_140, %mul3A_269 : i32
          %add3A_271 = arith.constant 0 : i32
          %add3A_272 = arith.addi %mul3A_270, %add3A_271 : i32
          %swap3A_273 = arith.index_cast %add3A_133 : i32 to index
          %swap3A_274 = arith.index_cast %add3A_272 : i32 to index
          %swap3A_275 = tpu.vector_load %arg12[%swap3A_273, %swap3A_274] {strides = array<i32>} : memref<64x256xf32, #tpu.memory_space<vmem>>, vector<16xf32>,
          tpu.vector_store %arg12[%swap3A_273, %swap3A_274], %scan3A_267#0 {strides = array<i32>} : memref<64x256xf32, #tpu.memory_space<vmem>>, vector<16xf32>,
          %mul3A_276 = arith.constant 64 : i32
          %mul3A_277 = arith.muli %scan3A_140, %mul3A_276 : i32
          %add3A_278 = arith.constant 16 : i32
          %add3A_279 = arith.addi %mul3A_277, %add3A_278 : i32
          %swap3A_280 = arith.index_cast %add3A_133 : i32 to index
          %swap3A_281 = arith.index_cast %add3A_279 : i32 to index
          %swap3A_282 = tpu.vector_load %arg12[%swap3A_280, %swap3A_281] {strides = array<i32>} : memref<64x256xf32, #tpu.memory_space<vmem>>, vector<16xf32>,
          tpu.vector_store %arg12[%swap3A_280, %swap3A_281], %scan3A_267#1 {strides = array<i32>} : memref<64x256xf32, #tpu.memory_space<vmem>>, vector<16xf32>,
          %mul3A_283 = arith.constant 64 : i32
          %mul3A_284 = arith.muli %scan3A_140, %mul3A_283 : i32
          %add3A_285 = arith.constant 32 : i32
          %add3A_286 = arith.addi %mul3A_284, %add3A_285 : i32
          %swap3A_287 = arith.index_cast %add3A_133 : i32 to index
          %swap3A_288 = arith.index_cast %add3A_286 : i32 to index
          %swap3A_289 = tpu.vector_load %arg12[%swap3A_287, %swap3A_288] {strides = array<i32>} : memref<64x256xf32, #tpu.memory_space<vmem>>, vector<16xf32>,
          tpu.vector_store %arg12[%swap3A_287, %swap3A_288], %scan3A_267#2 {strides = array<i32>} : memref<64x256xf32, #tpu.memory_space<vmem>>, vector<16xf32>,
          %mul3A_290 = arith.constant 64 : i32
          %mul3A_291 = arith.muli %scan3A_140, %mul3A_290 : i32
          %add3A_292 = arith.constant 48 : i32
          %add3A_293 = arith.addi %mul3A_291, %add3A_292 : i32
          %swap3A_294 = arith.index_cast %add3A_133 : i32 to index
          %swap3A_295 = arith.index_cast %add3A_293 : i32 to index
          %swap3A_296 = tpu.vector_load %arg12[%swap3A_294, %swap3A_295] {strides = array<i32>} : memref<64x256xf32, #tpu.memory_space<vmem>>, vector<16xf32>,
          tpu.vector_store %arg12[%swap3A_294, %swap3A_295], %scan3A_267#3 {strides = array<i32>} : memref<64x256xf32, #tpu.memory_space<vmem>>, vector<16xf32>,
        }
        %scan3A_139 = arith.constant 4 : i32
      }
      %scan3A_73 = arith.constant 32 : i32
      %mul3A_74 = arith.constant 8192 : i32
      %mul3A_75 = arith.muli %select_n3A_9, %mul3A_74 : i32
      %add3A_76 = arith.addi %mul3A_75, %add3A_47 : i32
      "tpu.region"() ({
        %run_scoped3A = tpu.sem_alloc : memref<!tpu.dma_semaphore, #tpu.memory_space<semaphore_mem>>
        %dma_start3A_77 = arith.constant 0 : i32
        %dma_start3A_78 = tpu.memref_slice %arg6[%add3A_76, %dma_start3A_77] : memref<32768x256xf32, #tpu.memory_space<hbm>> -> memref<64x256xf32, #tpu.memory_space<hbm>>
        %dma_start3A_79 = arith.constant 0 : i32
        %dma_start3A_80 = tpu.memref_slice %arg6[%add3A_76, %dma_start3A_79] : memref<32768x256xf32, #tpu.memory_space<hbm>> -> memref<64x256xf32, #tpu.memory_space<hbm>>
        tpu.enqueue_dma source(%arg12 : memref<64x256xf32, #tpu.memory_space<vmem>>) target(%dma_start3A_80 : memref<64x256xf32, #tpu.memory_space<hbm>>) target_semaphore(%run_scoped3A : memref<!tpu.dma_semaphore, #tpu.memory_space<semaphore_mem>>)
        %dma_wait3A = arith.constant 0 : i32
        %dma_wait3A_81 = tpu.memref_slice %arg6[%add3A_76, %dma_wait3A] : memref<32768x256xf32, #tpu.memory_space<hbm>> -> memref<64x256xf32, #tpu.memory_space<hbm>>
        %dma_wait3A_82 = arith.constant 0 : i32
        %dma_wait3A_83 = tpu.memref_slice %arg6[%add3A_76, %dma_wait3A_82] : memref<32768x256xf32, #tpu.memory_space<hbm>> -> memref<64x256xf32, #tpu.memory_space<hbm>>
        tpu.wait_dma2 semaphore(%run_scoped3A : memref<!tpu.dma_semaphore, #tpu.memory_space<semaphore_mem>>) src(%arg12 : memref<64x256xf32, #tpu.memory_space<vmem>>) dst(%dma_wait3A_83 : memref<64x256xf32, #tpu.memory_space<hbm>>)
        tpu.yield
      }) : () -> ()
    }
    %scan3A_39 = arith.constant 16 : i32
    return
  }
}

</mosaic_0001>

<sc_bundles>
// kernel: kernel.3.cloned.1.call-start
scs
__scs_entry_jumppad:
0x0: {  	(pc) =	sbr.rel $0x88, $3  }
0x1: {  	(tag) =	ssettag $0x0;
	lr =	simm.s32 $0x1  }
0x2: {  	[smem:$0x3F9D] =	sst lr;
	_ =	strace $0xD0000000  }
0x3: {  	_ = 	snop  }
0x4: {  	_ = 	snop  }
0x5: {  	_ = 	snop  }
0x6: {  	_ = 	snop  }
0x7: {  	_ = 	snop  }
__scs_overlays_trampoline_lowered:
0x8: {  	[smem:$0x3FAC] =	sst s0  }
0x9: {  	[smem:$0x3FAD] =	sst s1  }
0xa: {  	[smem:$0x3FAE] =	sst s2  }
0xb: {  	[smem:$0x3FAF] =	sst s3  }
0xc: {  	[smem:$0x3FB0] =	sst s4  }
0xd: {  	[smem:$0x3FB1] =	sst s5  }
0xe: {  	[smem:$0x3FB2] =	sst s6  }
0xf: {  	[smem:$0x3FB3] =	sst s7  }
0x10: {  	[smem:$0x3FB4] =	sst s8  }
0x11: {  	[smem:$0x3FB5] =	sst s9;
	s0 =	simm.s32 @!p0 $0x0  }
0x12: {  	s1 =	sld [smem:$0x3F9B];
	s0 =	simm.s32 @p0 $0x1  }
0x13: {  	[smem:$0x3FB6] =	sst s0;
	s0 =	simm.s32 @!p1 $0x0  }
0x14: {  	s2 =	sld [smem:$0x3F9A];
	s0 =	simm.s32 @p1 $0x1  }
0x15: {  	[smem:$0x3FB7] =	sst s0;
	s0 =	simm.s32 @!p2 $0x0  }
0x16: {  	s3 =	sld [smem:$0x3FDB];
	s0 =	simm.s32 @p2 $0x1  }
0x17: {  	s4 =	simm.s32 $0x1BF5;
	[smem:$0x3FB9] =	sst s0  }
0x18: {  	s0 =	sld [smem:$0x3F9C];
	_ =	swait.ge [sflag:s4], $0x0  }
0x19: {  	s7 =	sld [smem:$0x3F9D]  }
0x1a: {  	s8 =	sadd.s32 $0xFFFFE003, lr  }
0x1b: {  	s9 =	sadd.s32 $0xFFFFFEF7, lr;
	s5 =	simm.s32 $0xFFFFFFFF;
	p2 =	slt.u32 s8, $0xFFFFF086  }
0x1c: {  	p1 =	slt.u32 s9, $0xF7A;
	s5 =	simm.s32 @!p2 $0x0  }
0x1d: {  	s5 =	simm.s32 @p1 $0x1;
	p0 =	seq.s32 s7, s2  }
0x1e: {  	s7 =	smul.u32 @!p0 $0xF7A, s2;
	p2 =	seq.s32 @!p0 s5, $0x0  }
0x1f: {  	s9 =	smul.u32 $0xF7A, s1;
	s8 =	simm.s32 @!p0 $0x1BF5;
	p2 =	por !p2, p0  }
0x20: {  	[sflag:s8] =	ssyncset.s32 @!p0 $0xFFFFF086;
	s6 =	sadd.s32 @!p0 s3, s7;
	s7 =	simm.s32 @!p0 $0x108  }
0x21: {  	s3 =	sadd.s32 s3, s9;
	s6 =	sadd.s32 @!p0 $0x88, s6;
	s7 =	simm.s32 @p2 $0x1082  }
0x22: {  	[simem:s7], [sflag:s8] =	dma.local @!p0 [hbm:s6], $0xF7A  }
0x23: {  	s9 =	sor.u32 $0xD0000000, s2;
	s6 =	simm.s32 $0x108;
	_ =	swait.ge @!p0 [sflag:s8], $0x0  }
0x24: {  	s3 =	sadd.s32 $0x88, s3;
	s6 =	simm.s32 @!p1 $0x1082;
	[sflag:s4] =	ssyncset.s32 $0xFFFFF086  }
0x25: {  	[simem:s6], [sflag:s4] =	dma.local [hbm:s3], $0xF7A  }
0x26: {  	[smem:$0x3F9D] =	sst s1;
	(tag) =	ssettag s2;
	_ =	strace s9  }
0x27: {  	s1 =	sld [smem:$0x3FAD]  }
0x28: {  	s2 =	sld [smem:$0x3FAE]  }
0x29: {  	s4 =	sld [smem:$0x3FB0]  }
0x2a: {  	p0 =	seq.s32 s5, $0x0;
	s5 =	sld [smem:$0x3FB1]  }
0x2b: {  	s6 =	sld [smem:$0x3FB2]  }
0x2c: {  	s7 =	sld [smem:$0x3FB3]  }
0x2d: {  	s3 =	simm.s32 $0x108;
	s8 =	sld [smem:$0x3FB4]  }
0x2e: {  	s3 =	simm.s32 @!p0 $0x1082;
	s9 =	sld [smem:$0x3FB5]  }
0x2f: {  	lr =	sadd.s32 s0, s3;
	s0 =	sld [smem:$0x3FAC]  }
0x30: {  	s3 =	sld [smem:$0x3FAF]  }
0x31: {  	[smem:$0x3FB8] =	sst s10  }
0x32: {  	s10 =	sld [smem:$0x3FB6];
	_ =	sdelay $0x3  }
0x33: {  	p0 =	seq.s32 s10, $0x1;
	s10 =	sld [smem:$0x3FB8];
	_ =	sdelay $0x3  }
0x34: {  	[smem:$0x3FB8] =	sst s10  }
0x35: {  	s10 =	sld [smem:$0x3FB7];
	_ =	sdelay $0x3  }
0x36: {  	p1 =	seq.s32 s10, $0x1;
	s10 =	sld [smem:$0x3FB8];
	_ =	sdelay $0x3  }
0x37: {  	[smem:$0x3FB8] =	sst s10  }
0x38: {  	s10 =	sld [smem:$0x3FB9]  }
0x39: {  	_ = 	snop;
	(pc) =	sbr.ind lr, $3  }
0x3a: {  	_ = 	snop  }
0x3b: {  	_ = 	snop  }
0x3c: {  	p2 =	seq.s32 s10, $0x1;
	s10 =	sld [smem:$0x3FB8]  }
0x3d: {  	_ =	shalt  }
0x3e: {  	_ =	shalt  }
0x3f: {  	_ =	shalt  }
0x40: {  	_ =	shalt  }
0x41: {  	_ =	shalt  }
0x42: {  	_ =	shalt  }
0x43: {  	_ =	shalt  }
0x44: {  	_ =	shalt  }
0x45: {  	_ =	shalt  }
0x46: {  	_ =	shalt  }
0x47: {  	_ =	shalt  }
0x48: {  	_ =	shalt  }
0x49: {  	_ =	shalt  }
0x4a: {  	_ =	shalt  }
0x4b: {  	_ =	shalt  }
0x4c: {  	_ =	shalt  }
0x4d: {  	_ =	shalt  }
0x4e: {  	_ =	shalt  }
0x4f: {  	_ =	shalt  }
0x50: {  	_ =	shalt  }
0x51: {  	_ =	shalt  }
0x52: {  	_ =	shalt  }
0x53: {  	_ =	shalt  }
0x54: {  	_ =	shalt  }
0x55: {  	_ =	shalt  }
0x56: {  	_ =	shalt  }
0x57: {  	_ =	shalt  }
0x58: {  	_ =	shalt  }
0x59: {  	_ =	shalt  }
0x5a: {  	_ =	shalt  }
0x5b: {  	_ =	shalt  }
0x5c: {  	_ =	shalt  }
0x5d: {  	_ =	shalt  }
0x5e: {  	_ =	shalt  }
0x5f: {  	_ =	shalt  }
0x60: {  	_ =	shalt  }
0x61: {  	_ =	shalt  }
0x62: {  	_ =	shalt  }
0x63: {  	_ =	shalt  }
0x64: {  	_ =	shalt  }
0x65: {  	_ =	shalt  }
0x66: {  	_ =	shalt  }
0x67: {  	_ =	shalt  }
0x68: {  	_ =	shalt  }
0x69: {  	_ =	shalt  }
0x6a: {  	_ =	shalt  }
0x6b: {  	_ =	shalt  }
0x6c: {  	_ =	shalt  }
0x6d: {  	_ =	shalt  }
0x6e: {  	_ =	shalt  }
0x6f: {  	_ =	shalt  }
0x70: {  	_ =	shalt  }
0x71: {  	_ =	shalt  }
0x72: {  	_ =	shalt  }
0x73: {  	_ =	shalt  }
0x74: {  	_ =	shalt  }
0x75: {  	_ =	shalt  }
0x76: {  	_ =	shalt  }
0x77: {  	_ =	shalt  }
0x78: {  	_ =	shalt  }
0x79: {  	_ =	shalt  }
0x7a: {  	_ =	shalt  }
0x7b: {  	_ =	shalt  }
0x7c: {  	_ =	shalt  }
0x7d: {  	_ =	shalt  }
0x7e: {  	_ =	shalt  }
0x7f: {  	_ =	shalt  }
0x80: {  	_ =	shalt  }
0x81: {  	_ =	shalt  }
0x82: {  	_ =	shalt  }
0x83: {  	_ =	shalt  }
0x84: {  	_ =	shalt  }
0x85: {  	_ =	shalt  }
0x86: {  	_ =	shalt  }
0x87: {  	_ =	shalt  }
.Lfunc_end0:
.L_simem_size_0:
called_computation.6_lowered:
.L_overlay_start_0:
0x88: {  	s2 =	sld [smem:$0x3FD9]  }
0x89: {  	s3 =	sld [smem:$0x3FFE];
	_ =	sdelay $0x1  }
0x8a: {  	s1 =	srdreg.scid  }
0x8b: {  	s0 =	sand.u32 $0x1, s1  }
0x8c: {  	s17 =	sshll.u32 s0, $0xA;
	s2 =	sadd.s32 s3, s2  }
0x8d: {  	s2 =	sadd.s32 s2, s17  }
0x8e: {  	[smem:$0x3FC4] =	sst s2  }
0x8f: {  	_ = 	snop  }
0x90: {  	s2 =	sld [smem:$0x3FD0];
	(tm) =	ssettm $0x1  }
0x91: {  	s18 =	sld [smem:$0x3FFB];
	_ =	sdelay $0x3  }
0x92: {  	_ =	strace s18  }
0x93: {  	s3 =	sld [smem:$0x3FFC];
	_ =	sdelay $0x3  }
0x94: {  	_ =	strace s3  }
0x95: {  	s3 =	sld [smem:$0x3FFD];
	_ =	sdelay $0x3  }
0x96: {  	_ =	strace s3  }
0x97: {  	_ =	strace $0x8FFFFFFF  }
0x98: {  	s19 =	sld [smem:$0x3FDB];
	_ =	sdelay $0x1  }
0x99: {  	s4 =	simm.s32 $_scs_section_size  }
0x9a: {  	s5 =	simm.s32 $_size__tile_overlayer_lowered;
	s6 =	simm.s32 $_tile_overlayer_lowered  }
0x9b: {  	s22 =	simm.s32 $0x1BFF;
	s21 =	sshll.u32 s6, $0x1;
	s3 =	sadd.s32 s4, s19  }
0x9c: {  	s7 =	simm.s32 $0x0;
	s20 =	sshll.u32 s5, $0x1;
	s5 =	sadd.s32 s21, s3  }
0x9d: {  	[timem:s7], [sflag:s22] =	dma.local [hbm:s5], s20  }
0x9e: {  	_ =	swait.ge [sflag:s22], s20  }
0x9f: {  	s4 =	ssub.s32 $0x0, s20;
	[sflag:s22] =	ssyncset.done $0x0  }
0xa0: {  	[sflag:s22] =	ssyncadd.s32 s4;
	_ =	sdelay $0x1  }
0xa1: {  	s23 =	simm.s32 $0x1B8B  }
0xa2: {  	_ =	swait.ge [sflag:s23], $0x1  }
0xa3: {  	[sflag:s23] =	ssyncset.done $0x0  }
0xa4: {  	s25 =	simm.s32 $0x1B8E;
	s24 =	sld [smem:$0x3FFE];
	[sflag:s23] =	ssyncadd.s32 $0xFFFFFFFF  }
0xa5: {  	s26 =	simm.s32 $execute0_lowered;
	[smem:$0x3FD2] =	sst s25  }
0xa6: {  	s5 =	sshll.u32 s26, $0x1;
	_ =	strace $0x80000052;
	[dreg:$0x1] =	wrdreg $0xFFFFFFFF  }
0xa7: {  	s28 =	simm.s32 $_size_execute0_lowered;
	s3 =	sadd.s32 s3, s5;
	[dreg:$0x0] =	wrdreg $0x0  }
0xa8: {  	s5 =	sshll.u32 s28, $0x1;
	[dreg:$0x2] =	wrdreg s3  }
0xa9: {  	[dreg:$0x3] =	wrdreg s5  }
0xaa: {  	[dreg:$0x4] =	wrdreg $0xC0  }
0xab: {  	_ =	task [dreg:s7], $0x5FFFF  }
0xac: {  	[dreg:$0x1] =	wrdreg $0xFFFFFFFF  }
0xad: {  	[dreg:$0x0] =	wrdreg $0x60  }
0xae: {  	[dreg:$0x2] =	wrdreg s24  }
0xaf: {  	[dreg:$0x3] =	wrdreg s2  }
0xb0: {  	[dreg:$0x4] =	wrdreg $0x9  }
0xb1: {  	_ =	task.clear_ibuf [dreg:s7], $0x5FFFF;
	_ =	strace $0x90000052  }
0xb2: {  	s29 =	simm.s32 $0x9;
	_ =	strace $0x80000054  }
0xb3: {  	_ =	swait.ge [sflag:s29], $0x1  }
0xb4: {  	[sflag:s29] =	ssyncadd.s32 $0xFFFFFFFF  }
0xb5: {  	_ =	strace $0x90000054  }
0xb6: {  	_ =	sfence  }
0xb7: {  	s30 =	sld [smem:$0x0];
	_ =	sdelay $0x2  }
0xb8: {  	s31 =	sshll.u32 s1, $0xD;
	s1 =	sshrl.u32 s1, $0x2  }
0xb9: {  	s3 =	sand.u32 $0x4000, s31;
	s1 =	sadd.s32 s1, s30  }
0xba: {  	s0 =	sor.u32 s3, s0;
	s1 =	sshll.u32 s1, $0x11  }
0xbb: {  	s0 =	sor.u32 s1, s0  }
0xbc: {  	s0 =	sadd.s32 $0x8F2B, s0  }
0xbd: {  	[sflag:s0] =	ssyncadd.remote.s32 $0x1  }
0xbe: {  	_ =	sfence.sel $0xFFFF  }
0xbf: {  	[dreg:$0x0] =	wrdreg $0xFFFFFFFF;
	(pc) =	sbr.abs _section_cstart, $3  }
0xc0: {  	[dreg:$0x1] =	wrdreg $0xFFFFFFFF  }
0xc1: {  	_ =	task.clear_ibuf [dreg:s7], $0x2FFFF;
	_ =	strace $0x9FFFFFFF  }
0xc2: {  	(tm) =	ssettm $0x7FFFFFFF  }
0xc3: {  	_ =	shalt  }
tec
execute0_lowered:
.L_overlay_start_1:
0x0: {  	(tag) =	ssettag $0x1  }
0x1: {  	vm0 =	vmmov $0x1  }
0x2: {  	s3 =	stileid.u32;
	s0 =	srdreg.scid;
	vm3 =	vcmask $0x1F14;
	vm4 =	vcmask $0xF34;
	vm1 =	vcmask $0x704  }
0x3: {  	s2 =	rddreg [dreg:$0x0];
	s4 =	simm.s32 $0x0;
	vm2 =	vcmask $0xB08;
	vm8 =	vcmask $0x2F24;
	vm5 =	vcmask $0x2318;
	s12 =	simm.s32 $0x5  }
0x4: {  	vm6 =	vcmask $0x1338;
	vm9 =	vcmask $0x3328;
	vm7 =	vcmask $0x173C;
	s14 =	simm.s32 $0x40;
	s17 =	simm.s32 $0x2000;
	s18 =	simm.s32 $0x8000  }
0x5: {  	vm10 =	vcmask $0x372C;
	vm11 =	vcmask $0x1B00;
	vm12 =	vcmask $0x1F34;
	s19 =	simm.s32 $0x1;
	s20 =	simm.s32 $0x3;
	s1 =	sshll.u32 s3, $0x1  }
0x6: {  	vm13 =	vcmask $0x2B00;
	vm14 =	vcmask $0x373C;
	vm15 =	vmmov $0x7fff;
	s0 =	sand.u32 $0x1, s0;
	[smem:$0x7FF] =	sst s4;
	s29 =	sadd.s32 $0x102000, s2  }
0x7: {  	vm4 =	vmor vm4, vm3;
	vm3 =	vcmask $0xF0C;
	vm5 =	vmor vm6, vm5;
	s5 =	sadd.s32 $0x202000, s2;
	s6 =	sadd.s32 $0x402000, s2;
	s2 =	sadd.s32 $0x2000, s2  }
0x8: {  	vm6 =	vcmask $0x271C;
	s3 =	sshll.u32 s3, $0x9;
	s1 =	sand.u32 $0x2, s1;
	_ =	strace $0x80000053;
	vm4 =	vmor vm4, vm8;
	vm5 =	vmor vm5, vm9  }
0x9: {  	[dreg:$0x3] =	wrdreg s29;
	vm6 =	vmor vm7, vm6;
	vm7 =	vcmask $0x2B20;
	vm8 =	vmor vm12, vm8;
	s1 =	sor.u32 s0, s1;
	s0 =	ssub.s32 $0x2, s0  }
0xa: {  	[dreg:$0x4] =	wrdreg s2;
	s31 =	sand.u32 $0x1C00, s3;
	vm12 =	vcmask $0x2338;
	vm7 =	vmor vm11, vm7;
	vm11 =	vcmask $0x3B30;
	s30 =	sshrl.u32 s0, $0x1  }
0xb: {  	[dreg:$0x5] =	wrdreg s31;
	vm9 =	vmor vm12, vm9;
	vm12 =	vcmask $0x273C;
	v0 =	vmov s1;
	s1 =	sshll.u32 s1, $0x12;
	s0 =	ssub.s32 s0, s30  }
0xc: {  	s21 =	simm.s32 $0x2;
	vm6 =	vmor vm6, vm10;
	vm7 =	vmor vm7, vm11;
	vm10 =	vmor vm12, vm10;
	[dreg:$0x6] =	wrdreg s1;
	s0 =	smax.u32 s0, $0x1  }
0xd: {  	s22 =	simm.s32 $0x4;
	vm11 =	vmor vm13, vm11;
	vm12 =	vcmask $0x2F34;
	vm13 =	vcmask $0x3338;
	s1 =	simm.s32 $0x0;
	[dreg:$0x7] =	wrdreg s0  }
.LBB2_1:
0xe: {  	[dreg:$0x8] =	wrdreg s1;
	s25 =	simm.s32 $0x0  }
.LBB2_2:
0xf: {  	s0 =	sshll.u32 s25, $0x6;
	s1 =	rddreg [dreg:$0x5]  }
0x10: {  	s0 =	sadd.s32 s1, s0  }
0x11: {  	s2 =	rddreg [dreg:$0x1];
	s1 =	sshll.u32 s0, $0x3  }
0x12: {  	s28 =	simm.s32 $0x0;
	s3 =	simm.s32 $0x14000;
	s1 =	sadd.s32 s2, s1  }
0x13: {  	[tilespmem:s3], [sflag:$0x5] =	stream.linear.gather [hbm4b:s1+s28], $0x1000, $0x38;
	[tilespmem:$0x16110] =	vst v63  }
0x14: {  	_ =	swait.ge [sflag:s12], $0x1000  }
0x15: {  	s0 =	sshll.u32 s0, $0x5;
	s29 =	rddreg [dreg:$0x6]  }
0x16: {  	[sflag:s12] =	ssyncset.done $0x0;
	s30 =	rddreg [dreg:$0x3];
	s26 =	sadd.s32 s29, s0  }
0x17: {  	s31 =	simm.s32 $0xC000;
	[sflag:s12] =	ssyncadd.s32 $0xFFFFF000;
	s0 =	sadd.s32 s30, s26  }
0x18: {  	[tilespmem:s31], [sflag:$0x5] =	stream.linear.gather [hbm4b:s0+s28], $0x4000, $0x38;
	[tilespmem:$0x16110] =	vst v63  }
0x19: {  	_ =	swait.ge [sflag:s12], $0x4000  }
0x1a: {  	[sflag:s12] =	ssyncset.done $0x0  }
0x1b: {  	s0 =	simm.s32 $0x0;
	[sflag:s12] =	ssyncadd.s32 $0xFFFFC000  }
0x1c: {  	v3 =	vld [tilespmem:s0+$0x14030]  }
0x1d: {  	v4 =	vld [tilespmem:s0+$0x14000]  }
0x1e: {  	v2 =	vld [tilespmem:s0+$0x14010]  }
0x1f: {  	v1 =	vld [tilespmem:s0+$0x14020]  }
0x20: {  	s1 =	simm.s32 $0x100  }
.LBB2_3:
0x21: {  	s2 =	sshra.s32 s1, $0x2;
	p0 =	sne.s32 s1, $0x3F00;
	s1 =	sadd.s32 $0x100, s1;
	v5 =	vshll.u32 v3, $0x2  }
.Ltmp0:
0x22: {  	v3 =	vld [tilespmem:s2+$0x14030];
	v6 =	vshll.u32 v4, $0x2;
	v5 =	vor.u32 v0, v5;
	(pc) =	sbr.rel @p0 .LBB2_3-.Ltmp0, $4  }
0x23: {  	v4 =	vld [tilespmem:s2+$0x14000];
	v6 =	vor.u32 v0, v6;
	v7 =	vshll.u32 v2, $0x2;
	[tilespmem:s0+$0x15030] =	vst v5  }
0x24: {  	v2 =	vld [tilespmem:s2+$0x14010];
	[tilespmem:s0+$0x15000] =	vst v6;
	v5 =	vor.u32 v0, v7;
	v6 =	vshll.u32 v1, $0x2  }
0x25: {  	v1 =	vld [tilespmem:s2+$0x14020];
	[tilespmem:s0+$0x15010] =	vst v5;
	v5 =	vor.u32 v0, v6  }
0x26: {  	[tilespmem:s0+$0x15020] =	vst v5;
	s0 =	smov.u32 s2  }
0x27: {  	v3 =	vshll.u32 v3, $0x2  }
0x28: {  	v4 =	vshll.u32 v4, $0x2;
	v3 =	vor.u32 v0, v3  }
0x29: {  	v4 =	vor.u32 v0, v4;
	v2 =	vshll.u32 v2, $0x2;
	[tilespmem:s0+$0x15030] =	vst v3  }
0x2a: {  	[tilespmem:s0+$0x15000] =	vst v4;
	v2 =	vor.u32 v0, v2;
	v1 =	vshll.u32 v1, $0x2  }
0x2b: {  	[tilespmem:s0+$0x15010] =	vst v2;
	v1 =	vor.u32 v0, v1  }
0x2c: {  	s28 =	simm.s32 $0x0;
	s31 =	simm.s32 $0x15000;
	[tilespmem:s0+$0x15020] =	vst v1  }
0x2d: {  	[tilespmem:s28], [sflag:$0x1] =	stream.indirect.gather [hbm4b:s5+s14], $0x80, s31, s14, $0xb8;
	[tilespmem:$0x16110] =	vst v63  }
0x2e: {  	s1 =	simm.s32 $0x4000  }
0x2f: {  	[tilespmem:s1], [sflag:$0x3] =	stream.indirect.gather [hbm4b:s6+s14], $0x100, s31, s14, $0xb8;
	[tilespmem:$0x16110] =	vst v63  }
.LBB2_5:
0x30: {  	s30 =	sshll.u32 s28, $0x9  }
0x31: {  	s29 =	sor.u32 $0x100, s30  }
0x32: {  	s0 =	sshrl.u32 s29, $0x2  }
0x33: {  	s0 =	sadd.s32 $0x15000, s0  }
0x34: {  	[tilespmem:s17], [sflag:$0x2] =	stream.indirect.gather [hbm4b:s5+s14], $0x80, s0, s14, $0xb8;
	[tilespmem:$0x16110] =	vst v63  }
0x35: {  	_ = 	snop  }
0x36: {  	[tilespmem:s18], [sflag:$0x4] =	stream.indirect.gather [hbm4b:s6+s14], $0x100, s0, s14, $0xb8;
	[tilespmem:$0x16110] =	vst v63  }
0x37: {  	_ =	swait.ge [sflag:s19], $0x2000  }
0x38: {  	[sflag:s19] =	ssyncset.done $0x0  }
0x39: {  	[sflag:s19] =	ssyncadd.s32 $0xFFFFE000  }
0x3a: {  	_ =	swait.ge [sflag:s20], $0x4000  }
0x3b: {  	s31 =	simm.s32 $0x16000;
	s8 =	simm.s32 $0x400;
	[sflag:s20] =	ssyncset.done $0x0  }
0x3c: {  	s10 =	simm.s32 $0x0;
	s0 =	simm.s32 $0x4800;
	[sflag:s20] =	ssyncadd.s32 $0xFFFFC000  }
.LBB2_6:
0x3d: {  	v1 =	vld [tilespmem:s8+$0x180]  }
0x3e: {  	v6 =	vld [tilespmem:s8+$0x190]  }
0x3f: {  	s16 =	sshll.u32 s10, $0x6;
	v10 =	vld [tilespmem:s8+$0x310]  }
0x40: {  	v11 =	vld [tilespmem:s8+$0xFFFFFF80];
	s24 =	sor.u32 s30, s16;
	s13 =	sor.u32 $0x10, s16  }
0x41: {  	s23 =	sor.u32 $0x20, s16;
	v2 =	vld [tilespmem:s24+$0xC000];
	s2 =	sor.u32 s30, s13  }
0x42: {  	s4 =	sor.u32 $0x30, s16;
	s3 =	sor.u32 s30, s23;
	v3 =	vld [tilespmem:s2+$0xC000]  }
0x43: {  	s11 =	sor.u32 s30, s4;
	v4 =	vld [tilespmem:s3+$0xC000]  }
0x44: {  	v5 =	vld [tilespmem:s11+$0xC000]  }
0x45: {  	v16 =	vld [tilespmem:s8+$0x280];
	_ =	sdelay $0x1  }
0x46: {  	v7 =	vshll.u32 v1, $0x10;
	v1 =	vand.u32 $0xFFFF0000, v1;
	v8 =	vshll.u32 v6, $0x10  }
0x47: {  	v9 =	vld [tilespmem:s8+$0x300];
	v6 =	vand.u32 $0xFFFF0000, v6;
	v7 =	vmul.f32 v7, v2;
	v1 =	vmul.f32 v1, v3  }
0x48: {  	v8 =	vmul.f32 v8, v4;
	v6 =	vmul.f32 v6, v5  }
0x49: {  	v12 =	vshll.u32 v10, $0x10;
	v13 =	vshll.u32 v11, $0x10;
	v17 =	vshll.u32 v16, $0x10  }
0x4a: {  	v13 =	vmul.f32 v13, v2;
	v1 =	vadd.f32 v1, v7;
	v6 =	vadd.f32 v6, v8;
	v7 =	vld [tilespmem:s8+$0xFFFFFF90]  }
0x4b: {  	v10 =	vand.u32 $0xFFFF0000, v10;
	v17 =	vmul.f32 v17, v2;
	v12 =	vmul.f32 v12, v4  }
0x4c: {  	v8 =	vand.u32 $0xFFFF0000, v9;
	v1 =	vadd.f32 v6, v1;
	v6 =	vshll.u32 v9, $0x10;
	v9 =	vld [tilespmem:s8+$0x100]  }
0x4d: {  	v11 =	vand.u32 $0xFFFF0000, v11;
	v8 =	vmul.f32 v8, v3;
	v6 =	vmul.f32 v6, v2  }
0x4e: {  	v14 =	vld [tilespmem:s8+$0x110];
	v16 =	vand.u32 $0xFFFF0000, v16;
	v10 =	vmul.f32 v10, v5;
	v11 =	vmul.f32 v11, v3  }
0x4f: {  	v15 =	vshll.u32 v7, $0x10;
	v7 =	vand.u32 $0xFFFF0000, v7;
	v6 =	vadd.f32 v8, v6  }
0x50: {  	v8 =	vadd.f32 v11, v13;
	v13 =	vld [tilespmem:s8+$0x200];
	v15 =	vmul.f32 v15, v4;
	v7 =	vmul.f32 v7, v5  }
0x51: {  	v16 =	vmul.f32 v16, v3;
	v10 =	vadd.f32 v10, v12;
	v12 =	vld [tilespmem:s8+$0x210];
	v11 =	vshll.u32 v9, $0x10  }
0x52: {  	v9 =	vand.u32 $0xFFFF0000, v9;
	v7 =	vadd.f32 v7, v15;
	v11 =	vmul.f32 v11, v2  }
0x53: {  	v9 =	vmul.f32 v9, v3;
	v15 =	vshll.u32 v14, $0x10;
	v14 =	vand.u32 $0xFFFF0000, v14  }
0x54: {  	v6 =	vadd.f32 v10, v6;
	v15 =	vmul.f32 v15, v4;
	v14 =	vmul.f32 v14, v5  }
0x55: {  	v7 =	vadd.f32 v7, v8;
	v8 =	vadd.f32 v9, v11;
	v9 =	vld [tilespmem:s8+$0x290];
	v11 =	vshll.u32 v13, $0x10  }
0x56: {  	v18 =	vld [tilespmem:s8+$0xFFFFFD90];
	v10 =	vadd.f32 v14, v15;
	v14 =	vshll.u32 v12, $0x10;
	v12 =	vand.u32 $0xFFFF0000, v12  }
0x57: {  	v13 =	vand.u32 $0xFFFF0000, v13;
	v15 =	vld [tilespmem:s8+$0xFFFFFD80];
	v14 =	vmul.f32 v14, v4;
	v12 =	vmul.f32 v12, v5  }
0x58: {  	v11 =	vmul.f32 v11, v2;
	v13 =	vmul.f32 v13, v3  }
0x59: {  	v12 =	vadd.f32 v12, v14;
	v14 =	vadd.f32 v16, v17;
	v17 =	vld [tilespmem:s8+$0x10]  }
0x5a: {  	v11 =	vadd.f32 v13, v11;
	v19 =	vshll.u32 v9, $0x10;
	v9 =	vand.u32 $0xFFFF0000, v9  }
0x5b: {  	v10 =	vadd.f32 v10, v8;
	v13 =	vmul.f32 v19, v4;
	v9 =	vmul.f32 v9, v5  }
0x5c: {  	v8 =	vshll.u32 v18, $0x10;
	v19 =	vld [tilespmem:s8+$0x0];
	v16 =	vshll.u32 v15, $0x10;
	v15 =	vand.u32 $0xFFFF0000, v15  }
0x5d: {  	v15 =	vmul.f32 v15, v3;
	v9 =	vadd.f32 v9, v13;
	v13 =	vmul.f32 v16, v2  }
0x5e: {  	v11 =	vadd.f32 v12, v11;
	v16 =	vld [tilespmem:s8+$0x80];
	v20 =	vshll.u32 v17, $0x10;
	v17 =	vand.u32 $0xFFFF0000, v17  }
0x5f: {  	v9 =	vadd.f32 v9, v14;
	v12 =	vadd.f32 v15, v13;
	v14 =	vmul.f32 v8, v4  }
0x60: {  	v13 =	vand.u32 $0xFFFF0000, v18;
	v15 =	vld [tilespmem:s8+$0x90];
	v20 =	vmul.f32 v20, v4;
	v17 =	vmul.f32 v17, v5  }
0x61: {  	v22 =	vld [tilespmem:s8+$0xFFFFFD00];
	v13 =	vmul.f32 v13, v5;
	v8 =	vshll.u32 v19, $0x10;
	v18 =	vand.u32 $0xFFFF0000, v19  }
0x62: {  	(xrf2) =	vadd.scan.msk.f32 $0xffff, v1;
	v19 =	vmul.f32 v8, v2;
	v18 =	vmul.f32 v18, v3;
	v8 =	vld [tilespmem:s8+$0xFFFFFF00]  }
0x63: {  	(xrf2) =	vadd.scan.msk.f32 $0xffff, v6;
	v21 =	vshll.u32 v16, $0x10;
	v16 =	vand.u32 $0xFFFF0000, v16;
	v13 =	vadd.f32 v13, v14  }
0x64: {  	v6 =	vld [tilespmem:s8+$0xFFFFFE00];
	(xrf2) =	vadd.scan.msk.f32 $0xffff, v7;
	v21 =	vmul.f32 v21, v2;
	v16 =	vmul.f32 v16, v3  }
0x65: {  	(xrf2) =	vadd.scan.msk.f32 $0xffff, v10;
	v23 =	vshll.u32 v15, $0x10;
	v15 =	vand.u32 $0xFFFF0000, v15;
	v12 =	vadd.f32 v13, v12;
	v13 =	vld [tilespmem:s8+$0xFFFFFE10]  }
0x66: {  	(xrf2) =	vadd.scan.msk.f32 $0xffff, v11;
	v11 =	vand.u32 $0xFFFF0000, v22;
	v14 =	vmul.f32 v23, v4;
	v15 =	vmul.f32 v15, v5  }
0x67: {  	v17 =	vadd.f32 v17, v20;
	v18 =	vadd.f32 v18, v19;
	v7 =	vshll.u32 v8, $0x10  }
0x68: {  	v16 =	vadd.f32 v16, v21;
	v14 =	vadd.f32 v15, v14;
	v10 =	vmul.f32 v7, v2  }
0x69: {  	v24 =	vld [tilespmem:s8+$0xFFFFFD10];
	v15 =	vadd.f32 v17, v18;
	v18 =	vshll.u32 v6, $0x10;
	v6 =	vand.u32 $0xFFFF0000, v6  }
0x6a: {  	v7 =	vshll.u32 v22, $0x10;
	v20 =	vmul.f32 v6, v3;
	v6 =	vshll.u32 v13, $0x10  }
0x6b: {  	(xrf2) =	vadd.scan.msk.f32 $0xffff, v9;
	v9 =	vmul.f32 v11, v3;
	v7 =	vmul.f32 v7, v2  }
0x6c: {  	v14 =	vadd.f32 v14, v16;
	v16 =	vld [tilespmem:s8+$0xFFFFFE80]  }
0x6d: {  	v19 =	vld [tilespmem:s8+$0xFFFFFE90];
	v22 =	vadd.f32 v9, v7;
	v9 =	vmul.f32 v6, v4;
	v6, _, _ =	vpop (xrf2);
	(xrf2) =	vadd.scan.msk.f32 $0xffff, v12  }
0x6e: {  	v11 =	vshll.u32 v24, $0x10;
	v17 =	vand.u32 $0xFFFF0000, v24  }
0x6f: {  	v11 =	vmul.f32 v11, v4;
	v17 =	vmul.f32 v17, v5;
	v13 =	vand.u32 $0xFFFF0000, v13  }
0x70: {  	v1 =	vmov s31;
	v21 =	vld [tilespmem:s8+$0xFFFFFC00];
	v18 =	vmul.f32 v18, v2;
	v13 =	vmul.f32 v13, v5;
	v7, _, _ =	vpop (xrf2);
	(xrf2) =	vadd.scan.msk.f32 $0xffff, v15  }
0x71: {  	v17 =	vadd.f32 v17, v11;
	v11 =	vshll.u32 v16, $0x10;
	v16 =	vand.u32 $0xFFFF0000, v16  }
0x72: {  	v13 =	vadd.f32 v13, v9;
	v12 =	vshll.u32 v19, $0x10;
	v23 =	vmul.f32 v16, v3;
	v16 =	vld [tilespmem:s8+$0xFFFFFC10]  }
0x73: {  	v18 =	vadd.f32 v20, v18;
	v19 =	vand.u32 $0xFFFF0000, v19;
	v63 =	vmul.f32 v12, v4;
	v9, _, _ =	vpop (xrf2);
	(xrf2) =	vadd.scan.msk.f32 $0xffff, v14  }
0x74: {  	v22 =	vadd.f32 v17, v22;
	v25 =	vmul.f32 v19, v5;
	v15 =	vld [tilespmem:s8+$0xFFFFFC80];
	v20 =	vmul.f32 v11, v2;
	v11, _, _ =	vpop (xrf2)  }
0x75: {  	v17 =	vshll.u32 v21, $0x10;
	v21 =	vand.u32 $0xFFFF0000, v21;
	v14 =	vadd.f32 v13, v18;
	v12, _, _ =	vpop (xrf2)  }
0x76: {  	s7 =	simm.s32 $0x0;
	s9 =	simm.s32 $0x40;
	s1 =	smov.u32 s8;
	v19 =	vmul.f32 v17, v2;
	v17 =	vld [tilespmem:s8+$0xFFFFFC90];
	v18 =	vadd.f32 v23, v20;
	v20 =	vadd.f32 v25, v63;
	(xrf2) =	vadd.scan.msk.f32 $0xffff, v22;
	v13, _, _ =	vpop (xrf2)  }
.LBB2_7:
0x77: {  	p0 =	sne.s32 s9, $0xC0;
	v21 =	vmul.f32 v21, v3;
	v22 =	vshll.u32 v16, $0x10;
	v16 =	vand.u32 $0xFFFF0000, v16;
	v23, _, _ =	vpop (xrf2)  }
0x78: {  	v22 =	vmul.f32 v22, v4;
	v16 =	vmul.f32 v16, v5;
	v24 =	vld [tilespmem:s1+$0xFFFFFF10]  }
0x79: {  	v18 =	vadd.f32 v20, v18;
	v19 =	vadd.f32 v21, v19;
	v21 =	vshll.u32 v15, $0x10;
	(xrf2) =	vadd.scan.msk.f32 $0xffff, v14  }
0x7a: {  	v15 =	vand.u32 $0xFFFF0000, v15;
	v14 =	vadd.f32 v16, v22;
	v16 =	vmul.f32 v21, v2;
	v20, _, _ =	vpop (xrf2)  }
0x7b: {  	v15 =	vmul.f32 v15, v3;
	v21 =	vshll.u32 v17, $0x10;
	v17 =	vand.u32 $0xFFFF0000, v17  }
0x7c: {  	v8 =	vand.u32 $0xFFFF0000, v8;
	v21 =	vmul.f32 v21, v4;
	v17 =	vmul.f32 v17, v5;
	(xrf2) =	vadd.scan.msk.f32 $0xffff, v18  }
0x7d: {  	v8 =	vmul.f32 v8, v3;
	v14 =	vadd.f32 v14, v19;
	v18 =	vshll.u32 v24, $0x10;
	v19 =	vld [tilespmem:s1+$0x380];
	v22, _, _ =	vpop (xrf2)  }
0x7e: {  	v25 =	vadd.f32 v15, v16;
	v16 =	vadd.f32 v17, v21;
	v17 =	vand.u32 $0xFFFF0000, v24  }
0x7f: {  	v18 =	vmul.f32 v18, v4;
	v17 =	vmul.f32 v17, v5;
	v21 =	vld [tilespmem:s1+$0x390];
	(xrf2) =	vadd.scan.msk.f32 $0xffff, v14  }
0x80: {  	v14 =	vadd.f32 v16, v25;
	v15, _, _ =	vpop (xrf2)  }
0x81: {  	v8 =	vadd.f32 v8, v10;
	v10 =	vadd.f32 v17, v18  }
0x82: {  	v17 =	vshll.u32 v19, $0x10;
	(xrf2) =	vadd.scan.msk.f32 $0xffff, v14  }
0x83: {  	v24 =	vadd.f32 v10, v8;
	v10 =	vand.u32 $0xFFFF0000, v19;
	v14 =	vmul.f32 v17, v2;
	v16, _, _ =	vpop (xrf2)  }
0x84: {  	v10 =	vmul.f32 v10, v3;
	v17 =	vshll.u32 v21, $0x10;
	v18 =	vand.u32 $0xFFFF0000, v21  }
0x85: {  	v17 =	vmul.f32 v17, v4;
	v18 =	vmul.f32 v18, v5;
	(xrf2) =	vadd.scan.msk.f32 $0xffff, v24  }
0x86: {  	v8, _, _ =	vpop (xrf2)  }
0x87: {  	v10 =	vadd.f32 v10, v14;
	v17 =	vadd.f32 v18, v17  }
0x88: {  	v6 =	vbroadcast v6, $0xF  }
0x89: {  	v9 =	vbroadcast v9, $0xF;
	v7 =	vbroadcast v7, $0xF;
	v10 =	vadd.f32 v17, v10;
	v14, _, _ =	vpop (xrf2)  }
0x8a: {  	v11 =	vbroadcast v11, $0xF;
	v12 =	vbroadcast v12, $0xF  }
0x8b: {  	v13 =	vbroadcast v13, $0xF;
	v17 =	vbroadcast v23, $0xF;
	(xrf2) =	vadd.scan.msk.f32 $0xffff, v10  }
0x8c: {  	v18 =	vbroadcast v22, $0xF;
	v10 =	vbroadcast v20, $0xF;
	v19, _, _ =	vpop (xrf2)  }
0x8d: {  	v14 =	vbroadcast v14, $0xF;
	v19 =	vbroadcast v19, $0xF  }
0x8e: {  	v16 =	vbroadcast v16, $0xF;
	v8 =	vbroadcast v8, $0xF  }
0x8f: {  	v15 =	vbroadcast v15, $0xF;
	v14 =	vnsel vm0, $0x0, v14;
	v19 =	vnsel vm1, $0x0, v19;
	v20, _, _ =	vpop (xrf2)  }
0x90: {  	v14 =	vsel vm4, v14, v16;
	v8 =	vsel vm5, v19, v8;
	v16 =	vbroadcast v20, $0xF  }
0x91: {  	v15 =	vnsel vm2, $0x0, v15;
	v10 =	vsel vm8, v14, v10;
	v8 =	vsel vm9, v8, v18  }
0x92: {  	v10 =	vsel vm12, v10, v12;
	v14 =	vsel vm6, v15, v16;
	v8 =	vsel vm13, v8, v13  }
0x93: {  	v12 =	vnsel vm3, $0x0, v17;
	v11 =	vsel vm10, v14, v11;
	v10 =	vadd.f32 v8, v10  }
0x94: {  	v9 =	vsel vm7, v12, v9;
	v7 =	vsel vm14, v11, v7  }
0x95: {  	v6 =	vsel vm11, v9, v6;
	v7 =	vadd.f32 v7, v10;
	v8, _, _ =	vpop (xrf2)  }
0x96: {  	v6 =	vsel vm15, v6, v8  }
0x97: {  	v6 =	vadd.f32 v6, v7  }
0x98: {  	s15 =	sshra.s32 s7, $0x2;
	s7 =	smov.u32 s9  }
0x99: {  	s1 =	sadd.s32 $0x800, s1;
	[tilespmem:v1+s15+$0x0 ss:$0x1] =	vst.idx.msk $0xffff, v6  }
0x9a: {  	v6 =	vld [tilespmem:s1+$0x180];
	_ =	sdelay $0x1  }
0x9b: {  	v7 =	vld [tilespmem:s1+$0x190];
	_ =	sdelay $0x2  }
0x9c: {  	v8 =	vshll.u32 v6, $0x10  }
0x9d: {  	v6 =	vand.u32 $0xFFFF0000, v6;
	v8 =	vmul.f32 v8, v2  }
0x9e: {  	v6 =	vmul.f32 v6, v3;
	v9 =	vshll.u32 v7, $0x10;
	v7 =	vand.u32 $0xFFFF0000, v7;
	v10 =	vld [tilespmem:s1+$0x300]  }
0x9f: {  	v9 =	vmul.f32 v9, v4;
	v7 =	vmul.f32 v7, v5;
	v11 =	vld [tilespmem:s1+$0x310]  }
0xa0: {  	v12 =	vld [tilespmem:s1+$0xFFFFFF80]  }
0xa1: {  	v6 =	vadd.f32 v6, v8;
	v7 =	vadd.f32 v7, v9  }
0xa2: {  	v8 =	vld [tilespmem:s1+$0xFFFFFF90]  }
0xa3: {  	v6 =	vadd.f32 v7, v6;
	v7 =	vshll.u32 v10, $0x10;
	v9 =	vand.u32 $0xFFFF0000, v10  }
0xa4: {  	v10 =	vld [tilespmem:s1+$0x100];
	v7 =	vmul.f32 v7, v2;
	v9 =	vmul.f32 v9, v3;
	v13 =	vshll.u32 v11, $0x10  }
0xa5: {  	v11 =	vand.u32 $0xFFFF0000, v11;
	v14 =	vshll.u32 v12, $0x10;
	v13 =	vmul.f32 v13, v4  }
0xa6: {  	v12 =	vand.u32 $0xFFFF0000, v12;
	v11 =	vmul.f32 v11, v5;
	v14 =	vmul.f32 v14, v2;
	v15 =	vld [tilespmem:s1+$0x110]  }
0xa7: {  	v12 =	vmul.f32 v12, v3;
	v16 =	vshll.u32 v8, $0x10;
	v8 =	vand.u32 $0xFFFF0000, v8  }
0xa8: {  	v7 =	vadd.f32 v9, v7;
	v16 =	vmul.f32 v16, v4;
	v8 =	vmul.f32 v8, v5  }
0xa9: {  	v11 =	vadd.f32 v11, v13;
	v9 =	vadd.f32 v12, v14;
	v12 =	vshll.u32 v10, $0x10;
	v14 =	vld [tilespmem:s1+$0x200]  }
0xaa: {  	v10 =	vand.u32 $0xFFFF0000, v10;
	v8 =	vadd.f32 v8, v16;
	v12 =	vmul.f32 v12, v2;
	v13 =	vld [tilespmem:s1+$0x210]  }
0xab: {  	v10 =	vmul.f32 v10, v3;
	v16 =	vshll.u32 v15, $0x10;
	v15 =	vand.u32 $0xFFFF0000, v15;
	v17 =	vld [tilespmem:s1+$0x280]  }
0xac: {  	v7 =	vadd.f32 v11, v7;
	v16 =	vmul.f32 v16, v4;
	v15 =	vmul.f32 v15, v5  }
0xad: {  	v8 =	vadd.f32 v8, v9;
	v9 =	vadd.f32 v10, v12;
	v10 =	vld [tilespmem:s1+$0x290]  }
0xae: {  	v11 =	vadd.f32 v15, v16;
	v12 =	vshll.u32 v14, $0x10;
	v14 =	vand.u32 $0xFFFF0000, v14  }
0xaf: {  	v12 =	vmul.f32 v12, v2;
	v14 =	vmul.f32 v14, v3;
	v15 =	vshll.u32 v13, $0x10  }
0xb0: {  	v13 =	vand.u32 $0xFFFF0000, v13;
	v16 =	vld [tilespmem:s1+$0xFFFFFD80];
	v15 =	vmul.f32 v15, v4;
	v18 =	vshll.u32 v17, $0x10  }
0xb1: {  	v13 =	vmul.f32 v13, v5;
	v17 =	vand.u32 $0xFFFF0000, v17;
	v18 =	vmul.f32 v18, v2  }
0xb2: {  	v17 =	vmul.f32 v17, v3;
	v19 =	vld [tilespmem:s1+$0xFFFFFD90];
	v20 =	vshll.u32 v10, $0x10;
	v10 =	vand.u32 $0xFFFF0000, v10;
	(xrf2) =	vadd.scan.msk.f32 $0xffff, v6  }
0xb3: {  	v6 =	vadd.f32 v14, v12;
	v12 =	vmul.f32 v20, v4;
	v10 =	vmul.f32 v10, v5  }
0xb4: {  	v13 =	vadd.f32 v13, v15;
	v15 =	vadd.f32 v17, v18;
	v14 =	vld [tilespmem:s1+$0x0]  }
0xb5: {  	v17 =	vshll.u32 v16, $0x10;
	v16 =	vand.u32 $0xFFFF0000, v16;
	v18 =	vld [tilespmem:s1+$0x10];
	v10 =	vadd.f32 v10, v12;
	(xrf2) =	vadd.scan.msk.f32 $0xffff, v7  }
0xb6: {  	v9 =	vadd.f32 v11, v9;
	v7 =	vmul.f32 v17, v2;
	v12 =	vmul.f32 v16, v3;
	v16 =	vld [tilespmem:s1+$0x80]  }
0xb7: {  	v13 =	vadd.f32 v13, v6;
	v11 =	vshll.u32 v19, $0x10;
	v15 =	vadd.f32 v10, v15  }
0xb8: {  	v6 =	vand.u32 $0xFFFF0000, v19;
	v10 =	vadd.f32 v12, v7;
	v7 =	vmul.f32 v11, v4;
	v11 =	vld [tilespmem:s1+$0x90];
	(xrf2) =	vadd.scan.msk.f32 $0xffff, v8  }
0xb9: {  	v12 =	vmul.f32 v6, v5;
	v6 =	vshll.u32 v14, $0x10;
	v8 =	vand.u32 $0xFFFF0000, v14  }
0xba: {  	v14 =	vmul.f32 v6, v2;
	v17 =	vmul.f32 v8, v3;
	v21 =	vshll.u32 v18, $0x10  }
0xbb: {  	v18 =	vand.u32 $0xFFFF0000, v18;
	v8 =	vld [tilespmem:s1+$0xFFFFFF00];
	v19 =	vmul.f32 v21, v4;
	v20 =	vshll.u32 v16, $0x10;
	(xrf2) =	vadd.scan.msk.f32 $0xffff, v9  }
0xbc: {  	v9 =	vmul.f32 v18, v5;
	v16 =	vand.u32 $0xFFFF0000, v16;
	v18 =	vmul.f32 v20, v2;
	v6, _, _ =	vpop (xrf2)  }
0xbd: {  	v16 =	vmul.f32 v16, v3;
	v20 =	vld [tilespmem:s1+$0xFFFFFD00];
	v21 =	vshll.u32 v11, $0x10;
	v11 =	vand.u32 $0xFFFF0000, v11  }
0xbe: {  	v12 =	vadd.f32 v12, v7;
	v22 =	vld [tilespmem:s1+$0xFFFFFD10];
	v21 =	vmul.f32 v21, v4;
	v11 =	vmul.f32 v11, v5;
	(xrf2) =	vadd.scan.msk.f32 $0xffff, v13  }
0xbf: {  	v14 =	vadd.f32 v17, v14;
	v23 =	vadd.f32 v9, v19;
	v13 =	vld [tilespmem:s1+$0xFFFFFE00];
	v7, _, _ =	vpop (xrf2)  }
0xc0: {  	v16 =	vadd.f32 v16, v18;
	v17 =	vshll.u32 v8, $0x10;
	v11 =	vadd.f32 v11, v21  }
0xc1: {  	v12 =	vadd.f32 v12, v10;
	v14 =	vadd.f32 v23, v14;
	v18 =	vld [tilespmem:s1+$0xFFFFFE10];
	v10 =	vmul.f32 v17, v2;
	(xrf2) =	vadd.scan.msk.f32 $0xffff, v15  }
0xc2: {  	v15 =	vshll.u32 v20, $0x10;
	v17 =	vand.u32 $0xFFFF0000, v20;
	v19 =	vadd.f32 v11, v16;
	v9, _, _ =	vpop (xrf2)  }
0xc3: {  	v15 =	vmul.f32 v15, v2;
	v16 =	vmul.f32 v17, v3;
	v24 =	vshll.u32 v22, $0x10;
	v17 =	vld [tilespmem:s1+$0xFFFFFE80]  }
0xc4: {  	v20 =	vand.u32 $0xFFFF0000, v22;
	v21 =	vmul.f32 v24, v4;
	v23 =	vshll.u32 v13, $0x10;
	(xrf2) =	vadd.scan.msk.f32 $0xffff, v12  }
0xc5: {  	v26 =	vmul.f32 v20, v5;
	v13 =	vand.u32 $0xFFFF0000, v13;
	v20 =	vmul.f32 v23, v2;
	v22 =	vld [tilespmem:s1+$0xFFFFFE90];
	v11, _, _ =	vpop (xrf2)  }
0xc6: {  	v13 =	vmul.f32 v13, v3;
	v23 =	vshll.u32 v18, $0x10;
	v18 =	vand.u32 $0xFFFF0000, v18  }
0xc7: {  	v25 =	vadd.f32 v16, v15;
	v24 =	vld [tilespmem:s1+$0xFFFFFC00];
	v15 =	vmul.f32 v23, v4;
	v18 =	vmul.f32 v18, v5;
	(xrf2) =	vadd.scan.msk.f32 $0xffff, v14  }
0xc8: {  	v14 =	vadd.f32 v26, v21;
	v20 =	vadd.f32 v13, v20;
	v13 =	vshll.u32 v17, $0x10;
	v12, _, _ =	vpop (xrf2)  }
.Ltmp1:
0xc9: {  	v16 =	vld [tilespmem:s1+$0xFFFFFC10];
	v18 =	vadd.f32 v18, v15;
	v15 =	vand.u32 $0xFFFF0000, v17;
	v17 =	vmul.f32 v13, v2;
	(pc) =	sbr.rel @p0 .LBB2_7-.Ltmp1, $4  }
0xca: {  	v21 =	vmul.f32 v15, v3;
	v26 =	vshll.u32 v22, $0x10;
	v22 =	vand.u32 $0xFFFF0000, v22;
	(xrf2) =	vadd.scan.msk.f32 $0xffff, v19  }
0xcb: {  	v23 =	vadd.f32 v14, v25;
	v15 =	vld [tilespmem:s1+$0xFFFFFC80];
	v25 =	vmul.f32 v26, v4;
	v22 =	vmul.f32 v22, v5;
	v13, _, _ =	vpop (xrf2)  }
0xcc: {  	v14 =	vadd.f32 v18, v20;
	v19 =	vshll.u32 v24, $0x10;
	v18 =	vadd.f32 v21, v17  }
0xcd: {  	s9 =	sadd.s32 $0x40, s9;
	v21 =	vand.u32 $0xFFFF0000, v24;
	v19 =	vmul.f32 v19, v2;
	v17 =	vld [tilespmem:s1+$0xFFFFFC90];
	v20 =	vadd.f32 v22, v25;
	(xrf2) =	vadd.scan.msk.f32 $0xffff, v23  }
0xce: {  	v21 =	vmul.f32 v21, v3;
	v22 =	vshll.u32 v16, $0x10  }
0xcf: {  	v16 =	vand.u32 $0xFFFF0000, v16;
	v23 =	vld [tilespmem:s1+$0xFFFFFF10];
	v8 =	vand.u32 $0xFFFF0000, v8;
	v22 =	vmul.f32 v22, v4  }
0xd0: {  	v16 =	vmul.f32 v16, v5;
	v8 =	vmul.f32 v8, v3  }
0xd1: {  	v19 =	vadd.f32 v21, v19;
	v21 =	vshll.u32 v15, $0x10;
	v15 =	vand.u32 $0xFFFF0000, v15  }
0xd2: {  	v18 =	vadd.f32 v20, v18;
	v20 =	vmul.f32 v21, v2;
	v15 =	vmul.f32 v15, v3  }
0xd3: {  	v16 =	vadd.f32 v16, v22;
	v21 =	vshll.u32 v17, $0x10;
	v17 =	vand.u32 $0xFFFF0000, v17  }
0xd4: {  	v24 =	vld [tilespmem:s1+$0x380];
	v21 =	vmul.f32 v21, v4;
	v17 =	vmul.f32 v17, v5;
	v22 =	vshll.u32 v23, $0x10  }
0xd5: {  	(xrf2) =	vadd.scan.msk.f32 $0xffff, v14;
	v15 =	vadd.f32 v15, v20;
	v20 =	vand.u32 $0xFFFF0000, v23;
	v14 =	vadd.f32 v16, v19  }
0xd6: {  	v16 =	vmul.f32 v22, v4;
	v19 =	vmul.f32 v20, v5;
	v20 =	vld [tilespmem:s1+$0x390];
	v17 =	vadd.f32 v17, v21  }
0xd7: {  	v8 =	vadd.f32 v8, v10  }
0xd8: {  	(xrf2) =	vadd.scan.msk.f32 $0xffff, v18;
	v10 =	vadd.f32 v19, v16;
	v15 =	vadd.f32 v17, v15  }
0xd9: {  	(xrf2) =	vadd.scan.msk.f32 $0xffff, v14;
	v14 =	vshll.u32 v24, $0x10  }
0xda: {  	v2 =	vmul.f32 v14, v2;
	v8 =	vadd.f32 v10, v8;
	v10 =	vand.u32 $0xFFFF0000, v24;
	(xrf2) =	vadd.scan.msk.f32 $0xffff, v15  }
0xdb: {  	v3 =	vmul.f32 v10, v3;
	v10 =	vshll.u32 v20, $0x10;
	v14 =	vand.u32 $0xFFFF0000, v20  }
0xdc: {  	v4 =	vmul.f32 v10, v4;
	v5 =	vmul.f32 v14, v5  }
0xdd: {  	v15, _, _ =	vpop (xrf2);
	(xrf2) =	vadd.scan.msk.f32 $0xffff, v8  }
0xde: {  	v2 =	vadd.f32 v3, v2;
	v8, _, _ =	vpop (xrf2);
	v3 =	vadd.f32 v5, v4  }
0xdf: {  	v10, _, _ =	vpop (xrf2)  }
0xe0: {  	v4, _, _ =	vpop (xrf2)  }
0xe1: {  	v5 =	vbroadcast v6, $0xF;
	v6, _, _ =	vpop (xrf2)  }
0xe2: {  	v2 =	vadd.f32 v3, v2;
	v3, _, _ =	vpop (xrf2)  }
0xe3: {  	v9 =	vbroadcast v9, $0xF;
	v7 =	vbroadcast v7, $0xF;
	v14, _, _ =	vpop (xrf2)  }
0xe4: {  	(xrf2) =	vadd.scan.msk.f32 $0xffff, v2;
	v2 =	vbroadcast v8, $0xF;
	v8 =	vbroadcast v10, $0xF;
	v10, _, _ =	vpop (xrf2)  }
0xe5: {  	v11 =	vbroadcast v11, $0xF;
	v10 =	vbroadcast v10, $0xF  }
0xe6: {  	v12 =	vbroadcast v12, $0xF;
	v3 =	vbroadcast v3, $0xF  }
0xe7: {  	v4 =	vbroadcast v4, $0xF;
	v14 =	vbroadcast v14, $0xF;
	v16, _, _ =	vpop (xrf2);
	v10 =	vnsel vm1, $0x0, v10  }
0xe8: {  	v6 =	vbroadcast v6, $0xF;
	v3 =	vsel vm5, v10, v3;
	v10 =	vbroadcast v16, $0xF  }
0xe9: {  	v13 =	vbroadcast v13, $0xF;
	v4 =	vnsel vm2, $0x0, v4;
	v14 =	vnsel vm0, $0x0, v14  }
0xea: {  	v15 =	vbroadcast v15, $0xF;
	v6 =	vsel vm4, v14, v6;
	v4 =	vsel vm6, v4, v10  }
0xeb: {  	v2 =	vsel vm8, v6, v2;
	v3 =	vsel vm9, v3, v8;
	v4 =	vsel vm10, v4, v11  }
0xec: {  	v2 =	vsel vm12, v2, v12;
	v3 =	vsel vm13, v3, v13;
	v4 =	vsel vm14, v4, v7  }
0xed: {  	v6 =	vnsel vm3, $0x0, v15;
	v2 =	vadd.f32 v3, v2  }
0xee: {  	v3 =	vsel vm7, v6, v9  }
0xef: {  	v3 =	vsel vm11, v3, v5;
	v2 =	vadd.f32 v4, v2;
	v4, _, _ =	vpop (xrf2)  }
0xf0: {  	v3 =	vsel vm15, v3, v4  }
0xf1: {  	v2 =	vadd.f32 v3, v2  }
0xf2: {  	s15 =	sshra.s32 s7, $0x2  }
0xf3: {  	[tilespmem:v1+s15+$0x0 ss:$0x1] =	vst.idx.msk $0xffff, v2  }
0xf4: {  	v2 =	vld [tilespmem:s16+$0x16000]  }
0xf5: {  	v3 =	vld [tilespmem:s13+$0x16000]  }
0xf6: {  	v4 =	vld [tilespmem:s23+$0x16000]  }
0xf7: {  	v5 =	vld [tilespmem:s4+$0x16000];
	_ =	sdelay $0x3  }
0xf8: {  	v2 =	vmul.f32 $1.250000000e-01, v2;
	v3 =	vmul.f32 $1.250000000e-01, v3  }
0xf9: {  	v4 =	vmul.f32 $1.250000000e-01, v4;
	v5 =	vmul.f32 $1.250000000e-01, v5;
	_ =	sdelay $0x1  }
0xfa: {  	v6 =	vmax.f32 v2, v3;
	v7 =	vmax.f32 v4, v5  }
0xfb: {  	v6 =	vmax.f32 v6, v7  }
0xfc: {  	(xrf0) =	vmax.scan.msk.f32 $0xffff, v6;
	_ =	sdelay $0x5  }
0xfd: {  	v6, _, _ =	vpop (xrf0)  }
0xfe: {  	v6 =	vbroadcast v6, $0xF;
	_ =	sdelay $0x1  }
0xff: {  	v2 =	vsub.f32 v2, v6  }
0x100: {  	v3 =	vsub.f32 v3, v6  }
0x101: {  	v2 =	vmul.f32 $1.442695020e+00, v2  }
0x102: {  	v4 =	vsub.f32 v4, v6;
	v3 =	vmul.f32 $1.442695020e+00, v3  }
0x103: {  	(erf) = vpow2.f32 v2  }
0x104: {  	v2 =	vmul.f32 $1.442695020e+00, v4;
	(erf) = vpow2.f32 v3;
	v3 =	vsub.f32 v5, v6;
	_ =	sdelay $0x1  }
0x105: {  	(erf) = vpow2.f32 v2;
	v2 =	vmul.f32 $1.442695020e+00, v3;
	_ =	sdelay $0x1  }
0x106: {  	(erf) = vpow2.f32 v2;
	_ =	sdelay $0x3  }
0x107: {  	v2 =	vpop (erf)  }
0x108: {  	v3 =	vpop (erf)  }
0x109: {  	v4 =	vadd.f32 v3, v2  }
0x10a: {  	v5 =	vpop (erf)  }
0x10b: {  	v4 =	vadd.f32 v4, v5  }
0x10c: {  	v6 =	vpop (erf)  }
0x10d: {  	v4 =	vadd.f32 v4, v6;
	_ =	sdelay $0x1  }
0x10e: {  	(xrf2) =	vadd.scan.msk.f32 $0xffff, v4;
	_ =	sdelay $0x9  }
0x10f: {  	v4, _, _ =	vpop (xrf2)  }
0x110: {  	v4 =	vbroadcast v4, $0xF;
	_ =	sdelay $0x1  }
0x111: {  	(erf) = vrcp.f32 v4;
	_ =	sdelay $0x8  }
0x112: {  	v4 =	vpop (erf)  }
0x113: {  	v2 =	vmul.f32 v4, v2  }
0x114: {  	v3 =	vmul.f32 v4, v3  }
0x115: {  	[tilespmem:s16+$0x16000] =	vst v2;
	v2 =	vmul.f32 v4, v5  }
0x116: {  	[tilespmem:s13+$0x16000] =	vst v3;
	v3 =	vmul.f32 v4, v6  }
0x117: {  	[tilespmem:s23+$0x16000] =	vst v2  }
0x118: {  	[tilespmem:s4+$0x16000] =	vst v3  }
0x119: {  	v5 =	vld [tilespmem:s0+$0x700]  }
0x11a: {  	v8 =	vld [tilespmem:s0+$0x710]  }
0x11b: {  	v9 =	vld [tilespmem:s0+$0x600]  }
0x11c: {  	v11 =	vld [tilespmem:s0+$0x610]  }
0x11d: {  	v12 =	vld [tilespmem:s0+$0x500]  }
0x11e: {  	v14 =	vld [tilespmem:s0+$0x510]  }
0x11f: {  	v15 =	vld [tilespmem:s0+$0x400]  }
0x120: {  	v18 =	vld [tilespmem:s0+$0x410]  }
0x121: {  	s23 =	simm.s32 $0x0;
	v19 =	vld [tilespmem:s0+$0x300]  }
0x122: {  	v6 =	vld.idx.msk [tilespmem:v1+s23+$0x0 ss:$0x1], $0xffff  }
0x123: {  	v21 =	vld [tilespmem:s0+$0x310]  }
0x124: {  	v22 =	vld [tilespmem:s0+$0x200]  }
0x125: {  	v24 =	vld [tilespmem:s0+$0x210]  }
0x126: {  	v25 =	vld [tilespmem:s0+$0x100]  }
0x127: {  	v27 =	vld [tilespmem:s0+$0x110]  }
0x128: {  	v28 =	vld [tilespmem:s0+$0x0];
	v3 =	vbroadcast v6, $0xE;
	v2 =	vbroadcast v6, $0xF  }
0x129: {  	v32 =	vld [tilespmem:s0+$0x10];
	v7 =	vbroadcast v6, $0xC;
	v4 =	vbroadcast v6, $0xD  }
0x12a: {  	v38 =	vld [tilespmem:s0+$0xFFFFFF00];
	v13 =	vbroadcast v6, $0xA;
	v10 =	vbroadcast v6, $0xB  }
0x12b: {  	v39 =	vld [tilespmem:s0+$0xFFFFFF10];
	v17 =	vbroadcast v6, $0x8;
	v16 =	vbroadcast v6, $0x9  }
0x12c: {  	v40 =	vld [tilespmem:s0+$0xFFFFFE00];
	v23 =	vbroadcast v6, $0x6;
	v20 =	vbroadcast v6, $0x7  }
0x12d: {  	v41 =	vld [tilespmem:s0+$0xFFFFFE10];
	v29 =	vbroadcast v6, $0x4;
	v26 =	vbroadcast v6, $0x5  }
0x12e: {  	v42 =	vld [tilespmem:s0+$0xFFFFFD00];
	v31 =	vbroadcast v6, $0x2;
	v30 =	vbroadcast v6, $0x3  }
0x12f: {  	v43 =	vld [tilespmem:s0+$0xFFFFFD10];
	v37 =	vbroadcast v6, $0x0;
	v36 =	vbroadcast v6, $0x1  }
0x130: {  	v44 =	vld [tilespmem:s0+$0xFFFFFC00];
	v6 =	vmul.f32 v5, v2;
	v5 =	vmul.f32 v8, v2  }
0x131: {  	v45 =	vld [tilespmem:s0+$0xFFFFFC10];
	v9 =	vmul.f32 v9, v3;
	v8 =	vmul.f32 v11, v3  }
0x132: {  	v46 =	vld [tilespmem:s0+$0xFFFFFB00];
	v12 =	vmul.f32 v12, v4;
	v11 =	vmul.f32 v14, v4  }
0x133: {  	v47 =	vld [tilespmem:s0+$0xFFFFFB10];
	v15 =	vmul.f32 v15, v7;
	v14 =	vmul.f32 v18, v7  }
0x134: {  	v33 =	vimm.f32 $0.0e+00;
	v48 =	vld [tilespmem:s0+$0xFFFFFA00];
	v19 =	vmul.f32 v19, v10;
	v18 =	vmul.f32 v21, v10  }
0x135: {  	v35 =	vimm.f32 $0.0e+00;
	v49 =	vld [tilespmem:s0+$0xFFFFFA10];
	v22 =	vmul.f32 v22, v13;
	v21 =	vmul.f32 v24, v13  }
0x136: {  	v34 =	vimm.f32 $0.0e+00;
	v50 =	vld [tilespmem:s0+$0xFFFFF900];
	v25 =	vmul.f32 v25, v16;
	v24 =	vmul.f32 v27, v16  }
0x137: {  	s1 =	simm.s32 $0x40;
	s4 =	smov.u32 s0;
	v51 =	vld [tilespmem:s0+$0xFFFFF910];
	v28 =	vmul.f32 v28, v17;
	v27 =	vmul.f32 v32, v17;
	v32 =	vimm.f32 $0.0e+00  }
.LBB2_9:
0x138: {  	p0 =	sne.s32 s1, $0xC0;
	v52 =	vld [tilespmem:s4+$0xFFFFF800];
	v38 =	vmul.f32 v38, v20;
	v39 =	vmul.f32 v39, v20  }
0x139: {  	v40 =	vmul.f32 v40, v23;
	v41 =	vmul.f32 v41, v23;
	v53 =	vld [tilespmem:s4+$0xFFFFF810]  }
0x13a: {  	v42 =	vmul.f32 v42, v26;
	v43 =	vmul.f32 v43, v26;
	v54 =	vld [tilespmem:s4+$0xFFFFF820]  }
0x13b: {  	v44 =	vmul.f32 v44, v29;
	v45 =	vmul.f32 v45, v29;
	v55 =	vld [tilespmem:s4+$0xFFFFF830]  }
0x13c: {  	v46 =	vmul.f32 v46, v30;
	v47 =	vmul.f32 v47, v30;
	v56 =	vld [tilespmem:s4+$0xFFFFF920]  }
0x13d: {  	v48 =	vmul.f32 v48, v31;
	v49 =	vmul.f32 v49, v31;
	v57 =	vld [tilespmem:s4+$0xFFFFF930]  }
0x13e: {  	v50 =	vmul.f32 v50, v36;
	v51 =	vmul.f32 v51, v36;
	v58 =	vld [tilespmem:s4+$0xFFFFFA20]  }
0x13f: {  	v52 =	vmul.f32 v52, v37;
	v53 =	vmul.f32 v53, v37;
	v59 =	vld [tilespmem:s4+$0xFFFFFA30]  }
0x140: {  	v54 =	vmul.f32 v54, v37;
	v37 =	vmul.f32 v55, v37;
	v55 =	vld [tilespmem:s4+$0xFFFFFB20]  }
0x141: {  	v33 =	vadd.f32 v52, v33;
	v35 =	vadd.f32 v53, v35;
	v52 =	vmul.f32 v56, v36;
	v53 =	vld [tilespmem:s4+$0xFFFFFB30]  }
0x142: {  	v34 =	vadd.f32 v54, v34;
	v32 =	vadd.f32 v37, v32;
	v36 =	vmul.f32 v57, v36;
	v37 =	vld [tilespmem:s4+$0xFFFFFC20]  }
0x143: {  	v33 =	vadd.f32 v50, v33;
	v35 =	vadd.f32 v51, v35;
	v50 =	vmul.f32 v58, v31;
	v51 =	vld [tilespmem:s4+$0xFFFFFC30]  }
0x144: {  	v34 =	vadd.f32 v52, v34;
	v32 =	vadd.f32 v36, v32;
	v31 =	vmul.f32 v59, v31;
	v36 =	vld [tilespmem:s4+$0xFFFFFD20]  }
0x145: {  	v33 =	vadd.f32 v48, v33;
	v35 =	vadd.f32 v49, v35;
	v48 =	vmul.f32 v55, v30;
	v49 =	vld [tilespmem:s4+$0xFFFFFD30]  }
0x146: {  	v34 =	vadd.f32 v50, v34;
	v31 =	vadd.f32 v31, v32;
	v30 =	vmul.f32 v53, v30;
	v32 =	vld [tilespmem:s4+$0xFFFFFE20]  }
0x147: {  	v33 =	vadd.f32 v46, v33;
	v35 =	vadd.f32 v47, v35;
	v37 =	vmul.f32 v37, v29;
	v46 =	vld [tilespmem:s4+$0xFFFFFE30]  }
0x148: {  	v34 =	vadd.f32 v48, v34;
	v30 =	vadd.f32 v30, v31;
	v29 =	vmul.f32 v51, v29;
	v31 =	vld [tilespmem:s4+$0xFFFFFF20]  }
0x149: {  	v33 =	vadd.f32 v44, v33;
	v35 =	vadd.f32 v45, v35;
	v36 =	vmul.f32 v36, v26;
	v44 =	vld [tilespmem:s4+$0xFFFFFF30]  }
0x14a: {  	v34 =	vadd.f32 v37, v34;
	v29 =	vadd.f32 v29, v30;
	v26 =	vmul.f32 v49, v26;
	v30 =	vld [tilespmem:s4+$0x20]  }
0x14b: {  	v33 =	vadd.f32 v42, v33;
	v35 =	vadd.f32 v43, v35;
	v32 =	vmul.f32 v32, v23;
	v37 =	vld [tilespmem:s4+$0x30]  }
0x14c: {  	v34 =	vadd.f32 v36, v34;
	v26 =	vadd.f32 v26, v29;
	v23 =	vmul.f32 v46, v23;
	v29 =	vld [tilespmem:s4+$0x120]  }
0x14d: {  	v33 =	vadd.f32 v40, v33;
	v35 =	vadd.f32 v41, v35;
	v31 =	vmul.f32 v31, v20;
	v36 =	vld [tilespmem:s4+$0x130]  }
0x14e: {  	v32 =	vadd.f32 v32, v34;
	v23 =	vadd.f32 v23, v26;
	v20 =	vmul.f32 v44, v20;
	v26 =	vld [tilespmem:s4+$0x220]  }
0x14f: {  	v33 =	vadd.f32 v38, v33;
	v34 =	vadd.f32 v39, v35;
	v30 =	vmul.f32 v30, v17;
	v35 =	vld [tilespmem:s4+$0x230]  }
0x150: {  	v31 =	vadd.f32 v31, v32;
	v20 =	vadd.f32 v20, v23;
	v17 =	vmul.f32 v37, v17;
	v23 =	vld [tilespmem:s4+$0x320]  }
0x151: {  	v28 =	vadd.f32 v28, v33;
	v27 =	vadd.f32 v27, v34;
	v29 =	vmul.f32 v29, v16;
	v32 =	vld [tilespmem:s4+$0x330]  }
0x152: {  	v30 =	vadd.f32 v30, v31;
	v17 =	vadd.f32 v17, v20;
	v16 =	vmul.f32 v36, v16;
	v20 =	vld [tilespmem:s4+$0x420]  }
0x153: {  	v25 =	vadd.f32 v25, v28;
	v24 =	vadd.f32 v24, v27;
	v26 =	vmul.f32 v26, v13;
	v27 =	vld [tilespmem:s4+$0x430]  }
0x154: {  	v28 =	vadd.f32 v29, v30;
	v16 =	vadd.f32 v16, v17;
	v13 =	vmul.f32 v35, v13;
	v17 =	vld [tilespmem:s4+$0x520]  }
0x155: {  	v22 =	vadd.f32 v22, v25;
	v21 =	vadd.f32 v21, v24;
	v23 =	vmul.f32 v23, v10;
	v24 =	vld [tilespmem:s4+$0x530]  }
0x156: {  	v25 =	vadd.f32 v26, v28;
	v13 =	vadd.f32 v13, v16;
	v10 =	vmul.f32 v32, v10;
	v16 =	vld [tilespmem:s4+$0x620]  }
0x157: {  	v19 =	vadd.f32 v19, v22;
	v18 =	vadd.f32 v18, v21;
	v20 =	vmul.f32 v20, v7;
	v21 =	vld [tilespmem:s4+$0x630]  }
0x158: {  	v22 =	vadd.f32 v23, v25;
	v10 =	vadd.f32 v10, v13;
	v7 =	vmul.f32 v27, v7;
	v13 =	vld [tilespmem:s4+$0x720]  }
0x159: {  	v15 =	vadd.f32 v15, v19;
	v14 =	vadd.f32 v14, v18;
	v17 =	vmul.f32 v17, v4;
	v18 =	vld [tilespmem:s4+$0x730];
	s4 =	sadd.s32 $0x1000, s4  }
0x15a: {  	v20 =	vadd.f32 v20, v22;
	v19 =	vld [tilespmem:s4+$0x700];
	v7 =	vadd.f32 v7, v10;
	v4 =	vmul.f32 v24, v4  }
0x15b: {  	v10 =	vadd.f32 v12, v15;
	v11 =	vadd.f32 v11, v14;
	v22 =	vld [tilespmem:s4+$0x710];
	v12 =	vmul.f32 v16, v3  }
0x15c: {  	v15 =	vadd.f32 v17, v20;
	v14 =	vld [tilespmem:s4+$0x600];
	v4 =	vadd.f32 v4, v7;
	v3 =	vmul.f32 v21, v3  }
0x15d: {  	v7 =	vadd.f32 v9, v10;
	v8 =	vadd.f32 v8, v11;
	v21 =	vld [tilespmem:s4+$0x610];
	v9 =	vmul.f32 v13, v2  }
0x15e: {  	v10 =	vadd.f32 v12, v15;
	v11 =	vld [tilespmem:s4+$0x500];
	v3 =	vadd.f32 v3, v4;
	v2 =	vmul.f32 v18, v2  }
0x15f: {  	v33 =	vadd.f32 v6, v7;
	v35 =	vadd.f32 v5, v8;
	v15 =	vld [tilespmem:s4+$0x510]  }
0x160: {  	v34 =	vadd.f32 v9, v10;
	v18 =	vld [tilespmem:s4+$0x400];
	v32 =	vadd.f32 v2, v3  }
0x161: {  	v24 =	vld [tilespmem:s4+$0x410]  }
0x162: {  	s7 =	sshra.s32 s1, $0x2;
	v25 =	vld [tilespmem:s4+$0x300]  }
0x163: {  	v5 =	vld.idx.msk [tilespmem:v1+s7+$0x0 ss:$0x1], $0xffff  }
0x164: {  	v27 =	vld [tilespmem:s4+$0x310]  }
0x165: {  	v28 =	vld [tilespmem:s4+$0x200]  }
0x166: {  	v50 =	vld [tilespmem:s4+$0x210]  }
0x167: {  	v51 =	vld [tilespmem:s4+$0x100]  }
0x168: {  	v52 =	vld [tilespmem:s4+$0x110]  }
0x169: {  	v3 =	vbroadcast v5, $0xE;
	v2 =	vbroadcast v5, $0xF;
	v53 =	vld [tilespmem:s4+$0x0]  }
0x16a: {  	v7 =	vbroadcast v5, $0xC;
	v4 =	vbroadcast v5, $0xD;
	v54 =	vld [tilespmem:s4+$0x10]  }
0x16b: {  	v13 =	vbroadcast v5, $0xA;
	v10 =	vbroadcast v5, $0xB;
	v38 =	vld [tilespmem:s4+$0xFFFFFF00]  }
0x16c: {  	v17 =	vbroadcast v5, $0x8;
	v16 =	vbroadcast v5, $0x9;
	v39 =	vld [tilespmem:s4+$0xFFFFFF10]  }
0x16d: {  	v23 =	vbroadcast v5, $0x6;
	v20 =	vbroadcast v5, $0x7;
	v40 =	vld [tilespmem:s4+$0xFFFFFE00]  }
0x16e: {  	v29 =	vbroadcast v5, $0x4;
	v26 =	vbroadcast v5, $0x5;
	v41 =	vld [tilespmem:s4+$0xFFFFFE10]  }
0x16f: {  	v31 =	vbroadcast v5, $0x2;
	v30 =	vbroadcast v5, $0x3;
	v42 =	vld [tilespmem:s4+$0xFFFFFD00]  }
0x170: {  	v37 =	vbroadcast v5, $0x0;
	v36 =	vbroadcast v5, $0x1;
	v43 =	vld [tilespmem:s4+$0xFFFFFD10]  }
0x171: {  	v6 =	vmul.f32 v19, v2;
	v5 =	vmul.f32 v22, v2;
	v44 =	vld [tilespmem:s4+$0xFFFFFC00]  }
0x172: {  	v9 =	vmul.f32 v14, v3;
	v8 =	vmul.f32 v21, v3;
	v45 =	vld [tilespmem:s4+$0xFFFFFC10]  }
0x173: {  	v12 =	vmul.f32 v11, v4;
	v11 =	vmul.f32 v15, v4;
	v46 =	vld [tilespmem:s4+$0xFFFFFB00]  }
.Ltmp2:
0x174: {  	v15 =	vmul.f32 v18, v7;
	v14 =	vmul.f32 v24, v7;
	v47 =	vld [tilespmem:s4+$0xFFFFFB10];
	(pc) =	sbr.rel @p0 .LBB2_9-.Ltmp2, $4  }
0x175: {  	v19 =	vmul.f32 v25, v10;
	v18 =	vmul.f32 v27, v10;
	v48 =	vld [tilespmem:s4+$0xFFFFFA00]  }
0x176: {  	v22 =	vmul.f32 v28, v13;
	v21 =	vmul.f32 v50, v13;
	v49 =	vld [tilespmem:s4+$0xFFFFFA10]  }
0x177: {  	v25 =	vmul.f32 v51, v16;
	v24 =	vmul.f32 v52, v16;
	v50 =	vld [tilespmem:s4+$0xFFFFF900]  }
0x178: {  	s1 =	sadd.s32 $0x40, s1;
	v28 =	vmul.f32 v53, v17;
	v27 =	vmul.f32 v54, v17;
	v51 =	vld [tilespmem:s4+$0xFFFFF910]  }
0x179: {  	v1 =	vld [tilespmem:s4+$0xFFFFF800];
	v38 =	vmul.f32 v38, v20;
	v39 =	vmul.f32 v39, v20  }
0x17a: {  	v52 =	vld [tilespmem:s4+$0xFFFFF810];
	v40 =	vmul.f32 v40, v23;
	v41 =	vmul.f32 v41, v23  }
0x17b: {  	v53 =	vld [tilespmem:s4+$0xFFFFF820];
	v42 =	vmul.f32 v42, v26;
	v43 =	vmul.f32 v43, v26  }
0x17c: {  	v54 =	vld [tilespmem:s4+$0xFFFFF830];
	v44 =	vmul.f32 v44, v29;
	v45 =	vmul.f32 v45, v29  }
0x17d: {  	v55 =	vld [tilespmem:s4+$0xFFFFF920];
	v46 =	vmul.f32 v46, v30;
	v47 =	vmul.f32 v47, v30  }
0x17e: {  	v56 =	vld [tilespmem:s4+$0xFFFFF930];
	v48 =	vmul.f32 v48, v31;
	v1 =	vmul.f32 v1, v37  }
0x17f: {  	v57 =	vld [tilespmem:s4+$0xFFFFFA20];
	v49 =	vmul.f32 v49, v31;
	v52 =	vmul.f32 v52, v37  }
0x180: {  	v58 =	vld [tilespmem:s4+$0xFFFFFA30];
	v50 =	vmul.f32 v50, v36;
	v53 =	vmul.f32 v53, v37;
	v1 =	vadd.f32 v1, v33  }
0x181: {  	v59 =	vld [tilespmem:s4+$0xFFFFFB20];
	v63 =	vmul.f32 v54, v37;
	v33 =	vmul.f32 v51, v36;
	v35 =	vadd.f32 v52, v35  }
0x182: {  	v61 =	vld [tilespmem:s4+$0xFFFFFB30];
	v60 =	vmul.f32 v55, v36;
	v34 =	vadd.f32 v53, v34;
	v1 =	vadd.f32 v50, v1  }
0x183: {  	v62 =	vmul.f32 v56, v36;
	v32 =	vadd.f32 v63, v32;
	v63 =	vld [tilespmem:s4+$0xFFFFFC20];
	v33 =	vadd.f32 v33, v35  }
0x184: {  	v55 =	vld [tilespmem:s4+$0xFFFFFC30];
	v53 =	vmul.f32 v57, v31;
	v34 =	vadd.f32 v60, v34;
	v1 =	vadd.f32 v48, v1  }
0x185: {  	v56 =	vmul.f32 v58, v31;
	v57 =	vld [tilespmem:s4+$0xFFFFFD20];
	v32 =	vadd.f32 v62, v32;
	v33 =	vadd.f32 v49, v33  }
0x186: {  	v58 =	vmul.f32 v59, v30;
	v59 =	vld [tilespmem:s4+$0xFFFFFD30];
	v34 =	vadd.f32 v53, v34;
	v1 =	vadd.f32 v46, v1  }
0x187: {  	v60 =	vmul.f32 v61, v30;
	v61 =	vld [tilespmem:s4+$0xFFFFFE20];
	v31 =	vadd.f32 v56, v32;
	v33 =	vadd.f32 v47, v33  }
0x188: {  	v62 =	vmul.f32 v63, v29;
	v63 =	vld [tilespmem:s4+$0xFFFFFE30];
	v34 =	vadd.f32 v58, v34;
	v1 =	vadd.f32 v44, v1  }
0x189: {  	v50 =	vld [tilespmem:s4+$0xFFFFFF20];
	v48 =	vmul.f32 v55, v29;
	v30 =	vadd.f32 v60, v31;
	v33 =	vadd.f32 v45, v33  }
0x18a: {  	v51 =	vld [tilespmem:s4+$0xFFFFFF30];
	v36 =	vmul.f32 v57, v26;
	v34 =	vadd.f32 v62, v34;
	v1 =	vadd.f32 v42, v1  }
0x18b: {  	v52 =	vmul.f32 v59, v26;
	v53 =	vld [tilespmem:s4+$0x20];
	v29 =	vadd.f32 v48, v30;
	v33 =	vadd.f32 v43, v33  }
0x18c: {  	v54 =	vld [tilespmem:s4+$0x30];
	v32 =	vmul.f32 v61, v23;
	v34 =	vadd.f32 v36, v34;
	v1 =	vadd.f32 v40, v1  }
0x18d: {  	v56 =	vld [tilespmem:s4+$0x120];
	v26 =	vadd.f32 v52, v29;
	v55 =	vmul.f32 v63, v23;
	v33 =	vadd.f32 v41, v33  }
0x18e: {  	v57 =	vld [tilespmem:s4+$0x130];
	v31 =	vmul.f32 v50, v20;
	v32 =	vadd.f32 v32, v34;
	v1 =	vadd.f32 v38, v1  }
0x18f: {  	v59 =	vld [tilespmem:s4+$0x220];
	v58 =	vmul.f32 v51, v20;
	v23 =	vadd.f32 v55, v26;
	v33 =	vadd.f32 v39, v33  }
0x190: {  	v60 =	vld [tilespmem:s4+$0x230];
	v30 =	vmul.f32 v53, v17;
	v31 =	vadd.f32 v31, v32;
	v1 =	vadd.f32 v28, v1  }
0x191: {  	v61 =	vmul.f32 v54, v17;
	v62 =	vld [tilespmem:s4+$0x320];
	v20 =	vadd.f32 v58, v23;
	v27 =	vadd.f32 v27, v33  }
0x192: {  	v63 =	vmul.f32 v56, v16;
	v33 =	vld [tilespmem:s4+$0x330];
	v30 =	vadd.f32 v30, v31;
	v1 =	vadd.f32 v25, v1  }
0x193: {  	v35 =	vmul.f32 v57, v16;
	v36 =	vld [tilespmem:s4+$0x420];
	v17 =	vadd.f32 v61, v20;
	v24 =	vadd.f32 v24, v27  }
0x194: {  	v37 =	vmul.f32 v59, v13;
	v38 =	vld [tilespmem:s4+$0x430];
	v39 =	vadd.f32 v63, v30;
	v1 =	vadd.f32 v22, v1  }
0x195: {  	v40 =	vmul.f32 v60, v13;
	v41 =	vld [tilespmem:s4+$0x520];
	v16 =	vadd.f32 v35, v17;
	v21 =	vadd.f32 v21, v24  }
0x196: {  	v43 =	vld [tilespmem:s4+$0x530];
	v42 =	vmul.f32 v62, v10;
	v44 =	vadd.f32 v37, v39;
	v1 =	vadd.f32 v19, v1  }
0x197: {  	v46 =	vld [tilespmem:s4+$0x620];
	v13 =	vadd.f32 v40, v16;
	v45 =	vmul.f32 v33, v10;
	v18 =	vadd.f32 v18, v21  }
0x198: {  	v48 =	vld [tilespmem:s4+$0x630];
	v47 =	vmul.f32 v36, v7;
	v49 =	vadd.f32 v42, v44;
	v1 =	vadd.f32 v15, v1  }
0x199: {  	v51 =	vld [tilespmem:s4+$0x720];
	v50 =	vmul.f32 v38, v7;
	v10 =	vadd.f32 v45, v13;
	v14 =	vadd.f32 v14, v18  }
0x19a: {  	v53 =	vld [tilespmem:s4+$0x730];
	v52 =	vmul.f32 v41, v4;
	v54 =	vadd.f32 v47, v49;
	v1 =	vadd.f32 v12, v1  }
0x19b: {  	v55 =	vmul.f32 v43, v4;
	v7 =	vadd.f32 v50, v10;
	v56 =	vadd.f32 v11, v14  }
0x19c: {  	v57 =	vmul.f32 v46, v3;
	v58 =	vadd.f32 v52, v54;
	v1 =	vadd.f32 v9, v1  }
0x19d: {  	s10 =	sadd.s32 $0x1, s10;
	v3 =	vmul.f32 v48, v3;
	v4 =	vadd.f32 v55, v7;
	v59 =	vadd.f32 v8, v56  }
0x19e: {  	p0 =	sne.s32 s10, $0x4;
	v60 =	vmul.f32 v51, v2;
	v61 =	vadd.f32 v57, v58;
	v1 =	vadd.f32 v6, v1  }
.Ltmp3:
0x19f: {  	v2 =	vmul.f32 v53, v2;
	v3 =	vadd.f32 v3, v4;
	v62 =	vadd.f32 v5, v59;
	(pc) =	sbr.rel @p0 .LBB2_6-.Ltmp3, $4  }
0x1a0: {  	v63 =	vadd.f32 v60, v61;
	[tilespmem:s24+$0x10000] =	vst v1  }
0x1a1: {  	v1 =	vadd.f32 v2, v3;
	[tilespmem:s2+$0x10000] =	vst v62  }
0x1a2: {  	[tilespmem:s3+$0x10000] =	vst v63  }
0x1a3: {  	s31 =	sadd.s32 $0x40, s31;
	s8 =	sadd.s32 $0x20, s8;
	s0 =	sadd.s32 $0x40, s0;
	[tilespmem:s11+$0x10000] =	vst v1  }
0x1a4: {  	p0 =	seq.s32 s28, $0x1F  }
0x1a5: {  	s0 =	sshrl.u32 @!p0 s30, $0x2  }
0x1a6: {  	s1 =	simm.s32 @!p0 $0x40;
	s2 =	simm.s32 @!p0 $0x0;
	s0 =	sadd.s32 @!p0 $0x15080, s0  }
0x1a7: {  	[tilespmem:s2], [sflag:$0x1] =	stream.indirect.gather @!p0 [hbm4b:s5+s1], $0x80, s0, s1, $0xb8;
	[tilespmem:$0x16110] =	vst v63  }
0x1a8: {  	s2 =	simm.s32 @!p0 $0x4000  }
0x1a9: {  	[tilespmem:s2], [sflag:$0x3] =	stream.indirect.gather @!p0 [hbm4b:s6+s1], $0x100, s0, s1, $0xb8;
	[tilespmem:$0x16110] =	vst v63  }
0x1aa: {  	_ =	swait.ge [sflag:s21], $0x2000  }
0x1ab: {  	[sflag:s21] =	ssyncset.done $0x0  }
0x1ac: {  	[sflag:s21] =	ssyncadd.s32 $0xFFFFE000  }
0x1ad: {  	_ =	swait.ge [sflag:s22], $0x4000  }
0x1ae: {  	s10 =	simm.s32 $0x8800;
	s30 =	simm.s32 $0x0;
	[sflag:s22] =	ssyncset.done $0x0  }
0x1af: {  	s1 =	simm.s32 $0x16000;
	s0 =	simm.s32 $0x2400;
	[sflag:s22] =	ssyncadd.s32 $0xFFFFC000  }
.LBB2_12:
0x1b0: {  	v1 =	vld [tilespmem:s0+$0x180]  }
0x1b1: {  	v6 =	vld [tilespmem:s0+$0x190]  }
0x1b2: {  	s16 =	sshll.u32 s30, $0x6;
	v10 =	vld [tilespmem:s0+$0x310]  }
0x1b3: {  	v11 =	vld [tilespmem:s0+$0xFFFFFF80];
	s24 =	sor.u32 s29, s16;
	s13 =	sor.u32 $0x10, s16  }
0x1b4: {  	s23 =	sor.u32 $0x20, s16;
	v2 =	vld [tilespmem:s24+$0xC000];
	s2 =	sor.u32 s29, s13  }
0x1b5: {  	s4 =	sor.u32 $0x30, s16;
	s3 =	sor.u32 s29, s23;
	v3 =	vld [tilespmem:s2+$0xC000]  }
0x1b6: {  	s11 =	sor.u32 s29, s4;
	v4 =	vld [tilespmem:s3+$0xC000]  }
0x1b7: {  	v5 =	vld [tilespmem:s11+$0xC000]  }
0x1b8: {  	v16 =	vld [tilespmem:s0+$0x280];
	_ =	sdelay $0x1  }
0x1b9: {  	v7 =	vshll.u32 v1, $0x10;
	v1 =	vand.u32 $0xFFFF0000, v1;
	v8 =	vshll.u32 v6, $0x10  }
0x1ba: {  	v9 =	vld [tilespmem:s0+$0x300];
	v6 =	vand.u32 $0xFFFF0000, v6;
	v7 =	vmul.f32 v7, v2;
	v1 =	vmul.f32 v1, v3  }
0x1bb: {  	v8 =	vmul.f32 v8, v4;
	v6 =	vmul.f32 v6, v5  }
0x1bc: {  	v12 =	vshll.u32 v10, $0x10;
	v13 =	vshll.u32 v11, $0x10;
	v17 =	vshll.u32 v16, $0x10  }
0x1bd: {  	v13 =	vmul.f32 v13, v2;
	v1 =	vadd.f32 v1, v7;
	v6 =	vadd.f32 v6, v8;
	v7 =	vld [tilespmem:s0+$0xFFFFFF90]  }
0x1be: {  	v10 =	vand.u32 $0xFFFF0000, v10;
	v17 =	vmul.f32 v17, v2;
	v12 =	vmul.f32 v12, v4  }
0x1bf: {  	v8 =	vand.u32 $0xFFFF0000, v9;
	v1 =	vadd.f32 v6, v1;
	v6 =	vshll.u32 v9, $0x10;
	v9 =	vld [tilespmem:s0+$0x100]  }
0x1c0: {  	v11 =	vand.u32 $0xFFFF0000, v11;
	v8 =	vmul.f32 v8, v3;
	v6 =	vmul.f32 v6, v2  }
0x1c1: {  	v14 =	vld [tilespmem:s0+$0x110];
	v16 =	vand.u32 $0xFFFF0000, v16;
	v10 =	vmul.f32 v10, v5;
	v11 =	vmul.f32 v11, v3  }
0x1c2: {  	v15 =	vshll.u32 v7, $0x10;
	v7 =	vand.u32 $0xFFFF0000, v7;
	v6 =	vadd.f32 v8, v6  }
0x1c3: {  	v8 =	vadd.f32 v11, v13;
	v13 =	vld [tilespmem:s0+$0x200];
	v15 =	vmul.f32 v15, v4;
	v7 =	vmul.f32 v7, v5  }
0x1c4: {  	v16 =	vmul.f32 v16, v3;
	v10 =	vadd.f32 v10, v12;
	v12 =	vld [tilespmem:s0+$0x210];
	v11 =	vshll.u32 v9, $0x10  }
0x1c5: {  	v9 =	vand.u32 $0xFFFF0000, v9;
	v7 =	vadd.f32 v7, v15;
	v11 =	vmul.f32 v11, v2  }
0x1c6: {  	v9 =	vmul.f32 v9, v3;
	v15 =	vshll.u32 v14, $0x10;
	v14 =	vand.u32 $0xFFFF0000, v14  }
0x1c7: {  	v6 =	vadd.f32 v10, v6;
	v15 =	vmul.f32 v15, v4;
	v14 =	vmul.f32 v14, v5  }
0x1c8: {  	v7 =	vadd.f32 v7, v8;
	v8 =	vadd.f32 v9, v11;
	v9 =	vld [tilespmem:s0+$0x290];
	v11 =	vshll.u32 v13, $0x10  }
0x1c9: {  	v18 =	vld [tilespmem:s0+$0xFFFFFD90];
	v10 =	vadd.f32 v14, v15;
	v14 =	vshll.u32 v12, $0x10;
	v12 =	vand.u32 $0xFFFF0000, v12  }
0x1ca: {  	v13 =	vand.u32 $0xFFFF0000, v13;
	v15 =	vld [tilespmem:s0+$0xFFFFFD80];
	v14 =	vmul.f32 v14, v4;
	v12 =	vmul.f32 v12, v5  }
0x1cb: {  	v11 =	vmul.f32 v11, v2;
	v13 =	vmul.f32 v13, v3  }
0x1cc: {  	v12 =	vadd.f32 v12, v14;
	v14 =	vadd.f32 v16, v17;
	v17 =	vld [tilespmem:s0+$0x10]  }
0x1cd: {  	v11 =	vadd.f32 v13, v11;
	v19 =	vshll.u32 v9, $0x10;
	v9 =	vand.u32 $0xFFFF0000, v9  }
0x1ce: {  	v10 =	vadd.f32 v10, v8;
	v13 =	vmul.f32 v19, v4;
	v9 =	vmul.f32 v9, v5  }
0x1cf: {  	v8 =	vshll.u32 v18, $0x10;
	v19 =	vld [tilespmem:s0+$0x0];
	v16 =	vshll.u32 v15, $0x10;
	v15 =	vand.u32 $0xFFFF0000, v15  }
0x1d0: {  	v15 =	vmul.f32 v15, v3;
	v9 =	vadd.f32 v9, v13;
	v13 =	vmul.f32 v16, v2  }
0x1d1: {  	v11 =	vadd.f32 v12, v11;
	v16 =	vld [tilespmem:s0+$0x80];
	v20 =	vshll.u32 v17, $0x10;
	v17 =	vand.u32 $0xFFFF0000, v17  }
0x1d2: {  	v9 =	vadd.f32 v9, v14;
	v12 =	vadd.f32 v15, v13;
	v14 =	vmul.f32 v8, v4  }
0x1d3: {  	v13 =	vand.u32 $0xFFFF0000, v18;
	v15 =	vld [tilespmem:s0+$0x90];
	v20 =	vmul.f32 v20, v4;
	v17 =	vmul.f32 v17, v5  }
0x1d4: {  	v22 =	vld [tilespmem:s0+$0xFFFFFD00];
	v13 =	vmul.f32 v13, v5;
	v8 =	vshll.u32 v19, $0x10;
	v18 =	vand.u32 $0xFFFF0000, v19  }
0x1d5: {  	(xrf2) =	vadd.scan.msk.f32 $0xffff, v1;
	v19 =	vmul.f32 v8, v2;
	v18 =	vmul.f32 v18, v3;
	v8 =	vld [tilespmem:s0+$0xFFFFFF00]  }
0x1d6: {  	(xrf2) =	vadd.scan.msk.f32 $0xffff, v6;
	v21 =	vshll.u32 v16, $0x10;
	v16 =	vand.u32 $0xFFFF0000, v16;
	v13 =	vadd.f32 v13, v14  }
0x1d7: {  	v6 =	vld [tilespmem:s0+$0xFFFFFE00];
	(xrf2) =	vadd.scan.msk.f32 $0xffff, v7;
	v21 =	vmul.f32 v21, v2;
	v16 =	vmul.f32 v16, v3  }
0x1d8: {  	(xrf2) =	vadd.scan.msk.f32 $0xffff, v10;
	v23 =	vshll.u32 v15, $0x10;
	v15 =	vand.u32 $0xFFFF0000, v15;
	v12 =	vadd.f32 v13, v12;
	v13 =	vld [tilespmem:s0+$0xFFFFFE10]  }
0x1d9: {  	(xrf2) =	vadd.scan.msk.f32 $0xffff, v11;
	v11 =	vand.u32 $0xFFFF0000, v22;
	v14 =	vmul.f32 v23, v4;
	v15 =	vmul.f32 v15, v5  }
0x1da: {  	v17 =	vadd.f32 v17, v20;
	v18 =	vadd.f32 v18, v19;
	v7 =	vshll.u32 v8, $0x10  }
0x1db: {  	v16 =	vadd.f32 v16, v21;
	v14 =	vadd.f32 v15, v14;
	v10 =	vmul.f32 v7, v2  }
0x1dc: {  	v24 =	vld [tilespmem:s0+$0xFFFFFD10];
	v15 =	vadd.f32 v17, v18;
	v18 =	vshll.u32 v6, $0x10;
	v6 =	vand.u32 $0xFFFF0000, v6  }
0x1dd: {  	v7 =	vshll.u32 v22, $0x10;
	v20 =	vmul.f32 v6, v3;
	v6 =	vshll.u32 v13, $0x10  }
0x1de: {  	(xrf2) =	vadd.scan.msk.f32 $0xffff, v9;
	v9 =	vmul.f32 v11, v3;
	v7 =	vmul.f32 v7, v2  }
0x1df: {  	v14 =	vadd.f32 v14, v16;
	v16 =	vld [tilespmem:s0+$0xFFFFFE80]  }
0x1e0: {  	v19 =	vld [tilespmem:s0+$0xFFFFFE90];
	v22 =	vadd.f32 v9, v7;
	v9 =	vmul.f32 v6, v4;
	v6, _, _ =	vpop (xrf2);
	(xrf2) =	vadd.scan.msk.f32 $0xffff, v12  }
0x1e1: {  	v11 =	vshll.u32 v24, $0x10;
	v17 =	vand.u32 $0xFFFF0000, v24  }
0x1e2: {  	v11 =	vmul.f32 v11, v4;
	v17 =	vmul.f32 v17, v5;
	v13 =	vand.u32 $0xFFFF0000, v13  }
0x1e3: {  	v1 =	vmov s1;
	v21 =	vld [tilespmem:s0+$0xFFFFFC00];
	v18 =	vmul.f32 v18, v2;
	v13 =	vmul.f32 v13, v5;
	v7, _, _ =	vpop (xrf2);
	(xrf2) =	vadd.scan.msk.f32 $0xffff, v15  }
0x1e4: {  	v17 =	vadd.f32 v17, v11;
	v11 =	vshll.u32 v16, $0x10;
	v16 =	vand.u32 $0xFFFF0000, v16  }
0x1e5: {  	v13 =	vadd.f32 v13, v9;
	v12 =	vshll.u32 v19, $0x10;
	v23 =	vmul.f32 v16, v3;
	v16 =	vld [tilespmem:s0+$0xFFFFFC10]  }
0x1e6: {  	v18 =	vadd.f32 v20, v18;
	v19 =	vand.u32 $0xFFFF0000, v19;
	v63 =	vmul.f32 v12, v4;
	v9, _, _ =	vpop (xrf2);
	(xrf2) =	vadd.scan.msk.f32 $0xffff, v14  }
0x1e7: {  	v22 =	vadd.f32 v17, v22;
	v25 =	vmul.f32 v19, v5;
	v15 =	vld [tilespmem:s0+$0xFFFFFC80];
	v20 =	vmul.f32 v11, v2;
	v11, _, _ =	vpop (xrf2)  }
0x1e8: {  	v17 =	vshll.u32 v21, $0x10;
	v21 =	vand.u32 $0xFFFF0000, v21;
	v14 =	vadd.f32 v13, v18;
	v12, _, _ =	vpop (xrf2)  }
0x1e9: {  	s8 =	simm.s32 $0x40;
	s31 =	smov.u32 s0;
	s7 =	simm.s32 $0x0;
	v19 =	vmul.f32 v17, v2;
	v17 =	vld [tilespmem:s0+$0xFFFFFC90];
	v18 =	vadd.f32 v23, v20;
	v20 =	vadd.f32 v25, v63;
	(xrf2) =	vadd.scan.msk.f32 $0xffff, v22;
	v13, _, _ =	vpop (xrf2)  }
.LBB2_13:
0x1ea: {  	p0 =	sne.s32 s8, $0xC0;
	v21 =	vmul.f32 v21, v3;
	v22 =	vshll.u32 v16, $0x10;
	v16 =	vand.u32 $0xFFFF0000, v16;
	v23, _, _ =	vpop (xrf2)  }
0x1eb: {  	v22 =	vmul.f32 v22, v4;
	v16 =	vmul.f32 v16, v5;
	v24 =	vld [tilespmem:s31+$0xFFFFFF10]  }
0x1ec: {  	v18 =	vadd.f32 v20, v18;
	v19 =	vadd.f32 v21, v19;
	v21 =	vshll.u32 v15, $0x10;
	(xrf2) =	vadd.scan.msk.f32 $0xffff, v14  }
0x1ed: {  	v15 =	vand.u32 $0xFFFF0000, v15;
	v14 =	vadd.f32 v16, v22;
	v16 =	vmul.f32 v21, v2;
	v20, _, _ =	vpop (xrf2)  }
0x1ee: {  	v15 =	vmul.f32 v15, v3;
	v21 =	vshll.u32 v17, $0x10;
	v17 =	vand.u32 $0xFFFF0000, v17  }
0x1ef: {  	v8 =	vand.u32 $0xFFFF0000, v8;
	v21 =	vmul.f32 v21, v4;
	v17 =	vmul.f32 v17, v5;
	(xrf2) =	vadd.scan.msk.f32 $0xffff, v18  }
0x1f0: {  	v8 =	vmul.f32 v8, v3;
	v14 =	vadd.f32 v14, v19;
	v18 =	vshll.u32 v24, $0x10;
	v19 =	vld [tilespmem:s31+$0x380];
	v22, _, _ =	vpop (xrf2)  }
0x1f1: {  	v25 =	vadd.f32 v15, v16;
	v16 =	vadd.f32 v17, v21;
	v17 =	vand.u32 $0xFFFF0000, v24  }
0x1f2: {  	v18 =	vmul.f32 v18, v4;
	v17 =	vmul.f32 v17, v5;
	v21 =	vld [tilespmem:s31+$0x390];
	(xrf2) =	vadd.scan.msk.f32 $0xffff, v14  }
0x1f3: {  	v14 =	vadd.f32 v16, v25;
	v15, _, _ =	vpop (xrf2)  }
0x1f4: {  	v8 =	vadd.f32 v8, v10;
	v10 =	vadd.f32 v17, v18  }
0x1f5: {  	v17 =	vshll.u32 v19, $0x10;
	(xrf2) =	vadd.scan.msk.f32 $0xffff, v14  }
0x1f6: {  	v24 =	vadd.f32 v10, v8;
	v10 =	vand.u32 $0xFFFF0000, v19;
	v14 =	vmul.f32 v17, v2;
	v16, _, _ =	vpop (xrf2)  }
0x1f7: {  	v10 =	vmul.f32 v10, v3;
	v17 =	vshll.u32 v21, $0x10;
	v18 =	vand.u32 $0xFFFF0000, v21  }
0x1f8: {  	v17 =	vmul.f32 v17, v4;
	v18 =	vmul.f32 v18, v5;
	(xrf2) =	vadd.scan.msk.f32 $0xffff, v24  }
0x1f9: {  	v8, _, _ =	vpop (xrf2)  }
0x1fa: {  	v10 =	vadd.f32 v10, v14;
	v17 =	vadd.f32 v18, v17  }
0x1fb: {  	v6 =	vbroadcast v6, $0xF  }
0x1fc: {  	v9 =	vbroadcast v9, $0xF;
	v7 =	vbroadcast v7, $0xF;
	v10 =	vadd.f32 v17, v10;
	v14, _, _ =	vpop (xrf2)  }
0x1fd: {  	v11 =	vbroadcast v11, $0xF;
	v12 =	vbroadcast v12, $0xF  }
0x1fe: {  	v13 =	vbroadcast v13, $0xF;
	v17 =	vbroadcast v23, $0xF;
	(xrf2) =	vadd.scan.msk.f32 $0xffff, v10  }
0x1ff: {  	v18 =	vbroadcast v22, $0xF;
	v10 =	vbroadcast v20, $0xF;
	v19, _, _ =	vpop (xrf2)  }
0x200: {  	v14 =	vbroadcast v14, $0xF;
	v19 =	vbroadcast v19, $0xF  }
0x201: {  	v16 =	vbroadcast v16, $0xF;
	v8 =	vbroadcast v8, $0xF  }
0x202: {  	v15 =	vbroadcast v15, $0xF;
	v14 =	vnsel vm0, $0x0, v14;
	v19 =	vnsel vm1, $0x0, v19;
	v20, _, _ =	vpop (xrf2)  }
0x203: {  	v14 =	vsel vm4, v14, v16;
	v8 =	vsel vm5, v19, v8;
	v16 =	vbroadcast v20, $0xF  }
0x204: {  	v15 =	vnsel vm2, $0x0, v15;
	v10 =	vsel vm8, v14, v10;
	v8 =	vsel vm9, v8, v18  }
0x205: {  	v10 =	vsel vm12, v10, v12;
	v14 =	vsel vm6, v15, v16;
	v8 =	vsel vm13, v8, v13  }
0x206: {  	v12 =	vnsel vm3, $0x0, v17;
	v11 =	vsel vm10, v14, v11;
	v10 =	vadd.f32 v8, v10  }
0x207: {  	v9 =	vsel vm7, v12, v9;
	v7 =	vsel vm14, v11, v7  }
0x208: {  	v6 =	vsel vm11, v9, v6;
	v7 =	vadd.f32 v7, v10;
	v8, _, _ =	vpop (xrf2)  }
0x209: {  	v6 =	vsel vm15, v6, v8  }
0x20a: {  	v6 =	vadd.f32 v6, v7  }
0x20b: {  	s9 =	sshra.s32 s7, $0x2;
	s7 =	smov.u32 s8  }
0x20c: {  	s31 =	sadd.s32 $0x800, s31;
	[tilespmem:v1+s9+$0x0 ss:$0x1] =	vst.idx.msk $0xffff, v6  }
0x20d: {  	v6 =	vld [tilespmem:s31+$0x180];
	_ =	sdelay $0x1  }
0x20e: {  	v7 =	vld [tilespmem:s31+$0x190];
	_ =	sdelay $0x2  }
0x20f: {  	v8 =	vshll.u32 v6, $0x10  }
0x210: {  	v6 =	vand.u32 $0xFFFF0000, v6;
	v8 =	vmul.f32 v8, v2  }
0x211: {  	v6 =	vmul.f32 v6, v3;
	v9 =	vshll.u32 v7, $0x10;
	v7 =	vand.u32 $0xFFFF0000, v7;
	v10 =	vld [tilespmem:s31+$0x300]  }
0x212: {  	v9 =	vmul.f32 v9, v4;
	v7 =	vmul.f32 v7, v5;
	v11 =	vld [tilespmem:s31+$0x310]  }
0x213: {  	v12 =	vld [tilespmem:s31+$0xFFFFFF80]  }
0x214: {  	v6 =	vadd.f32 v6, v8;
	v7 =	vadd.f32 v7, v9  }
0x215: {  	v8 =	vld [tilespmem:s31+$0xFFFFFF90]  }
0x216: {  	v6 =	vadd.f32 v7, v6;
	v7 =	vshll.u32 v10, $0x10;
	v9 =	vand.u32 $0xFFFF0000, v10  }
0x217: {  	v10 =	vld [tilespmem:s31+$0x100];
	v7 =	vmul.f32 v7, v2;
	v9 =	vmul.f32 v9, v3;
	v13 =	vshll.u32 v11, $0x10  }
0x218: {  	v11 =	vand.u32 $0xFFFF0000, v11;
	v14 =	vshll.u32 v12, $0x10;
	v13 =	vmul.f32 v13, v4  }
0x219: {  	v12 =	vand.u32 $0xFFFF0000, v12;
	v11 =	vmul.f32 v11, v5;
	v14 =	vmul.f32 v14, v2;
	v15 =	vld [tilespmem:s31+$0x110]  }
0x21a: {  	v12 =	vmul.f32 v12, v3;
	v16 =	vshll.u32 v8, $0x10;
	v8 =	vand.u32 $0xFFFF0000, v8  }
0x21b: {  	v7 =	vadd.f32 v9, v7;
	v16 =	vmul.f32 v16, v4;
	v8 =	vmul.f32 v8, v5  }
0x21c: {  	v11 =	vadd.f32 v11, v13;
	v9 =	vadd.f32 v12, v14;
	v12 =	vshll.u32 v10, $0x10;
	v14 =	vld [tilespmem:s31+$0x200]  }
0x21d: {  	v10 =	vand.u32 $0xFFFF0000, v10;
	v8 =	vadd.f32 v8, v16;
	v12 =	vmul.f32 v12, v2;
	v13 =	vld [tilespmem:s31+$0x210]  }
0x21e: {  	v10 =	vmul.f32 v10, v3;
	v16 =	vshll.u32 v15, $0x10;
	v15 =	vand.u32 $0xFFFF0000, v15;
	v17 =	vld [tilespmem:s31+$0x280]  }
0x21f: {  	v7 =	vadd.f32 v11, v7;
	v16 =	vmul.f32 v16, v4;
	v15 =	vmul.f32 v15, v5  }
0x220: {  	v8 =	vadd.f32 v8, v9;
	v9 =	vadd.f32 v10, v12;
	v10 =	vld [tilespmem:s31+$0x290]  }
0x221: {  	v11 =	vadd.f32 v15, v16;
	v12 =	vshll.u32 v14, $0x10;
	v14 =	vand.u32 $0xFFFF0000, v14  }
0x222: {  	v12 =	vmul.f32 v12, v2;
	v14 =	vmul.f32 v14, v3;
	v15 =	vshll.u32 v13, $0x10  }
0x223: {  	v13 =	vand.u32 $0xFFFF0000, v13;
	v16 =	vld [tilespmem:s31+$0xFFFFFD80];
	v15 =	vmul.f32 v15, v4;
	v18 =	vshll.u32 v17, $0x10  }
0x224: {  	v13 =	vmul.f32 v13, v5;
	v17 =	vand.u32 $0xFFFF0000, v17;
	v18 =	vmul.f32 v18, v2  }
0x225: {  	v17 =	vmul.f32 v17, v3;
	v19 =	vld [tilespmem:s31+$0xFFFFFD90];
	v20 =	vshll.u32 v10, $0x10;
	v10 =	vand.u32 $0xFFFF0000, v10;
	(xrf2) =	vadd.scan.msk.f32 $0xffff, v6  }
0x226: {  	v6 =	vadd.f32 v14, v12;
	v12 =	vmul.f32 v20, v4;
	v10 =	vmul.f32 v10, v5  }
0x227: {  	v13 =	vadd.f32 v13, v15;
	v15 =	vadd.f32 v17, v18;
	v14 =	vld [tilespmem:s31+$0x0]  }
0x228: {  	v17 =	vshll.u32 v16, $0x10;
	v16 =	vand.u32 $0xFFFF0000, v16;
	v18 =	vld [tilespmem:s31+$0x10];
	v10 =	vadd.f32 v10, v12;
	(xrf2) =	vadd.scan.msk.f32 $0xffff, v7  }
0x229: {  	v9 =	vadd.f32 v11, v9;
	v7 =	vmul.f32 v17, v2;
	v12 =	vmul.f32 v16, v3;
	v16 =	vld [tilespmem:s31+$0x80]  }
0x22a: {  	v13 =	vadd.f32 v13, v6;
	v11 =	vshll.u32 v19, $0x10;
	v15 =	vadd.f32 v10, v15  }
0x22b: {  	v6 =	vand.u32 $0xFFFF0000, v19;
	v10 =	vadd.f32 v12, v7;
	v7 =	vmul.f32 v11, v4;
	v11 =	vld [tilespmem:s31+$0x90];
	(xrf2) =	vadd.scan.msk.f32 $0xffff, v8  }
0x22c: {  	v12 =	vmul.f32 v6, v5;
	v6 =	vshll.u32 v14, $0x10;
	v8 =	vand.u32 $0xFFFF0000, v14  }
0x22d: {  	v14 =	vmul.f32 v6, v2;
	v17 =	vmul.f32 v8, v3;
	v21 =	vshll.u32 v18, $0x10  }
0x22e: {  	v18 =	vand.u32 $0xFFFF0000, v18;
	v8 =	vld [tilespmem:s31+$0xFFFFFF00];
	v19 =	vmul.f32 v21, v4;
	v20 =	vshll.u32 v16, $0x10;
	(xrf2) =	vadd.scan.msk.f32 $0xffff, v9  }
0x22f: {  	v9 =	vmul.f32 v18, v5;
	v16 =	vand.u32 $0xFFFF0000, v16;
	v18 =	vmul.f32 v20, v2;
	v6, _, _ =	vpop (xrf2)  }
0x230: {  	v16 =	vmul.f32 v16, v3;
	v20 =	vld [tilespmem:s31+$0xFFFFFD00];
	v21 =	vshll.u32 v11, $0x10;
	v11 =	vand.u32 $0xFFFF0000, v11  }
0x231: {  	v12 =	vadd.f32 v12, v7;
	v22 =	vld [tilespmem:s31+$0xFFFFFD10];
	v21 =	vmul.f32 v21, v4;
	v11 =	vmul.f32 v11, v5;
	(xrf2) =	vadd.scan.msk.f32 $0xffff, v13  }
0x232: {  	v14 =	vadd.f32 v17, v14;
	v23 =	vadd.f32 v9, v19;
	v13 =	vld [tilespmem:s31+$0xFFFFFE00];
	v7, _, _ =	vpop (xrf2)  }
0x233: {  	v16 =	vadd.f32 v16, v18;
	v17 =	vshll.u32 v8, $0x10;
	v11 =	vadd.f32 v11, v21  }
0x234: {  	v12 =	vadd.f32 v12, v10;
	v14 =	vadd.f32 v23, v14;
	v18 =	vld [tilespmem:s31+$0xFFFFFE10];
	v10 =	vmul.f32 v17, v2;
	(xrf2) =	vadd.scan.msk.f32 $0xffff, v15  }
0x235: {  	v15 =	vshll.u32 v20, $0x10;
	v17 =	vand.u32 $0xFFFF0000, v20;
	v19 =	vadd.f32 v11, v16;
	v9, _, _ =	vpop (xrf2)  }
0x236: {  	v15 =	vmul.f32 v15, v2;
	v16 =	vmul.f32 v17, v3;
	v24 =	vshll.u32 v22, $0x10;
	v17 =	vld [tilespmem:s31+$0xFFFFFE80]  }
0x237: {  	v20 =	vand.u32 $0xFFFF0000, v22;
	v21 =	vmul.f32 v24, v4;
	v23 =	vshll.u32 v13, $0x10;
	(xrf2) =	vadd.scan.msk.f32 $0xffff, v12  }
0x238: {  	v26 =	vmul.f32 v20, v5;
	v13 =	vand.u32 $0xFFFF0000, v13;
	v20 =	vmul.f32 v23, v2;
	v22 =	vld [tilespmem:s31+$0xFFFFFE90];
	v11, _, _ =	vpop (xrf2)  }
0x239: {  	v13 =	vmul.f32 v13, v3;
	v23 =	vshll.u32 v18, $0x10;
	v18 =	vand.u32 $0xFFFF0000, v18  }
0x23a: {  	v25 =	vadd.f32 v16, v15;
	v24 =	vld [tilespmem:s31+$0xFFFFFC00];
	v15 =	vmul.f32 v23, v4;
	v18 =	vmul.f32 v18, v5;
	(xrf2) =	vadd.scan.msk.f32 $0xffff, v14  }
0x23b: {  	v14 =	vadd.f32 v26, v21;
	v20 =	vadd.f32 v13, v20;
	v13 =	vshll.u32 v17, $0x10;
	v12, _, _ =	vpop (xrf2)  }
.Ltmp4:
0x23c: {  	v16 =	vld [tilespmem:s31+$0xFFFFFC10];
	v18 =	vadd.f32 v18, v15;
	v15 =	vand.u32 $0xFFFF0000, v17;
	v17 =	vmul.f32 v13, v2;
	(pc) =	sbr.rel @p0 .LBB2_13-.Ltmp4, $4  }
0x23d: {  	v21 =	vmul.f32 v15, v3;
	v26 =	vshll.u32 v22, $0x10;
	v22 =	vand.u32 $0xFFFF0000, v22;
	(xrf2) =	vadd.scan.msk.f32 $0xffff, v19  }
0x23e: {  	v23 =	vadd.f32 v14, v25;
	v15 =	vld [tilespmem:s31+$0xFFFFFC80];
	v25 =	vmul.f32 v26, v4;
	v22 =	vmul.f32 v22, v5;
	v13, _, _ =	vpop (xrf2)  }
0x23f: {  	v14 =	vadd.f32 v18, v20;
	v19 =	vshll.u32 v24, $0x10;
	v18 =	vadd.f32 v21, v17  }
0x240: {  	s8 =	sadd.s32 $0x40, s8;
	v21 =	vand.u32 $0xFFFF0000, v24;
	v19 =	vmul.f32 v19, v2;
	v17 =	vld [tilespmem:s31+$0xFFFFFC90];
	v20 =	vadd.f32 v22, v25;
	(xrf2) =	vadd.scan.msk.f32 $0xffff, v23  }
0x241: {  	v21 =	vmul.f32 v21, v3;
	v22 =	vshll.u32 v16, $0x10  }
0x242: {  	v16 =	vand.u32 $0xFFFF0000, v16;
	v23 =	vld [tilespmem:s31+$0xFFFFFF10];
	v8 =	vand.u32 $0xFFFF0000, v8;
	v22 =	vmul.f32 v22, v4  }
0x243: {  	v16 =	vmul.f32 v16, v5;
	v8 =	vmul.f32 v8, v3  }
0x244: {  	v19 =	vadd.f32 v21, v19;
	v21 =	vshll.u32 v15, $0x10;
	v15 =	vand.u32 $0xFFFF0000, v15  }
0x245: {  	v18 =	vadd.f32 v20, v18;
	v20 =	vmul.f32 v21, v2;
	v15 =	vmul.f32 v15, v3  }
0x246: {  	v16 =	vadd.f32 v16, v22;
	v21 =	vshll.u32 v17, $0x10;
	v17 =	vand.u32 $0xFFFF0000, v17  }
0x247: {  	v24 =	vld [tilespmem:s31+$0x380];
	v21 =	vmul.f32 v21, v4;
	v17 =	vmul.f32 v17, v5;
	v22 =	vshll.u32 v23, $0x10  }
0x248: {  	(xrf2) =	vadd.scan.msk.f32 $0xffff, v14;
	v15 =	vadd.f32 v15, v20;
	v20 =	vand.u32 $0xFFFF0000, v23;
	v14 =	vadd.f32 v16, v19  }
0x249: {  	v16 =	vmul.f32 v22, v4;
	v19 =	vmul.f32 v20, v5;
	v20 =	vld [tilespmem:s31+$0x390];
	v17 =	vadd.f32 v17, v21  }
0x24a: {  	v8 =	vadd.f32 v8, v10  }
0x24b: {  	(xrf2) =	vadd.scan.msk.f32 $0xffff, v18;
	v10 =	vadd.f32 v19, v16;
	v15 =	vadd.f32 v17, v15  }
0x24c: {  	(xrf2) =	vadd.scan.msk.f32 $0xffff, v14;
	v14 =	vshll.u32 v24, $0x10  }
0x24d: {  	v2 =	vmul.f32 v14, v2;
	v8 =	vadd.f32 v10, v8;
	v10 =	vand.u32 $0xFFFF0000, v24;
	(xrf2) =	vadd.scan.msk.f32 $0xffff, v15  }
0x24e: {  	v3 =	vmul.f32 v10, v3;
	v10 =	vshll.u32 v20, $0x10;
	v14 =	vand.u32 $0xFFFF0000, v20  }
0x24f: {  	v4 =	vmul.f32 v10, v4;
	v5 =	vmul.f32 v14, v5  }
0x250: {  	v15, _, _ =	vpop (xrf2);
	(xrf2) =	vadd.scan.msk.f32 $0xffff, v8  }
0x251: {  	v2 =	vadd.f32 v3, v2;
	v8, _, _ =	vpop (xrf2);
	v3 =	vadd.f32 v5, v4  }
0x252: {  	v10, _, _ =	vpop (xrf2)  }
0x253: {  	v4, _, _ =	vpop (xrf2)  }
0x254: {  	v5 =	vbroadcast v6, $0xF;
	v6, _, _ =	vpop (xrf2)  }
0x255: {  	v2 =	vadd.f32 v3, v2;
	v3, _, _ =	vpop (xrf2)  }
0x256: {  	v9 =	vbroadcast v9, $0xF;
	v7 =	vbroadcast v7, $0xF;
	v14, _, _ =	vpop (xrf2)  }
0x257: {  	(xrf2) =	vadd.scan.msk.f32 $0xffff, v2;
	v2 =	vbroadcast v8, $0xF;
	v8 =	vbroadcast v10, $0xF;
	v10, _, _ =	vpop (xrf2)  }
0x258: {  	v11 =	vbroadcast v11, $0xF;
	v10 =	vbroadcast v10, $0xF  }
0x259: {  	v12 =	vbroadcast v12, $0xF;
	v3 =	vbroadcast v3, $0xF  }
0x25a: {  	v4 =	vbroadcast v4, $0xF;
	v14 =	vbroadcast v14, $0xF;
	v16, _, _ =	vpop (xrf2);
	v10 =	vnsel vm1, $0x0, v10  }
0x25b: {  	v6 =	vbroadcast v6, $0xF;
	v3 =	vsel vm5, v10, v3;
	v10 =	vbroadcast v16, $0xF  }
0x25c: {  	v13 =	vbroadcast v13, $0xF;
	v4 =	vnsel vm2, $0x0, v4;
	v14 =	vnsel vm0, $0x0, v14  }
0x25d: {  	v15 =	vbroadcast v15, $0xF;
	v6 =	vsel vm4, v14, v6;
	v4 =	vsel vm6, v4, v10  }
0x25e: {  	v2 =	vsel vm8, v6, v2;
	v3 =	vsel vm9, v3, v8;
	v4 =	vsel vm10, v4, v11  }
0x25f: {  	v2 =	vsel vm12, v2, v12;
	v3 =	vsel vm13, v3, v13;
	v4 =	vsel vm14, v4, v7  }
0x260: {  	v6 =	vnsel vm3, $0x0, v15;
	v2 =	vadd.f32 v3, v2  }
0x261: {  	v3 =	vsel vm7, v6, v9  }
0x262: {  	v3 =	vsel vm11, v3, v5;
	v2 =	vadd.f32 v4, v2;
	v4, _, _ =	vpop (xrf2)  }
0x263: {  	v3 =	vsel vm15, v3, v4  }
0x264: {  	v2 =	vadd.f32 v3, v2  }
0x265: {  	s7 =	sshra.s32 s7, $0x2  }
0x266: {  	[tilespmem:v1+s7+$0x0 ss:$0x1] =	vst.idx.msk $0xffff, v2  }
0x267: {  	v2 =	vld [tilespmem:s16+$0x16000]  }
0x268: {  	v3 =	vld [tilespmem:s13+$0x16000]  }
0x269: {  	v4 =	vld [tilespmem:s23+$0x16000]  }
0x26a: {  	v5 =	vld [tilespmem:s4+$0x16000];
	_ =	sdelay $0x3  }
0x26b: {  	v2 =	vmul.f32 $1.250000000e-01, v2;
	v3 =	vmul.f32 $1.250000000e-01, v3  }
0x26c: {  	v4 =	vmul.f32 $1.250000000e-01, v4;
	v5 =	vmul.f32 $1.250000000e-01, v5;
	_ =	sdelay $0x1  }
0x26d: {  	v6 =	vmax.f32 v2, v3;
	v7 =	vmax.f32 v4, v5  }
0x26e: {  	v6 =	vmax.f32 v6, v7  }
0x26f: {  	(xrf0) =	vmax.scan.msk.f32 $0xffff, v6;
	_ =	sdelay $0x5  }
0x270: {  	v6, _, _ =	vpop (xrf0)  }
0x271: {  	v6 =	vbroadcast v6, $0xF;
	_ =	sdelay $0x1  }
0x272: {  	v2 =	vsub.f32 v2, v6  }
0x273: {  	v3 =	vsub.f32 v3, v6  }
0x274: {  	v2 =	vmul.f32 $1.442695020e+00, v2  }
0x275: {  	v4 =	vsub.f32 v4, v6;
	v3 =	vmul.f32 $1.442695020e+00, v3  }
0x276: {  	(erf) = vpow2.f32 v2  }
0x277: {  	v2 =	vmul.f32 $1.442695020e+00, v4;
	(erf) = vpow2.f32 v3;
	v3 =	vsub.f32 v5, v6;
	_ =	sdelay $0x1  }
0x278: {  	(erf) = vpow2.f32 v2;
	v2 =	vmul.f32 $1.442695020e+00, v3;
	_ =	sdelay $0x1  }
0x279: {  	(erf) = vpow2.f32 v2;
	_ =	sdelay $0x3  }
0x27a: {  	v2 =	vpop (erf)  }
0x27b: {  	v3 =	vpop (erf)  }
0x27c: {  	v4 =	vadd.f32 v3, v2  }
0x27d: {  	v5 =	vpop (erf)  }
0x27e: {  	v4 =	vadd.f32 v4, v5  }
0x27f: {  	v6 =	vpop (erf)  }
0x280: {  	v4 =	vadd.f32 v4, v6;
	_ =	sdelay $0x1  }
0x281: {  	(xrf2) =	vadd.scan.msk.f32 $0xffff, v4;
	_ =	sdelay $0x9  }
0x282: {  	v4, _, _ =	vpop (xrf2)  }
0x283: {  	v4 =	vbroadcast v4, $0xF;
	_ =	sdelay $0x1  }
0x284: {  	(erf) = vrcp.f32 v4;
	_ =	sdelay $0x8  }
0x285: {  	v4 =	vpop (erf)  }
0x286: {  	v2 =	vmul.f32 v4, v2  }
0x287: {  	v3 =	vmul.f32 v4, v3  }
0x288: {  	[tilespmem:s16+$0x16000] =	vst v2;
	v2 =	vmul.f32 v4, v5  }
0x289: {  	[tilespmem:s13+$0x16000] =	vst v3;
	v3 =	vmul.f32 v4, v6  }
0x28a: {  	[tilespmem:s23+$0x16000] =	vst v2  }
0x28b: {  	[tilespmem:s4+$0x16000] =	vst v3  }
0x28c: {  	v5 =	vld [tilespmem:s10+$0x700]  }
0x28d: {  	v8 =	vld [tilespmem:s10+$0x710]  }
0x28e: {  	v9 =	vld [tilespmem:s10+$0x600]  }
0x28f: {  	v11 =	vld [tilespmem:s10+$0x610]  }
0x290: {  	v12 =	vld [tilespmem:s10+$0x500]  }
0x291: {  	v14 =	vld [tilespmem:s10+$0x510]  }
0x292: {  	v15 =	vld [tilespmem:s10+$0x400]  }
0x293: {  	v18 =	vld [tilespmem:s10+$0x410]  }
0x294: {  	s31 =	simm.s32 $0x0;
	v19 =	vld [tilespmem:s10+$0x300]  }
0x295: {  	v6 =	vld.idx.msk [tilespmem:v1+s31+$0x0 ss:$0x1], $0xffff  }
0x296: {  	v21 =	vld [tilespmem:s10+$0x310]  }
0x297: {  	v22 =	vld [tilespmem:s10+$0x200]  }
0x298: {  	v24 =	vld [tilespmem:s10+$0x210]  }
0x299: {  	v25 =	vld [tilespmem:s10+$0x100]  }
0x29a: {  	v27 =	vld [tilespmem:s10+$0x110]  }
0x29b: {  	v28 =	vld [tilespmem:s10+$0x0];
	v3 =	vbroadcast v6, $0xE;
	v2 =	vbroadcast v6, $0xF  }
0x29c: {  	v32 =	vld [tilespmem:s10+$0x10];
	v7 =	vbroadcast v6, $0xC;
	v4 =	vbroadcast v6, $0xD  }
0x29d: {  	v38 =	vld [tilespmem:s10+$0xFFFFFF00];
	v13 =	vbroadcast v6, $0xA;
	v10 =	vbroadcast v6, $0xB  }
0x29e: {  	v39 =	vld [tilespmem:s10+$0xFFFFFF10];
	v17 =	vbroadcast v6, $0x8;
	v16 =	vbroadcast v6, $0x9  }
0x29f: {  	v40 =	vld [tilespmem:s10+$0xFFFFFE00];
	v23 =	vbroadcast v6, $0x6;
	v20 =	vbroadcast v6, $0x7  }
0x2a0: {  	v41 =	vld [tilespmem:s10+$0xFFFFFE10];
	v29 =	vbroadcast v6, $0x4;
	v26 =	vbroadcast v6, $0x5  }
0x2a1: {  	v42 =	vld [tilespmem:s10+$0xFFFFFD00];
	v31 =	vbroadcast v6, $0x2;
	v30 =	vbroadcast v6, $0x3  }
0x2a2: {  	v43 =	vld [tilespmem:s10+$0xFFFFFD10];
	v37 =	vbroadcast v6, $0x0;
	v36 =	vbroadcast v6, $0x1  }
0x2a3: {  	v44 =	vld [tilespmem:s10+$0xFFFFFC00];
	v6 =	vmul.f32 v5, v2;
	v5 =	vmul.f32 v8, v2  }
0x2a4: {  	v45 =	vld [tilespmem:s10+$0xFFFFFC10];
	v9 =	vmul.f32 v9, v3;
	v8 =	vmul.f32 v11, v3  }
0x2a5: {  	v46 =	vld [tilespmem:s10+$0xFFFFFB00];
	v12 =	vmul.f32 v12, v4;
	v11 =	vmul.f32 v14, v4  }
0x2a6: {  	v47 =	vld [tilespmem:s10+$0xFFFFFB10];
	v15 =	vmul.f32 v15, v7;
	v14 =	vmul.f32 v18, v7  }
0x2a7: {  	v33 =	vimm.f32 $0.0e+00;
	v48 =	vld [tilespmem:s10+$0xFFFFFA00];
	v19 =	vmul.f32 v19, v10;
	v18 =	vmul.f32 v21, v10  }
0x2a8: {  	v35 =	vimm.f32 $0.0e+00;
	v49 =	vld [tilespmem:s10+$0xFFFFFA10];
	v22 =	vmul.f32 v22, v13;
	v21 =	vmul.f32 v24, v13  }
0x2a9: {  	v34 =	vimm.f32 $0.0e+00;
	v50 =	vld [tilespmem:s10+$0xFFFFF900];
	v25 =	vmul.f32 v25, v16;
	v24 =	vmul.f32 v27, v16  }
0x2aa: {  	s7 =	simm.s32 $0x40;
	s4 =	smov.u32 s10;
	v51 =	vld [tilespmem:s10+$0xFFFFF910];
	v28 =	vmul.f32 v28, v17;
	v27 =	vmul.f32 v32, v17;
	v32 =	vimm.f32 $0.0e+00  }
.LBB2_15:
0x2ab: {  	p0 =	sne.s32 s7, $0xC0;
	v52 =	vld [tilespmem:s4+$0xFFFFF800];
	v38 =	vmul.f32 v38, v20;
	v39 =	vmul.f32 v39, v20  }
0x2ac: {  	v40 =	vmul.f32 v40, v23;
	v41 =	vmul.f32 v41, v23;
	v53 =	vld [tilespmem:s4+$0xFFFFF810]  }
0x2ad: {  	v42 =	vmul.f32 v42, v26;
	v43 =	vmul.f32 v43, v26;
	v54 =	vld [tilespmem:s4+$0xFFFFF820]  }
0x2ae: {  	v44 =	vmul.f32 v44, v29;
	v45 =	vmul.f32 v45, v29;
	v55 =	vld [tilespmem:s4+$0xFFFFF830]  }
0x2af: {  	v46 =	vmul.f32 v46, v30;
	v47 =	vmul.f32 v47, v30;
	v56 =	vld [tilespmem:s4+$0xFFFFF920]  }
0x2b0: {  	v48 =	vmul.f32 v48, v31;
	v49 =	vmul.f32 v49, v31;
	v57 =	vld [tilespmem:s4+$0xFFFFF930]  }
0x2b1: {  	v50 =	vmul.f32 v50, v36;
	v51 =	vmul.f32 v51, v36;
	v58 =	vld [tilespmem:s4+$0xFFFFFA20]  }
0x2b2: {  	v52 =	vmul.f32 v52, v37;
	v53 =	vmul.f32 v53, v37;
	v59 =	vld [tilespmem:s4+$0xFFFFFA30]  }
0x2b3: {  	v54 =	vmul.f32 v54, v37;
	v37 =	vmul.f32 v55, v37;
	v55 =	vld [tilespmem:s4+$0xFFFFFB20]  }
0x2b4: {  	v33 =	vadd.f32 v52, v33;
	v35 =	vadd.f32 v53, v35;
	v52 =	vmul.f32 v56, v36;
	v53 =	vld [tilespmem:s4+$0xFFFFFB30]  }
0x2b5: {  	v34 =	vadd.f32 v54, v34;
	v32 =	vadd.f32 v37, v32;
	v36 =	vmul.f32 v57, v36;
	v37 =	vld [tilespmem:s4+$0xFFFFFC20]  }
0x2b6: {  	v33 =	vadd.f32 v50, v33;
	v35 =	vadd.f32 v51, v35;
	v50 =	vmul.f32 v58, v31;
	v51 =	vld [tilespmem:s4+$0xFFFFFC30]  }
0x2b7: {  	v34 =	vadd.f32 v52, v34;
	v32 =	vadd.f32 v36, v32;
	v31 =	vmul.f32 v59, v31;
	v36 =	vld [tilespmem:s4+$0xFFFFFD20]  }
0x2b8: {  	v33 =	vadd.f32 v48, v33;
	v35 =	vadd.f32 v49, v35;
	v48 =	vmul.f32 v55, v30;
	v49 =	vld [tilespmem:s4+$0xFFFFFD30]  }
0x2b9: {  	v34 =	vadd.f32 v50, v34;
	v31 =	vadd.f32 v31, v32;
	v30 =	vmul.f32 v53, v30;
	v32 =	vld [tilespmem:s4+$0xFFFFFE20]  }
0x2ba: {  	v33 =	vadd.f32 v46, v33;
	v35 =	vadd.f32 v47, v35;
	v37 =	vmul.f32 v37, v29;
	v46 =	vld [tilespmem:s4+$0xFFFFFE30]  }
0x2bb: {  	v34 =	vadd.f32 v48, v34;
	v30 =	vadd.f32 v30, v31;
	v29 =	vmul.f32 v51, v29;
	v31 =	vld [tilespmem:s4+$0xFFFFFF20]  }
0x2bc: {  	v33 =	vadd.f32 v44, v33;
	v35 =	vadd.f32 v45, v35;
	v36 =	vmul.f32 v36, v26;
	v44 =	vld [tilespmem:s4+$0xFFFFFF30]  }
0x2bd: {  	v34 =	vadd.f32 v37, v34;
	v29 =	vadd.f32 v29, v30;
	v26 =	vmul.f32 v49, v26;
	v30 =	vld [tilespmem:s4+$0x20]  }
0x2be: {  	v33 =	vadd.f32 v42, v33;
	v35 =	vadd.f32 v43, v35;
	v32 =	vmul.f32 v32, v23;
	v37 =	vld [tilespmem:s4+$0x30]  }
0x2bf: {  	v34 =	vadd.f32 v36, v34;
	v26 =	vadd.f32 v26, v29;
	v23 =	vmul.f32 v46, v23;
	v29 =	vld [tilespmem:s4+$0x120]  }
0x2c0: {  	v33 =	vadd.f32 v40, v33;
	v35 =	vadd.f32 v41, v35;
	v31 =	vmul.f32 v31, v20;
	v36 =	vld [tilespmem:s4+$0x130]  }
0x2c1: {  	v32 =	vadd.f32 v32, v34;
	v23 =	vadd.f32 v23, v26;
	v20 =	vmul.f32 v44, v20;
	v26 =	vld [tilespmem:s4+$0x220]  }
0x2c2: {  	v33 =	vadd.f32 v38, v33;
	v34 =	vadd.f32 v39, v35;
	v30 =	vmul.f32 v30, v17;
	v35 =	vld [tilespmem:s4+$0x230]  }
0x2c3: {  	v31 =	vadd.f32 v31, v32;
	v20 =	vadd.f32 v20, v23;
	v17 =	vmul.f32 v37, v17;
	v23 =	vld [tilespmem:s4+$0x320]  }
0x2c4: {  	v28 =	vadd.f32 v28, v33;
	v27 =	vadd.f32 v27, v34;
	v29 =	vmul.f32 v29, v16;
	v32 =	vld [tilespmem:s4+$0x330]  }
0x2c5: {  	v30 =	vadd.f32 v30, v31;
	v17 =	vadd.f32 v17, v20;
	v16 =	vmul.f32 v36, v16;
	v20 =	vld [tilespmem:s4+$0x420]  }
0x2c6: {  	v25 =	vadd.f32 v25, v28;
	v24 =	vadd.f32 v24, v27;
	v26 =	vmul.f32 v26, v13;
	v27 =	vld [tilespmem:s4+$0x430]  }
0x2c7: {  	v28 =	vadd.f32 v29, v30;
	v16 =	vadd.f32 v16, v17;
	v13 =	vmul.f32 v35, v13;
	v17 =	vld [tilespmem:s4+$0x520]  }
0x2c8: {  	v22 =	vadd.f32 v22, v25;
	v21 =	vadd.f32 v21, v24;
	v23 =	vmul.f32 v23, v10;
	v24 =	vld [tilespmem:s4+$0x530]  }
0x2c9: {  	v25 =	vadd.f32 v26, v28;
	v13 =	vadd.f32 v13, v16;
	v10 =	vmul.f32 v32, v10;
	v16 =	vld [tilespmem:s4+$0x620]  }
0x2ca: {  	v19 =	vadd.f32 v19, v22;
	v18 =	vadd.f32 v18, v21;
	v20 =	vmul.f32 v20, v7;
	v21 =	vld [tilespmem:s4+$0x630]  }
0x2cb: {  	v22 =	vadd.f32 v23, v25;
	v10 =	vadd.f32 v10, v13;
	v7 =	vmul.f32 v27, v7;
	v13 =	vld [tilespmem:s4+$0x720]  }
0x2cc: {  	v15 =	vadd.f32 v15, v19;
	v14 =	vadd.f32 v14, v18;
	v17 =	vmul.f32 v17, v4;
	v18 =	vld [tilespmem:s4+$0x730];
	s4 =	sadd.s32 $0x1000, s4  }
0x2cd: {  	v20 =	vadd.f32 v20, v22;
	v19 =	vld [tilespmem:s4+$0x700];
	v7 =	vadd.f32 v7, v10;
	v4 =	vmul.f32 v24, v4  }
0x2ce: {  	v10 =	vadd.f32 v12, v15;
	v11 =	vadd.f32 v11, v14;
	v22 =	vld [tilespmem:s4+$0x710];
	v12 =	vmul.f32 v16, v3  }
0x2cf: {  	v15 =	vadd.f32 v17, v20;
	v14 =	vld [tilespmem:s4+$0x600];
	v4 =	vadd.f32 v4, v7;
	v3 =	vmul.f32 v21, v3  }
0x2d0: {  	v7 =	vadd.f32 v9, v10;
	v8 =	vadd.f32 v8, v11;
	v21 =	vld [tilespmem:s4+$0x610];
	v9 =	vmul.f32 v13, v2  }
0x2d1: {  	v10 =	vadd.f32 v12, v15;
	v11 =	vld [tilespmem:s4+$0x500];
	v3 =	vadd.f32 v3, v4;
	v2 =	vmul.f32 v18, v2  }
0x2d2: {  	v33 =	vadd.f32 v6, v7;
	v35 =	vadd.f32 v5, v8;
	v15 =	vld [tilespmem:s4+$0x510]  }
0x2d3: {  	v34 =	vadd.f32 v9, v10;
	v18 =	vld [tilespmem:s4+$0x400];
	v32 =	vadd.f32 v2, v3  }
0x2d4: {  	v24 =	vld [tilespmem:s4+$0x410]  }
0x2d5: {  	s8 =	sshra.s32 s7, $0x2;
	v25 =	vld [tilespmem:s4+$0x300]  }
0x2d6: {  	v5 =	vld.idx.msk [tilespmem:v1+s8+$0x0 ss:$0x1], $0xffff  }
0x2d7: {  	v27 =	vld [tilespmem:s4+$0x310]  }
0x2d8: {  	v28 =	vld [tilespmem:s4+$0x200]  }
0x2d9: {  	v50 =	vld [tilespmem:s4+$0x210]  }
0x2da: {  	v51 =	vld [tilespmem:s4+$0x100]  }
0x2db: {  	v52 =	vld [tilespmem:s4+$0x110]  }
0x2dc: {  	v3 =	vbroadcast v5, $0xE;
	v2 =	vbroadcast v5, $0xF;
	v53 =	vld [tilespmem:s4+$0x0]  }
0x2dd: {  	v7 =	vbroadcast v5, $0xC;
	v4 =	vbroadcast v5, $0xD;
	v54 =	vld [tilespmem:s4+$0x10]  }
0x2de: {  	v13 =	vbroadcast v5, $0xA;
	v10 =	vbroadcast v5, $0xB;
	v38 =	vld [tilespmem:s4+$0xFFFFFF00]  }
0x2df: {  	v17 =	vbroadcast v5, $0x8;
	v16 =	vbroadcast v5, $0x9;
	v39 =	vld [tilespmem:s4+$0xFFFFFF10]  }
0x2e0: {  	v23 =	vbroadcast v5, $0x6;
	v20 =	vbroadcast v5, $0x7;
	v40 =	vld [tilespmem:s4+$0xFFFFFE00]  }
0x2e1: {  	v29 =	vbroadcast v5, $0x4;
	v26 =	vbroadcast v5, $0x5;
	v41 =	vld [tilespmem:s4+$0xFFFFFE10]  }
0x2e2: {  	v31 =	vbroadcast v5, $0x2;
	v30 =	vbroadcast v5, $0x3;
	v42 =	vld [tilespmem:s4+$0xFFFFFD00]  }
0x2e3: {  	v37 =	vbroadcast v5, $0x0;
	v36 =	vbroadcast v5, $0x1;
	v43 =	vld [tilespmem:s4+$0xFFFFFD10]  }
0x2e4: {  	v6 =	vmul.f32 v19, v2;
	v5 =	vmul.f32 v22, v2;
	v44 =	vld [tilespmem:s4+$0xFFFFFC00]  }
0x2e5: {  	v9 =	vmul.f32 v14, v3;
	v8 =	vmul.f32 v21, v3;
	v45 =	vld [tilespmem:s4+$0xFFFFFC10]  }
0x2e6: {  	v12 =	vmul.f32 v11, v4;
	v11 =	vmul.f32 v15, v4;
	v46 =	vld [tilespmem:s4+$0xFFFFFB00]  }
.Ltmp5:
0x2e7: {  	v15 =	vmul.f32 v18, v7;
	v14 =	vmul.f32 v24, v7;
	v47 =	vld [tilespmem:s4+$0xFFFFFB10];
	(pc) =	sbr.rel @p0 .LBB2_15-.Ltmp5, $4  }
0x2e8: {  	v19 =	vmul.f32 v25, v10;
	v18 =	vmul.f32 v27, v10;
	v48 =	vld [tilespmem:s4+$0xFFFFFA00]  }
0x2e9: {  	v22 =	vmul.f32 v28, v13;
	v21 =	vmul.f32 v50, v13;
	v49 =	vld [tilespmem:s4+$0xFFFFFA10]  }
0x2ea: {  	v25 =	vmul.f32 v51, v16;
	v24 =	vmul.f32 v52, v16;
	v50 =	vld [tilespmem:s4+$0xFFFFF900]  }
0x2eb: {  	s7 =	sadd.s32 $0x40, s7;
	v28 =	vmul.f32 v53, v17;
	v27 =	vmul.f32 v54, v17;
	v51 =	vld [tilespmem:s4+$0xFFFFF910]  }
0x2ec: {  	v1 =	vld [tilespmem:s4+$0xFFFFF800];
	v38 =	vmul.f32 v38, v20;
	v39 =	vmul.f32 v39, v20  }
0x2ed: {  	v52 =	vld [tilespmem:s4+$0xFFFFF810];
	v40 =	vmul.f32 v40, v23;
	v41 =	vmul.f32 v41, v23  }
0x2ee: {  	v53 =	vld [tilespmem:s4+$0xFFFFF820];
	v42 =	vmul.f32 v42, v26;
	v43 =	vmul.f32 v43, v26  }
0x2ef: {  	v54 =	vld [tilespmem:s4+$0xFFFFF830];
	v44 =	vmul.f32 v44, v29;
	v45 =	vmul.f32 v45, v29  }
0x2f0: {  	v55 =	vld [tilespmem:s4+$0xFFFFF920];
	v46 =	vmul.f32 v46, v30;
	v47 =	vmul.f32 v47, v30  }
0x2f1: {  	v56 =	vld [tilespmem:s4+$0xFFFFF930];
	v48 =	vmul.f32 v48, v31;
	v1 =	vmul.f32 v1, v37  }
0x2f2: {  	v57 =	vld [tilespmem:s4+$0xFFFFFA20];
	v49 =	vmul.f32 v49, v31;
	v52 =	vmul.f32 v52, v37  }
0x2f3: {  	v58 =	vld [tilespmem:s4+$0xFFFFFA30];
	v50 =	vmul.f32 v50, v36;
	v53 =	vmul.f32 v53, v37;
	v1 =	vadd.f32 v1, v33  }
0x2f4: {  	v59 =	vld [tilespmem:s4+$0xFFFFFB20];
	v63 =	vmul.f32 v54, v37;
	v33 =	vmul.f32 v51, v36;
	v35 =	vadd.f32 v52, v35  }
0x2f5: {  	v61 =	vld [tilespmem:s4+$0xFFFFFB30];
	v60 =	vmul.f32 v55, v36;
	v34 =	vadd.f32 v53, v34;
	v1 =	vadd.f32 v50, v1  }
0x2f6: {  	v62 =	vmul.f32 v56, v36;
	v32 =	vadd.f32 v63, v32;
	v63 =	vld [tilespmem:s4+$0xFFFFFC20];
	v33 =	vadd.f32 v33, v35  }
0x2f7: {  	v55 =	vld [tilespmem:s4+$0xFFFFFC30];
	v53 =	vmul.f32 v57, v31;
	v34 =	vadd.f32 v60, v34;
	v1 =	vadd.f32 v48, v1  }
0x2f8: {  	v56 =	vmul.f32 v58, v31;
	v57 =	vld [tilespmem:s4+$0xFFFFFD20];
	v32 =	vadd.f32 v62, v32;
	v33 =	vadd.f32 v49, v33  }
0x2f9: {  	v58 =	vmul.f32 v59, v30;
	v59 =	vld [tilespmem:s4+$0xFFFFFD30];
	v34 =	vadd.f32 v53, v34;
	v1 =	vadd.f32 v46, v1  }
0x2fa: {  	v60 =	vmul.f32 v61, v30;
	v61 =	vld [tilespmem:s4+$0xFFFFFE20];
	v31 =	vadd.f32 v56, v32;
	v33 =	vadd.f32 v47, v33  }
0x2fb: {  	v62 =	vmul.f32 v63, v29;
	v63 =	vld [tilespmem:s4+$0xFFFFFE30];
	v34 =	vadd.f32 v58, v34;
	v1 =	vadd.f32 v44, v1  }
0x2fc: {  	v50 =	vld [tilespmem:s4+$0xFFFFFF20];
	v48 =	vmul.f32 v55, v29;
	v30 =	vadd.f32 v60, v31;
	v33 =	vadd.f32 v45, v33  }
0x2fd: {  	v51 =	vld [tilespmem:s4+$0xFFFFFF30];
	v36 =	vmul.f32 v57, v26;
	v34 =	vadd.f32 v62, v34;
	v1 =	vadd.f32 v42, v1  }
0x2fe: {  	v52 =	vmul.f32 v59, v26;
	v53 =	vld [tilespmem:s4+$0x20];
	v29 =	vadd.f32 v48, v30;
	v33 =	vadd.f32 v43, v33  }
0x2ff: {  	v54 =	vld [tilespmem:s4+$0x30];
	v32 =	vmul.f32 v61, v23;
	v34 =	vadd.f32 v36, v34;
	v1 =	vadd.f32 v40, v1  }
0x300: {  	v56 =	vld [tilespmem:s4+$0x120];
	v26 =	vadd.f32 v52, v29;
	v55 =	vmul.f32 v63, v23;
	v33 =	vadd.f32 v41, v33  }
0x301: {  	v57 =	vld [tilespmem:s4+$0x130];
	v31 =	vmul.f32 v50, v20;
	v32 =	vadd.f32 v32, v34;
	v1 =	vadd.f32 v38, v1  }
0x302: {  	v59 =	vld [tilespmem:s4+$0x220];
	v58 =	vmul.f32 v51, v20;
	v23 =	vadd.f32 v55, v26;
	v33 =	vadd.f32 v39, v33  }
0x303: {  	v60 =	vld [tilespmem:s4+$0x230];
	v30 =	vmul.f32 v53, v17;
	v31 =	vadd.f32 v31, v32;
	v1 =	vadd.f32 v28, v1  }
0x304: {  	v61 =	vmul.f32 v54, v17;
	v62 =	vld [tilespmem:s4+$0x320];
	v20 =	vadd.f32 v58, v23;
	v27 =	vadd.f32 v27, v33  }
0x305: {  	v63 =	vmul.f32 v56, v16;
	v33 =	vld [tilespmem:s4+$0x330];
	v30 =	vadd.f32 v30, v31;
	v1 =	vadd.f32 v25, v1  }
0x306: {  	v35 =	vmul.f32 v57, v16;
	v36 =	vld [tilespmem:s4+$0x420];
	v17 =	vadd.f32 v61, v20;
	v24 =	vadd.f32 v24, v27  }
0x307: {  	v37 =	vmul.f32 v59, v13;
	v38 =	vld [tilespmem:s4+$0x430];
	v39 =	vadd.f32 v63, v30;
	v1 =	vadd.f32 v22, v1  }
0x308: {  	v40 =	vmul.f32 v60, v13;
	v41 =	vld [tilespmem:s4+$0x520];
	v16 =	vadd.f32 v35, v17;
	v21 =	vadd.f32 v21, v24  }
0x309: {  	v43 =	vld [tilespmem:s4+$0x530];
	v42 =	vmul.f32 v62, v10;
	v44 =	vadd.f32 v37, v39;
	v1 =	vadd.f32 v19, v1  }
0x30a: {  	v46 =	vld [tilespmem:s4+$0x620];
	v13 =	vadd.f32 v40, v16;
	v45 =	vmul.f32 v33, v10;
	v18 =	vadd.f32 v18, v21  }
0x30b: {  	v48 =	vld [tilespmem:s4+$0x630];
	v47 =	vmul.f32 v36, v7;
	v49 =	vadd.f32 v42, v44;
	v1 =	vadd.f32 v15, v1  }
0x30c: {  	v51 =	vld [tilespmem:s4+$0x720];
	v50 =	vmul.f32 v38, v7;
	v10 =	vadd.f32 v45, v13;
	v14 =	vadd.f32 v14, v18  }
0x30d: {  	v53 =	vld [tilespmem:s4+$0x730];
	v52 =	vmul.f32 v41, v4;
	v54 =	vadd.f32 v47, v49;
	v1 =	vadd.f32 v12, v1  }
0x30e: {  	v55 =	vmul.f32 v43, v4;
	v7 =	vadd.f32 v50, v10;
	v56 =	vadd.f32 v11, v14  }
0x30f: {  	v57 =	vmul.f32 v46, v3;
	v58 =	vadd.f32 v52, v54;
	v1 =	vadd.f32 v9, v1  }
0x310: {  	s30 =	sadd.s32 $0x1, s30;
	v3 =	vmul.f32 v48, v3;
	v4 =	vadd.f32 v55, v7;
	v59 =	vadd.f32 v8, v56  }
0x311: {  	p0 =	sne.s32 s30, $0x4;
	v60 =	vmul.f32 v51, v2;
	v61 =	vadd.f32 v57, v58;
	v1 =	vadd.f32 v6, v1  }
.Ltmp6:
0x312: {  	v2 =	vmul.f32 v53, v2;
	v3 =	vadd.f32 v3, v4;
	v62 =	vadd.f32 v5, v59;
	(pc) =	sbr.rel @p0 .LBB2_12-.Ltmp6, $4  }
0x313: {  	v63 =	vadd.f32 v60, v61;
	[tilespmem:s24+$0x10000] =	vst v1  }
0x314: {  	v1 =	vadd.f32 v2, v3;
	[tilespmem:s2+$0x10000] =	vst v62  }
0x315: {  	[tilespmem:s3+$0x10000] =	vst v63  }
0x316: {  	s1 =	sadd.s32 $0x40, s1;
	s0 =	sadd.s32 $0x20, s0;
	s10 =	sadd.s32 $0x40, s10;
	[tilespmem:s11+$0x10000] =	vst v1  }
0x317: {  	s28 =	sadd.s32 $0x1, s28  }
0x318: {  	p0 =	sne.s32 s28, $0x20  }
.Ltmp7:
0x319: {  	_ = 	snop;
	(pc) =	sbr.rel @p0 .LBB2_5-.Ltmp7, $1  }
0x31a: {  	_ =	sdelay $0x3  }
0x31b: {  	s25 =	sadd.s32 $0x1, s25  }
0x31c: {  	s0 =	rddreg [dreg:$0x4];
	s1 =	simm.s32 $0x0;
	p0 =	sne.s32 s25, $0x10  }
.Ltmp8:
0x31d: {  	s2 =	simm.s32 $0x10000;
	s0 =	sadd.s32 s0, s26;
	(pc) =	sbr.rel @p0 .LBB2_2-.Ltmp8, $4  }
0x31e: {  	[hbm4b:s0+s1] =	stream.linear.scatter [tilespmem:s2], [sflag:$0x5], $0x4000, $0x38;
	[tilespmem:$0x16110] =	vst v63  }
0x31f: {  	_ =	swait.ge [sflag:s12], $0x4000  }
0x320: {  	[sflag:s12] =	ssyncset.done $0x0  }
0x321: {  	[sflag:s12] =	ssyncadd.s32 $0xFFFFC000  }
0x322: {  	s1 =	rddreg [dreg:$0x8]  }
0x323: {  	s0 =	rddreg [dreg:$0x7];
	s1 =	sadd.s32 $0x1, s1  }
0x324: {  	p0 =	sne.s32 s1, s0  }
.Ltmp9:
0x325: {  	_ = 	snop;
	(pc) =	sbr.rel @p0 .LBB2_1-.Ltmp9, $1  }
0x326: {  	_ =	sdelay $0x3  }
0x327: {  	_ =	sfence.sel $0x180000  }
0x328: {  	[bflag:$0x0] =	sbarrier.arrive $0xFFFF  }
0x329: {  	_ =	strace $0x90000053  }
0x32a: {  	s0 =	stileid.u32;
	[bflag:$0x2] =	sbarrier.arrive $0xFFFF  }
0x32b: {  	p0 =	sne.s32 s0, $0x0;
	s0 =	rddreg [dreg:$0x2]  }
0x32c: {  	s0 =	sadd.s32 @!p0 $0x100000, s0  }
0x32d: {  	[sflag:s0] =	ssyncadd.tile.s32 @!p0 $0x1;
	_ =	shalt  }
.Lfunc_end2:
_tile_overlayer_lowered:
.L_overlay_start_2:
0x32e: {  	(tag) =	ssettag $0x2  }
0x32f: {  	s0 =	rddreg [dreg:$0x0];
	s2 =	stileid.u32  }
0x330: {  	s1 =	rddreg [dreg:$0x1];
	p0 =	sne.s32 s2, $0x0  }
0x331: {  	s3 =	rddreg [dreg:$0x2];
	[bflag:$0x3] =	sbarrier.arrive $0xFFFF;
	s2 =	simm.s32 @!p0 $0x1C05  }
0x332: {  	[timem:s3], [sflag:s2] =	dma.local @!p0 [hbm:s0], s1  }
0x333: {  	s0 =	simm.s32 @!p0 $0x5  }
0x334: {  	_ =	swait.ge @!p0 [sflag:s0], s1  }
0x335: {  	s1 =	ssub.s32 @!p0 $0x0, s1;
	[sflag:s0] =	ssyncset.done @!p0 $0x0  }
0x336: {  	[sflag:s0] =	ssyncadd.s32 @!p0 s1  }
0x337: {  	[bflag:$0x3] =	sbarrier.arrive $0xFFFF  }
0x338: {  	_ =	shalt  }

// kernel: sparse-core-data-format-call.1.cloned.1.call-start
scs
called_computation.1_lowered:
.L_overlay_start_0:
0x0: {  	s2 =	sld [smem:$0x3FD9]  }
0x1: {  	s3 =	sld [smem:$0x3FFE];
	_ =	sdelay $0x1  }
0x2: {  	s1 =	srdreg.scid  }
0x3: {  	s0 =	sand.u32 $0x1, s1  }
0x4: {  	s18 =	sshll.u32 s0, $0xA;
	s2 =	sadd.s32 s3, s2  }
0x5: {  	s2 =	sadd.s32 s2, s18  }
0x6: {  	[smem:$0x3FC4] =	sst s2  }
0x7: {  	_ = 	snop  }
0x8: {  	s2 =	sld [smem:$0x3FD0];
	(tm) =	ssettm $0x1  }
0x9: {  	s19 =	sld [smem:$0x3FFB];
	_ =	sdelay $0x3  }
0xa: {  	_ =	strace s19  }
0xb: {  	s3 =	sld [smem:$0x3FFC];
	_ =	sdelay $0x3  }
0xc: {  	_ =	strace s3  }
0xd: {  	s3 =	sld [smem:$0x3FFD];
	_ =	sdelay $0x3  }
0xe: {  	_ =	strace s3  }
0xf: {  	_ =	strace $0x8FFFFFFF  }
0x10: {  	s20 =	sld [smem:$0x3FDB];
	_ =	sdelay $0x1  }
0x11: {  	s4 =	simm.s32 $_scs_section_size  }
0x12: {  	s5 =	simm.s32 $_size__tile_overlayer_lowered;
	s6 =	simm.s32 $_tile_overlayer_lowered  }
0x13: {  	s23 =	simm.s32 $0x1BFF;
	s22 =	sshll.u32 s6, $0x1;
	s3 =	sadd.s32 s4, s20  }
0x14: {  	s7 =	simm.s32 $0x0;
	s21 =	sshll.u32 s5, $0x1;
	s5 =	sadd.s32 s22, s3  }
0x15: {  	[timem:s7], [sflag:s23] =	dma.local [hbm:s5], s21  }
0x16: {  	_ =	swait.ge [sflag:s23], s21  }
0x17: {  	s4 =	ssub.s32 $0x0, s21;
	[sflag:s23] =	ssyncset.done $0x0  }
0x18: {  	[sflag:s23] =	ssyncadd.s32 s4;
	_ =	sdelay $0x1  }
0x19: {  	s24 =	simm.s32 $0x1B8B  }
0x1a: {  	_ =	swait.ge [sflag:s24], $0x1  }
0x1b: {  	[sflag:s24] =	ssyncset.done $0x0  }
0x1c: {  	s26 =	simm.s32 $0x1B8E;
	s25 =	sld [smem:$0x3FFE];
	[sflag:s24] =	ssyncadd.s32 $0xFFFFFFFF  }
0x1d: {  	s27 =	simm.s32 $execute0_lowered;
	[smem:$0x3FD2] =	sst s26  }
0x1e: {  	s5 =	sshll.u32 s27, $0x1;
	_ =	strace $0x80000055;
	[dreg:$0x1] =	wrdreg $0xFFFFFFFF  }
0x1f: {  	s28 =	simm.s32 $_size_execute0_lowered;
	s3 =	sadd.s32 s3, s5;
	[dreg:$0x0] =	wrdreg $0x0  }
0x20: {  	s5 =	sshll.u32 s28, $0x1;
	[dreg:$0x2] =	wrdreg s3  }
0x21: {  	[dreg:$0x3] =	wrdreg s5  }
0x22: {  	[dreg:$0x4] =	wrdreg $0xC0  }
0x23: {  	_ =	task [dreg:s7], $0x5FFFF  }
0x24: {  	[dreg:$0x1] =	wrdreg $0xFFFFFFFF  }
0x25: {  	[dreg:$0x0] =	wrdreg $0x60  }
0x26: {  	[dreg:$0x2] =	wrdreg s2  }
0x27: {  	[dreg:$0x3] =	wrdreg s25  }
0x28: {  	[dreg:$0x4] =	wrdreg $0x9  }
0x29: {  	_ =	task.clear_ibuf [dreg:s7], $0x5FFFF;
	_ =	strace $0x90000055  }
0x2a: {  	s29 =	simm.s32 $0x9;
	_ =	strace $0x80000057  }
0x2b: {  	_ =	swait.ge [sflag:s29], $0x1  }
0x2c: {  	[sflag:s29] =	ssyncadd.s32 $0xFFFFFFFF  }
0x2d: {  	_ =	strace $0x90000057  }
0x2e: {  	_ =	sfence  }
0x2f: {  	s30 =	sld [smem:$0x0];
	_ =	sdelay $0x2  }
0x30: {  	s31 =	sshll.u32 s1, $0xD;
	s1 =	sshrl.u32 s1, $0x2  }
0x31: {  	s3 =	sand.u32 $0x4000, s31;
	s1 =	sadd.s32 s1, s30  }
0x32: {  	s0 =	sor.u32 s3, s0;
	s1 =	sshll.u32 s1, $0x11  }
0x33: {  	s0 =	sor.u32 s1, s0  }
0x34: {  	s0 =	sadd.s32 $0x8F2B, s0  }
0x35: {  	[sflag:s0] =	ssyncadd.remote.s32 $0x1  }
0x36: {  	_ =	sfence.sel $0xFFFF  }
0x37: {  	[dreg:$0x0] =	wrdreg $0xFFFFFFFF;
	(pc) =	sbr.abs _section_cstart, $3  }
0x38: {  	[dreg:$0x1] =	wrdreg $0xFFFFFFFF  }
0x39: {  	_ =	task.clear_ibuf [dreg:s7], $0x2FFFF;
	_ =	strace $0x9FFFFFFF  }
0x3a: {  	(tm) =	ssettm $0x7FFFFFFF  }
0x3b: {  	_ =	shalt  }
tec
execute0_lowered:
.L_overlay_start_1:
0x0: {  	(tag) =	ssettag $0x1  }
0x1: {  	s0 =	srdreg.scid;
	s2 =	rddreg [dreg:$0x0]  }
0x2: {  	s4 =	rddreg [dreg:$0x1];
	s7 =	simm.s32 $0x1;
	s1 =	sshll.u32 s0, $0x4  }
0x3: {  	s8 =	simm.s32 $0x2;
	s0 =	stileid.u32;
	s1 =	sand.u32 $0x10, s1  }
0x4: {  	s13 =	simm.s32 $0x0;
	s12 =	simm.s32 $0x0;
	s1 =	sor.u32 s0, s1  }
0x5: {  	s9 =	simm.s32 $0x0;
	s11 =	simm.s32 $0x0;
	s3 =	sshll.u32 s1, $0x7  }
0x6: {  	s4 =	sadd.s32 $0x2000, s4;
	s1 =	rddreg [dreg:$0x2];
	s6 =	ssub.s32 $0x8000, s3  }
.Ltmp0:
0x7: {  	_ =	strace $0x80000056;
	s5 =	sand.u32 $0xF80, s6;
	(pc) =	sbr.rel .LBB1_1-.Ltmp0, $4  }
0x8: {  	s10 =	smov.u32 s3;
	p0 =	sne.s32 s5, $0x0;
	s5 =	simm.s32 $0x1  }
0x9: {  	s6 =	sshrl.u32 s6, $0xC;
	s7 =	simm.s32 @!p0 $0x0;
	[sflag:s5] =	ssyncpa.u1 $0x0  }
0xa: {  	p0 =	por $0x0, $0x0;
	s7 =	sadd.s32 s7, s6;
	[sflag:s8] =	ssyncpa.u1 $0x0  }
0xb: {  	s8 =	simm.s32 $0x40000;
	s6 =	sshll.u32 s7, $0x1;
	s7 =	sshllo.u32 s7, $0x1  }
.LBB1_4:
0xc: {  	v5 =	vld [tilespmem:s16+$0xFFFFFFD0]  }
0xd: {  	[tilespmem:s17+$0x2040 ss:$0x81] =	vst.msk $0xffff, v1;
	v58 =	vld [tilespmem:s16+$0xFFFFFFE0]  }
0xe: {  	[tilespmem:s17+$0x2850 ss:$0x81] =	vst.msk $0xffff, v2;
	v59 =	vld [tilespmem:s16+$0xFFFFFFF0]  }
0xf: {  	s18 =	sshra.s32 s18, $0x2;
	[tilespmem:s17+$0x3060 ss:$0x81] =	vst.msk $0xffff, v3;
	v60 =	vld [tilespmem:s16+$0x0]  }
0x10: {  	[tilespmem:s17+$0x0 ss:$0x81] =	vst.msk $0xffff, v0;
	v61 =	vld [tilespmem:s16+$0x10];
	s15 =	sadd.s32 s18, s15  }
0x11: {  	s26 =	sshll.u32 s13, $0xF;
	v62 =	vld [tilespmem:s16+$0x20];
	[tilespmem:s15+$0x3870 ss:$0x81] =	vst.msk $0xffff, v4  }
0x12: {  	s27 =	sand.u32 $0x78, s12;
	s19 =	sshll.u32 s12, $0x3;
	v63 =	vld [tilespmem:s16+$0xFFFFFFC0];
	s29 =	sshll.u32 s13, $0x7;
	[tilespmem:s15+$0x810 ss:$0x81] =	vst.msk $0xffff, v5  }
0x13: {  	s17 =	sand.u32 $0x7C0000, s26;
	s28 =	sand.u32 $0x7FFC00, s19;
	s19 =	sand.u32 $0x7C00, s19;
	[tilespmem:s15+$0x1020 ss:$0x81] =	vst.msk $0xffff, v58  }
0x14: {  	s13 =	sand.u32 $0x380, s29;
	s16 =	sadd.s32 s28, s17;
	s30 =	sor.u32 s27, s19;
	[tilespmem:s15+$0x1830 ss:$0x81] =	vst.msk $0xffff, v59  }
0x15: {  	s16 =	sand.u32 $0x7F8000, s16;
	s13 =	sor.u32 s13, s30;
	[tilespmem:s15+$0x2040 ss:$0x81] =	vst.msk $0xffff, v60  }
0x16: {  	s31 =	sand.u32 $0x7, s12;
	s13 =	sor.u32 s16, s13;
	[tilespmem:s15+$0x2850 ss:$0x81] =	vst.msk $0xffff, v61  }
0x17: {  	s12 =	sshll.u32 s31, $0x12;
	[tilespmem:s15+$0x3060 ss:$0x81] =	vst.msk $0xffff, v62;
	s13 =	sshrl.u32 s13, $0x3  }
0x18: {  	s12 =	sor.u32 $0x400, s12;
	[tilespmem:s15+$0x0 ss:$0x81] =	vst.msk $0xffff, v63;
	s13 =	sadd.s32 s4, s13  }
0x19: {  	[hbm4b:s13+s12] =	stream.strided.scatter [tilespmem:s14], [sflag:$0x2], $0x4000, s8, s12, $0x20;
	[tilespmem:$0x10100] =	vst v63  }
.LBB1_5:
0x1a: {  	s14 =	sadd.s32 $0x80, s9  }
0x1b: {  	s12 =	sadd.s32 $0x1000, s10;
	s16 =	smov.u32 s10;
	p2 =	sgt.s32 s14, $0xFF  }
0x1c: {  	s16 =	smov.u32 @p2 s12  }
0x1d: {  	s14 =	simm.s32 @p2 $0x0;
	p2 =	sgt.s32 s16, $0x7FFF  }
0x1e: {  	s16 =	smov.u32 @p2 s3;
	p2 =	sne.s32 s11, s7  }
.Ltmp1:
0x1f: {  	p1 =	slt.u32 s11, $0x2;
	(pc) =	sbr.rel @!p2 .LBB1_6-.Ltmp1, $4  }
0x20: {  	s15 =	simm.s32 @!p1 $0x2  }
0x21: {  	s13 =	smov.u32 s9;
	p0 =	por !p0, !p0;
	_ =	swait.ge @!p1 [sflag:s15], $0x4000  }
0x22: {  	s12 =	smov.u32 s10;
	[sflag:s15] =	ssyncset.done @!p1 $0x0;
	s9 =	smov.u32 s14  }
0x23: {  	s11 =	sadd.s32 $0x1, s11;
	[sflag:s15] =	ssyncadd.s32 @!p1 $0xFFFFC000;
	s10 =	smov.u32 s16  }
.LBB1_1:
0x24: {  	p1 =	sge.u32 s11, s6  }
0x25: {  	s31 =	sadd.s32 $0xFFFFFFFF, s11;
	s14 =	sshll.u32 @!p1 s10, $0x8  }
0x26: {  	s15 =	sshll.u32 @!p1 s9, $0x3;
	s16 =	sshll.u32 @!p1 s10, $0x7;
	s14 =	sand.u32 @!p1 $0x7FF800, s14  }
0x27: {  	s17 =	sand.u32 @!p1 $0x78, s9;
	s14 =	sadd.s32 @!p1 s14, s15;
	s15 =	sand.u32 @!p1 $0x380, s16  }
0x28: {  	s16 =	sxor.u32 @!p1 $0xFFFFFFFF, s11;
	s14 =	sand.u32 @!p1 $0x7FFC00, s14;
	s15 =	sor.u32 @!p1 s15, s17  }
0x29: {  	s16 =	sshll.u32 @!p1 s16, $0xE;
	s14 =	sor.u32 @!p1 s14, s15;
	s15 =	sand.u32 @!p1 $0x7, s9  }
0x2a: {  	s17 =	simm.s32 @!p1 $0x800;
	s14 =	sshrl.u32 @!p1 s14, $0x3;
	s15 =	sshll.u32 @!p1 s15, $0x12  }
0x2b: {  	s16 =	sand.u32 @!p1 $0x4000, s16;
	s14 =	sadd.s32 @!p1 s2, s14;
	s15 =	sor.u32 @!p1 $0x400, s15  }
0x2c: {  	[tilespmem:s16], [sflag:$0x1] =	stream.strided.gather @!p1 [hbm4b:s14+s15], $0x4000, s17, s15, $0x38;
	[tilespmem:$0x10100] =	vst v63  }
0x2d: {  	p1 =	sge.u32 s31, s6  }
.Ltmp2:
0x2e: {  	_ = 	snop;
	(pc) =	sbr.rel @p1 .LBB1_5-.Ltmp2, $1  }
0x2f: {  	_ =	sdelay $0x3  }
0x30: {  	s14 =	simm.s32 $0x1  }
0x31: {  	_ =	swait.ge [sflag:s5], $0x4000;
	s14 =	simm.s32 @!p0 $0x0  }
0x32: {  	[sflag:s5] =	ssyncset.done $0x0;
	s15 =	sshll.u32 s14, $0xE  }
0x33: {  	[sflag:s5] =	ssyncadd.s32 $0xFFFFC000;
	s16 =	sor.u32 $0x40, s15  }
0x34: {  	s14 =	smul.u32 $0x10200, s14;
	v0 =	vld [tilespmem:s16+$0x30]  }
0x35: {  	v3 =	vld [tilespmem:s16+$0xFFFFFFD0]  }
0x36: {  	s14 =	sshrl.u32 s14, $0x2;
	v4 =	vld [tilespmem:s16+$0xFFFFFFE0]  }
0x37: {  	v5 =	vld [tilespmem:s16+$0xFFFFFFF0];
	s15 =	sor.u32 $0x8000, s14  }
0x38: {  	s31 =	sand.u32 $0x1, s11;
	v1 =	vld [tilespmem:s16+$0x0];
	s17 =	sadd.s32 $0x0, s15  }
0x39: {  	v2 =	vld [tilespmem:s16+$0x10];
	s14 =	smul.u32 $0x10200, s31;
	[tilespmem:s17+$0x3870 ss:$0x81] =	vst.msk $0xffff, v0  }
0x3a: {  	[tilespmem:s17+$0x810 ss:$0x81] =	vst.msk $0xffff, v3;
	v3 =	vld [tilespmem:s16+$0x20]  }
0x3b: {  	s14 =	sshrl.u32 s14, $0x2;
	v0 =	vld [tilespmem:s16+$0xFFFFFFC0];
	[tilespmem:s17+$0x1020 ss:$0x81] =	vst.msk $0xffff, v4;
	s16 =	sadd.s32 $0x80, s16  }
0x3c: {  	s18 =	simm.s32 $0x4;
	s19 =	simm.s32 $0x8;
	s14 =	sor.u32 $0x8000, s14;
	[tilespmem:s17+$0x1830 ss:$0x81] =	vst.msk $0xffff, v5;
	v4 =	vld [tilespmem:s16+$0x30]  }
.LBB1_3:
0x3d: {  	p1 =	sne.s32 s19, $0x1FC;
	v5 =	vld [tilespmem:s16+$0xFFFFFFD0];
	[tilespmem:s17+$0x2040 ss:$0x81] =	vst.msk $0xffff, v1  }
0x3e: {  	v6 =	vld [tilespmem:s16+$0xFFFFFFE0];
	[tilespmem:s17+$0x2850 ss:$0x81] =	vst.msk $0xffff, v2  }
0x3f: {  	s20 =	sshra.s32 s18, $0x2;
	s18 =	smov.u32 s19;
	v7 =	vld [tilespmem:s16+$0xFFFFFFF0];
	[tilespmem:s17+$0x3060 ss:$0x81] =	vst.msk $0xffff, v3  }
.Ltmp3:
0x40: {  	v1 =	vld [tilespmem:s16+$0x0];
	[tilespmem:s17+$0x0 ss:$0x81] =	vst.msk $0xffff, v0;
	s17 =	sadd.s32 s20, s15;
	(pc) =	sbr.rel @p1 .LBB1_3-.Ltmp3, $4  }
0x41: {  	v2 =	vld [tilespmem:s16+$0x10];
	[tilespmem:s17+$0x3870 ss:$0x81] =	vst.msk $0xffff, v4  }
0x42: {  	[tilespmem:s17+$0x810 ss:$0x81] =	vst.msk $0xffff, v5;
	v3 =	vld [tilespmem:s16+$0x20]  }
0x43: {  	v0 =	vld [tilespmem:s16+$0xFFFFFFC0];
	[tilespmem:s17+$0x1020 ss:$0x81] =	vst.msk $0xffff, v6;
	s16 =	sadd.s32 $0x80, s16  }
0x44: {  	s19 =	sadd.s32 $0x4, s19;
	v4 =	vld [tilespmem:s16+$0x30];
	[tilespmem:s17+$0x1830 ss:$0x81] =	vst.msk $0xffff, v7  }
.Ltmp4:
0x45: {  	_ = 	snop;
	(pc) =	sbr.rel .LBB1_4-.Ltmp4, $1  }
0x46: {  	_ =	sdelay $0x3  }
.LBB1_6:
0x47: {  	_ =	sfence.sel $0x180000  }
0x48: {  	s2 =	simm.s32 $0x1;
	[bflag:$0x0] =	sbarrier.arrive $0xFFFF  }
0x49: {  	s31 =	simm.s32 $0x2;
	[sflag:s2] =	ssyncpa.u1 $0x1  }
0x4a: {  	[sflag:s31] =	ssyncpa.u1 $0x1  }
0x4b: {  	p0 =	sne.s32 s0, $0x0;
	_ =	strace $0x90000056  }
0x4c: {  	s0 =	sadd.s32 @!p0 $0x100000, s1;
	[bflag:$0x2] =	sbarrier.arrive $0xFFFF  }
0x4d: {  	[sflag:s0] =	ssyncadd.tile.s32 @!p0 $0x1;
	_ =	shalt  }
.Lfunc_end1:
_tile_overlayer_lowered:
.L_overlay_start_2:
0x4e: {  	(tag) =	ssettag $0x2  }
0x4f: {  	s0 =	rddreg [dreg:$0x0];
	s2 =	stileid.u32  }
0x50: {  	s1 =	rddreg [dreg:$0x1];
	p0 =	sne.s32 s2, $0x0  }
0x51: {  	s3 =	rddreg [dreg:$0x2];
	[bflag:$0x3] =	sbarrier.arrive $0xFFFF;
	s2 =	simm.s32 @!p0 $0x1C01  }
0x52: {  	[timem:s3], [sflag:s2] =	dma.local @!p0 [hbm:s0], s1  }
0x53: {  	s0 =	simm.s32 @!p0 $0x1  }
0x54: {  	_ =	swait.ge @!p0 [sflag:s0], s1  }
0x55: {  	s1 =	ssub.s32 @!p0 $0x0, s1;
	[sflag:s0] =	ssyncset.done @!p0 $0x0  }
0x56: {  	[sflag:s0] =	ssyncadd.s32 @!p0 s1  }
0x57: {  	[bflag:$0x3] =	sbarrier.arrive $0xFFFF  }
0x58: {  	_ =	shalt  }

// kernel: sparse-core-data-format-call.2.cloned.1.call-start
scs
called_computation.2_lowered:
.L_overlay_start_0:
0x0: {  	s1 =	sld [smem:$0x3FD9]  }
0x1: {  	s2 =	sld [smem:$0x3FFE];
	_ =	sdelay $0x1  }
0x2: {  	s3 =	srdreg.scid  }
0x3: {  	s0 =	sand.u32 $0x1, s3  }
0x4: {  	s17 =	sshll.u32 s0, $0xA;
	s1 =	sadd.s32 s2, s1  }
0x5: {  	s1 =	sadd.s32 s1, s17  }
0x6: {  	[smem:$0x3FC4] =	sst s1  }
0x7: {  	_ = 	snop  }
0x8: {  	(tm) =	ssettm $0x1  }
0x9: {  	s18 =	sld [smem:$0x3FFB];
	_ =	sdelay $0x3  }
0xa: {  	_ =	strace s18  }
0xb: {  	s1 =	sld [smem:$0x3FFC];
	_ =	sdelay $0x3  }
0xc: {  	_ =	strace s1  }
0xd: {  	s1 =	sld [smem:$0x3FFD];
	_ =	sdelay $0x3  }
0xe: {  	_ =	strace s1  }
0xf: {  	_ =	strace $0x8FFFFFFF  }
0x10: {  	s19 =	sld [smem:$0x3FDB];
	_ =	sdelay $0x1  }
0x11: {  	s20 =	simm.s32 $_scs_section_size  }
0x12: {  	s4 =	simm.s32 $_size__tile_overlayer_lowered;
	s5 =	simm.s32 $_tile_overlayer_lowered  }
0x13: {  	s23 =	simm.s32 $0x1BFF;
	s22 =	sshll.u32 s5, $0x1;
	s1 =	sadd.s32 s20, s19  }
0x14: {  	s6 =	simm.s32 $0x0;
	s21 =	sshll.u32 s4, $0x1;
	s4 =	sadd.s32 s22, s1  }
0x15: {  	[timem:s6], [sflag:s23] =	dma.local [hbm:s4], s21  }
0x16: {  	_ =	swait.ge [sflag:s23], s21  }
0x17: {  	s2 =	ssub.s32 $0x0, s21;
	[sflag:s23] =	ssyncset.done $0x0  }
0x18: {  	[sflag:s23] =	ssyncadd.s32 s2;
	_ =	sdelay $0x1  }
0x19: {  	s24 =	simm.s32 $0x1B8B  }
0x1a: {  	_ =	swait.ge [sflag:s24], $0x1  }
0x1b: {  	[sflag:s24] =	ssyncset.done $0x0  }
0x1c: {  	s26 =	simm.s32 $0x1B8E;
	s25 =	sld [smem:$0x3FFE];
	[sflag:s24] =	ssyncadd.s32 $0xFFFFFFFF  }
0x1d: {  	s27 =	simm.s32 $execute0_lowered;
	[smem:$0x3FD2] =	sst s26  }
0x1e: {  	s4 =	sshll.u32 s27, $0x1;
	_ =	strace $0x8000004F;
	[dreg:$0x1] =	wrdreg $0xFFFFFFFF  }
0x1f: {  	s28 =	simm.s32 $_size_execute0_lowered;
	s1 =	sadd.s32 s1, s4;
	[dreg:$0x0] =	wrdreg $0x0  }
0x20: {  	s4 =	sshll.u32 s28, $0x1;
	[dreg:$0x2] =	wrdreg s1  }
0x21: {  	[dreg:$0x3] =	wrdreg s4  }
0x22: {  	[dreg:$0x4] =	wrdreg $0xC0  }
0x23: {  	_ =	task [dreg:s6], $0x5FFFF  }
0x24: {  	[dreg:$0x1] =	wrdreg $0xFFFFFFFF  }
0x25: {  	[dreg:$0x0] =	wrdreg $0x60  }
0x26: {  	[dreg:$0x2] =	wrdreg s25  }
0x27: {  	[dreg:$0x3] =	wrdreg $0x9  }
0x28: {  	_ =	task.clear_ibuf [dreg:s6], $0x4FFFF;
	_ =	strace $0x9000004F  }
0x29: {  	s29 =	simm.s32 $0x9;
	_ =	strace $0x80000051  }
0x2a: {  	_ =	swait.ge [sflag:s29], $0x1  }
0x2b: {  	[sflag:s29] =	ssyncadd.s32 $0xFFFFFFFF  }
0x2c: {  	_ =	strace $0x90000051  }
0x2d: {  	_ =	sfence  }
0x2e: {  	s30 =	sld [smem:$0x0];
	_ =	sdelay $0x2  }
0x2f: {  	s31 =	sshll.u32 s3, $0xD;
	s3 =	sshrl.u32 s3, $0x2  }
0x30: {  	s2 =	sand.u32 $0x4000, s31;
	s1 =	sadd.s32 s3, s30  }
0x31: {  	s0 =	sor.u32 s2, s0;
	s1 =	sshll.u32 s1, $0x11  }
0x32: {  	s0 =	sor.u32 s1, s0  }
0x33: {  	s0 =	sadd.s32 $0x8F2B, s0  }
0x34: {  	[sflag:s0] =	ssyncadd.remote.s32 $0x1  }
0x35: {  	_ =	sfence.sel $0xFFFF  }
0x36: {  	[dreg:$0x0] =	wrdreg $0xFFFFFFFF;
	(pc) =	sbr.abs _section_cstart, $3  }
0x37: {  	[dreg:$0x1] =	wrdreg $0xFFFFFFFF  }
0x38: {  	_ =	task.clear_ibuf [dreg:s6], $0x2FFFF;
	_ =	strace $0x9FFFFFFF  }
0x39: {  	(tm) =	ssettm $0x7FFFFFFF  }
tec
execute0_lowered:
.L_overlay_start_1:
0x0: {  	(tag) =	ssettag $0x1  }
0x1: {  	s0 =	srdreg.scid  }
0x2: {  	s1 =	sshll.u32 s0, $0x4  }
0x3: {  	s4 =	rddreg [dreg:$0x0];
	s0 =	stileid.u32;
	s1 =	sand.u32 $0x10, s1  }
0x4: {  	s7 =	simm.s32 $0x1;
	s8 =	simm.s32 $0x2;
	s1 =	sor.u32 s0, s1  }
0x5: {  	s9 =	simm.s32 $0x0;
	s12 =	simm.s32 $0x0;
	s2 =	sshll.u32 s1, $0x3  }
0x6: {  	s11 =	simm.s32 $0x0;
	s3 =	sadd.s32 $0x2000, s4;
	s6 =	ssub.s32 $0x1000, s2  }
.Ltmp0:
0x7: {  	s4 =	sadd.s32 $0x102000, s4;
	s5 =	sand.u32 $0xF8, s6;
	(pc) =	sbr.rel .LBB1_1-.Ltmp0, $4  }
0x8: {  	s1 =	rddreg [dreg:$0x1];
	_ =	strace $0x80000050;
	p0 =	sne.s32 s5, $0x0  }
0x9: {  	s6 =	sshrl.u32 s6, $0x8;
	s5 =	simm.s32 $0x1;
	s7 =	simm.s32 @!p0 $0x0  }
0xa: {  	s10 =	smov.u32 s2;
	[sflag:s5] =	ssyncpa.u1 $0x0;
	s6 =	sadd.s32 s7, s6  }
0xb: {  	[sflag:s8] =	ssyncpa.u1 $0x0;
	s8 =	simm.s32 $0x0;
	s7 =	sadd.s32 $0x1, s6  }
.LBB1_9:
0xc: {  	s14 =	sadd.s32 $0x100, s10  }
0xd: {  	p1 =	sgt.s32 s14, $0xFFF  }
0xe: {  	s14 =	smov.u32 @p1 s2;
	p1 =	sne.s32 s11, s7  }
.Ltmp1:
0xf: {  	p0 =	slt.u32 s11, $0x2;
	(pc) =	sbr.rel @!p1 .LBB1_10-.Ltmp1, $4  }
0x10: {  	s13 =	simm.s32 @!p0 $0x2  }
0x11: {  	s15 =	sadd.s32 $0x1, s11;
	_ =	swait.ge @!p0 [sflag:s13], $0x4000  }
0x12: {  	s12 =	smov.u32 s10;
	s9 =	sadd.s32 $0x4000, s9;
	[sflag:s13] =	ssyncset.done @!p0 $0x0  }
0x13: {  	s11 =	smov.u32 s15;
	s10 =	smov.u32 s14;
	[sflag:s13] =	ssyncadd.s32 @!p0 $0xFFFFC000  }
.LBB1_1:
0x14: {  	p0 =	sge.u32 s11, s6  }
0x15: {  	s13 =	sxor.u32 @!p0 $0xFFFFFFFF, s11  }
0x16: {  	s31 =	sadd.s32 $0xFFFFFFFF, s11;
	s14 =	sshll.u32 @!p0 s10, $0x8;
	s13 =	sshll.u32 @!p0 s13, $0xE  }
0x17: {  	s15 =	simm.s32 @!p0 $0x0;
	s14 =	sadd.s32 @!p0 s3, s14;
	s13 =	sand.u32 @!p0 $0x4000, s13  }
0x18: {  	[tilespmem:s13], [sflag:$0x1] =	stream.linear.gather @!p0 [hbm4b:s14+s15], $0x4000, $0x38;
	[tilespmem:$0x10000] =	vst v63  }
0x19: {  	p0 =	sge.u32 s31, s6  }
.Ltmp2:
0x1a: {  	_ = 	snop;
	(pc) =	sbr.rel @p0 .LBB1_9-.Ltmp2, $1  }
0x1b: {  	_ =	sdelay $0x3  }
0x1c: {  	s13 =	sshll.u32 s9, $0x2;
	_ =	swait.ge [sflag:s5], $0x4000;
	s14 =	sshll.u32 s11, $0xE  }
0x1d: {  	s16 =	simm.s32 $0x0;
	s17 =	simm.s32 $0x0;
	s15 =	sand.u32 $0x10000, s13  }
0x1e: {  	[sflag:s5] =	ssyncset.done $0x0;
	s31 =	sand.u32 $0x4000, s14;
	s14 =	sshrl.u32 s15, $0x2  }
0x1f: {  	[sflag:s5] =	ssyncadd.s32 $0xFFFFC000;
	s13 =	sor.u32 $0x8000, s31;
	s15 =	sor.u32 $0x8000, s14  }
.LBB1_3:
0x20: {  	s18 =	sshra.s32 s16, $0x2  }
0x21: {  	v0 =	vmov s18;
	_ =	sdelay $0x3  }
0x22: {  	p1 =	por $0x1, $0x1;
	s18 =	simm.s32 $0x0  }
.LBB1_4:
0x23: {  	_ = 	snop  }
0x24: {  	s19 =	sshll.u32 s18, $0xA  }
0x25: {  	s19 =	sand.u32 $0x3FFFFC00, s19  }
0x26: {  	s19 =	sadd.s32 s19, s14  }
0x27: {  	v5 =	vld.idx.msk [tilespmem:v0+s19+$0x70 ss:$0x1], $0xffff  }
0x28: {  	v6 =	vld.idx.msk [tilespmem:v0+s19+$0x10 ss:$0x1], $0xffff  }
0x29: {  	v7 =	vld.idx.msk [tilespmem:v0+s19+$0x20 ss:$0x1], $0xffff  }
0x2a: {  	s31 =	sshll.u32 s18, $0x7;
	v1 =	vld.idx.msk [tilespmem:v0+s19+$0x30 ss:$0x1], $0xffff  }
0x2b: {  	s18 =	sand.u32 $0x3FFFFF80, s31;
	v2 =	vld.idx.msk [tilespmem:v0+s19+$0x40 ss:$0x1], $0xffff  }
0x2c: {  	s18 =	sadd.s32 s18, s15;
	v3 =	vld.idx.msk [tilespmem:v0+s19+$0x50 ss:$0x1], $0xffff  }
0x2d: {  	v4 =	vld.idx.msk [tilespmem:v0+s19+$0x60 ss:$0x1], $0xffff;
	[tilespmem:v0+s18+$0x70 ss:$0x1] =	vst.idx.msk $0xffff, v5  }
0x2e: {  	v5 =	vld.idx.msk [tilespmem:v0+s19+$0x0 ss:$0x1], $0xffff;
	[tilespmem:v0+s18+$0x10 ss:$0x1] =	vst.idx.msk $0xffff, v6;
	s19 =	sadd.s32 $0x80, s19  }
0x2f: {  	p0 =	por p1, p1;
	s20 =	simm.s32 $0x6;
	[tilespmem:v0+s18+$0x20 ss:$0x1] =	vst.idx.msk $0xffff, v7;
	v6 =	vld.idx.msk [tilespmem:v0+s19+$0x70 ss:$0x1], $0xffff  }
.LBB1_5:
0x30: {  	p1 =	sne.s32 s20, $0x1;
	v7 =	vld.idx.msk [tilespmem:v0+s19+$0x10 ss:$0x1], $0xffff;
	[tilespmem:v0+s18+$0x30 ss:$0x1] =	vst.idx.msk $0xffff, v1  }
0x31: {  	v8 =	vld.idx.msk [tilespmem:v0+s19+$0x20 ss:$0x1], $0xffff;
	[tilespmem:v0+s18+$0x40 ss:$0x1] =	vst.idx.msk $0xffff, v2  }
0x32: {  	v1 =	vld.idx.msk [tilespmem:v0+s19+$0x30 ss:$0x1], $0xffff;
	[tilespmem:v0+s18+$0x50 ss:$0x1] =	vst.idx.msk $0xffff, v3  }
.Ltmp3:
0x33: {  	v2 =	vld.idx.msk [tilespmem:v0+s19+$0x40 ss:$0x1], $0xffff;
	[tilespmem:v0+s18+$0x60 ss:$0x1] =	vst.idx.msk $0xffff, v4;
	(pc) =	sbr.rel @p1 .LBB1_5-.Ltmp3, $4  }
0x34: {  	v3 =	vld.idx.msk [tilespmem:v0+s19+$0x50 ss:$0x1], $0xffff;
	[tilespmem:v0+s18+$0x0 ss:$0x1] =	vst.idx.msk $0xffff, v5;
	s18 =	sadd.s32 $0x100, s18  }
0x35: {  	v4 =	vld.idx.msk [tilespmem:v0+s19+$0x60 ss:$0x1], $0xffff;
	[tilespmem:v0+s18+$0x70 ss:$0x1] =	vst.idx.msk $0xffff, v6  }
0x36: {  	v5 =	vld.idx.msk [tilespmem:v0+s19+$0x0 ss:$0x1], $0xffff;
	[tilespmem:v0+s18+$0x10 ss:$0x1] =	vst.idx.msk $0xffff, v7;
	s19 =	sadd.s32 $0x80, s19  }
0x37: {  	s20 =	sadd.s32 $0xFFFFFFFF, s20;
	v6 =	vld.idx.msk [tilespmem:v0+s19+$0x70 ss:$0x1], $0xffff;
	[tilespmem:v0+s18+$0x20 ss:$0x1] =	vst.idx.msk $0xffff, v8  }
0x38: {  	_ =	sdelay $0x3  }
0x39: {  	[tilespmem:v0+s18+$0x30 ss:$0x1] =	vst.idx.msk $0xffff, v1  }
0x3a: {  	v1 =	vld.idx.msk [tilespmem:v0+s19+$0x10 ss:$0x1], $0xffff;
	[tilespmem:v0+s18+$0x40 ss:$0x1] =	vst.idx.msk $0xffff, v2  }
0x3b: {  	v2 =	vld.idx.msk [tilespmem:v0+s19+$0x20 ss:$0x1], $0xffff;
	[tilespmem:v0+s18+$0x50 ss:$0x1] =	vst.idx.msk $0xffff, v3  }
0x3c: {  	v61 =	vld.idx.msk [tilespmem:v0+s19+$0x40 ss:$0x1], $0xffff;
	[tilespmem:v0+s18+$0x60 ss:$0x1] =	vst.idx.msk $0xffff, v4  }
0x3d: {  	s31 =	sadd.s32 $0x100, s18;
	v62 =	vld.idx.msk [tilespmem:v0+s19+$0x50 ss:$0x1], $0xffff;
	[tilespmem:v0+s18+$0x0 ss:$0x1] =	vst.idx.msk $0xffff, v5  }
0x3e: {  	v63 =	vld.idx.msk [tilespmem:v0+s19+$0x60 ss:$0x1], $0xffff;
	[tilespmem:v0+s31+$0x70 ss:$0x1] =	vst.idx.msk $0xffff, v6  }
0x3f: {  	v3 =	vld.idx.msk [tilespmem:v0+s19+$0x30 ss:$0x1], $0xffff;
	[tilespmem:v0+s31+$0x10 ss:$0x1] =	vst.idx.msk $0xffff, v1  }
0x40: {  	v1 =	vld.idx.msk [tilespmem:v0+s19+$0x0 ss:$0x1], $0xffff;
	[tilespmem:v0+s31+$0x20 ss:$0x1] =	vst.idx.msk $0xffff, v2  }
.Ltmp4:
0x41: {  	[tilespmem:v0+s31+$0x40 ss:$0x1] =	vst.idx.msk $0xffff, v61;
	(pc) =	sbr.rel @p0 .LBB1_4-.Ltmp4, $4  }
0x42: {  	[tilespmem:v0+s31+$0x50 ss:$0x1] =	vst.idx.msk $0xffff, v62  }
0x43: {  	[tilespmem:v0+s31+$0x60 ss:$0x1] =	vst.idx.msk $0xffff, v63  }
0x44: {  	[tilespmem:v0+s31+$0x30 ss:$0x1] =	vst.idx.msk $0xffff, v3  }
0x45: {  	p1 =	por $0x0, $0x0;
	s18 =	simm.s32 $0x1;
	[tilespmem:v0+s31+$0x0 ss:$0x1] =	vst.idx.msk $0xffff, v1  }
0x46: {  	s17 =	sadd.s32 $0x1, s17  }
0x47: {  	p0 =	sne.s32 s17, $0x8  }
.Ltmp5:
0x48: {  	_ = 	snop;
	(pc) =	sbr.rel @p0 .LBB1_3-.Ltmp5, $2  }
0x49: {  	_ =	sdelay $0x2  }
0x4a: {  	s16 =	sadd.s32 $0x2000, s16  }
.Ltmp6:
0x4b: {  	(pc) =	sbr.rel .LBB1_9-.Ltmp6, $4  }
0x4c: {  	_ = 	snop  }
0x4d: {  	s12 =	sshll.u32 s12, $0x8  }
0x4e: {  	s12 =	sadd.s32 s4, s12  }
0x4f: {  	[hbm4b:s12+s8] =	stream.linear.scatter [tilespmem:s13], [sflag:$0x2], $0x4000, $0x38;
	[tilespmem:$0x10000] =	vst v63  }
.LBB1_10:
0x50: {  	_ =	sfence.sel $0x180000  }
0x51: {  	s2 =	simm.s32 $0x1;
	[bflag:$0x0] =	sbarrier.arrive $0xFFFF  }
0x52: {  	s31 =	simm.s32 $0x2;
	[sflag:s2] =	ssyncpa.u1 $0x1  }
0x53: {  	[sflag:s31] =	ssyncpa.u1 $0x1  }
0x54: {  	p0 =	sne.s32 s0, $0x0;
	_ =	strace $0x90000050  }
0x55: {  	s0 =	sadd.s32 @!p0 $0x100000, s1;
	[bflag:$0x2] =	sbarrier.arrive $0xFFFF  }
0x56: {  	[sflag:s0] =	ssyncadd.tile.s32 @!p0 $0x1;
	_ =	shalt  }
.Lfunc_end1:
_tile_overlayer_lowered:
.L_overlay_start_2:
0x57: {  	(tag) =	ssettag $0x2  }
0x58: {  	s0 =	rddreg [dreg:$0x0];
	s2 =	stileid.u32  }
0x59: {  	s1 =	rddreg [dreg:$0x1];
	p0 =	sne.s32 s2, $0x0  }
0x5a: {  	s3 =	rddreg [dreg:$0x2];
	[bflag:$0x3] =	sbarrier.arrive $0xFFFF;
	s2 =	simm.s32 @!p0 $0x1C01  }
0x5b: {  	[timem:s3], [sflag:s2] =	dma.local @!p0 [hbm:s0], s1  }
0x5c: {  	s0 =	simm.s32 @!p0 $0x1  }
0x5d: {  	_ =	swait.ge @!p0 [sflag:s0], s1  }
0x5e: {  	s1 =	ssub.s32 @!p0 $0x0, s1;
	[sflag:s0] =	ssyncset.done @!p0 $0x0  }
0x5f: {  	[sflag:s0] =	ssyncadd.s32 @!p0 s1  }
0x60: {  	[bflag:$0x3] =	sbarrier.arrive $0xFFFF  }
0x61: {  	_ =	shalt  }

// kernel: sparse-core-data-format-call.3.cloned.1.call-start
scs
called_computation.3_lowered:
.L_overlay_start_0:
0x0: {  	s2 =	sld [smem:$0x3FD9]  }
0x1: {  	s3 =	sld [smem:$0x3FFE];
	_ =	sdelay $0x1  }
0x2: {  	s1 =	srdreg.scid  }
0x3: {  	s0 =	sand.u32 $0x1, s1  }
0x4: {  	s18 =	sshll.u32 s0, $0xA;
	s2 =	sadd.s32 s3, s2  }
0x5: {  	s2 =	sadd.s32 s2, s18  }
0x6: {  	[smem:$0x3FC4] =	sst s2  }
0x7: {  	_ = 	snop  }
0x8: {  	s2 =	sld [smem:$0x3FD0];
	(tm) =	ssettm $0x1  }
0x9: {  	s19 =	sld [smem:$0x3FFB];
	_ =	sdelay $0x3  }
0xa: {  	_ =	strace s19  }
0xb: {  	s3 =	sld [smem:$0x3FFC];
	_ =	sdelay $0x3  }
0xc: {  	_ =	strace s3  }
0xd: {  	s3 =	sld [smem:$0x3FFD];
	_ =	sdelay $0x3  }
0xe: {  	_ =	strace s3  }
0xf: {  	_ =	strace $0x8FFFFFFF  }
0x10: {  	s20 =	sld [smem:$0x3FDB];
	_ =	sdelay $0x1  }
0x11: {  	s4 =	simm.s32 $_scs_section_size  }
0x12: {  	s5 =	simm.s32 $_size__tile_overlayer_lowered;
	s6 =	simm.s32 $_tile_overlayer_lowered  }
0x13: {  	s23 =	simm.s32 $0x1BFF;
	s22 =	sshll.u32 s6, $0x1;
	s3 =	sadd.s32 s4, s20  }
0x14: {  	s7 =	simm.s32 $0x0;
	s21 =	sshll.u32 s5, $0x1;
	s5 =	sadd.s32 s22, s3  }
0x15: {  	[timem:s7], [sflag:s23] =	dma.local [hbm:s5], s21  }
0x16: {  	_ =	swait.ge [sflag:s23], s21  }
0x17: {  	s4 =	ssub.s32 $0x0, s21;
	[sflag:s23] =	ssyncset.done $0x0  }
0x18: {  	[sflag:s23] =	ssyncadd.s32 s4;
	_ =	sdelay $0x1  }
0x19: {  	s24 =	simm.s32 $0x1B8B  }
0x1a: {  	_ =	swait.ge [sflag:s24], $0x1  }
0x1b: {  	[sflag:s24] =	ssyncset.done $0x0  }
0x1c: {  	s26 =	simm.s32 $0x1B8E;
	s25 =	sld [smem:$0x3FFE];
	[sflag:s24] =	ssyncadd.s32 $0xFFFFFFFF  }
0x1d: {  	s27 =	simm.s32 $execute0_lowered;
	[smem:$0x3FD2] =	sst s26  }
0x1e: {  	s5 =	sshll.u32 s27, $0x1;
	_ =	strace $0x8000004C;
	[dreg:$0x1] =	wrdreg $0xFFFFFFFF  }
0x1f: {  	s28 =	simm.s32 $_size_execute0_lowered;
	s3 =	sadd.s32 s3, s5;
	[dreg:$0x0] =	wrdreg $0x0  }
0x20: {  	s5 =	sshll.u32 s28, $0x1;
	[dreg:$0x2] =	wrdreg s3  }
0x21: {  	[dreg:$0x3] =	wrdreg s5  }
0x22: {  	[dreg:$0x4] =	wrdreg $0xC0  }
0x23: {  	_ =	task [dreg:s7], $0x5FFFF  }
0x24: {  	[dreg:$0x1] =	wrdreg $0xFFFFFFFF  }
0x25: {  	[dreg:$0x0] =	wrdreg $0x60  }
0x26: {  	[dreg:$0x2] =	wrdreg s2  }
0x27: {  	[dreg:$0x3] =	wrdreg s25  }
0x28: {  	[dreg:$0x4] =	wrdreg $0x9  }
0x29: {  	_ =	task.clear_ibuf [dreg:s7], $0x5FFFF;
	_ =	strace $0x9000004C  }
0x2a: {  	s29 =	simm.s32 $0x9;
	_ =	strace $0x8000004E  }
0x2b: {  	_ =	swait.ge [sflag:s29], $0x1  }
0x2c: {  	[sflag:s29] =	ssyncadd.s32 $0xFFFFFFFF  }
0x2d: {  	_ =	strace $0x9000004E  }
0x2e: {  	_ =	sfence  }
0x2f: {  	s30 =	sld [smem:$0x0];
	_ =	sdelay $0x2  }
0x30: {  	s31 =	sshll.u32 s1, $0xD;
	s1 =	sshrl.u32 s1, $0x2  }
0x31: {  	s3 =	sand.u32 $0x4000, s31;
	s1 =	sadd.s32 s1, s30  }
0x32: {  	s0 =	sor.u32 s3, s0;
	s1 =	sshll.u32 s1, $0x11  }
0x33: {  	s0 =	sor.u32 s1, s0  }
0x34: {  	s0 =	sadd.s32 $0x8F2B, s0  }
0x35: {  	[sflag:s0] =	ssyncadd.remote.s32 $0x1  }
0x36: {  	_ =	sfence.sel $0xFFFF  }
0x37: {  	[dreg:$0x0] =	wrdreg $0xFFFFFFFF;
	(pc) =	sbr.abs _section_cstart, $3  }
0x38: {  	[dreg:$0x1] =	wrdreg $0xFFFFFFFF  }
0x39: {  	_ =	task.clear_ibuf [dreg:s7], $0x2FFFF;
	_ =	strace $0x9FFFFFFF  }
0x3a: {  	(tm) =	ssettm $0x7FFFFFFF  }
0x3b: {  	_ =	shalt  }
tec
execute0_lowered:
.L_overlay_start_1:
0x0: {  	(tag) =	ssettag $0x1  }
0x1: {  	s0 =	stileid.u32  }
0x2: {  	s1 =	srdreg.scid;
	s2 =	rddreg [dreg:$0x0]  }
0x3: {  	s7 =	rddreg [dreg:$0x1];
	s31 =	simm.s32 $0x2;
	s14 =	simm.s32 $0x0  }
0x4: {  	s13 =	simm.s32 $0x0;
	s3 =	sshll.u32 s0, $0x6;
	s1 =	sshll.u32 s1, $0xA  }
0x5: {  	s12 =	simm.s32 $0x0;
	s4 =	sshll.u32 s0, $0x7;
	s1 =	sor.u32 s3, s1  }
0x6: {  	s3 =	sand.u32 $0x80, s4;
	s4 =	sand.u32 $0x780, s1;
	s1 =	rddreg [dreg:$0x2]  }
0x7: {  	s5 =	ssub.s32 $0x100, s3;
	_ =	strace $0x8000004D;
	s6 =	ssub.s32 $0x8000, s4  }
0x8: {  	s8 =	sshrl.u32 s5, $0x8;
	s5 =	sshrl.u32 s5, $0x7;
	s9 =	sand.u32 $0x780, s6  }
0x9: {  	s10 =	sand.u32 $0x1, s5;
	p0 =	sne.s32 s9, $0x0;
	s9 =	simm.s32 $0x1  }
.Ltmp0:
0xa: {  	s6 =	sshrl.u32 s6, $0xB;
	s9 =	simm.s32 @!p0 $0x0;
	(pc) =	sbr.rel .LBB1_1-.Ltmp0, $4  }
0xb: {  	s5 =	simm.s32 $0x1;
	s8 =	sadd.s32 s8, s10;
	s6 =	sadd.s32 s9, s6  }
0xc: {  	s7 =	sadd.s32 $0x2000, s7;
	[sflag:s5] =	ssyncpa.u1 $0x0;
	s6 =	smul.u32 s8, s6  }
0xd: {  	s11 =	smov.u32 s3;
	s10 =	smov.u32 s4;
	[sflag:s31] =	ssyncpa.u1 $0x0  }
0xe: {  	p0 =	por $0x0, $0x0;
	s9 =	simm.s32 $0x800;
	s8 =	sadd.s32 $0x1, s6  }
.LBB1_4:
0xf: {  	v5 =	vld [tilespmem:s18+$0xFFFFFFD0]  }
0x10: {  	[tilespmem:s17+$0x2040 ss:$0x81] =	vst.msk $0xffff, v1;
	v58 =	vld [tilespmem:s18+$0xFFFFFFE0]  }
0x11: {  	[tilespmem:s17+$0x2850 ss:$0x81] =	vst.msk $0xffff, v2;
	v59 =	vld [tilespmem:s18+$0xFFFFFFF0]  }
0x12: {  	s19 =	sshra.s32 s19, $0x2;
	[tilespmem:s17+$0x3060 ss:$0x81] =	vst.msk $0xffff, v3;
	v60 =	vld [tilespmem:s18+$0x0]  }
0x13: {  	[tilespmem:s17+$0x0 ss:$0x81] =	vst.msk $0xffff, v0;
	v61 =	vld [tilespmem:s18+$0x10];
	s16 =	sadd.s32 s19, s16  }
0x14: {  	v62 =	vld [tilespmem:s18+$0x20];
	[tilespmem:s16+$0x3870 ss:$0x81] =	vst.msk $0xffff, v4  }
0x15: {  	v63 =	vld [tilespmem:s18+$0xFFFFFFC0];
	s27 =	sshll.u32 s14, $0x8;
	s28 =	sshll.u32 s13, $0x3;
	[tilespmem:s16+$0x810 ss:$0x81] =	vst.msk $0xffff, v5  }
0x16: {  	s29 =	sshll.u32 s14, $0x7;
	s17 =	sand.u32 $0x7FF800, s27;
	s18 =	sand.u32 $0x7FFC00, s28;
	[tilespmem:s16+$0x1020 ss:$0x81] =	vst.msk $0xffff, v58  }
0x17: {  	s30 =	sand.u32 $0x78, s13;
	s14 =	sand.u32 $0x380, s29;
	s17 =	sadd.s32 s18, s17;
	[tilespmem:s16+$0x1830 ss:$0x81] =	vst.msk $0xffff, v59  }
0x18: {  	s14 =	sor.u32 s30, s14;
	s17 =	sand.u32 $0x7FFC00, s17;
	[tilespmem:s16+$0x2040 ss:$0x81] =	vst.msk $0xffff, v60  }
0x19: {  	s31 =	sand.u32 $0x7, s13;
	s14 =	sor.u32 s17, s14;
	[tilespmem:s16+$0x2850 ss:$0x81] =	vst.msk $0xffff, v61  }
0x1a: {  	s13 =	sshll.u32 s31, $0x12;
	[tilespmem:s16+$0x3060 ss:$0x81] =	vst.msk $0xffff, v62;
	s14 =	sshrl.u32 s14, $0x3  }
0x1b: {  	s13 =	sor.u32 $0x400, s13;
	[tilespmem:s16+$0x0 ss:$0x81] =	vst.msk $0xffff, v63;
	s14 =	sadd.s32 s7, s14  }
0x1c: {  	[hbm4b:s14+s13] =	stream.strided.scatter [tilespmem:s15], [sflag:$0x2], $0x4000, s9, s13, $0x20;
	[tilespmem:$0x10100] =	vst v63  }
.LBB1_5:
0x1d: {  	s15 =	sadd.s32 $0x800, s10  }
0x1e: {  	s13 =	sadd.s32 $0x100, s11;
	s17 =	smov.u32 s11;
	p2 =	sgt.s32 s15, $0x7FFF  }
0x1f: {  	s17 =	smov.u32 @p2 s13  }
0x20: {  	s15 =	smov.u32 @p2 s4;
	p2 =	sgt.s32 s17, $0xFF  }
0x21: {  	s17 =	smov.u32 @p2 s3;
	p2 =	sne.s32 s12, s8  }
.Ltmp1:
0x22: {  	p1 =	slt.u32 s12, $0x2;
	(pc) =	sbr.rel @!p2 .LBB1_6-.Ltmp1, $4  }
0x23: {  	s16 =	simm.s32 @!p1 $0x2  }
0x24: {  	s14 =	smov.u32 s10;
	p0 =	por !p0, !p0;
	_ =	swait.ge @!p1 [sflag:s16], $0x4000  }
0x25: {  	s13 =	smov.u32 s11;
	[sflag:s16] =	ssyncset.done @!p1 $0x0;
	s10 =	smov.u32 s15  }
0x26: {  	s12 =	sadd.s32 $0x1, s12;
	[sflag:s16] =	ssyncadd.s32 @!p1 $0xFFFFC000;
	s11 =	smov.u32 s17  }
.LBB1_1:
0x27: {  	p1 =	sge.u32 s12, s6;
	s31 =	sadd.s32 $0xFFFFFFFF, s12  }
0x28: {  	s15 =	sand.u32 @!p1 $0x78, s10;
	s16 =	sshll.u32 @!p1 s11, $0xF;
	s17 =	sshll.u32 @!p1 s11, $0x7  }
0x29: {  	s18 =	sshll.u32 @!p1 s10, $0x3;
	s16 =	sand.u32 @!p1 $0x7C0000, s16;
	s17 =	sand.u32 @!p1 $0x380, s17  }
0x2a: {  	s16 =	sadd.s32 @!p1 s16, s18;
	s18 =	sand.u32 @!p1 $0x7C00, s18;
	s15 =	sor.u32 @!p1 s17, s15  }
0x2b: {  	s17 =	sxor.u32 @!p1 $0xFFFFFFFF, s12;
	s16 =	sand.u32 @!p1 $0x7F8000, s16;
	s15 =	sor.u32 @!p1 s18, s15  }
0x2c: {  	s17 =	sshll.u32 @!p1 s17, $0xE;
	s15 =	sor.u32 @!p1 s16, s15;
	s16 =	sand.u32 @!p1 $0x7, s10  }
0x2d: {  	s18 =	simm.s32 @!p1 $0x40000;
	s15 =	sshrl.u32 @!p1 s15, $0x3;
	s16 =	sshll.u32 @!p1 s16, $0x12  }
0x2e: {  	s17 =	sand.u32 @!p1 $0x4000, s17;
	s15 =	sadd.s32 @!p1 s2, s15;
	s16 =	sor.u32 @!p1 $0x400, s16  }
0x2f: {  	[tilespmem:s17], [sflag:$0x1] =	stream.strided.gather @!p1 [hbm4b:s15+s16], $0x4000, s18, s16, $0x38;
	[tilespmem:$0x10100] =	vst v63  }
0x30: {  	p1 =	sge.u32 s31, s6  }
.Ltmp2:
0x31: {  	_ = 	snop;
	(pc) =	sbr.rel @p1 .LBB1_5-.Ltmp2, $1  }
0x32: {  	_ =	sdelay $0x3  }
0x33: {  	s15 =	simm.s32 $0x1  }
0x34: {  	_ =	swait.ge [sflag:s5], $0x4000;
	s15 =	simm.s32 @!p0 $0x0  }
0x35: {  	[sflag:s5] =	ssyncset.done $0x0;
	s16 =	sshll.u32 s15, $0xE  }
0x36: {  	[sflag:s5] =	ssyncadd.s32 $0xFFFFC000;
	s18 =	sor.u32 $0x40, s16  }
0x37: {  	s15 =	smul.u32 $0x10200, s15;
	v0 =	vld [tilespmem:s18+$0x30]  }
0x38: {  	v3 =	vld [tilespmem:s18+$0xFFFFFFD0]  }
0x39: {  	s15 =	sshrl.u32 s15, $0x2;
	v4 =	vld [tilespmem:s18+$0xFFFFFFE0]  }
0x3a: {  	v5 =	vld [tilespmem:s18+$0xFFFFFFF0];
	s16 =	sor.u32 $0x8000, s15  }
0x3b: {  	s31 =	sand.u32 $0x1, s12;
	v1 =	vld [tilespmem:s18+$0x0];
	s17 =	sadd.s32 $0x0, s16  }
0x3c: {  	v2 =	vld [tilespmem:s18+$0x10];
	s15 =	smul.u32 $0x10200, s31;
	[tilespmem:s17+$0x3870 ss:$0x81] =	vst.msk $0xffff, v0  }
0x3d: {  	[tilespmem:s17+$0x810 ss:$0x81] =	vst.msk $0xffff, v3;
	v3 =	vld [tilespmem:s18+$0x20]  }
0x3e: {  	s15 =	sshrl.u32 s15, $0x2;
	v0 =	vld [tilespmem:s18+$0xFFFFFFC0];
	[tilespmem:s17+$0x1020 ss:$0x81] =	vst.msk $0xffff, v4;
	s18 =	sadd.s32 $0x80, s18  }
0x3f: {  	s19 =	simm.s32 $0x4;
	s20 =	simm.s32 $0x8;
	s15 =	sor.u32 $0x8000, s15;
	[tilespmem:s17+$0x1830 ss:$0x81] =	vst.msk $0xffff, v5;
	v4 =	vld [tilespmem:s18+$0x30]  }
.LBB1_3:
0x40: {  	p1 =	sne.s32 s20, $0x1FC;
	v5 =	vld [tilespmem:s18+$0xFFFFFFD0];
	[tilespmem:s17+$0x2040 ss:$0x81] =	vst.msk $0xffff, v1  }
0x41: {  	v6 =	vld [tilespmem:s18+$0xFFFFFFE0];
	[tilespmem:s17+$0x2850 ss:$0x81] =	vst.msk $0xffff, v2  }
0x42: {  	s21 =	sshra.s32 s19, $0x2;
	s19 =	smov.u32 s20;
	v7 =	vld [tilespmem:s18+$0xFFFFFFF0];
	[tilespmem:s17+$0x3060 ss:$0x81] =	vst.msk $0xffff, v3  }
.Ltmp3:
0x43: {  	v1 =	vld [tilespmem:s18+$0x0];
	[tilespmem:s17+$0x0 ss:$0x81] =	vst.msk $0xffff, v0;
	s17 =	sadd.s32 s21, s16;
	(pc) =	sbr.rel @p1 .LBB1_3-.Ltmp3, $4  }
0x44: {  	v2 =	vld [tilespmem:s18+$0x10];
	[tilespmem:s17+$0x3870 ss:$0x81] =	vst.msk $0xffff, v4  }
0x45: {  	[tilespmem:s17+$0x810 ss:$0x81] =	vst.msk $0xffff, v5;
	v3 =	vld [tilespmem:s18+$0x20]  }
0x46: {  	v0 =	vld [tilespmem:s18+$0xFFFFFFC0];
	[tilespmem:s17+$0x1020 ss:$0x81] =	vst.msk $0xffff, v6;
	s18 =	sadd.s32 $0x80, s18  }
0x47: {  	s20 =	sadd.s32 $0x4, s20;
	v4 =	vld [tilespmem:s18+$0x30];
	[tilespmem:s17+$0x1830 ss:$0x81] =	vst.msk $0xffff, v7  }
.Ltmp4:
0x48: {  	_ = 	snop;
	(pc) =	sbr.rel .LBB1_4-.Ltmp4, $1  }
0x49: {  	_ =	sdelay $0x3  }
.LBB1_6:
0x4a: {  	_ =	sfence.sel $0x180000  }
0x4b: {  	s2 =	simm.s32 $0x1;
	[bflag:$0x0] =	sbarrier.arrive $0xFFFF  }
0x4c: {  	s31 =	simm.s32 $0x2;
	[sflag:s2] =	ssyncpa.u1 $0x1  }
0x4d: {  	[sflag:s31] =	ssyncpa.u1 $0x1  }
0x4e: {  	p0 =	sne.s32 s0, $0x0;
	_ =	strace $0x9000004D  }
0x4f: {  	s0 =	sadd.s32 @!p0 $0x100000, s1;
	[bflag:$0x2] =	sbarrier.arrive $0xFFFF  }
0x50: {  	[sflag:s0] =	ssyncadd.tile.s32 @!p0 $0x1;
	_ =	shalt  }
.Lfunc_end1:
_tile_overlayer_lowered:
.L_overlay_start_2:
0x51: {  	(tag) =	ssettag $0x2  }
0x52: {  	s0 =	rddreg [dreg:$0x0];
	s2 =	stileid.u32  }
0x53: {  	s1 =	rddreg [dreg:$0x1];
	p0 =	sne.s32 s2, $0x0  }
0x54: {  	s3 =	rddreg [dreg:$0x2];
	[bflag:$0x3] =	sbarrier.arrive $0xFFFF;
	s2 =	simm.s32 @!p0 $0x1C01  }
0x55: {  	[timem:s3], [sflag:s2] =	dma.local @!p0 [hbm:s0], s1  }
0x56: {  	s0 =	simm.s32 @!p0 $0x1  }
0x57: {  	_ =	swait.ge @!p0 [sflag:s0], s1  }
0x58: {  	s1 =	ssub.s32 @!p0 $0x0, s1;
	[sflag:s0] =	ssyncset.done @!p0 $0x0  }
0x59: {  	[sflag:s0] =	ssyncadd.s32 @!p0 s1  }
0x5a: {  	[bflag:$0x3] =	sbarrier.arrive $0xFFFF  }
0x5b: {  	_ =	shalt  }

// kernel: sparse-core-data-format-call.4.cloned.1.call-start
scs
called_computation.4_lowered:
.L_overlay_start_0:
0x0: {  	s2 =	sld [smem:$0x3FD9]  }
0x1: {  	s3 =	sld [smem:$0x3FFE];
	_ =	sdelay $0x1  }
0x2: {  	s1 =	srdreg.scid  }
0x3: {  	s0 =	sand.u32 $0x1, s1  }
0x4: {  	s18 =	sshll.u32 s0, $0xA;
	s2 =	sadd.s32 s3, s2  }
0x5: {  	s2 =	sadd.s32 s2, s18  }
0x6: {  	[smem:$0x3FC4] =	sst s2  }
0x7: {  	_ = 	snop  }
0x8: {  	s2 =	sld [smem:$0x3FD0];
	(tm) =	ssettm $0x1  }
0x9: {  	s19 =	sld [smem:$0x3FFB];
	_ =	sdelay $0x3  }
0xa: {  	_ =	strace s19  }
0xb: {  	s3 =	sld [smem:$0x3FFC];
	_ =	sdelay $0x3  }
0xc: {  	_ =	strace s3  }
0xd: {  	s3 =	sld [smem:$0x3FFD];
	_ =	sdelay $0x3  }
0xe: {  	_ =	strace s3  }
0xf: {  	_ =	strace $0x8FFFFFFF  }
0x10: {  	s20 =	sld [smem:$0x3FDB];
	_ =	sdelay $0x1  }
0x11: {  	s4 =	simm.s32 $_scs_section_size  }
0x12: {  	s5 =	simm.s32 $_size__tile_overlayer_lowered;
	s6 =	simm.s32 $_tile_overlayer_lowered  }
0x13: {  	s23 =	simm.s32 $0x1BFF;
	s22 =	sshll.u32 s6, $0x1;
	s3 =	sadd.s32 s4, s20  }
0x14: {  	s7 =	simm.s32 $0x0;
	s21 =	sshll.u32 s5, $0x1;
	s5 =	sadd.s32 s22, s3  }
0x15: {  	[timem:s7], [sflag:s23] =	dma.local [hbm:s5], s21  }
0x16: {  	_ =	swait.ge [sflag:s23], s21  }
0x17: {  	s4 =	ssub.s32 $0x0, s21;
	[sflag:s23] =	ssyncset.done $0x0  }
0x18: {  	[sflag:s23] =	ssyncadd.s32 s4;
	_ =	sdelay $0x1  }
0x19: {  	s24 =	simm.s32 $0x1B8B  }
0x1a: {  	_ =	swait.ge [sflag:s24], $0x1  }
0x1b: {  	[sflag:s24] =	ssyncset.done $0x0  }
0x1c: {  	s26 =	simm.s32 $0x1B8E;
	s25 =	sld [smem:$0x3FFE];
	[sflag:s24] =	ssyncadd.s32 $0xFFFFFFFF  }
0x1d: {  	s27 =	simm.s32 $execute0_lowered;
	[smem:$0x3FD2] =	sst s26  }
0x1e: {  	s5 =	sshll.u32 s27, $0x1;
	_ =	strace $0x80000049;
	[dreg:$0x1] =	wrdreg $0xFFFFFFFF  }
0x1f: {  	s28 =	simm.s32 $_size_execute0_lowered;
	s3 =	sadd.s32 s3, s5;
	[dreg:$0x0] =	wrdreg $0x0  }
0x20: {  	s5 =	sshll.u32 s28, $0x1;
	[dreg:$0x2] =	wrdreg s3  }
0x21: {  	[dreg:$0x3] =	wrdreg s5  }
0x22: {  	[dreg:$0x4] =	wrdreg $0xC0  }
0x23: {  	_ =	task [dreg:s7], $0x5FFFF  }
0x24: {  	[dreg:$0x1] =	wrdreg $0xFFFFFFFF  }
0x25: {  	[dreg:$0x0] =	wrdreg $0x60  }
0x26: {  	[dreg:$0x2] =	wrdreg s2  }
0x27: {  	[dreg:$0x3] =	wrdreg s25  }
0x28: {  	[dreg:$0x4] =	wrdreg $0x9  }
0x29: {  	_ =	task.clear_ibuf [dreg:s7], $0x5FFFF;
	_ =	strace $0x90000049  }
0x2a: {  	s29 =	simm.s32 $0x9;
	_ =	strace $0x8000004B  }
0x2b: {  	_ =	swait.ge [sflag:s29], $0x1  }
0x2c: {  	[sflag:s29] =	ssyncadd.s32 $0xFFFFFFFF  }
0x2d: {  	_ =	strace $0x9000004B  }
0x2e: {  	_ =	sfence  }
0x2f: {  	s30 =	sld [smem:$0x0];
	_ =	sdelay $0x2  }
0x30: {  	s31 =	sshll.u32 s1, $0xD;
	s1 =	sshrl.u32 s1, $0x2  }
0x31: {  	s3 =	sand.u32 $0x4000, s31;
	s1 =	sadd.s32 s1, s30  }
0x32: {  	s0 =	sor.u32 s3, s0;
	s1 =	sshll.u32 s1, $0x11  }
0x33: {  	s0 =	sor.u32 s1, s0  }
0x34: {  	s0 =	sadd.s32 $0x8F2B, s0  }
0x35: {  	[sflag:s0] =	ssyncadd.remote.s32 $0x1  }
0x36: {  	_ =	sfence.sel $0xFFFF  }
0x37: {  	[dreg:$0x0] =	wrdreg $0xFFFFFFFF;
	(pc) =	sbr.abs _section_cstart, $3  }
0x38: {  	[dreg:$0x1] =	wrdreg $0xFFFFFFFF  }
0x39: {  	_ =	task.clear_ibuf [dreg:s7], $0x2FFFF;
	_ =	strace $0x9FFFFFFF  }
0x3a: {  	(tm) =	ssettm $0x7FFFFFFF  }
0x3b: {  	_ =	shalt  }
tec
execute0_lowered:
.L_overlay_start_1:
0x0: {  	(tag) =	ssettag $0x1  }
0x1: {  	s2 =	rddreg [dreg:$0x0]  }
0x2: {  	s1 =	rddreg [dreg:$0x1]  }
0x3: {  	s0 =	rddreg [dreg:$0x2];
	_ =	strace $0x8000004A;
	s4 =	srdreg.scid  }
0x4: {  	s6 =	simm.s32 $0x2;
	s12 =	simm.s32 $0x0;
	p0 =	por $0x0, $0x0  }
0x5: {  	s13 =	simm.s32 $0x0;
	s15 =	simm.s32 $0x0;
	s14 =	simm.s32 $0x0  }
.Ltmp0:
0x6: {  	s8 =	simm.s32 $0x0;
	s9 =	simm.s32 $0x0;
	(pc) =	sbr.rel .LBB1_1-.Ltmp0, $4  }
0x7: {  	s10 =	simm.s32 $0x0;
	s3 =	sadd.s32 $0x2000, s1;
	s5 =	sshll.u32 s4, $0x4  }
0x8: {  	s1 =	stileid.u32;
	s4 =	simm.s32 $0x1;
	s5 =	sand.u32 $0x10, s5  }
0x9: {  	s7 =	simm.s32 $0x0;
	[sflag:s4] =	ssyncpa.u1 $0x0;
	s5 =	sor.u32 s1, s5  }
0xa: {  	[sflag:s6] =	ssyncpa.u1 $0x0;
	s6 =	simm.s32 $0x10000;
	s11 =	smov.u32 s5  }
.LBB1_7:
0xb: {  	s16 =	sadd.s32 $0x200, s8  }
0xc: {  	s12 =	sadd.s32 $0x4, s9;
	s17 =	smov.u32 s9;
	p2 =	sgt.s32 s16, $0x1FFF  }
0xd: {  	s17 =	smov.u32 @p2 s12  }
0xe: {  	s18 =	smov.u32 s10;
	s12 =	sadd.s32 $0x8, s10;
	p3 =	sgt.s32 s17, $0x3  }
0xf: {  	s18 =	smov.u32 @p3 s12  }
0x10: {  	s19 =	smov.u32 s11;
	s12 =	sadd.s32 $0x20, s11;
	p4 =	sgt.s32 s18, $0x7  }
0x11: {  	p1 =	slt.u32 s7, $0x2;
	s19 =	smov.u32 @p4 s12  }
0x12: {  	s7 =	sadd.s32 $0x1, s7;
	s16 =	simm.s32 @p2 $0x0;
	p2 =	sgt.s32 s19, $0x1F  }
0x13: {  	s20 =	simm.s32 @!p1 $0x2;
	s19 =	smov.u32 @p2 s5;
	p2 =	sne.s32 s7, $0x12  }
.Ltmp1:
0x14: {  	s13 =	smov.u32 s9;
	_ =	swait.ge @!p1 [sflag:s20], $0x4000;
	(pc) =	sbr.rel @!p2 .LBB1_8-.Ltmp1, $4  }
0x15: {  	s15 =	smov.u32 s10;
	s14 =	smov.u32 s11;
	[sflag:s20] =	ssyncset.done @!p1 $0x0  }
0x16: {  	p0 =	por !p0, !p0;
	s17 =	simm.s32 @p3 $0x0;
	[sflag:s20] =	ssyncadd.s32 @!p1 $0xFFFFC000  }
0x17: {  	s9 =	smov.u32 s17;
	s18 =	simm.s32 @p4 $0x0;
	s12 =	smov.u32 s8  }
0x18: {  	s8 =	smov.u32 s16;
	s10 =	smov.u32 s18;
	s11 =	smov.u32 s19  }
.LBB1_1:
0x19: {  	p1 =	sgt.u32 s7, $0xF  }
0x1a: {  	s16 =	sxor.u32 @!p1 $0xFFFFFFFF, s7;
	s17 =	sshll.u32 @!p1 s9, $0x7  }
0x1b: {  	s18 =	sand.u32 @!p1 $0x78, s8;
	s19 =	sshll.u32 @!p1 s8, $0x2;
	s20 =	sshrl.u32 @!p1 s8, $0x1  }
0x1c: {  	s17 =	sand.u32 @!p1 $0x180, s17;
	s16 =	sshll.u32 @!p1 s16, $0xE;
	s19 =	sand.u32 @!p1 $0x1E00, s19  }
0x1d: {  	s20 =	sand.u32 @!p1 $0xC00, s20;
	s17 =	sor.u32 @!p1 s17, s18;
	s18 =	sshll.u32 @!p1 s11, $0xF  }
0x1e: {  	s17 =	sor.u32 @!p1 s19, s17;
	s19 =	sshll.u32 @!p1 s10, $0xC;
	s18 =	sadd.s32 @!p1 s2, s18  }
0x1f: {  	s16 =	sand.u32 @!p1 $0x4000, s16;
	s18 =	sadd.s32 @!p1 s19, s18;
	s19 =	sand.u32 @!p1 $0x7, s8  }
0x20: {  	s17 =	sshrl.u32 @!p1 s17, $0x3;
	s18 =	sadd.s32 @!p1 s20, s18;
	s19 =	sshll.u32 @!p1 s19, $0x12  }
0x21: {  	s17 =	sadd.s32 @!p1 s17, s18;
	s18 =	sor.u32 @!p1 $0x800, s19;
	s19 =	simm.s32 @!p1 $0x8000  }
0x22: {  	[tilespmem:s16], [sflag:$0x1] =	stream.strided.gather @!p1 [hbm4b:s17+s18], $0x4000, s19, s18, $0x38;
	[tilespmem:$0x10000] =	vst v63  }
0x23: {  	p1 =	seq.s32 s7, $0x0  }
0x24: {  	p2 =	seq.s32 @!p1 s7, $0x11  }
0x25: {  	p1 =	por p1, p2  }
.Ltmp2:
0x26: {  	_ = 	snop;
	(pc) =	sbr.rel @p1 .LBB1_7-.Ltmp2, $1  }
0x27: {  	_ =	sdelay $0x3  }
0x28: {  	s16 =	simm.s32 $0x1  }
0x29: {  	_ =	swait.ge [sflag:s4], $0x4000;
	s31 =	sshll.u32 s7, $0xE;
	s16 =	simm.s32 @!p0 $0x0  }
0x2a: {  	s20 =	simm.s32 $0x0;
	s21 =	simm.s32 $0x0;
	s16 =	sshll.u32 s16, $0x10  }
0x2b: {  	s22 =	simm.s32 $0x0;
	[sflag:s4] =	ssyncset.done $0x0;
	s19 =	sshrl.u32 s16, $0x2  }
0x2c: {  	[sflag:s4] =	ssyncadd.s32 $0xFFFFC000;
	s16 =	sand.u32 $0x4000, s31;
	s17 =	sor.u32 $0x400, s19  }
0x2d: {  	s18 =	sor.u32 $0x8000, s19;
	s16 =	sor.u32 $0x8000, s16;
	s19 =	sadd.s32 $0x8C00, s19  }
.LBB1_3:
0x2e: {  	v0 =	vmov s18;
	v1 =	vld [tilespmem:s17+$0x270]  }
0x2f: {  	v2 =	vld [tilespmem:s17+$0xFFFFFC10]  }
0x30: {  	v3 =	vld [tilespmem:s17+$0xFFFFFC20]  }
0x31: {  	s23 =	sshll.u32 s21, $0x2;
	s24 =	sand.u32 $0x3, s20;
	v4 =	vld [tilespmem:s17+$0xFFFFFC30]  }
0x32: {  	v5 =	vld [tilespmem:s17+$0xFFFFFC40];
	s25 =	sand.u32 $0xFFFFF800, s23;
	s24 =	sshll.u32 s24, $0x9;
	s23 =	simm.s32 $0x0  }
0x33: {  	v6 =	vld [tilespmem:s17+$0xFFFFFC50];
	s24 =	sor.u32 s24, s25;
	[tilespmem:v0+s23+$0xC70 ss:$0x1] =	vst.idx.msk $0xffff, v1  }
0x34: {  	v7 =	vld [tilespmem:s17+$0x220];
	s24 =	sshrl.u32 s24, $0x2;
	[tilespmem:v0+s23+$0x10 ss:$0x1] =	vst.idx.msk $0xffff, v2  }
0x35: {  	v8 =	vld [tilespmem:s17+$0x230];
	s24 =	sadd.s32 s24, s19;
	[tilespmem:v0+s23+$0x20 ss:$0x1] =	vst.idx.msk $0xffff, v3  }
0x36: {  	v1 =	vmov s24;
	[tilespmem:v0+s23+$0x30 ss:$0x1] =	vst.idx.msk $0xffff, v4;
	v4 =	vld [tilespmem:s17+$0xFFFFFE00]  }
0x37: {  	[tilespmem:v0+s23+$0x40 ss:$0x1] =	vst.idx.msk $0xffff, v5;
	v5 =	vld [tilespmem:s17+$0xFFFFFE10]  }
0x38: {  	[tilespmem:v0+s23+$0x50 ss:$0x1] =	vst.idx.msk $0xffff, v6;
	v6 =	vld [tilespmem:s17+$0xFFFFFE20]  }
0x39: {  	v2 =	vld [tilespmem:s17+$0xFFFFFC60];
	[tilespmem:v0+s23+$0xC20 ss:$0x1] =	vst.idx.msk $0xffff, v7  }
0x3a: {  	v3 =	vld [tilespmem:s17+$0xFFFFFC70];
	[tilespmem:v0+s23+$0xC30 ss:$0x1] =	vst.idx.msk $0xffff, v8  }
0x3b: {  	[tilespmem:v1+s23+$0xFFFFF800 ss:$0x1] =	vst.idx.msk $0xffff, v4;
	v4 =	vld [tilespmem:s17+$0xFFFFFE50]  }
0x3c: {  	[tilespmem:v0+s23+$0x410 ss:$0x1] =	vst.idx.msk $0xffff, v5;
	v5 =	vld [tilespmem:s17+$0xFFFFFE60]  }
0x3d: {  	[tilespmem:v0+s23+$0x420 ss:$0x1] =	vst.idx.msk $0xffff, v6;
	v6 =	vld [tilespmem:s17+$0xFFFFFE70]  }
0x3e: {  	[tilespmem:v0+s23+$0x60 ss:$0x1] =	vst.idx.msk $0xffff, v2;
	v2 =	vld [tilespmem:s17+$0xFFFFFE30]  }
0x3f: {  	[tilespmem:v0+s23+$0x70 ss:$0x1] =	vst.idx.msk $0xffff, v3;
	v3 =	vld [tilespmem:s17+$0xFFFFFE40]  }
0x40: {  	[tilespmem:v0+s23+$0x450 ss:$0x1] =	vst.idx.msk $0xffff, v4;
	v4 =	vld [tilespmem:s17+$0x20]  }
0x41: {  	[tilespmem:v0+s23+$0x460 ss:$0x1] =	vst.idx.msk $0xffff, v5;
	v5 =	vld [tilespmem:s17+$0x30]  }
0x42: {  	[tilespmem:v0+s23+$0x470 ss:$0x1] =	vst.idx.msk $0xffff, v6;
	v6 =	vld [tilespmem:s17+$0x40]  }
0x43: {  	[tilespmem:v0+s23+$0x430 ss:$0x1] =	vst.idx.msk $0xffff, v2;
	v2 =	vld [tilespmem:s17+$0x0]  }
0x44: {  	[tilespmem:v0+s23+$0x440 ss:$0x1] =	vst.idx.msk $0xffff, v3;
	v3 =	vld [tilespmem:s17+$0x10]  }
0x45: {  	[tilespmem:v0+s23+$0x820 ss:$0x1] =	vst.idx.msk $0xffff, v4;
	v4 =	vld [tilespmem:s17+$0x70]  }
0x46: {  	[tilespmem:v0+s23+$0x830 ss:$0x1] =	vst.idx.msk $0xffff, v5;
	v5 =	vld [tilespmem:s17+$0x200]  }
0x47: {  	[tilespmem:v0+s23+$0x840 ss:$0x1] =	vst.idx.msk $0xffff, v6;
	v6 =	vld [tilespmem:s17+$0x210]  }
0x48: {  	[tilespmem:v1+s23+$0xFFFFFC00 ss:$0x1] =	vst.idx.msk $0xffff, v2;
	v2 =	vld [tilespmem:s17+$0x50]  }
0x49: {  	[tilespmem:v0+s23+$0x810 ss:$0x1] =	vst.idx.msk $0xffff, v3;
	v3 =	vld [tilespmem:s17+$0x60]  }
0x4a: {  	[tilespmem:v0+s23+$0x870 ss:$0x1] =	vst.idx.msk $0xffff, v4;
	v4 =	vld [tilespmem:s17+$0x240]  }
0x4b: {  	[tilespmem:v1+s23+$0x0 ss:$0x1] =	vst.idx.msk $0xffff, v5;
	v5 =	vld [tilespmem:s17+$0x250]  }
0x4c: {  	[tilespmem:v0+s23+$0xC10 ss:$0x1] =	vst.idx.msk $0xffff, v6;
	v6 =	vld [tilespmem:s17+$0x260]  }
0x4d: {  	s24 =	sadd.s32 $0x80, s17;
	[tilespmem:v0+s23+$0x850 ss:$0x1] =	vst.idx.msk $0xffff, v2;
	v2 =	vld [tilespmem:s17+$0xFFFFFC00]  }
0x4e: {  	s26 =	simm.s32 $0x8000;
	s25 =	simm.s32 $0x4000;
	[tilespmem:v0+s23+$0x860 ss:$0x1] =	vst.idx.msk $0xffff, v3;
	v3 =	vld [tilespmem:s24+$0x270]  }
.LBB1_4:
0x4f: {  	p1 =	sne.s32 s26, $0xC000;
	v7 =	vld [tilespmem:s24+$0xFFFFFC10];
	[tilespmem:v0+s23+$0xC40 ss:$0x1] =	vst.idx.msk $0xffff, v4  }
0x50: {  	v4 =	vld [tilespmem:s24+$0xFFFFFC20];
	[tilespmem:v0+s23+$0xC50 ss:$0x1] =	vst.idx.msk $0xffff, v5  }
0x51: {  	v5 =	vld [tilespmem:s24+$0xFFFFFC30];
	[tilespmem:v0+s23+$0xC60 ss:$0x1] =	vst.idx.msk $0xffff, v6  }
0x52: {  	v6 =	vld [tilespmem:s24+$0xFFFFFC40];
	[tilespmem:v0+s23+$0x0 ss:$0x1] =	vst.idx.msk $0xffff, v2;
	s23 =	sshra.s32 s25, $0x2;
	s25 =	smov.u32 s26  }
0x53: {  	v2 =	vld [tilespmem:s24+$0xFFFFFC50];
	[tilespmem:v0+s23+$0xC70 ss:$0x1] =	vst.idx.msk $0xffff, v3  }
0x54: {  	[tilespmem:v0+s23+$0x10 ss:$0x1] =	vst.idx.msk $0xffff, v7;
	v3 =	vld [tilespmem:s24+$0xFFFFFC60]  }
0x55: {  	[tilespmem:v0+s23+$0x20 ss:$0x1] =	vst.idx.msk $0xffff, v4;
	v4 =	vld [tilespmem:s24+$0xFFFFFC70]  }
0x56: {  	[tilespmem:v0+s23+$0x30 ss:$0x1] =	vst.idx.msk $0xffff, v5;
	v5 =	vld [tilespmem:s24+$0xFFFFFE00]  }
0x57: {  	[tilespmem:v0+s23+$0x40 ss:$0x1] =	vst.idx.msk $0xffff, v6;
	v6 =	vld [tilespmem:s24+$0xFFFFFE10]  }
0x58: {  	[tilespmem:v0+s23+$0x50 ss:$0x1] =	vst.idx.msk $0xffff, v2;
	v2 =	vld [tilespmem:s24+$0xFFFFFE20]  }
0x59: {  	[tilespmem:v0+s23+$0x60 ss:$0x1] =	vst.idx.msk $0xffff, v3;
	v3 =	vld [tilespmem:s24+$0xFFFFFE30]  }
0x5a: {  	[tilespmem:v0+s23+$0x70 ss:$0x1] =	vst.idx.msk $0xffff, v4;
	v4 =	vld [tilespmem:s24+$0xFFFFFE40]  }
0x5b: {  	[tilespmem:v1+s23+$0xFFFFF800 ss:$0x1] =	vst.idx.msk $0xffff, v5;
	v5 =	vld [tilespmem:s24+$0xFFFFFE50]  }
0x5c: {  	[tilespmem:v0+s23+$0x410 ss:$0x1] =	vst.idx.msk $0xffff, v6;
	v6 =	vld [tilespmem:s24+$0xFFFFFE60]  }
0x5d: {  	[tilespmem:v0+s23+$0x420 ss:$0x1] =	vst.idx.msk $0xffff, v2;
	v2 =	vld [tilespmem:s24+$0xFFFFFE70]  }
0x5e: {  	[tilespmem:v0+s23+$0x430 ss:$0x1] =	vst.idx.msk $0xffff, v3;
	v3 =	vld [tilespmem:s24+$0x0]  }
0x5f: {  	[tilespmem:v0+s23+$0x440 ss:$0x1] =	vst.idx.msk $0xffff, v4;
	v4 =	vld [tilespmem:s24+$0x10]  }
0x60: {  	[tilespmem:v0+s23+$0x450 ss:$0x1] =	vst.idx.msk $0xffff, v5;
	v5 =	vld [tilespmem:s24+$0x20]  }
0x61: {  	[tilespmem:v0+s23+$0x460 ss:$0x1] =	vst.idx.msk $0xffff, v6;
	v6 =	vld [tilespmem:s24+$0x30]  }
0x62: {  	[tilespmem:v0+s23+$0x470 ss:$0x1] =	vst.idx.msk $0xffff, v2;
	v2 =	vld [tilespmem:s24+$0x40]  }
0x63: {  	[tilespmem:v1+s23+$0xFFFFFC00 ss:$0x1] =	vst.idx.msk $0xffff, v3;
	v3 =	vld [tilespmem:s24+$0x50]  }
0x64: {  	[tilespmem:v0+s23+$0x810 ss:$0x1] =	vst.idx.msk $0xffff, v4;
	v4 =	vld [tilespmem:s24+$0x60]  }
0x65: {  	[tilespmem:v0+s23+$0x820 ss:$0x1] =	vst.idx.msk $0xffff, v5;
	v5 =	vld [tilespmem:s24+$0x70]  }
0x66: {  	[tilespmem:v0+s23+$0x830 ss:$0x1] =	vst.idx.msk $0xffff, v6;
	v6 =	vld [tilespmem:s24+$0x200]  }
0x67: {  	[tilespmem:v0+s23+$0x840 ss:$0x1] =	vst.idx.msk $0xffff, v2;
	v2 =	vld [tilespmem:s24+$0x210]  }
0x68: {  	[tilespmem:v0+s23+$0x850 ss:$0x1] =	vst.idx.msk $0xffff, v3;
	v3 =	vld [tilespmem:s24+$0x220]  }
0x69: {  	[tilespmem:v0+s23+$0x860 ss:$0x1] =	vst.idx.msk $0xffff, v4;
	v7 =	vld [tilespmem:s24+$0x230]  }
.Ltmp3:
0x6a: {  	[tilespmem:v0+s23+$0x870 ss:$0x1] =	vst.idx.msk $0xffff, v5;
	v4 =	vld [tilespmem:s24+$0x240];
	(pc) =	sbr.rel @p1 .LBB1_4-.Ltmp3, $4  }
0x6b: {  	[tilespmem:v1+s23+$0x0 ss:$0x1] =	vst.idx.msk $0xffff, v6;
	v5 =	vld [tilespmem:s24+$0x250]  }
0x6c: {  	[tilespmem:v0+s23+$0xC10 ss:$0x1] =	vst.idx.msk $0xffff, v2;
	v6 =	vld [tilespmem:s24+$0x260]  }
0x6d: {  	v2 =	vld [tilespmem:s24+$0xFFFFFC00];
	[tilespmem:v0+s23+$0xC20 ss:$0x1] =	vst.idx.msk $0xffff, v3;
	s24 =	sadd.s32 $0x80, s24  }
0x6e: {  	s26 =	sadd.s32 $0x4000, s26;
	v3 =	vld [tilespmem:s24+$0x270];
	[tilespmem:v0+s23+$0xC30 ss:$0x1] =	vst.idx.msk $0xffff, v7  }
0x6f: {  	_ =	sdelay $0x3  }
0x70: {  	v7 =	vld [tilespmem:s24+$0xFFFFFC10];
	[tilespmem:v0+s23+$0xC40 ss:$0x1] =	vst.idx.msk $0xffff, v4  }
0x71: {  	v34 =	vld [tilespmem:s24+$0xFFFFFC20];
	[tilespmem:v0+s23+$0xC50 ss:$0x1] =	vst.idx.msk $0xffff, v5  }
0x72: {  	v35 =	vld [tilespmem:s24+$0xFFFFFC30];
	[tilespmem:v0+s23+$0xC60 ss:$0x1] =	vst.idx.msk $0xffff, v6  }
0x73: {  	s25 =	sshra.s32 s25, $0x2;
	v36 =	vld [tilespmem:s24+$0xFFFFFC40];
	[tilespmem:v0+s23+$0x0 ss:$0x1] =	vst.idx.msk $0xffff, v2  }
0x74: {  	v37 =	vld [tilespmem:s24+$0xFFFFFC50];
	[tilespmem:v0+s25+$0xC70 ss:$0x1] =	vst.idx.msk $0xffff, v3  }
0x75: {  	v38 =	vld [tilespmem:s24+$0xFFFFFC60];
	[tilespmem:v0+s25+$0x10 ss:$0x1] =	vst.idx.msk $0xffff, v7  }
0x76: {  	v39 =	vld [tilespmem:s24+$0xFFFFFC70];
	[tilespmem:v0+s25+$0x20 ss:$0x1] =	vst.idx.msk $0xffff, v34  }
0x77: {  	v40 =	vld [tilespmem:s24+$0xFFFFFE00];
	[tilespmem:v0+s25+$0x30 ss:$0x1] =	vst.idx.msk $0xffff, v35  }
0x78: {  	v41 =	vld [tilespmem:s24+$0xFFFFFE10];
	[tilespmem:v0+s25+$0x40 ss:$0x1] =	vst.idx.msk $0xffff, v36  }
0x79: {  	v42 =	vld [tilespmem:s24+$0xFFFFFE20];
	[tilespmem:v0+s25+$0x50 ss:$0x1] =	vst.idx.msk $0xffff, v37  }
0x7a: {  	v43 =	vld [tilespmem:s24+$0xFFFFFE30];
	[tilespmem:v0+s25+$0x60 ss:$0x1] =	vst.idx.msk $0xffff, v38  }
0x7b: {  	v44 =	vld [tilespmem:s24+$0xFFFFFE40];
	[tilespmem:v0+s25+$0x70 ss:$0x1] =	vst.idx.msk $0xffff, v39  }
0x7c: {  	v45 =	vld [tilespmem:s24+$0xFFFFFE50];
	[tilespmem:v1+s25+$0xFFFFF800 ss:$0x1] =	vst.idx.msk $0xffff, v40  }
0x7d: {  	v46 =	vld [tilespmem:s24+$0xFFFFFE60];
	[tilespmem:v0+s25+$0x410 ss:$0x1] =	vst.idx.msk $0xffff, v41  }
0x7e: {  	v47 =	vld [tilespmem:s24+$0xFFFFFE70];
	[tilespmem:v0+s25+$0x420 ss:$0x1] =	vst.idx.msk $0xffff, v42  }
0x7f: {  	v48 =	vld [tilespmem:s24+$0x0];
	[tilespmem:v0+s25+$0x430 ss:$0x1] =	vst.idx.msk $0xffff, v43  }
0x80: {  	v49 =	vld [tilespmem:s24+$0x10];
	[tilespmem:v0+s25+$0x440 ss:$0x1] =	vst.idx.msk $0xffff, v44  }
0x81: {  	v50 =	vld [tilespmem:s24+$0x20];
	[tilespmem:v0+s25+$0x450 ss:$0x1] =	vst.idx.msk $0xffff, v45  }
0x82: {  	v51 =	vld [tilespmem:s24+$0x30];
	[tilespmem:v0+s25+$0x460 ss:$0x1] =	vst.idx.msk $0xffff, v46  }
0x83: {  	v52 =	vld [tilespmem:s24+$0x40];
	[tilespmem:v0+s25+$0x470 ss:$0x1] =	vst.idx.msk $0xffff, v47  }
0x84: {  	v53 =	vld [tilespmem:s24+$0x50];
	[tilespmem:v1+s25+$0xFFFFFC00 ss:$0x1] =	vst.idx.msk $0xffff, v48  }
0x85: {  	v54 =	vld [tilespmem:s24+$0x60];
	[tilespmem:v0+s25+$0x810 ss:$0x1] =	vst.idx.msk $0xffff, v49  }
0x86: {  	v55 =	vld [tilespmem:s24+$0x70];
	[tilespmem:v0+s25+$0x820 ss:$0x1] =	vst.idx.msk $0xffff, v50  }
0x87: {  	v56 =	vld [tilespmem:s24+$0x200];
	[tilespmem:v0+s25+$0x830 ss:$0x1] =	vst.idx.msk $0xffff, v51  }
0x88: {  	v57 =	vld [tilespmem:s24+$0x210];
	[tilespmem:v0+s25+$0x840 ss:$0x1] =	vst.idx.msk $0xffff, v52  }
0x89: {  	v58 =	vld [tilespmem:s24+$0x220];
	[tilespmem:v0+s25+$0x850 ss:$0x1] =	vst.idx.msk $0xffff, v53  }
0x8a: {  	v59 =	vld [tilespmem:s24+$0x230];
	[tilespmem:v0+s25+$0x860 ss:$0x1] =	vst.idx.msk $0xffff, v54  }
0x8b: {  	v60 =	vld [tilespmem:s24+$0x240];
	[tilespmem:v0+s25+$0x870 ss:$0x1] =	vst.idx.msk $0xffff, v55  }
0x8c: {  	v61 =	vld [tilespmem:s24+$0x250];
	[tilespmem:v1+s25+$0x0 ss:$0x1] =	vst.idx.msk $0xffff, v56  }
0x8d: {  	v62 =	vld [tilespmem:s24+$0x260];
	s22 =	sadd.s32 $0x1, s22;
	[tilespmem:v0+s25+$0xC10 ss:$0x1] =	vst.idx.msk $0xffff, v57  }
0x8e: {  	v63 =	vld [tilespmem:s24+$0xFFFFFC00];
	p1 =	sne.s32 s22, $0x8;
	[tilespmem:v0+s25+$0xC20 ss:$0x1] =	vst.idx.msk $0xffff, v58  }
.Ltmp4:
0x8f: {  	[tilespmem:v0+s25+$0xC30 ss:$0x1] =	vst.idx.msk $0xffff, v59;
	(pc) =	sbr.rel @p1 .LBB1_3-.Ltmp4, $4  }
0x90: {  	[tilespmem:v0+s25+$0xC40 ss:$0x1] =	vst.idx.msk $0xffff, v60  }
0x91: {  	[tilespmem:v0+s25+$0xC50 ss:$0x1] =	vst.idx.msk $0xffff, v61  }
0x92: {  	s17 =	sadd.s32 $0x800, s17;
	[tilespmem:v0+s25+$0xC60 ss:$0x1] =	vst.idx.msk $0xffff, v62  }
0x93: {  	s21 =	sadd.s32 $0x80, s21;
	s20 =	sadd.s32 $0x1, s20;
	s18 =	sadd.s32 $0x80, s18;
	[tilespmem:v0+s25+$0x0 ss:$0x1] =	vst.idx.msk $0xffff, v63  }
0x94: {  	s15 =	sshll.u32 s15, $0x7;
	s17 =	sand.u32 $0x78, s12  }
0x95: {  	s18 =	sshll.u32 s12, $0x3;
	s14 =	sshll.u32 s14, $0xF;
	s13 =	sshll.u32 s13, $0xD  }
0x96: {  	s29 =	sand.u32 $0x1C00, s12;
	s15 =	sand.u32 $0x380, s15;
	s18 =	sand.u32 $0x1C00, s18  }
.Ltmp5:
0x97: {  	s14 =	sadd.s32 s3, s14;
	s15 =	sor.u32 s15, s17;
	(pc) =	sbr.rel .LBB1_7-.Ltmp5, $4  }
0x98: {  	s30 =	sand.u32 $0x7, s12;
	s13 =	sadd.s32 s13, s14;
	s15 =	sor.u32 s18, s15  }
0x99: {  	s12 =	sshll.u32 s30, $0x12;
	s13 =	sadd.s32 s29, s13;
	s31 =	sshrl.u32 s15, $0x3  }
0x9a: {  	s12 =	sor.u32 $0x1000, s12;
	s13 =	sadd.s32 s31, s13  }
0x9b: {  	[hbm4b:s13+s12] =	stream.strided.scatter [tilespmem:s16], [sflag:$0x2], $0x4000, s6, s12, $0x38;
	[tilespmem:$0x10000] =	vst v63  }
.LBB1_8:
0x9c: {  	_ =	sfence.sel $0x180000  }
0x9d: {  	s2 =	simm.s32 $0x1;
	[bflag:$0x0] =	sbarrier.arrive $0xFFFF  }
0x9e: {  	s31 =	simm.s32 $0x2;
	[sflag:s2] =	ssyncpa.u1 $0x1  }
0x9f: {  	[sflag:s31] =	ssyncpa.u1 $0x1  }
0xa0: {  	p0 =	sne.s32 s1, $0x0;
	_ =	strace $0x9000004A  }
0xa1: {  	s0 =	sadd.s32 @!p0 $0x100000, s0;
	[bflag:$0x2] =	sbarrier.arrive $0xFFFF  }
0xa2: {  	[sflag:s0] =	ssyncadd.tile.s32 @!p0 $0x1;
	_ =	shalt  }
.Lfunc_end1:
_tile_overlayer_lowered:
.L_overlay_start_2:
0xa3: {  	(tag) =	ssettag $0x2  }
0xa4: {  	s0 =	rddreg [dreg:$0x0];
	s2 =	stileid.u32  }
0xa5: {  	s1 =	rddreg [dreg:$0x1];
	p0 =	sne.s32 s2, $0x0  }
0xa6: {  	s3 =	rddreg [dreg:$0x2];
	[bflag:$0x3] =	sbarrier.arrive $0xFFFF;
	s2 =	simm.s32 @!p0 $0x1C01  }
0xa7: {  	[timem:s3], [sflag:s2] =	dma.local @!p0 [hbm:s0], s1  }
0xa8: {  	s0 =	simm.s32 @!p0 $0x1  }
0xa9: {  	_ =	swait.ge @!p0 [sflag:s0], s1  }
0xaa: {  	s1 =	ssub.s32 @!p0 $0x0, s1;
	[sflag:s0] =	ssyncset.done @!p0 $0x0  }
0xab: {  	[sflag:s0] =	ssyncadd.s32 @!p0 s1  }
0xac: {  	[bflag:$0x3] =	sbarrier.arrive $0xFFFF  }
0xad: {  	_ =	shalt  }

// kernel: sparse-core-data-format-call.5.cloned.1.call-start
scs
called_computation.5_lowered:
.L_overlay_start_0:
0x0: {  	s2 =	sld [smem:$0x3FD9]  }
0x1: {  	s3 =	sld [smem:$0x3FFE];
	_ =	sdelay $0x1  }
0x2: {  	s1 =	srdreg.scid  }
0x3: {  	s0 =	sand.u32 $0x1, s1  }
0x4: {  	s19 =	sshll.u32 s0, $0xA;
	s2 =	sadd.s32 s3, s2  }
0x5: {  	s2 =	sadd.s32 s2, s19  }
0x6: {  	[smem:$0x3FC4] =	sst s2  }
0x7: {  	_ = 	snop  }
0x8: {  	s2 =	sld [smem:$0x3FC9]  }
0x9: {  	s20 =	sld [smem:$0x3FD0];
	(tm) =	ssettm $0x1  }
0xa: {  	s4 =	sld [smem:$0x3FFB];
	_ =	sdelay $0x3  }
0xb: {  	_ =	strace s4  }
0xc: {  	s4 =	sld [smem:$0x3FFC];
	_ =	sdelay $0x3  }
0xd: {  	_ =	strace s4  }
0xe: {  	s4 =	sld [smem:$0x3FFD];
	_ =	sdelay $0x3  }
0xf: {  	_ =	strace s4  }
0x10: {  	_ =	strace $0x8FFFFFFF  }
0x11: {  	s21 =	sld [smem:$0x3FDB];
	_ =	sdelay $0x1  }
0x12: {  	s5 =	simm.s32 $_scs_section_size  }
0x13: {  	s6 =	simm.s32 $_size__tile_overlayer_lowered;
	s7 =	simm.s32 $_tile_overlayer_lowered  }
0x14: {  	s24 =	simm.s32 $0x1BFF;
	s23 =	sshll.u32 s7, $0x1;
	s4 =	sadd.s32 s5, s21  }
0x15: {  	s8 =	simm.s32 $0x0;
	s22 =	sshll.u32 s6, $0x1;
	s6 =	sadd.s32 s23, s4  }
0x16: {  	[timem:s8], [sflag:s24] =	dma.local [hbm:s6], s22  }
0x17: {  	_ =	swait.ge [sflag:s24], s22  }
0x18: {  	s5 =	ssub.s32 $0x0, s22;
	[sflag:s24] =	ssyncset.done $0x0  }
0x19: {  	[sflag:s24] =	ssyncadd.s32 s5;
	_ =	sdelay $0x1  }
0x1a: {  	s25 =	simm.s32 $0x1B8B  }
0x1b: {  	_ =	swait.ge [sflag:s25], $0x1  }
0x1c: {  	[sflag:s25] =	ssyncset.done $0x0  }
0x1d: {  	s26 =	simm.s32 $0x1B8E;
	[sflag:s25] =	ssyncadd.s32 $0xFFFFFFFF  }
0x1e: {  	s27 =	simm.s32 $execute0_lowered;
	[smem:$0x3FD2] =	sst s26  }
0x1f: {  	s5 =	sshll.u32 s27, $0x1;
	_ =	strace $0x80000046;
	[dreg:$0x1] =	wrdreg $0xFFFFFFFF  }
0x20: {  	s28 =	simm.s32 $_size_execute0_lowered;
	s4 =	sadd.s32 s4, s5;
	[dreg:$0x0] =	wrdreg $0x0  }
0x21: {  	s5 =	sshll.u32 s28, $0x1;
	[dreg:$0x2] =	wrdreg s4  }
0x22: {  	[dreg:$0x3] =	wrdreg s5  }
0x23: {  	[dreg:$0x4] =	wrdreg $0xC0  }
0x24: {  	_ =	task [dreg:s8], $0x5FFFF  }
0x25: {  	[dreg:$0x1] =	wrdreg $0xFFFFFFFF  }
0x26: {  	[dreg:$0x0] =	wrdreg $0x60  }
0x27: {  	[dreg:$0x2] =	wrdreg s2  }
0x28: {  	[dreg:$0x3] =	wrdreg s20  }
0x29: {  	[dreg:$0x4] =	wrdreg $0x9  }
0x2a: {  	_ =	task.clear_ibuf [dreg:s8], $0x5FFFF;
	_ =	strace $0x90000046  }
0x2b: {  	s29 =	simm.s32 $0x9;
	_ =	strace $0x80000048  }
0x2c: {  	_ =	swait.ge [sflag:s29], $0x1  }
0x2d: {  	[sflag:s29] =	ssyncadd.s32 $0xFFFFFFFF  }
0x2e: {  	_ =	strace $0x90000048  }
0x2f: {  	_ =	sfence  }
0x30: {  	s30 =	sld [smem:$0x0];
	_ =	sdelay $0x2  }
0x31: {  	s31 =	sshll.u32 s1, $0xD;
	s1 =	sshrl.u32 s1, $0x2  }
0x32: {  	s3 =	sand.u32 $0x4000, s31;
	s1 =	sadd.s32 s1, s30  }
0x33: {  	s0 =	sor.u32 s3, s0;
	s1 =	sshll.u32 s1, $0x11  }
0x34: {  	s0 =	sor.u32 s1, s0  }
0x35: {  	s0 =	sadd.s32 $0x8F2B, s0  }
0x36: {  	[sflag:s0] =	ssyncadd.remote.s32 $0x1  }
0x37: {  	_ =	sfence.sel $0xFFFF  }
0x38: {  	[dreg:$0x0] =	wrdreg $0xFFFFFFFF;
	(pc) =	sbr.abs _section_cstart, $3  }
0x39: {  	[dreg:$0x1] =	wrdreg $0xFFFFFFFF  }
0x3a: {  	_ =	task.clear_ibuf [dreg:s8], $0x2FFFF;
	_ =	strace $0x9FFFFFFF  }
0x3b: {  	(tm) =	ssettm $0x7FFFFFFF  }
tec
execute0_lowered:
.L_overlay_start_1:
0x0: {  	(tag) =	ssettag $0x1  }
0x1: {  	s0 =	stileid.u32;
	s1 =	srdreg.scid  }
0x2: {  	s5 =	rddreg [dreg:$0x1];
	s31 =	simm.s32 $0x2;
	s16 =	simm.s32 $0x0  }
0x3: {  	s10 =	simm.s32 $0x8000;
	s11 =	simm.s32 $0x0;
	s17 =	simm.s32 $0x0  }
0x4: {  	s18 =	simm.s32 $0x0;
	s2 =	sshll.u32 s0, $0x4;
	s1 =	sshll.u32 s1, $0x8  }
0x5: {  	s15 =	simm.s32 $0x0;
	s3 =	sshll.u32 s0, $0x5;
	s2 =	sor.u32 s2, s1  }
0x6: {  	s1 =	sand.u32 $0x80, s3;
	s3 =	rddreg [dreg:$0x0];
	s2 =	sand.u32 $0x180, s2  }
0x7: {  	s4 =	ssub.s32 $0x100, s1;
	s13 =	smov.u32 s1;
	s6 =	ssub.s32 $0x2000, s2  }
0x8: {  	s7 =	sshrl.u32 s4, $0x8;
	s4 =	sshrl.u32 s4, $0x7;
	s8 =	sand.u32 $0x180, s6  }
0x9: {  	s9 =	sand.u32 $0x1, s4;
	p0 =	sne.s32 s8, $0x0;
	s8 =	simm.s32 $0x1  }
.Ltmp0:
0xa: {  	s6 =	sshrl.u32 s6, $0x9;
	s8 =	simm.s32 @!p0 $0x0;
	(pc) =	sbr.rel .LBB1_1-.Ltmp0, $4  }
0xb: {  	s4 =	rddreg [dreg:$0x2];
	s7 =	sadd.s32 s7, s9;
	s8 =	sadd.s32 s8, s6  }
0xc: {  	_ =	strace $0x80000047;
	s6 =	simm.s32 $0x1;
	s7 =	smul.u32 s7, s8  }
0xd: {  	s12 =	smov.u32 s2;
	[sflag:s6] =	ssyncpa.u1 $0x0;
	s8 =	sand.u32 $0x3, s0  }
0xe: {  	[sflag:s31] =	ssyncpa.u1 $0x0;
	s14 =	smov.u32 s8;
	s9 =	sadd.s32 $0x1, s7  }
.LBB1_4:
0xf: {  	_ =	sdelay $0x3  }
0x10: {  	[tilespmem:v0+s21+$0xFFFFFFA0 ss:$0x1] =	vst.idx.msk $0xffff, v6  }
0x11: {  	v56 =	vld.idx.msk [tilespmem:v1+s20+$0x30 ss:$0x1], $0xffff;
	[tilespmem:v0+s21+$0xFFFFFFB0 ss:$0x1] =	vst.idx.msk $0xffff, v4  }
0x12: {  	v57 =	vld.idx.msk [tilespmem:v1+s20+$0xFFFFFFC0 ss:$0x1], $0xffff;
	[tilespmem:v0+s21+$0xFFFFFFC0 ss:$0x1] =	vst.idx.msk $0xffff, v2  }
0x13: {  	v58 =	vld.idx.msk [tilespmem:v1+s20+$0xFFFFFFD0 ss:$0x1], $0xffff;
	[tilespmem:v0+s21+$0xFFFFFFD0 ss:$0x1] =	vst.idx.msk $0xffff, v3  }
0x14: {  	v59 =	vld.idx.msk [tilespmem:v1+s20+$0xFFFFFFE0 ss:$0x1], $0xffff;
	[tilespmem:v0+s21+$0xFFFFFFE0 ss:$0x1] =	vst.idx.msk $0xffff, v5  }
0x15: {  	v60 =	vld.idx.msk [tilespmem:v1+s20+$0xFFFFFFF0 ss:$0x1], $0xffff;
	[tilespmem:v0+s21+$0xFFFFFFF0 ss:$0x1] =	vst.idx.msk $0xffff, v7  }
0x16: {  	v61 =	vld.idx.msk [tilespmem:v1+s20+$0x0 ss:$0x1], $0xffff;
	[tilespmem:v0+s20+$0x0 ss:$0x1] =	vst.idx.msk $0xffff, v56  }
0x17: {  	v62 =	vld.idx.msk [tilespmem:v1+s20+$0x10 ss:$0x1], $0xffff;
	[tilespmem:v0+s20+$0xFFFFFF90 ss:$0x1] =	vst.idx.msk $0xffff, v57  }
0x18: {  	s18 =	sshll.u32 s18, $0x7;
	v63 =	vld.idx.msk [tilespmem:v1+s20+$0x20 ss:$0x1], $0xffff;
	s28 =	sand.u32 $0x78, s16;
	s22 =	sshll.u32 s16, $0x2;
	[tilespmem:v0+s20+$0xFFFFFFA0 ss:$0x1] =	vst.idx.msk $0xffff, v58  }
0x19: {  	s17 =	sshll.u32 s17, $0xC;
	s30 =	sshrl.u32 s16, $0x1;
	s18 =	sand.u32 $0x180, s18;
	[tilespmem:v0+s20+$0xFFFFFFB0 ss:$0x1] =	vst.idx.msk $0xffff, v59  }
0x1a: {  	s31 =	sand.u32 $0x7, s16;
	s29 =	sand.u32 $0x1E00, s22;
	s18 =	sor.u32 s18, s28;
	[tilespmem:v0+s20+$0xFFFFFFC0 ss:$0x1] =	vst.idx.msk $0xffff, v60  }
0x1b: {  	s21 =	sand.u32 $0xC00, s30;
	s17 =	sadd.s32 s5, s17;
	s18 =	sor.u32 s29, s18;
	[tilespmem:v0+s20+$0xFFFFFFD0 ss:$0x1] =	vst.idx.msk $0xffff, v61  }
0x1c: {  	s16 =	sshll.u32 s31, $0x12;
	s17 =	sadd.s32 s21, s17;
	s18 =	sshrl.u32 s18, $0x3;
	[tilespmem:v0+s20+$0xFFFFFFE0 ss:$0x1] =	vst.idx.msk $0xffff, v62  }
0x1d: {  	s16 =	sor.u32 $0x80, s16;
	[tilespmem:v0+s20+$0xFFFFFFF0 ss:$0x1] =	vst.idx.msk $0xffff, v63;
	s17 =	sadd.s32 s18, s17  }
0x1e: {  	[hbm4b:s17+s16] =	stream.strided.scatter [tilespmem:s19], [sflag:$0x2], $0x4000, s10, s16, $0x38;
	[tilespmem:$0x10000] =	vst v63  }
.LBB1_5:
0x1f: {  	s19 =	sadd.s32 $0x200, s12  }
0x20: {  	s16 =	sadd.s32 $0x100, s13;
	s20 =	smov.u32 s13;
	p1 =	sgt.s32 s19, $0x1FFF  }
0x21: {  	s20 =	smov.u32 @p1 s16  }
0x22: {  	s22 =	smov.u32 s14;
	s16 =	sadd.s32 $0x4, s14;
	p2 =	sgt.s32 s20, $0xFF  }
0x23: {  	s22 =	smov.u32 @p2 s16  }
0x24: {  	s19 =	smov.u32 @p1 s2;
	p1 =	sgt.s32 s22, $0x3  }
0x25: {  	p0 =	slt.u32 s15, $0x2;
	s22 =	smov.u32 @p1 s8;
	p1 =	sne.s32 s15, s9  }
.Ltmp1:
0x26: {  	s21 =	simm.s32 @!p0 $0x2;
	(pc) =	sbr.rel @!p1 .LBB1_6-.Ltmp1, $4  }
0x27: {  	s17 =	smov.u32 s13;
	s18 =	smov.u32 s14;
	_ =	swait.ge @!p0 [sflag:s21], $0x4000  }
0x28: {  	s11 =	sadd.s32 $0x4000, s11;
	[sflag:s21] =	ssyncset.done @!p0 $0x0;
	s20 =	smov.u32 @p2 s1  }
0x29: {  	s16 =	smov.u32 s12;
	[sflag:s21] =	ssyncadd.s32 @!p0 $0xFFFFC000;
	s12 =	smov.u32 s19  }
0x2a: {  	s13 =	smov.u32 s20;
	s15 =	sadd.s32 $0x1, s15;
	s14 =	smov.u32 s22  }
.LBB1_1:
0x2b: {  	p0 =	sge.u32 s15, s7;
	s31 =	sadd.s32 $0xFFFFFFFF, s15  }
0x2c: {  	s19 =	sxor.u32 @!p0 $0xFFFFFFFF, s15;
	s20 =	sand.u32 @!p0 $0x78, s12;
	s21 =	sshll.u32 @!p0 s13, $0xD  }
0x2d: {  	s22 =	sshll.u32 @!p0 s13, $0x7;
	s23 =	sshll.u32 @!p0 s12, $0x3;
	s19 =	sshll.u32 @!p0 s19, $0xE  }
0x2e: {  	s21 =	sand.u32 @!p0 $0x1F0000, s21;
	s22 =	sand.u32 @!p0 $0x380, s22;
	s19 =	sand.u32 @!p0 $0x4000, s19  }
0x2f: {  	s21 =	sadd.s32 @!p0 s21, s23;
	s23 =	sand.u32 @!p0 $0x1C00, s23;
	s20 =	sor.u32 @!p0 s22, s20  }
0x30: {  	s22 =	sshll.u32 @!p0 s14, $0x12;
	s20 =	sor.u32 @!p0 s23, s20;
	s21 =	sshrl.u32 @!p0 s21, $0x3  }
0x31: {  	s22 =	sadd.s32 @!p0 s3, s22;
	s23 =	sand.u32 @!p0 $0x7, s12;
	s21 =	sand.u32 @!p0 $0x3FC00, s21  }
0x32: {  	s20 =	sshrl.u32 @!p0 s20, $0x3;
	s21 =	sadd.s32 @!p0 s21, s22;
	s22 =	sshll.u32 @!p0 s23, $0x12  }
0x33: {  	s20 =	sadd.s32 @!p0 s20, s21;
	s21 =	sor.u32 @!p0 $0x400, s22;
	s22 =	simm.s32 @!p0 $0x10000  }
0x34: {  	[tilespmem:s19], [sflag:$0x1] =	stream.strided.gather @!p0 [hbm4b:s20+s21], $0x4000, s22, s21, $0x38;
	[tilespmem:$0x10000] =	vst v63  }
0x35: {  	p0 =	sge.u32 s31, s7  }
.Ltmp2:
0x36: {  	_ = 	snop;
	(pc) =	sbr.rel @p0 .LBB1_5-.Ltmp2, $1  }
0x37: {  	_ =	sdelay $0x3  }
0x38: {  	s19 =	sand.u32 $0x4000, s11  }
0x39: {  	s20 =	sor.u32 $0x40, s19  }
0x3a: {  	v1 =	vmov s20;
	_ =	sdelay $0x1  }
0x3b: {  	_ =	swait.ge [sflag:s6], $0x4000  }
0x3c: {  	[sflag:s6] =	ssyncset.done $0x0  }
0x3d: {  	s21 =	simm.s32 $0x0;
	[sflag:s6] =	ssyncadd.s32 $0xFFFFC000  }
0x3e: {  	s19 =	sor.u32 $0x8070, s19;
	v7 =	vld.idx.msk [tilespmem:v1+s21+$0x30 ss:$0x1], $0xffff  }
0x3f: {  	v0 =	vmov s19;
	v8 =	vld.idx.msk [tilespmem:v1+s21+$0xFFFFFFC0 ss:$0x1], $0xffff  }
0x40: {  	v6 =	vld.idx.msk [tilespmem:v1+s21+$0xFFFFFFD0 ss:$0x1], $0xffff  }
0x41: {  	v4 =	vld.idx.msk [tilespmem:v1+s21+$0xFFFFFFE0 ss:$0x1], $0xffff  }
0x42: {  	v2 =	vld.idx.msk [tilespmem:v1+s21+$0xFFFFFFF0 ss:$0x1], $0xffff  }
0x43: {  	s31 =	sshll.u32 s15, $0xE;
	v3 =	vld.idx.msk [tilespmem:v1+s21+$0x0 ss:$0x1], $0xffff  }
0x44: {  	s19 =	sand.u32 $0x4000, s31;
	v5 =	vld.idx.msk [tilespmem:v1+s21+$0x10 ss:$0x1], $0xffff;
	[tilespmem:v0+s21+$0x0 ss:$0x1] =	vst.idx.msk $0xffff, v7  }
0x45: {  	s22 =	simm.s32 $0x400;
	s20 =	simm.s32 $0x80;
	s19 =	sor.u32 $0x8000, s19;
	[tilespmem:v0+s21+$0xFFFFFF90 ss:$0x1] =	vst.idx.msk $0xffff, v8;
	v7 =	vld.idx.msk [tilespmem:v1+s21+$0x20 ss:$0x1], $0xffff  }
.LBB1_3:
0x46: {  	p0 =	sne.s32 s22, $0xFE00;
	v8 =	vld.idx.msk [tilespmem:v1+s20+$0x30 ss:$0x1], $0xffff;
	[tilespmem:v0+s21+$0xFFFFFFA0 ss:$0x1] =	vst.idx.msk $0xffff, v6  }
0x47: {  	v9 =	vld.idx.msk [tilespmem:v1+s20+$0xFFFFFFC0 ss:$0x1], $0xffff;
	[tilespmem:v0+s21+$0xFFFFFFB0 ss:$0x1] =	vst.idx.msk $0xffff, v4  }
0x48: {  	v6 =	vld.idx.msk [tilespmem:v1+s20+$0xFFFFFFD0 ss:$0x1], $0xffff;
	[tilespmem:v0+s21+$0xFFFFFFC0 ss:$0x1] =	vst.idx.msk $0xffff, v2  }
.Ltmp3:
0x49: {  	v4 =	vld.idx.msk [tilespmem:v1+s20+$0xFFFFFFE0 ss:$0x1], $0xffff;
	[tilespmem:v0+s21+$0xFFFFFFD0 ss:$0x1] =	vst.idx.msk $0xffff, v3;
	(pc) =	sbr.rel @p0 .LBB1_3-.Ltmp3, $4  }
0x4a: {  	v2 =	vld.idx.msk [tilespmem:v1+s20+$0xFFFFFFF0 ss:$0x1], $0xffff;
	[tilespmem:v0+s21+$0xFFFFFFE0 ss:$0x1] =	vst.idx.msk $0xffff, v5  }
0x4b: {  	v3 =	vld.idx.msk [tilespmem:v1+s20+$0x0 ss:$0x1], $0xffff;
	[tilespmem:v0+s21+$0xFFFFFFF0 ss:$0x1] =	vst.idx.msk $0xffff, v7;
	s21 =	smov.u32 s20  }
0x4c: {  	v5 =	vld.idx.msk [tilespmem:v1+s21+$0x10 ss:$0x1], $0xffff;
	[tilespmem:v0+s21+$0x0 ss:$0x1] =	vst.idx.msk $0xffff, v8  }
0x4d: {  	s20 =	sshra.s32 s22, $0x2;
	s22 =	sadd.s32 $0x200, s22;
	[tilespmem:v0+s21+$0xFFFFFF90 ss:$0x1] =	vst.idx.msk $0xffff, v9;
	v7 =	vld.idx.msk [tilespmem:v1+s21+$0x20 ss:$0x1], $0xffff  }
.Ltmp4:
0x4e: {  	_ = 	snop;
	(pc) =	sbr.rel .LBB1_4-.Ltmp4, $1  }
0x4f: {  	_ =	sdelay $0x3  }
.LBB1_6:
0x50: {  	_ =	sfence.sel $0x180000  }
0x51: {  	s1 =	simm.s32 $0x1;
	[bflag:$0x0] =	sbarrier.arrive $0xFFFF  }
0x52: {  	s31 =	simm.s32 $0x2;
	[sflag:s1] =	ssyncpa.u1 $0x1  }
0x53: {  	[sflag:s31] =	ssyncpa.u1 $0x1  }
0x54: {  	p0 =	sne.s32 s0, $0x0;
	_ =	strace $0x90000047  }
0x55: {  	s0 =	sadd.s32 @!p0 $0x100000, s4;
	[bflag:$0x2] =	sbarrier.arrive $0xFFFF  }
0x56: {  	[sflag:s0] =	ssyncadd.tile.s32 @!p0 $0x1;
	_ =	shalt  }
.Lfunc_end1:
_tile_overlayer_lowered:
.L_overlay_start_2:
0x57: {  	(tag) =	ssettag $0x2  }
0x58: {  	s0 =	rddreg [dreg:$0x0];
	s2 =	stileid.u32  }
0x59: {  	s1 =	rddreg [dreg:$0x1];
	p0 =	sne.s32 s2, $0x0  }
0x5a: {  	s3 =	rddreg [dreg:$0x2];
	[bflag:$0x3] =	sbarrier.arrive $0xFFFF;
	s2 =	simm.s32 @!p0 $0x1C01  }
0x5b: {  	[timem:s3], [sflag:s2] =	dma.local @!p0 [hbm:s0], s1  }
0x5c: {  	s0 =	simm.s32 @!p0 $0x1  }
0x5d: {  	_ =	swait.ge @!p0 [sflag:s0], s1  }
0x5e: {  	s1 =	ssub.s32 @!p0 $0x0, s1;
	[sflag:s0] =	ssyncset.done @!p0 $0x0  }
0x5f: {  	[sflag:s0] =	ssyncadd.s32 @!p0 s1  }
0x60: {  	[bflag:$0x3] =	sbarrier.arrive $0xFFFF  }
0x61: {  	_ =	shalt  }

// kernel: sparse-core-data-format-call.cloned.1.call-start
scs
called_computation_lowered:
.L_overlay_start_0:
0x0: {  	s2 =	sld [smem:$0x3FD9]  }
0x1: {  	s3 =	sld [smem:$0x3FFE];
	_ =	sdelay $0x1  }
0x2: {  	s1 =	srdreg.scid  }
0x3: {  	s0 =	sand.u32 $0x1, s1  }
0x4: {  	s18 =	sshll.u32 s0, $0xA;
	s2 =	sadd.s32 s3, s2  }
0x5: {  	s2 =	sadd.s32 s2, s18  }
0x6: {  	[smem:$0x3FC4] =	sst s2  }
0x7: {  	_ = 	snop  }
0x8: {  	s2 =	sld [smem:$0x3FD0];
	(tm) =	ssettm $0x1  }
0x9: {  	s19 =	sld [smem:$0x3FFB];
	_ =	sdelay $0x3  }
0xa: {  	_ =	strace s19  }
0xb: {  	s3 =	sld [smem:$0x3FFC];
	_ =	sdelay $0x3  }
0xc: {  	_ =	strace s3  }
0xd: {  	s3 =	sld [smem:$0x3FFD];
	_ =	sdelay $0x3  }
0xe: {  	_ =	strace s3  }
0xf: {  	_ =	strace $0x8FFFFFFF  }
0x10: {  	s20 =	sld [smem:$0x3FDB];
	_ =	sdelay $0x1  }
0x11: {  	s4 =	simm.s32 $_scs_section_size  }
0x12: {  	s5 =	simm.s32 $_size__tile_overlayer_lowered;
	s6 =	simm.s32 $_tile_overlayer_lowered  }
0x13: {  	s23 =	simm.s32 $0x1BFF;
	s22 =	sshll.u32 s6, $0x1;
	s3 =	sadd.s32 s4, s20  }
0x14: {  	s7 =	simm.s32 $0x0;
	s21 =	sshll.u32 s5, $0x1;
	s5 =	sadd.s32 s22, s3  }
0x15: {  	[timem:s7], [sflag:s23] =	dma.local [hbm:s5], s21  }
0x16: {  	_ =	swait.ge [sflag:s23], s21  }
0x17: {  	s4 =	ssub.s32 $0x0, s21;
	[sflag:s23] =	ssyncset.done $0x0  }
0x18: {  	[sflag:s23] =	ssyncadd.s32 s4;
	_ =	sdelay $0x1  }
0x19: {  	s24 =	simm.s32 $0x1B8B  }
0x1a: {  	_ =	swait.ge [sflag:s24], $0x1  }
0x1b: {  	[sflag:s24] =	ssyncset.done $0x0  }
0x1c: {  	s26 =	simm.s32 $0x1B8E;
	s25 =	sld [smem:$0x3FFE];
	[sflag:s24] =	ssyncadd.s32 $0xFFFFFFFF  }
0x1d: {  	s27 =	simm.s32 $execute0_lowered;
	[smem:$0x3FD2] =	sst s26  }
0x1e: {  	s5 =	sshll.u32 s27, $0x1;
	_ =	strace $0x80000058;
	[dreg:$0x1] =	wrdreg $0xFFFFFFFF  }
0x1f: {  	s28 =	simm.s32 $_size_execute0_lowered;
	s3 =	sadd.s32 s3, s5;
	[dreg:$0x0] =	wrdreg $0x0  }
0x20: {  	s5 =	sshll.u32 s28, $0x1;
	[dreg:$0x2] =	wrdreg s3  }
0x21: {  	[dreg:$0x3] =	wrdreg s5  }
0x22: {  	[dreg:$0x4] =	wrdreg $0xC0  }
0x23: {  	_ =	task [dreg:s7], $0x5FFFF  }
0x24: {  	[dreg:$0x1] =	wrdreg $0xFFFFFFFF  }
0x25: {  	[dreg:$0x0] =	wrdreg $0x60  }
0x26: {  	[dreg:$0x2] =	wrdreg s25  }
0x27: {  	[dreg:$0x3] =	wrdreg s2  }
0x28: {  	[dreg:$0x4] =	wrdreg $0x9  }
0x29: {  	_ =	task.clear_ibuf [dreg:s7], $0x5FFFF;
	_ =	strace $0x90000058  }
0x2a: {  	s29 =	simm.s32 $0x9;
	_ =	strace $0x8000005A  }
0x2b: {  	_ =	swait.ge [sflag:s29], $0x1  }
0x2c: {  	[sflag:s29] =	ssyncadd.s32 $0xFFFFFFFF  }
0x2d: {  	_ =	strace $0x9000005A  }
0x2e: {  	_ =	sfence  }
0x2f: {  	s30 =	sld [smem:$0x0];
	_ =	sdelay $0x2  }
0x30: {  	s31 =	sshll.u32 s1, $0xD;
	s1 =	sshrl.u32 s1, $0x2  }
0x31: {  	s3 =	sand.u32 $0x4000, s31;
	s1 =	sadd.s32 s1, s30  }
0x32: {  	s0 =	sor.u32 s3, s0;
	s1 =	sshll.u32 s1, $0x11  }
0x33: {  	s0 =	sor.u32 s1, s0  }
0x34: {  	s0 =	sadd.s32 $0x8F2B, s0  }
0x35: {  	[sflag:s0] =	ssyncadd.remote.s32 $0x1  }
0x36: {  	_ =	sfence.sel $0xFFFF  }
0x37: {  	[dreg:$0x0] =	wrdreg $0xFFFFFFFF;
	(pc) =	sbr.abs _section_cstart, $3  }
0x38: {  	[dreg:$0x1] =	wrdreg $0xFFFFFFFF  }
0x39: {  	_ =	task.clear_ibuf [dreg:s7], $0x2FFFF;
	_ =	strace $0x9FFFFFFF  }
0x3a: {  	(tm) =	ssettm $0x7FFFFFFF  }
0x3b: {  	_ =	shalt  }
tec
execute0_lowered:
.L_overlay_start_1:
0x0: {  	(tag) =	ssettag $0x1  }
0x1: {  	s0 =	stileid.u32;
	s4 =	rddreg [dreg:$0x0]  }
0x2: {  	s1 =	srdreg.scid;
	s3 =	rddreg [dreg:$0x1]  }
0x3: {  	s8 =	simm.s32 $0x2;
	s16 =	simm.s32 $0x0;
	s9 =	simm.s32 $0x200000  }
0x4: {  	s10 =	simm.s32 $0x0;
	s2 =	sshll.u32 s0, $0x1;
	s1 =	sshll.u32 s1, $0x5  }
0x5: {  	s17 =	simm.s32 $0x0;
	s19 =	simm.s32 $0x0;
	s1 =	sor.u32 s2, s1  }
0x6: {  	s18 =	simm.s32 $0x0;
	s11 =	simm.s32 $0x0;
	s2 =	sand.u32 $0x38, s1  }
0x7: {  	s12 =	simm.s32 $0x0;
	s15 =	simm.s32 $0x0;
	s5 =	ssub.s32 $0x40, s2  }
0x8: {  	s4 =	sadd.s32 $0x102000, s4;
	s1 =	rddreg [dreg:$0x2];
	s6 =	sand.u32 $0x38, s5  }
.Ltmp0:
0x9: {  	p0 =	sne.s32 s6, $0x0;
	s6 =	simm.s32 $0x1;
	(pc) =	sbr.rel .LBB1_1-.Ltmp0, $4  }
0xa: {  	_ =	strace $0x80000059;
	s7 =	sshrl.u32 s5, $0x6;
	s6 =	simm.s32 @!p0 $0x0  }
0xb: {  	s13 =	smov.u32 s2;
	s5 =	simm.s32 $0x1;
	s6 =	sadd.s32 s6, s7  }
0xc: {  	[sflag:s5] =	ssyncpa.u1 $0x0;
	s7 =	sand.u32 $0x3, s0;
	s6 =	sshll.u32 s6, $0x4  }
0xd: {  	[sflag:s8] =	ssyncpa.u1 $0x0;
	s14 =	smov.u32 s7;
	s8 =	sor.u32 $0x1, s6  }
.LBB1_7:
0xe: {  	s20 =	sadd.s32 $0x200, s11  }
0xf: {  	s16 =	sadd.s32 $0x4, s12;
	s21 =	smov.u32 s12;
	p1 =	sgt.s32 s20, $0x1FFF  }
0x10: {  	s21 =	smov.u32 @p1 s16  }
0x11: {  	s22 =	smov.u32 s13;
	s16 =	sadd.s32 $0x40, s13;
	p2 =	sgt.s32 s21, $0x3  }
0x12: {  	s22 =	smov.u32 @p2 s16  }
0x13: {  	s23 =	smov.u32 s14;
	s16 =	sadd.s32 $0x4, s14;
	p3 =	sgt.s32 s22, $0x3F  }
0x14: {  	p0 =	slt.u32 s15, $0x2;
	s23 =	smov.u32 @p3 s16  }
0x15: {  	s17 =	smov.u32 s12;
	s20 =	simm.s32 @p1 $0x0;
	p1 =	sgt.s32 s23, $0x3  }
0x16: {  	s24 =	simm.s32 @!p0 $0x2;
	s23 =	smov.u32 @p1 s7;
	p1 =	sne.s32 s15, s8  }
.Ltmp1:
0x17: {  	s19 =	smov.u32 s13;
	_ =	swait.ge @!p0 [sflag:s24], $0x4000;
	(pc) =	sbr.rel @!p1 .LBB1_8-.Ltmp1, $4  }
0x18: {  	s18 =	smov.u32 s14;
	[sflag:s24] =	ssyncset.done @!p0 $0x0;
	s21 =	simm.s32 @p2 $0x0  }
0x19: {  	s10 =	sadd.s32 $0x4000, s10;
	[sflag:s24] =	ssyncadd.s32 @!p0 $0xFFFFC000;
	s12 =	smov.u32 s21  }
0x1a: {  	s22 =	smov.u32 @p3 s2;
	s16 =	smov.u32 s11;
	s11 =	smov.u32 s20  }
0x1b: {  	s13 =	smov.u32 s22;
	s15 =	sadd.s32 $0x1, s15;
	s14 =	smov.u32 s23  }
.LBB1_1:
0x1c: {  	p0 =	sge.u32 s15, s6  }
0x1d: {  	s31 =	sadd.s32 $0xFFFFFFFF, s15;
	s20 =	sxor.u32 @!p0 $0xFFFFFFFF, s15;
	s21 =	sshll.u32 @!p0 s12, $0x7  }
0x1e: {  	s22 =	sand.u32 @!p0 $0x78, s11;
	s23 =	sshll.u32 @!p0 s11, $0x2;
	s24 =	sshrl.u32 @!p0 s11, $0x1  }
0x1f: {  	s21 =	sand.u32 @!p0 $0x180, s21;
	s20 =	sshll.u32 @!p0 s20, $0xE;
	s23 =	sand.u32 @!p0 $0x1E00, s23  }
0x20: {  	s24 =	sand.u32 @!p0 $0xC00, s24;
	s21 =	sor.u32 @!p0 s21, s22;
	s22 =	sshll.u32 @!p0 s14, $0x12  }
0x21: {  	s21 =	sor.u32 @!p0 s23, s21;
	s23 =	sshll.u32 @!p0 s13, $0xC;
	s22 =	sadd.s32 @!p0 s4, s22  }
0x22: {  	s20 =	sand.u32 @!p0 $0x4000, s20;
	s22 =	sadd.s32 @!p0 s23, s22;
	s23 =	sand.u32 @!p0 $0x7, s11  }
0x23: {  	s21 =	sshrl.u32 @!p0 s21, $0x3;
	s22 =	sadd.s32 @!p0 s24, s22;
	s23 =	sshll.u32 @!p0 s23, $0x12  }
0x24: {  	s21 =	sadd.s32 @!p0 s21, s22;
	s22 =	sor.u32 @!p0 $0x800, s23;
	s23 =	simm.s32 @!p0 $0x8000  }
0x25: {  	[tilespmem:s20], [sflag:$0x1] =	stream.strided.gather @!p0 [hbm4b:s21+s22], $0x4000, s23, s22, $0x38;
	[tilespmem:$0x10000] =	vst v63  }
0x26: {  	p0 =	sge.u32 s31, s6  }
.Ltmp2:
0x27: {  	_ = 	snop;
	(pc) =	sbr.rel @p0 .LBB1_7-.Ltmp2, $1  }
0x28: {  	_ =	sdelay $0x3  }
0x29: {  	s20 =	sshll.u32 s10, $0x2;
	_ =	swait.ge [sflag:s5], $0x4000;
	s31 =	sshll.u32 s15, $0xE  }
0x2a: {  	s24 =	simm.s32 $0x0;
	s25 =	simm.s32 $0x0;
	s20 =	sand.u32 $0x10000, s20  }
0x2b: {  	s26 =	simm.s32 $0x0;
	[sflag:s5] =	ssyncset.done $0x0;
	s23 =	sshrl.u32 s20, $0x2  }
0x2c: {  	s20 =	sand.u32 $0x4000, s31;
	[sflag:s5] =	ssyncadd.s32 $0xFFFFC000;
	s21 =	sor.u32 $0x400, s23  }
0x2d: {  	s22 =	sor.u32 $0x8000, s23;
	s20 =	sor.u32 $0x8000, s20;
	s23 =	sadd.s32 $0x8C00, s23  }
.LBB1_3:
0x2e: {  	v0 =	vmov s22;
	v1 =	vld [tilespmem:s21+$0x270]  }
0x2f: {  	v2 =	vld [tilespmem:s21+$0xFFFFFC10]  }
0x30: {  	v3 =	vld [tilespmem:s21+$0xFFFFFC20]  }
0x31: {  	s27 =	sshll.u32 s25, $0x2;
	s28 =	sand.u32 $0x3, s24;
	v4 =	vld [tilespmem:s21+$0xFFFFFC30]  }
0x32: {  	v5 =	vld [tilespmem:s21+$0xFFFFFC40];
	s29 =	sand.u32 $0xFFFFF800, s27;
	s28 =	sshll.u32 s28, $0x9;
	s27 =	simm.s32 $0x0  }
0x33: {  	v6 =	vld [tilespmem:s21+$0xFFFFFC50];
	s28 =	sor.u32 s28, s29;
	[tilespmem:v0+s27+$0xC70 ss:$0x1] =	vst.idx.msk $0xffff, v1  }
0x34: {  	v7 =	vld [tilespmem:s21+$0x220];
	s28 =	sshrl.u32 s28, $0x2;
	[tilespmem:v0+s27+$0x10 ss:$0x1] =	vst.idx.msk $0xffff, v2  }
0x35: {  	v8 =	vld [tilespmem:s21+$0x230];
	s28 =	sadd.s32 s28, s23;
	[tilespmem:v0+s27+$0x20 ss:$0x1] =	vst.idx.msk $0xffff, v3  }
0x36: {  	v1 =	vmov s28;
	[tilespmem:v0+s27+$0x30 ss:$0x1] =	vst.idx.msk $0xffff, v4;
	v4 =	vld [tilespmem:s21+$0xFFFFFE00]  }
0x37: {  	[tilespmem:v0+s27+$0x40 ss:$0x1] =	vst.idx.msk $0xffff, v5;
	v5 =	vld [tilespmem:s21+$0xFFFFFE10]  }
0x38: {  	[tilespmem:v0+s27+$0x50 ss:$0x1] =	vst.idx.msk $0xffff, v6;
	v6 =	vld [tilespmem:s21+$0xFFFFFE20]  }
0x39: {  	v2 =	vld [tilespmem:s21+$0xFFFFFC60];
	[tilespmem:v0+s27+$0xC20 ss:$0x1] =	vst.idx.msk $0xffff, v7  }
0x3a: {  	v3 =	vld [tilespmem:s21+$0xFFFFFC70];
	[tilespmem:v0+s27+$0xC30 ss:$0x1] =	vst.idx.msk $0xffff, v8  }
0x3b: {  	[tilespmem:v1+s27+$0xFFFFF800 ss:$0x1] =	vst.idx.msk $0xffff, v4;
	v4 =	vld [tilespmem:s21+$0xFFFFFE50]  }
0x3c: {  	[tilespmem:v0+s27+$0x410 ss:$0x1] =	vst.idx.msk $0xffff, v5;
	v5 =	vld [tilespmem:s21+$0xFFFFFE60]  }
0x3d: {  	[tilespmem:v0+s27+$0x420 ss:$0x1] =	vst.idx.msk $0xffff, v6;
	v6 =	vld [tilespmem:s21+$0xFFFFFE70]  }
0x3e: {  	[tilespmem:v0+s27+$0x60 ss:$0x1] =	vst.idx.msk $0xffff, v2;
	v2 =	vld [tilespmem:s21+$0xFFFFFE30]  }
0x3f: {  	[tilespmem:v0+s27+$0x70 ss:$0x1] =	vst.idx.msk $0xffff, v3;
	v3 =	vld [tilespmem:s21+$0xFFFFFE40]  }
0x40: {  	[tilespmem:v0+s27+$0x450 ss:$0x1] =	vst.idx.msk $0xffff, v4;
	v4 =	vld [tilespmem:s21+$0x20]  }
0x41: {  	[tilespmem:v0+s27+$0x460 ss:$0x1] =	vst.idx.msk $0xffff, v5;
	v5 =	vld [tilespmem:s21+$0x30]  }
0x42: {  	[tilespmem:v0+s27+$0x470 ss:$0x1] =	vst.idx.msk $0xffff, v6;
	v6 =	vld [tilespmem:s21+$0x40]  }
0x43: {  	[tilespmem:v0+s27+$0x430 ss:$0x1] =	vst.idx.msk $0xffff, v2;
	v2 =	vld [tilespmem:s21+$0x0]  }
0x44: {  	[tilespmem:v0+s27+$0x440 ss:$0x1] =	vst.idx.msk $0xffff, v3;
	v3 =	vld [tilespmem:s21+$0x10]  }
0x45: {  	[tilespmem:v0+s27+$0x820 ss:$0x1] =	vst.idx.msk $0xffff, v4;
	v4 =	vld [tilespmem:s21+$0x70]  }
0x46: {  	[tilespmem:v0+s27+$0x830 ss:$0x1] =	vst.idx.msk $0xffff, v5;
	v5 =	vld [tilespmem:s21+$0x200]  }
0x47: {  	[tilespmem:v0+s27+$0x840 ss:$0x1] =	vst.idx.msk $0xffff, v6;
	v6 =	vld [tilespmem:s21+$0x210]  }
0x48: {  	[tilespmem:v1+s27+$0xFFFFFC00 ss:$0x1] =	vst.idx.msk $0xffff, v2;
	v2 =	vld [tilespmem:s21+$0x50]  }
0x49: {  	[tilespmem:v0+s27+$0x810 ss:$0x1] =	vst.idx.msk $0xffff, v3;
	v3 =	vld [tilespmem:s21+$0x60]  }
0x4a: {  	[tilespmem:v0+s27+$0x870 ss:$0x1] =	vst.idx.msk $0xffff, v4;
	v4 =	vld [tilespmem:s21+$0x240]  }
0x4b: {  	[tilespmem:v1+s27+$0x0 ss:$0x1] =	vst.idx.msk $0xffff, v5;
	v5 =	vld [tilespmem:s21+$0x250]  }
0x4c: {  	[tilespmem:v0+s27+$0xC10 ss:$0x1] =	vst.idx.msk $0xffff, v6;
	v6 =	vld [tilespmem:s21+$0x260]  }
0x4d: {  	s28 =	sadd.s32 $0x80, s21;
	[tilespmem:v0+s27+$0x850 ss:$0x1] =	vst.idx.msk $0xffff, v2;
	v2 =	vld [tilespmem:s21+$0xFFFFFC00]  }
0x4e: {  	s30 =	simm.s32 $0x8000;
	s29 =	simm.s32 $0x4000;
	[tilespmem:v0+s27+$0x860 ss:$0x1] =	vst.idx.msk $0xffff, v3;
	v3 =	vld [tilespmem:s28+$0x270]  }
.LBB1_4:
0x4f: {  	p0 =	sne.s32 s30, $0xC000;
	v7 =	vld [tilespmem:s28+$0xFFFFFC10];
	[tilespmem:v0+s27+$0xC40 ss:$0x1] =	vst.idx.msk $0xffff, v4  }
0x50: {  	v4 =	vld [tilespmem:s28+$0xFFFFFC20];
	[tilespmem:v0+s27+$0xC50 ss:$0x1] =	vst.idx.msk $0xffff, v5  }
0x51: {  	v5 =	vld [tilespmem:s28+$0xFFFFFC30];
	[tilespmem:v0+s27+$0xC60 ss:$0x1] =	vst.idx.msk $0xffff, v6  }
0x52: {  	v6 =	vld [tilespmem:s28+$0xFFFFFC40];
	[tilespmem:v0+s27+$0x0 ss:$0x1] =	vst.idx.msk $0xffff, v2;
	s27 =	sshra.s32 s29, $0x2;
	s29 =	smov.u32 s30  }
0x53: {  	v2 =	vld [tilespmem:s28+$0xFFFFFC50];
	[tilespmem:v0+s27+$0xC70 ss:$0x1] =	vst.idx.msk $0xffff, v3  }
0x54: {  	[tilespmem:v0+s27+$0x10 ss:$0x1] =	vst.idx.msk $0xffff, v7;
	v3 =	vld [tilespmem:s28+$0xFFFFFC60]  }
0x55: {  	[tilespmem:v0+s27+$0x20 ss:$0x1] =	vst.idx.msk $0xffff, v4;
	v4 =	vld [tilespmem:s28+$0xFFFFFC70]  }
0x56: {  	[tilespmem:v0+s27+$0x30 ss:$0x1] =	vst.idx.msk $0xffff, v5;
	v5 =	vld [tilespmem:s28+$0xFFFFFE00]  }
0x57: {  	[tilespmem:v0+s27+$0x40 ss:$0x1] =	vst.idx.msk $0xffff, v6;
	v6 =	vld [tilespmem:s28+$0xFFFFFE10]  }
0x58: {  	[tilespmem:v0+s27+$0x50 ss:$0x1] =	vst.idx.msk $0xffff, v2;
	v2 =	vld [tilespmem:s28+$0xFFFFFE20]  }
0x59: {  	[tilespmem:v0+s27+$0x60 ss:$0x1] =	vst.idx.msk $0xffff, v3;
	v3 =	vld [tilespmem:s28+$0xFFFFFE30]  }
0x5a: {  	[tilespmem:v0+s27+$0x70 ss:$0x1] =	vst.idx.msk $0xffff, v4;
	v4 =	vld [tilespmem:s28+$0xFFFFFE40]  }
0x5b: {  	[tilespmem:v1+s27+$0xFFFFF800 ss:$0x1] =	vst.idx.msk $0xffff, v5;
	v5 =	vld [tilespmem:s28+$0xFFFFFE50]  }
0x5c: {  	[tilespmem:v0+s27+$0x410 ss:$0x1] =	vst.idx.msk $0xffff, v6;
	v6 =	vld [tilespmem:s28+$0xFFFFFE60]  }
0x5d: {  	[tilespmem:v0+s27+$0x420 ss:$0x1] =	vst.idx.msk $0xffff, v2;
	v2 =	vld [tilespmem:s28+$0xFFFFFE70]  }
0x5e: {  	[tilespmem:v0+s27+$0x430 ss:$0x1] =	vst.idx.msk $0xffff, v3;
	v3 =	vld [tilespmem:s28+$0x0]  }
0x5f: {  	[tilespmem:v0+s27+$0x440 ss:$0x1] =	vst.idx.msk $0xffff, v4;
	v4 =	vld [tilespmem:s28+$0x10]  }
0x60: {  	[tilespmem:v0+s27+$0x450 ss:$0x1] =	vst.idx.msk $0xffff, v5;
	v5 =	vld [tilespmem:s28+$0x20]  }
0x61: {  	[tilespmem:v0+s27+$0x460 ss:$0x1] =	vst.idx.msk $0xffff, v6;
	v6 =	vld [tilespmem:s28+$0x30]  }
0x62: {  	[tilespmem:v0+s27+$0x470 ss:$0x1] =	vst.idx.msk $0xffff, v2;
	v2 =	vld [tilespmem:s28+$0x40]  }
0x63: {  	[tilespmem:v1+s27+$0xFFFFFC00 ss:$0x1] =	vst.idx.msk $0xffff, v3;
	v3 =	vld [tilespmem:s28+$0x50]  }
0x64: {  	[tilespmem:v0+s27+$0x810 ss:$0x1] =	vst.idx.msk $0xffff, v4;
	v4 =	vld [tilespmem:s28+$0x60]  }
0x65: {  	[tilespmem:v0+s27+$0x820 ss:$0x1] =	vst.idx.msk $0xffff, v5;
	v5 =	vld [tilespmem:s28+$0x70]  }
0x66: {  	[tilespmem:v0+s27+$0x830 ss:$0x1] =	vst.idx.msk $0xffff, v6;
	v6 =	vld [tilespmem:s28+$0x200]  }
0x67: {  	[tilespmem:v0+s27+$0x840 ss:$0x1] =	vst.idx.msk $0xffff, v2;
	v2 =	vld [tilespmem:s28+$0x210]  }
0x68: {  	[tilespmem:v0+s27+$0x850 ss:$0x1] =	vst.idx.msk $0xffff, v3;
	v3 =	vld [tilespmem:s28+$0x220]  }
0x69: {  	[tilespmem:v0+s27+$0x860 ss:$0x1] =	vst.idx.msk $0xffff, v4;
	v7 =	vld [tilespmem:s28+$0x230]  }
.Ltmp3:
0x6a: {  	[tilespmem:v0+s27+$0x870 ss:$0x1] =	vst.idx.msk $0xffff, v5;
	v4 =	vld [tilespmem:s28+$0x240];
	(pc) =	sbr.rel @p0 .LBB1_4-.Ltmp3, $4  }
0x6b: {  	[tilespmem:v1+s27+$0x0 ss:$0x1] =	vst.idx.msk $0xffff, v6;
	v5 =	vld [tilespmem:s28+$0x250]  }
0x6c: {  	[tilespmem:v0+s27+$0xC10 ss:$0x1] =	vst.idx.msk $0xffff, v2;
	v6 =	vld [tilespmem:s28+$0x260]  }
0x6d: {  	v2 =	vld [tilespmem:s28+$0xFFFFFC00];
	[tilespmem:v0+s27+$0xC20 ss:$0x1] =	vst.idx.msk $0xffff, v3;
	s28 =	sadd.s32 $0x80, s28  }
0x6e: {  	s30 =	sadd.s32 $0x4000, s30;
	v3 =	vld [tilespmem:s28+$0x270];
	[tilespmem:v0+s27+$0xC30 ss:$0x1] =	vst.idx.msk $0xffff, v7  }
0x6f: {  	_ =	sdelay $0x3  }
0x70: {  	v7 =	vld [tilespmem:s28+$0xFFFFFC10];
	[tilespmem:v0+s27+$0xC40 ss:$0x1] =	vst.idx.msk $0xffff, v4  }
0x71: {  	v34 =	vld [tilespmem:s28+$0xFFFFFC20];
	[tilespmem:v0+s27+$0xC50 ss:$0x1] =	vst.idx.msk $0xffff, v5  }
0x72: {  	v35 =	vld [tilespmem:s28+$0xFFFFFC30];
	[tilespmem:v0+s27+$0xC60 ss:$0x1] =	vst.idx.msk $0xffff, v6  }
0x73: {  	s29 =	sshra.s32 s29, $0x2;
	v36 =	vld [tilespmem:s28+$0xFFFFFC40];
	[tilespmem:v0+s27+$0x0 ss:$0x1] =	vst.idx.msk $0xffff, v2  }
0x74: {  	v37 =	vld [tilespmem:s28+$0xFFFFFC50];
	[tilespmem:v0+s29+$0xC70 ss:$0x1] =	vst.idx.msk $0xffff, v3  }
0x75: {  	v38 =	vld [tilespmem:s28+$0xFFFFFC60];
	[tilespmem:v0+s29+$0x10 ss:$0x1] =	vst.idx.msk $0xffff, v7  }
0x76: {  	v39 =	vld [tilespmem:s28+$0xFFFFFC70];
	[tilespmem:v0+s29+$0x20 ss:$0x1] =	vst.idx.msk $0xffff, v34  }
0x77: {  	v40 =	vld [tilespmem:s28+$0xFFFFFE00];
	[tilespmem:v0+s29+$0x30 ss:$0x1] =	vst.idx.msk $0xffff, v35  }
0x78: {  	v41 =	vld [tilespmem:s28+$0xFFFFFE10];
	[tilespmem:v0+s29+$0x40 ss:$0x1] =	vst.idx.msk $0xffff, v36  }
0x79: {  	v42 =	vld [tilespmem:s28+$0xFFFFFE20];
	[tilespmem:v0+s29+$0x50 ss:$0x1] =	vst.idx.msk $0xffff, v37  }
0x7a: {  	v43 =	vld [tilespmem:s28+$0xFFFFFE30];
	[tilespmem:v0+s29+$0x60 ss:$0x1] =	vst.idx.msk $0xffff, v38  }
0x7b: {  	v44 =	vld [tilespmem:s28+$0xFFFFFE40];
	[tilespmem:v0+s29+$0x70 ss:$0x1] =	vst.idx.msk $0xffff, v39  }
0x7c: {  	v45 =	vld [tilespmem:s28+$0xFFFFFE50];
	[tilespmem:v1+s29+$0xFFFFF800 ss:$0x1] =	vst.idx.msk $0xffff, v40  }
0x7d: {  	v46 =	vld [tilespmem:s28+$0xFFFFFE60];
	[tilespmem:v0+s29+$0x410 ss:$0x1] =	vst.idx.msk $0xffff, v41  }
0x7e: {  	v47 =	vld [tilespmem:s28+$0xFFFFFE70];
	[tilespmem:v0+s29+$0x420 ss:$0x1] =	vst.idx.msk $0xffff, v42  }
0x7f: {  	v48 =	vld [tilespmem:s28+$0x0];
	[tilespmem:v0+s29+$0x430 ss:$0x1] =	vst.idx.msk $0xffff, v43  }
0x80: {  	v49 =	vld [tilespmem:s28+$0x10];
	[tilespmem:v0+s29+$0x440 ss:$0x1] =	vst.idx.msk $0xffff, v44  }
0x81: {  	v50 =	vld [tilespmem:s28+$0x20];
	[tilespmem:v0+s29+$0x450 ss:$0x1] =	vst.idx.msk $0xffff, v45  }
0x82: {  	v51 =	vld [tilespmem:s28+$0x30];
	[tilespmem:v0+s29+$0x460 ss:$0x1] =	vst.idx.msk $0xffff, v46  }
0x83: {  	v52 =	vld [tilespmem:s28+$0x40];
	[tilespmem:v0+s29+$0x470 ss:$0x1] =	vst.idx.msk $0xffff, v47  }
0x84: {  	v53 =	vld [tilespmem:s28+$0x50];
	[tilespmem:v1+s29+$0xFFFFFC00 ss:$0x1] =	vst.idx.msk $0xffff, v48  }
0x85: {  	v54 =	vld [tilespmem:s28+$0x60];
	[tilespmem:v0+s29+$0x810 ss:$0x1] =	vst.idx.msk $0xffff, v49  }
0x86: {  	v55 =	vld [tilespmem:s28+$0x70];
	[tilespmem:v0+s29+$0x820 ss:$0x1] =	vst.idx.msk $0xffff, v50  }
0x87: {  	v56 =	vld [tilespmem:s28+$0x200];
	[tilespmem:v0+s29+$0x830 ss:$0x1] =	vst.idx.msk $0xffff, v51  }
0x88: {  	v57 =	vld [tilespmem:s28+$0x210];
	[tilespmem:v0+s29+$0x840 ss:$0x1] =	vst.idx.msk $0xffff, v52  }
0x89: {  	v58 =	vld [tilespmem:s28+$0x220];
	[tilespmem:v0+s29+$0x850 ss:$0x1] =	vst.idx.msk $0xffff, v53  }
0x8a: {  	v59 =	vld [tilespmem:s28+$0x230];
	[tilespmem:v0+s29+$0x860 ss:$0x1] =	vst.idx.msk $0xffff, v54  }
0x8b: {  	v60 =	vld [tilespmem:s28+$0x240];
	[tilespmem:v0+s29+$0x870 ss:$0x1] =	vst.idx.msk $0xffff, v55  }
0x8c: {  	v61 =	vld [tilespmem:s28+$0x250];
	[tilespmem:v1+s29+$0x0 ss:$0x1] =	vst.idx.msk $0xffff, v56  }
0x8d: {  	v62 =	vld [tilespmem:s28+$0x260];
	s26 =	sadd.s32 $0x1, s26;
	[tilespmem:v0+s29+$0xC10 ss:$0x1] =	vst.idx.msk $0xffff, v57  }
0x8e: {  	v63 =	vld [tilespmem:s28+$0xFFFFFC00];
	p0 =	sne.s32 s26, $0x8;
	[tilespmem:v0+s29+$0xC20 ss:$0x1] =	vst.idx.msk $0xffff, v58  }
.Ltmp4:
0x8f: {  	[tilespmem:v0+s29+$0xC30 ss:$0x1] =	vst.idx.msk $0xffff, v59;
	(pc) =	sbr.rel @p0 .LBB1_3-.Ltmp4, $4  }
0x90: {  	[tilespmem:v0+s29+$0xC40 ss:$0x1] =	vst.idx.msk $0xffff, v60  }
0x91: {  	[tilespmem:v0+s29+$0xC50 ss:$0x1] =	vst.idx.msk $0xffff, v61  }
0x92: {  	s21 =	sadd.s32 $0x800, s21;
	[tilespmem:v0+s29+$0xC60 ss:$0x1] =	vst.idx.msk $0xffff, v62  }
0x93: {  	s25 =	sadd.s32 $0x80, s25;
	s24 =	sadd.s32 $0x1, s24;
	s22 =	sadd.s32 $0x80, s22;
	[tilespmem:v0+s29+$0x0 ss:$0x1] =	vst.idx.msk $0xffff, v63  }
0x94: {  	s21 =	sand.u32 $0x78, s16;
	s22 =	sshll.u32 s19, $0x7;
	s28 =	sshll.u32 s19, $0xD  }
0x95: {  	s23 =	sshll.u32 s16, $0x3;
	s18 =	sshll.u32 s18, $0x10;
	s17 =	sshll.u32 s17, $0x12  }
0x96: {  	s30 =	sand.u32 $0x7, s16;
	s22 =	sand.u32 $0x380, s22;
	s19 =	sand.u32 $0x70000, s28  }
0x97: {  	s29 =	sand.u32 $0x1C00, s23;
	s18 =	sadd.s32 s3, s18;
	s19 =	sadd.s32 s19, s23  }
.Ltmp5:
0x98: {  	s21 =	sor.u32 s22, s21;
	s19 =	sshrl.u32 s19, $0x3;
	(pc) =	sbr.rel .LBB1_7-.Ltmp5, $4  }
0x99: {  	s17 =	sadd.s32 s17, s18;
	s21 =	sor.u32 s29, s21;
	s19 =	sand.u32 $0xFC00, s19  }
0x9a: {  	s16 =	sshll.u32 s30, $0x12;
	s31 =	sshrl.u32 s21, $0x3;
	s17 =	sadd.s32 s19, s17  }
0x9b: {  	s16 =	sor.u32 $0x1000, s16;
	s17 =	sadd.s32 s31, s17  }
0x9c: {  	[hbm4b:s17+s16] =	stream.strided.scatter [tilespmem:s20], [sflag:$0x2], $0x4000, s9, s16, $0x38;
	[tilespmem:$0x10000] =	vst v63  }
.LBB1_8:
0x9d: {  	_ =	sfence.sel $0x180000  }
0x9e: {  	s2 =	simm.s32 $0x1;
	[bflag:$0x0] =	sbarrier.arrive $0xFFFF  }
0x9f: {  	s31 =	simm.s32 $0x2;
	[sflag:s2] =	ssyncpa.u1 $0x1  }
0xa0: {  	[sflag:s31] =	ssyncpa.u1 $0x1  }
0xa1: {  	p0 =	sne.s32 s0, $0x0;
	_ =	strace $0x90000059  }
0xa2: {  	s0 =	sadd.s32 @!p0 $0x100000, s1;
	[bflag:$0x2] =	sbarrier.arrive $0xFFFF  }
0xa3: {  	[sflag:s0] =	ssyncadd.tile.s32 @!p0 $0x1;
	_ =	shalt  }
.Lfunc_end1:
_tile_overlayer_lowered:
.L_overlay_start_2:
0xa4: {  	(tag) =	ssettag $0x2  }
0xa5: {  	s0 =	rddreg [dreg:$0x0];
	s2 =	stileid.u32  }
0xa6: {  	s1 =	rddreg [dreg:$0x1];
	p0 =	sne.s32 s2, $0x0  }
0xa7: {  	s3 =	rddreg [dreg:$0x2];
	[bflag:$0x3] =	sbarrier.arrive $0xFFFF;
	s2 =	simm.s32 @!p0 $0x1C01  }
0xa8: {  	[timem:s3], [sflag:s2] =	dma.local @!p0 [hbm:s0], s1  }
0xa9: {  	s0 =	simm.s32 @!p0 $0x1  }
0xaa: {  	_ =	swait.ge @!p0 [sflag:s0], s1  }
0xab: {  	s1 =	ssub.s32 @!p0 $0x0, s1;
	[sflag:s0] =	ssyncset.done @!p0 $0x0  }
0xac: {  	[sflag:s0] =	ssyncadd.s32 @!p0 s1  }
0xad: {  	[bflag:$0x3] =	sbarrier.arrive $0xFFFF  }
0xae: {  	_ =	shalt  }

</sc_bundles>
